<compile_context>
chip_gen: v7x
topology: tpu7x:2x2x1
jax: 0.10.2.dev20260603
libtpu: 0.0.44.dev20260713+nightly
codegen_flags: <defaults>
</compile_context>

<pallas_src>
import jax
import jax.numpy as jnp
from jax import lax
from jax.experimental import pallas as pl
from jax.experimental.pallas import tpu as pltpu
from jax.experimental.pallas import tpu_sc as plsc

_info = plsc.get_sparse_core_info()
_NC, _NS, _L = _info.num_cores, _info.num_subcores, _info.num_lanes
_NW = _NC * _NS

_B = 4
_S = 2048
_EMB = 1024
_P_PER_W = _S // _NW
_CP = 8
_NCHUNK = _P_PER_W // _CP
_VECS = _EMB // _L
_NBUF = 7
_LA = 4


def _body(x_hbm, tok_hbm, pos_hbm, out_hbm,
          idx_all, tok0, tok1, tok2, tok3, tok4, tok5, tok6, pos_v,
          isem, gsem0, gsem1, gsem2, gsem3, gsem4, gsem5, gsem6,
          osem0, osem1, osem2, osem3, osem4, osem5, osem6,
          psem):
    wid = lax.axis_index("s") * _NC + lax.axis_index("c")
    pos0 = wid * _P_PER_W
    tok = [tok0, tok1, tok2, tok3, tok4, tok5, tok6]
    gsem = [gsem0, gsem1, gsem2, gsem3, gsem4, gsem5, gsem6]
    osem = [osem0, osem1, osem2, osem3, osem4, osem5, osem6]

    icps = [pltpu.async_copy(x_hbm.at[b, pl.ds(pos0, _P_PER_W)],
                             idx_all.at[b], isem) for b in range(_B)]
    pos_cps = [pltpu.async_copy(pos_hbm.at[pl.ds(pos0 + pc * _CP, _CP)],
                                pos_v.at[pl.ds(pc * _CP, _CP)], psem)
               for pc in range(_NCHUNK)]
    for c in icps:
        c.wait()

    units = [(pc, b) for pc in range(_NCHUNK) for b in range(_B)]
    nu = len(units)
    g_desc = [None] * _NBUF
    o_desc = [None] * _NBUF

    def issue(u):
        slot = u % _NBUF
        pc, b = units[u]
        g_desc[slot] = pltpu.async_copy(
            tok_hbm.at[idx_all.at[b, pl.ds(pc * _CP, _CP)]],
            tok[slot], gsem[slot])

    for v in range(_LA):
        issue(v)
    pending = None
    for u in range(nu):
        cur = u % _NBUF
        if u + _LA < nu:
            nxt = (u + _LA) % _NBUF
            if o_desc[nxt] is not None:
                o_desc[nxt].wait()
            issue(u + _LA)
        g_desc[cur].wait()
        pc, b = units[u]
        if b == 0:
            pos_cps[pc].wait()
        tv = tok[cur]
        roff = pc * _CP

        @plsc.parallel_loop(0, _CP * _VECS, unroll=8)
        def _(i):
            r = i >> 6
            c = (i & (_VECS - 1)) * _L
            plsc.addupdate(tv.at[r, pl.ds(c, _L)],
                           pos_v[roff + r, pl.ds(c, _L)])

        if pending is not None:
            ps, pb, pp = pending
            o_desc[ps] = pltpu.async_copy(
                tok[ps], out_hbm.at[pb, pl.ds(pp, _CP)], osem[ps])
        pending = (cur, b, pos0 + pc * _CP)
    ps, pb, pp = pending
    o_desc[ps] = pltpu.async_copy(tok[ps], out_hbm.at[pb, pl.ds(pp, _CP)],
                                  osem[ps])
    for v in range(nu - _NBUF, nu):
        o_desc[v % _NBUF].wait()


@jax.jit
def _emb(x, token_table, pos_table):
    mesh = plsc.VectorSubcoreMesh(core_axis_name="c", subcore_axis_name="s")
    return pl.kernel(
        _body,
        out_type=jax.ShapeDtypeStruct((_B, _S, _EMB), jnp.float32),
        mesh=mesh,
        scratch_types=(
            [pltpu.VMEM((_B, _P_PER_W), jnp.int32)]
            + [pltpu.VMEM((_CP, _EMB), jnp.float32) for _ in range(_NBUF)]
            + [pltpu.VMEM((_P_PER_W, _EMB), jnp.float32)]
            + [pltpu.SemaphoreType.DMA for _ in range(2 * _NBUF + 2)]
        ),
    )(x, token_table, pos_table)


def kernel(x, token_table, pos_table):
    return _emb(x.astype(jnp.int32), token_table, pos_table)

# --- scband reference (transcript-rebuilt; emitter-appended) ---
"""Pipeline reference for scband-gptembedding-62457414418440 (READ-ONLY COPY).

The authoritative reference and input builder live on the scoring server;
editing this copy changes nothing except your own understanding.
"""

import jax, jax.numpy as jnp
import numpy as np

VOCAB = 100000
EMB = 1024
CTX = 2048
B = 4
S = 2048

def setup_inputs(seed: int = 0) -> dict:
    key = jax.random.key(seed)
    k1, k2, k3 = jax.random.split(key, 3)
    x = jax.random.randint(k1, (B, S), 0, VOCAB, dtype=jnp.int64 if jax.config.jax_enable_x64 else jnp.int32)
    token_table = jax.random.normal(k2, (VOCAB, EMB), dtype=jnp.float32) * 0.02
    pos_table = jax.random.normal(k3, (CTX, EMB), dtype=jnp.float32) * 0.02
    return {"x": x, "token_table": token_table, "pos_table": pos_table}

def reference(x, token_table, pos_table):
    # token embedding: gather rows from token table
    token_embeddings = jnp.take(token_table, x, axis=0)  # [B, S, EMB]
    # position embedding: gather first seq_len rows
    seq_len = x.shape[1]
    positions = jnp.arange(seq_len)
    position_embeddings = jnp.take(pos_table, positions, axis=0)  # [S, EMB]
    out = token_embeddings + position_embeddings[None, :, :]
    # dropout p=0.0 (eval / identity)
    return out

if __name__ == "__main__":
    import jax
    _d = setup_inputs()
    print(jax.jit(kernel)(*tuple(_d.values())))

</pallas_src>

<mosaic_0001>
#map = affine_map<(d0, d1) -> (0, 0)>
#map1 = affine_map<(d0, d1) -> (0, 0, 0)>
module attributes {stable_mosaic.version = 14 : i64} {
  func.func @_body(%arg0: i32, %arg1: i32, %arg2: memref<4x2048xi32, #tpu.memory_space<hbm>>, %arg3: memref<100000x1024xf32, #tpu.memory_space<hbm>>, %arg4: memref<2048x1024xf32, #tpu.memory_space<hbm>>, %arg5: memref<4x2048x1024xf32, #tpu.memory_space<hbm>>, %arg6: memref<4x64xi32, #tpu.memory_space<vmem>>, %arg7: memref<8x1024xf32, #tpu.memory_space<vmem>>, %arg8: memref<8x1024xf32, #tpu.memory_space<vmem>>, %arg9: memref<8x1024xf32, #tpu.memory_space<vmem>>, %arg10: memref<8x1024xf32, #tpu.memory_space<vmem>>, %arg11: memref<8x1024xf32, #tpu.memory_space<vmem>>, %arg12: memref<8x1024xf32, #tpu.memory_space<vmem>>, %arg13: memref<8x1024xf32, #tpu.memory_space<vmem>>, %arg14: memref<64x1024xf32, #tpu.memory_space<vmem>>, %arg15: memref<!tpu.dma_semaphore, #tpu.memory_space<semaphore_mem>>, %arg16: memref<!tpu.dma_semaphore, #tpu.memory_space<semaphore_mem>>, %arg17: memref<!tpu.dma_semaphore, #tpu.memory_space<semaphore_mem>>, %arg18: memref<!tpu.dma_semaphore, #tpu.memory_space<semaphore_mem>>, %arg19: memref<!tpu.dma_semaphore, #tpu.memory_space<semaphore_mem>>, %arg20: memref<!tpu.dma_semaphore, #tpu.memory_space<semaphore_mem>>, %arg21: memref<!tpu.dma_semaphore, #tpu.memory_space<semaphore_mem>>, %arg22: memref<!tpu.dma_semaphore, #tpu.memory_space<semaphore_mem>>, %arg23: memref<!tpu.dma_semaphore, #tpu.memory_space<semaphore_mem>>, %arg24: memref<!tpu.dma_semaphore, #tpu.memory_space<semaphore_mem>>, %arg25: memref<!tpu.dma_semaphore, #tpu.memory_space<semaphore_mem>>, %arg26: memref<!tpu.dma_semaphore, #tpu.memory_space<semaphore_mem>>, %arg27: memref<!tpu.dma_semaphore, #tpu.memory_space<semaphore_mem>>, %arg28: memref<!tpu.dma_semaphore, #tpu.memory_space<semaphore_mem>>, %arg29: memref<!tpu.dma_semaphore, #tpu.memory_space<semaphore_mem>>, %arg30: memref<!tpu.dma_semaphore, #tpu.memory_space<semaphore_mem>>) attributes {dimension_semantics = [#tpu.dimension_semantics<core_parallel>, #tpu.dimension_semantics<subcore_parallel>], iteration_bounds = array<i64: 2, 16>, scalar_prefetch = 0 : i64, scratch_operands = 25 : i64, tpu.core_type = #tpu.core_type<sc_vector_subcore>, window_params = [{transform_indices = #map}, {transform_indices = #map}, {transform_indices = #map}, {transform_indices = #map1}]} {
    %mul3A = arith.constant 2 : i32
    %mul3A_0 = arith.muli %arg1, %mul3A : i32
    %add3A = arith.addi %mul3A_0, %arg0 : i32
    %mul3A_1 = arith.constant 64 : i32
    %mul3A_2 = arith.muli %add3A, %mul3A_1 : i32
    %dma_start3A = arith.constant 0 : i32
    %dma_start3A_3 = arith.constant 0 : i32
    %dma_start3A_4 = arith.constant 0 : i32
    %dma_start3A_5 = tpu.memref_slice %arg6[%dma_start3A_3, %dma_start3A_4] : memref<4x64xi32, #tpu.memory_space<vmem>> -> memref<1x64xi32, #tpu.memory_space<vmem>>
    %dma_start3A_6 = tpu.memref_squeeze %dma_start3A_5 : memref<1x64xi32, #tpu.memory_space<vmem>> -> memref<64xi32, #tpu.memory_space<vmem>>
    %dma_start3A_7 = tpu.memref_slice %arg2[%dma_start3A, %mul3A_2] : memref<4x2048xi32, #tpu.memory_space<hbm>> -> memref<1x64xi32, #tpu.memory_space<hbm>>
    %dma_start3A_8 = tpu.memref_squeeze %dma_start3A_7 : memref<1x64xi32, #tpu.memory_space<hbm>> -> memref<64xi32, #tpu.memory_space<hbm>>
    %dma_start3A_9 = arith.constant 0 : i32
    %dma_start3A_10 = tpu.memref_slice %arg6[%dma_start3A_3, %dma_start3A_9] : memref<4x64xi32, #tpu.memory_space<vmem>> -> memref<1x64xi32, #tpu.memory_space<vmem>>
    %dma_start3A_11 = tpu.memref_squeeze %dma_start3A_10 : memref<1x64xi32, #tpu.memory_space<vmem>> -> memref<64xi32, #tpu.memory_space<vmem>>
    %dma_start3A_12 = tpu.memref_slice %arg2[%dma_start3A, %mul3A_2] : memref<4x2048xi32, #tpu.memory_space<hbm>> -> memref<1x64xi32, #tpu.memory_space<hbm>>
    %dma_start3A_13 = tpu.memref_squeeze %dma_start3A_12 : memref<1x64xi32, #tpu.memory_space<hbm>> -> memref<64xi32, #tpu.memory_space<hbm>>
    tpu.enqueue_dma source(%dma_start3A_13 : memref<64xi32, #tpu.memory_space<hbm>>) target(%dma_start3A_11 : memref<64xi32, #tpu.memory_space<vmem>>) target_semaphore(%arg15 : memref<!tpu.dma_semaphore, #tpu.memory_space<semaphore_mem>>)
    %dma_start3A_14 = arith.constant 1 : i32
    %dma_start3A_15 = arith.constant 1 : i32
    %dma_start3A_16 = arith.constant 0 : i32
    %dma_start3A_17 = tpu.memref_slice %arg6[%dma_start3A_15, %dma_start3A_16] : memref<4x64xi32, #tpu.memory_space<vmem>> -> memref<1x64xi32, #tpu.memory_space<vmem>>
    %dma_start3A_18 = tpu.memref_squeeze %dma_start3A_17 : memref<1x64xi32, #tpu.memory_space<vmem>> -> memref<64xi32, #tpu.memory_space<vmem>>
    %dma_start3A_19 = tpu.memref_slice %arg2[%dma_start3A_14, %mul3A_2] : memref<4x2048xi32, #tpu.memory_space<hbm>> -> memref<1x64xi32, #tpu.memory_space<hbm>>
    %dma_start3A_20 = tpu.memref_squeeze %dma_start3A_19 : memref<1x64xi32, #tpu.memory_space<hbm>> -> memref<64xi32, #tpu.memory_space<hbm>>
    %dma_start3A_21 = arith.constant 0 : i32
    %dma_start3A_22 = tpu.memref_slice %arg6[%dma_start3A_15, %dma_start3A_21] : memref<4x64xi32, #tpu.memory_space<vmem>> -> memref<1x64xi32, #tpu.memory_space<vmem>>
    %dma_start3A_23 = tpu.memref_squeeze %dma_start3A_22 : memref<1x64xi32, #tpu.memory_space<vmem>> -> memref<64xi32, #tpu.memory_space<vmem>>
    %dma_start3A_24 = tpu.memref_slice %arg2[%dma_start3A_14, %mul3A_2] : memref<4x2048xi32, #tpu.memory_space<hbm>> -> memref<1x64xi32, #tpu.memory_space<hbm>>
    %dma_start3A_25 = tpu.memref_squeeze %dma_start3A_24 : memref<1x64xi32, #tpu.memory_space<hbm>> -> memref<64xi32, #tpu.memory_space<hbm>>
    tpu.enqueue_dma source(%dma_start3A_25 : memref<64xi32, #tpu.memory_space<hbm>>) target(%dma_start3A_23 : memref<64xi32, #tpu.memory_space<vmem>>) target_semaphore(%arg15 : memref<!tpu.dma_semaphore, #tpu.memory_space<semaphore_mem>>)
    %dma_start3A_26 = arith.constant 2 : i32
    %dma_start3A_27 = arith.constant 2 : i32
    %dma_start3A_28 = arith.constant 0 : i32
    %dma_start3A_29 = tpu.memref_slice %arg6[%dma_start3A_27, %dma_start3A_28] : memref<4x64xi32, #tpu.memory_space<vmem>> -> memref<1x64xi32, #tpu.memory_space<vmem>>
    %dma_start3A_30 = tpu.memref_squeeze %dma_start3A_29 : memref<1x64xi32, #tpu.memory_space<vmem>> -> memref<64xi32, #tpu.memory_space<vmem>>
    %dma_start3A_31 = tpu.memref_slice %arg2[%dma_start3A_26, %mul3A_2] : memref<4x2048xi32, #tpu.memory_space<hbm>> -> memref<1x64xi32, #tpu.memory_space<hbm>>
    %dma_start3A_32 = tpu.memref_squeeze %dma_start3A_31 : memref<1x64xi32, #tpu.memory_space<hbm>> -> memref<64xi32, #tpu.memory_space<hbm>>
    %dma_start3A_33 = arith.constant 0 : i32
    %dma_start3A_34 = tpu.memref_slice %arg6[%dma_start3A_27, %dma_start3A_33] : memref<4x64xi32, #tpu.memory_space<vmem>> -> memref<1x64xi32, #tpu.memory_space<vmem>>
    %dma_start3A_35 = tpu.memref_squeeze %dma_start3A_34 : memref<1x64xi32, #tpu.memory_space<vmem>> -> memref<64xi32, #tpu.memory_space<vmem>>
    %dma_start3A_36 = tpu.memref_slice %arg2[%dma_start3A_26, %mul3A_2] : memref<4x2048xi32, #tpu.memory_space<hbm>> -> memref<1x64xi32, #tpu.memory_space<hbm>>
    %dma_start3A_37 = tpu.memref_squeeze %dma_start3A_36 : memref<1x64xi32, #tpu.memory_space<hbm>> -> memref<64xi32, #tpu.memory_space<hbm>>
    tpu.enqueue_dma source(%dma_start3A_37 : memref<64xi32, #tpu.memory_space<hbm>>) target(%dma_start3A_35 : memref<64xi32, #tpu.memory_space<vmem>>) target_semaphore(%arg15 : memref<!tpu.dma_semaphore, #tpu.memory_space<semaphore_mem>>)
    %dma_start3A_38 = arith.constant 3 : i32
    %dma_start3A_39 = arith.constant 3 : i32
    %dma_start3A_40 = arith.constant 0 : i32
    %dma_start3A_41 = tpu.memref_slice %arg6[%dma_start3A_39, %dma_start3A_40] : memref<4x64xi32, #tpu.memory_space<vmem>> -> memref<1x64xi32, #tpu.memory_space<vmem>>
    %dma_start3A_42 = tpu.memref_squeeze %dma_start3A_41 : memref<1x64xi32, #tpu.memory_space<vmem>> -> memref<64xi32, #tpu.memory_space<vmem>>
    %dma_start3A_43 = tpu.memref_slice %arg2[%dma_start3A_38, %mul3A_2] : memref<4x2048xi32, #tpu.memory_space<hbm>> -> memref<1x64xi32, #tpu.memory_space<hbm>>
    %dma_start3A_44 = tpu.memref_squeeze %dma_start3A_43 : memref<1x64xi32, #tpu.memory_space<hbm>> -> memref<64xi32, #tpu.memory_space<hbm>>
    %dma_start3A_45 = arith.constant 0 : i32
    %dma_start3A_46 = tpu.memref_slice %arg6[%dma_start3A_39, %dma_start3A_45] : memref<4x64xi32, #tpu.memory_space<vmem>> -> memref<1x64xi32, #tpu.memory_space<vmem>>
    %dma_start3A_47 = tpu.memref_squeeze %dma_start3A_46 : memref<1x64xi32, #tpu.memory_space<vmem>> -> memref<64xi32, #tpu.memory_space<vmem>>
    %dma_start3A_48 = tpu.memref_slice %arg2[%dma_start3A_38, %mul3A_2] : memref<4x2048xi32, #tpu.memory_space<hbm>> -> memref<1x64xi32, #tpu.memory_space<hbm>>
    %dma_start3A_49 = tpu.memref_squeeze %dma_start3A_48 : memref<1x64xi32, #tpu.memory_space<hbm>> -> memref<64xi32, #tpu.memory_space<hbm>>
    tpu.enqueue_dma source(%dma_start3A_49 : memref<64xi32, #tpu.memory_space<hbm>>) target(%dma_start3A_47 : memref<64xi32, #tpu.memory_space<vmem>>) target_semaphore(%arg15 : memref<!tpu.dma_semaphore, #tpu.memory_space<semaphore_mem>>)
    %add3A_50 = arith.constant 0 : i32
    %add3A_51 = arith.addi %mul3A_2, %add3A_50 : i32
    %dma_start3A_52 = arith.constant 0 : i32
    %dma_start3A_53 = arith.constant 0 : i32
    %dma_start3A_54 = tpu.memref_slice %arg14[%dma_start3A_52, %dma_start3A_53] : memref<64x1024xf32, #tpu.memory_space<vmem>> -> memref<8x1024xf32, #tpu.memory_space<vmem>>
    %dma_start3A_55 = arith.constant 0 : i32
    %dma_start3A_56 = tpu.memref_slice %arg4[%add3A_51, %dma_start3A_55] : memref<2048x1024xf32, #tpu.memory_space<hbm>> -> memref<8x1024xf32, #tpu.memory_space<hbm>>
    %dma_start3A_57 = arith.constant 0 : i32
    %dma_start3A_58 = arith.constant 0 : i32
    %dma_start3A_59 = tpu.memref_slice %arg14[%dma_start3A_57, %dma_start3A_58] : memref<64x1024xf32, #tpu.memory_space<vmem>> -> memref<8x1024xf32, #tpu.memory_space<vmem>>
    %dma_start3A_60 = arith.constant 0 : i32
    %dma_start3A_61 = tpu.memref_slice %arg4[%add3A_51, %dma_start3A_60] : memref<2048x1024xf32, #tpu.memory_space<hbm>> -> memref<8x1024xf32, #tpu.memory_space<hbm>>
    tpu.enqueue_dma source(%dma_start3A_61 : memref<8x1024xf32, #tpu.memory_space<hbm>>) target(%dma_start3A_59 : memref<8x1024xf32, #tpu.memory_space<vmem>>) target_semaphore(%arg30 : memref<!tpu.dma_semaphore, #tpu.memory_space<semaphore_mem>>)
    %add3A_62 = arith.constant 8 : i32
    %add3A_63 = arith.addi %mul3A_2, %add3A_62 : i32
    %dma_start3A_64 = arith.constant 8 : i32
    %dma_start3A_65 = arith.constant 0 : i32
    %dma_start3A_66 = tpu.memref_slice %arg14[%dma_start3A_64, %dma_start3A_65] : memref<64x1024xf32, #tpu.memory_space<vmem>> -> memref<8x1024xf32, #tpu.memory_space<vmem>>
    %dma_start3A_67 = arith.constant 0 : i32
    %dma_start3A_68 = tpu.memref_slice %arg4[%add3A_63, %dma_start3A_67] : memref<2048x1024xf32, #tpu.memory_space<hbm>> -> memref<8x1024xf32, #tpu.memory_space<hbm>>
    %dma_start3A_69 = arith.constant 8 : i32
    %dma_start3A_70 = arith.constant 0 : i32
    %dma_start3A_71 = tpu.memref_slice %arg14[%dma_start3A_69, %dma_start3A_70] : memref<64x1024xf32, #tpu.memory_space<vmem>> -> memref<8x1024xf32, #tpu.memory_space<vmem>>
    %dma_start3A_72 = arith.constant 0 : i32
    %dma_start3A_73 = tpu.memref_slice %arg4[%add3A_63, %dma_start3A_72] : memref<2048x1024xf32, #tpu.memory_space<hbm>> -> memref<8x1024xf32, #tpu.memory_space<hbm>>
    tpu.enqueue_dma source(%dma_start3A_73 : memref<8x1024xf32, #tpu.memory_space<hbm>>) target(%dma_start3A_71 : memref<8x1024xf32, #tpu.memory_space<vmem>>) target_semaphore(%arg30 : memref<!tpu.dma_semaphore, #tpu.memory_space<semaphore_mem>>)
    %add3A_74 = arith.constant 16 : i32
    %add3A_75 = arith.addi %mul3A_2, %add3A_74 : i32
    %dma_start3A_76 = arith.constant 16 : i32
    %dma_start3A_77 = arith.constant 0 : i32
    %dma_start3A_78 = tpu.memref_slice %arg14[%dma_start3A_76, %dma_start3A_77] : memref<64x1024xf32, #tpu.memory_space<vmem>> -> memref<8x1024xf32, #tpu.memory_space<vmem>>
    %dma_start3A_79 = arith.constant 0 : i32
    %dma_start3A_80 = tpu.memref_slice %arg4[%add3A_75, %dma_start3A_79] : memref<2048x1024xf32, #tpu.memory_space<hbm>> -> memref<8x1024xf32, #tpu.memory_space<hbm>>
    %dma_start3A_81 = arith.constant 16 : i32
    %dma_start3A_82 = arith.constant 0 : i32
    %dma_start3A_83 = tpu.memref_slice %arg14[%dma_start3A_81, %dma_start3A_82] : memref<64x1024xf32, #tpu.memory_space<vmem>> -> memref<8x1024xf32, #tpu.memory_space<vmem>>
    %dma_start3A_84 = arith.constant 0 : i32
    %dma_start3A_85 = tpu.memref_slice %arg4[%add3A_75, %dma_start3A_84] : memref<2048x1024xf32, #tpu.memory_space<hbm>> -> memref<8x1024xf32, #tpu.memory_space<hbm>>
    tpu.enqueue_dma source(%dma_start3A_85 : memref<8x1024xf32, #tpu.memory_space<hbm>>) target(%dma_start3A_83 : memref<8x1024xf32, #tpu.memory_space<vmem>>) target_semaphore(%arg30 : memref<!tpu.dma_semaphore, #tpu.memory_space<semaphore_mem>>)
    %add3A_86 = arith.constant 24 : i32
    %add3A_87 = arith.addi %mul3A_2, %add3A_86 : i32
    %dma_start3A_88 = arith.constant 24 : i32
    %dma_start3A_89 = arith.constant 0 : i32
    %dma_start3A_90 = tpu.memref_slice %arg14[%dma_start3A_88, %dma_start3A_89] : memref<64x1024xf32, #tpu.memory_space<vmem>> -> memref<8x1024xf32, #tpu.memory_space<vmem>>
    %dma_start3A_91 = arith.constant 0 : i32
    %dma_start3A_92 = tpu.memref_slice %arg4[%add3A_87, %dma_start3A_91] : memref<2048x1024xf32, #tpu.memory_space<hbm>> -> memref<8x1024xf32, #tpu.memory_space<hbm>>
    %dma_start3A_93 = arith.constant 24 : i32
    %dma_start3A_94 = arith.constant 0 : i32
    %dma_start3A_95 = tpu.memref_slice %arg14[%dma_start3A_93, %dma_start3A_94] : memref<64x1024xf32, #tpu.memory_space<vmem>> -> memref<8x1024xf32, #tpu.memory_space<vmem>>
    %dma_start3A_96 = arith.constant 0 : i32
    %dma_start3A_97 = tpu.memref_slice %arg4[%add3A_87, %dma_start3A_96] : memref<2048x1024xf32, #tpu.memory_space<hbm>> -> memref<8x1024xf32, #tpu.memory_space<hbm>>
    tpu.enqueue_dma source(%dma_start3A_97 : memref<8x1024xf32, #tpu.memory_space<hbm>>) target(%dma_start3A_95 : memref<8x1024xf32, #tpu.memory_space<vmem>>) target_semaphore(%arg30 : memref<!tpu.dma_semaphore, #tpu.memory_space<semaphore_mem>>)
    %add3A_98 = arith.constant 32 : i32
    %add3A_99 = arith.addi %mul3A_2, %add3A_98 : i32
    %dma_start3A_100 = arith.constant 32 : i32
    %dma_start3A_101 = arith.constant 0 : i32
    %dma_start3A_102 = tpu.memref_slice %arg14[%dma_start3A_100, %dma_start3A_101] : memref<64x1024xf32, #tpu.memory_space<vmem>> -> memref<8x1024xf32, #tpu.memory_space<vmem>>
    %dma_start3A_103 = arith.constant 0 : i32
    %dma_start3A_104 = tpu.memref_slice %arg4[%add3A_99, %dma_start3A_103] : memref<2048x1024xf32, #tpu.memory_space<hbm>> -> memref<8x1024xf32, #tpu.memory_space<hbm>>
    %dma_start3A_105 = arith.constant 32 : i32
    %dma_start3A_106 = arith.constant 0 : i32
    %dma_start3A_107 = tpu.memref_slice %arg14[%dma_start3A_105, %dma_start3A_106] : memref<64x1024xf32, #tpu.memory_space<vmem>> -> memref<8x1024xf32, #tpu.memory_space<vmem>>
    %dma_start3A_108 = arith.constant 0 : i32
    %dma_start3A_109 = tpu.memref_slice %arg4[%add3A_99, %dma_start3A_108] : memref<2048x1024xf32, #tpu.memory_space<hbm>> -> memref<8x1024xf32, #tpu.memory_space<hbm>>
    tpu.enqueue_dma source(%dma_start3A_109 : memref<8x1024xf32, #tpu.memory_space<hbm>>) target(%dma_start3A_107 : memref<8x1024xf32, #tpu.memory_space<vmem>>) target_semaphore(%arg30 : memref<!tpu.dma_semaphore, #tpu.memory_space<semaphore_mem>>)
    %add3A_110 = arith.constant 40 : i32
    %add3A_111 = arith.addi %mul3A_2, %add3A_110 : i32
    %dma_start3A_112 = arith.constant 40 : i32
    %dma_start3A_113 = arith.constant 0 : i32
    %dma_start3A_114 = tpu.memref_slice %arg14[%dma_start3A_112, %dma_start3A_113] : memref<64x1024xf32, #tpu.memory_space<vmem>> -> memref<8x1024xf32, #tpu.memory_space<vmem>>
    %dma_start3A_115 = arith.constant 0 : i32
    %dma_start3A_116 = tpu.memref_slice %arg4[%add3A_111, %dma_start3A_115] : memref<2048x1024xf32, #tpu.memory_space<hbm>> -> memref<8x1024xf32, #tpu.memory_space<hbm>>
    %dma_start3A_117 = arith.constant 40 : i32
    %dma_start3A_118 = arith.constant 0 : i32
    %dma_start3A_119 = tpu.memref_slice %arg14[%dma_start3A_117, %dma_start3A_118] : memref<64x1024xf32, #tpu.memory_space<vmem>> -> memref<8x1024xf32, #tpu.memory_space<vmem>>
    %dma_start3A_120 = arith.constant 0 : i32
    %dma_start3A_121 = tpu.memref_slice %arg4[%add3A_111, %dma_start3A_120] : memref<2048x1024xf32, #tpu.memory_space<hbm>> -> memref<8x1024xf32, #tpu.memory_space<hbm>>
    tpu.enqueue_dma source(%dma_start3A_121 : memref<8x1024xf32, #tpu.memory_space<hbm>>) target(%dma_start3A_119 : memref<8x1024xf32, #tpu.memory_space<vmem>>) target_semaphore(%arg30 : memref<!tpu.dma_semaphore, #tpu.memory_space<semaphore_mem>>)
    %add3A_122 = arith.constant 48 : i32
    %add3A_123 = arith.addi %mul3A_2, %add3A_122 : i32
    %dma_start3A_124 = arith.constant 48 : i32
    %dma_start3A_125 = arith.constant 0 : i32
    %dma_start3A_126 = tpu.memref_slice %arg14[%dma_start3A_124, %dma_start3A_125] : memref<64x1024xf32, #tpu.memory_space<vmem>> -> memref<8x1024xf32, #tpu.memory_space<vmem>>
    %dma_start3A_127 = arith.constant 0 : i32
    %dma_start3A_128 = tpu.memref_slice %arg4[%add3A_123, %dma_start3A_127] : memref<2048x1024xf32, #tpu.memory_space<hbm>> -> memref<8x1024xf32, #tpu.memory_space<hbm>>
    %dma_start3A_129 = arith.constant 48 : i32
    %dma_start3A_130 = arith.constant 0 : i32
    %dma_start3A_131 = tpu.memref_slice %arg14[%dma_start3A_129, %dma_start3A_130] : memref<64x1024xf32, #tpu.memory_space<vmem>> -> memref<8x1024xf32, #tpu.memory_space<vmem>>
    %dma_start3A_132 = arith.constant 0 : i32
    %dma_start3A_133 = tpu.memref_slice %arg4[%add3A_123, %dma_start3A_132] : memref<2048x1024xf32, #tpu.memory_space<hbm>> -> memref<8x1024xf32, #tpu.memory_space<hbm>>
    tpu.enqueue_dma source(%dma_start3A_133 : memref<8x1024xf32, #tpu.memory_space<hbm>>) target(%dma_start3A_131 : memref<8x1024xf32, #tpu.memory_space<vmem>>) target_semaphore(%arg30 : memref<!tpu.dma_semaphore, #tpu.memory_space<semaphore_mem>>)
    %add3A_134 = arith.constant 56 : i32
    %add3A_135 = arith.addi %mul3A_2, %add3A_134 : i32
    %dma_start3A_136 = arith.constant 56 : i32
    %dma_start3A_137 = arith.constant 0 : i32
    %dma_start3A_138 = tpu.memref_slice %arg14[%dma_start3A_136, %dma_start3A_137] : memref<64x1024xf32, #tpu.memory_space<vmem>> -> memref<8x1024xf32, #tpu.memory_space<vmem>>
    %dma_start3A_139 = arith.constant 0 : i32
    %dma_start3A_140 = tpu.memref_slice %arg4[%add3A_135, %dma_start3A_139] : memref<2048x1024xf32, #tpu.memory_space<hbm>> -> memref<8x1024xf32, #tpu.memory_space<hbm>>
    %dma_start3A_141 = arith.constant 56 : i32
    %dma_start3A_142 = arith.constant 0 : i32
    %dma_start3A_143 = tpu.memref_slice %arg14[%dma_start3A_141, %dma_start3A_142] : memref<64x1024xf32, #tpu.memory_space<vmem>> -> memref<8x1024xf32, #tpu.memory_space<vmem>>
    %dma_start3A_144 = arith.constant 0 : i32
    %dma_start3A_145 = tpu.memref_slice %arg4[%add3A_135, %dma_start3A_144] : memref<2048x1024xf32, #tpu.memory_space<hbm>> -> memref<8x1024xf32, #tpu.memory_space<hbm>>
    tpu.enqueue_dma source(%dma_start3A_145 : memref<8x1024xf32, #tpu.memory_space<hbm>>) target(%dma_start3A_143 : memref<8x1024xf32, #tpu.memory_space<vmem>>) target_semaphore(%arg30 : memref<!tpu.dma_semaphore, #tpu.memory_space<semaphore_mem>>)
    %dma_wait3A = arith.constant 0 : i32
    %dma_wait3A_146 = arith.constant 0 : i32
    %dma_wait3A_147 = arith.constant 0 : i32
    %dma_wait3A_148 = tpu.memref_slice %arg6[%dma_wait3A_146, %dma_wait3A_147] : memref<4x64xi32, #tpu.memory_space<vmem>> -> memref<1x64xi32, #tpu.memory_space<vmem>>
    %dma_wait3A_149 = tpu.memref_squeeze %dma_wait3A_148 : memref<1x64xi32, #tpu.memory_space<vmem>> -> memref<64xi32, #tpu.memory_space<vmem>>
    %dma_wait3A_150 = tpu.memref_slice %arg2[%dma_wait3A, %mul3A_2] : memref<4x2048xi32, #tpu.memory_space<hbm>> -> memref<1x64xi32, #tpu.memory_space<hbm>>
    %dma_wait3A_151 = tpu.memref_squeeze %dma_wait3A_150 : memref<1x64xi32, #tpu.memory_space<hbm>> -> memref<64xi32, #tpu.memory_space<hbm>>
    %dma_wait3A_152 = arith.constant 0 : i32
    %dma_wait3A_153 = tpu.memref_slice %arg6[%dma_wait3A_146, %dma_wait3A_152] : memref<4x64xi32, #tpu.memory_space<vmem>> -> memref<1x64xi32, #tpu.memory_space<vmem>>
    %dma_wait3A_154 = tpu.memref_squeeze %dma_wait3A_153 : memref<1x64xi32, #tpu.memory_space<vmem>> -> memref<64xi32, #tpu.memory_space<vmem>>
    %dma_wait3A_155 = tpu.memref_slice %arg2[%dma_wait3A, %mul3A_2] : memref<4x2048xi32, #tpu.memory_space<hbm>> -> memref<1x64xi32, #tpu.memory_space<hbm>>
    %dma_wait3A_156 = tpu.memref_squeeze %dma_wait3A_155 : memref<1x64xi32, #tpu.memory_space<hbm>> -> memref<64xi32, #tpu.memory_space<hbm>>
    tpu.wait_dma2 semaphore(%arg15 : memref<!tpu.dma_semaphore, #tpu.memory_space<semaphore_mem>>) src(%dma_wait3A_156 : memref<64xi32, #tpu.memory_space<hbm>>) dst(%dma_wait3A_154 : memref<64xi32, #tpu.memory_space<vmem>>)
    %dma_wait3A_157 = arith.constant 1 : i32
    %dma_wait3A_158 = arith.constant 1 : i32
    %dma_wait3A_159 = arith.constant 0 : i32
    %dma_wait3A_160 = tpu.memref_slice %arg6[%dma_wait3A_158, %dma_wait3A_159] : memref<4x64xi32, #tpu.memory_space<vmem>> -> memref<1x64xi32, #tpu.memory_space<vmem>>
    %dma_wait3A_161 = tpu.memref_squeeze %dma_wait3A_160 : memref<1x64xi32, #tpu.memory_space<vmem>> -> memref<64xi32, #tpu.memory_space<vmem>>
    %dma_wait3A_162 = tpu.memref_slice %arg2[%dma_wait3A_157, %mul3A_2] : memref<4x2048xi32, #tpu.memory_space<hbm>> -> memref<1x64xi32, #tpu.memory_space<hbm>>
    %dma_wait3A_163 = tpu.memref_squeeze %dma_wait3A_162 : memref<1x64xi32, #tpu.memory_space<hbm>> -> memref<64xi32, #tpu.memory_space<hbm>>
    %dma_wait3A_164 = arith.constant 0 : i32
    %dma_wait3A_165 = tpu.memref_slice %arg6[%dma_wait3A_158, %dma_wait3A_164] : memref<4x64xi32, #tpu.memory_space<vmem>> -> memref<1x64xi32, #tpu.memory_space<vmem>>
    %dma_wait3A_166 = tpu.memref_squeeze %dma_wait3A_165 : memref<1x64xi32, #tpu.memory_space<vmem>> -> memref<64xi32, #tpu.memory_space<vmem>>
    %dma_wait3A_167 = tpu.memref_slice %arg2[%dma_wait3A_157, %mul3A_2] : memref<4x2048xi32, #tpu.memory_space<hbm>> -> memref<1x64xi32, #tpu.memory_space<hbm>>
    %dma_wait3A_168 = tpu.memref_squeeze %dma_wait3A_167 : memref<1x64xi32, #tpu.memory_space<hbm>> -> memref<64xi32, #tpu.memory_space<hbm>>
    tpu.wait_dma2 semaphore(%arg15 : memref<!tpu.dma_semaphore, #tpu.memory_space<semaphore_mem>>) src(%dma_wait3A_168 : memref<64xi32, #tpu.memory_space<hbm>>) dst(%dma_wait3A_166 : memref<64xi32, #tpu.memory_space<vmem>>)
    %dma_wait3A_169 = arith.constant 2 : i32
    %dma_wait3A_170 = arith.constant 2 : i32
    %dma_wait3A_171 = arith.constant 0 : i32
    %dma_wait3A_172 = tpu.memref_slice %arg6[%dma_wait3A_170, %dma_wait3A_171] : memref<4x64xi32, #tpu.memory_space<vmem>> -> memref<1x64xi32, #tpu.memory_space<vmem>>
    %dma_wait3A_173 = tpu.memref_squeeze %dma_wait3A_172 : memref<1x64xi32, #tpu.memory_space<vmem>> -> memref<64xi32, #tpu.memory_space<vmem>>
    %dma_wait3A_174 = tpu.memref_slice %arg2[%dma_wait3A_169, %mul3A_2] : memref<4x2048xi32, #tpu.memory_space<hbm>> -> memref<1x64xi32, #tpu.memory_space<hbm>>
    %dma_wait3A_175 = tpu.memref_squeeze %dma_wait3A_174 : memref<1x64xi32, #tpu.memory_space<hbm>> -> memref<64xi32, #tpu.memory_space<hbm>>
    %dma_wait3A_176 = arith.constant 0 : i32
    %dma_wait3A_177 = tpu.memref_slice %arg6[%dma_wait3A_170, %dma_wait3A_176] : memref<4x64xi32, #tpu.memory_space<vmem>> -> memref<1x64xi32, #tpu.memory_space<vmem>>
    %dma_wait3A_178 = tpu.memref_squeeze %dma_wait3A_177 : memref<1x64xi32, #tpu.memory_space<vmem>> -> memref<64xi32, #tpu.memory_space<vmem>>
    %dma_wait3A_179 = tpu.memref_slice %arg2[%dma_wait3A_169, %mul3A_2] : memref<4x2048xi32, #tpu.memory_space<hbm>> -> memref<1x64xi32, #tpu.memory_space<hbm>>
    %dma_wait3A_180 = tpu.memref_squeeze %dma_wait3A_179 : memref<1x64xi32, #tpu.memory_space<hbm>> -> memref<64xi32, #tpu.memory_space<hbm>>
    tpu.wait_dma2 semaphore(%arg15 : memref<!tpu.dma_semaphore, #tpu.memory_space<semaphore_mem>>) src(%dma_wait3A_180 : memref<64xi32, #tpu.memory_space<hbm>>) dst(%dma_wait3A_178 : memref<64xi32, #tpu.memory_space<vmem>>)
    %dma_wait3A_181 = arith.constant 3 : i32
    %dma_wait3A_182 = arith.constant 3 : i32
    %dma_wait3A_183 = arith.constant 0 : i32
    %dma_wait3A_184 = tpu.memref_slice %arg6[%dma_wait3A_182, %dma_wait3A_183] : memref<4x64xi32, #tpu.memory_space<vmem>> -> memref<1x64xi32, #tpu.memory_space<vmem>>
    %dma_wait3A_185 = tpu.memref_squeeze %dma_wait3A_184 : memref<1x64xi32, #tpu.memory_space<vmem>> -> memref<64xi32, #tpu.memory_space<vmem>>
    %dma_wait3A_186 = tpu.memref_slice %arg2[%dma_wait3A_181, %mul3A_2] : memref<4x2048xi32, #tpu.memory_space<hbm>> -> memref<1x64xi32, #tpu.memory_space<hbm>>
    %dma_wait3A_187 = tpu.memref_squeeze %dma_wait3A_186 : memref<1x64xi32, #tpu.memory_space<hbm>> -> memref<64xi32, #tpu.memory_space<hbm>>
    %dma_wait3A_188 = arith.constant 0 : i32
    %dma_wait3A_189 = tpu.memref_slice %arg6[%dma_wait3A_182, %dma_wait3A_188] : memref<4x64xi32, #tpu.memory_space<vmem>> -> memref<1x64xi32, #tpu.memory_space<vmem>>
    %dma_wait3A_190 = tpu.memref_squeeze %dma_wait3A_189 : memref<1x64xi32, #tpu.memory_space<vmem>> -> memref<64xi32, #tpu.memory_space<vmem>>
    %dma_wait3A_191 = tpu.memref_slice %arg2[%dma_wait3A_181, %mul3A_2] : memref<4x2048xi32, #tpu.memory_space<hbm>> -> memref<1x64xi32, #tpu.memory_space<hbm>>
    %dma_wait3A_192 = tpu.memref_squeeze %dma_wait3A_191 : memref<1x64xi32, #tpu.memory_space<hbm>> -> memref<64xi32, #tpu.memory_space<hbm>>
    tpu.wait_dma2 semaphore(%arg15 : memref<!tpu.dma_semaphore, #tpu.memory_space<semaphore_mem>>) src(%dma_wait3A_192 : memref<64xi32, #tpu.memory_space<hbm>>) dst(%dma_wait3A_190 : memref<64xi32, #tpu.memory_space<vmem>>)
    %dma_start3A_193 = arith.constant 0 : i32
    %dma_start3A_194 = arith.constant 0 : i32
    %dma_start3A_195 = tpu.memref_slice %arg6[%dma_start3A_193, %dma_start3A_194] : memref<4x64xi32, #tpu.memory_space<vmem>> -> memref<1x8xi32, #tpu.memory_space<vmem>>
    %dma_start3A_196 = tpu.memref_squeeze %dma_start3A_195 : memref<1x8xi32, #tpu.memory_space<vmem>> -> memref<8xi32, #tpu.memory_space<vmem>>
    %dma_start3A_197 = arith.constant 0 : i32
    %dma_start3A_198 = arith.constant 0 : i32
    %dma_start3A_199 = tpu.memref_slice %arg3[%dma_start3A_197, %dma_start3A_198] : memref<100000x1024xf32, #tpu.memory_space<hbm>> -> memref<100000x1024xf32, #tpu.memory_space<hbm>>
    tpu.enqueue_indirect_dma source(%dma_start3A_199 : memref<100000x1024xf32, #tpu.memory_space<hbm>>) target(%arg7 : memref<8x1024xf32, #tpu.memory_space<vmem>>) offsets(%dma_start3A_196 : memref<8xi32, #tpu.memory_space<vmem>>) semaphore(%arg16 : memref<!tpu.dma_semaphore, #tpu.memory_space<semaphore_mem>>)
    %dma_start3A_200 = arith.constant 1 : i32
    %dma_start3A_201 = arith.constant 0 : i32
    %dma_start3A_202 = tpu.memref_slice %arg6[%dma_start3A_200, %dma_start3A_201] : memref<4x64xi32, #tpu.memory_space<vmem>> -> memref<1x8xi32, #tpu.memory_space<vmem>>
    %dma_start3A_203 = tpu.memref_squeeze %dma_start3A_202 : memref<1x8xi32, #tpu.memory_space<vmem>> -> memref<8xi32, #tpu.memory_space<vmem>>
    %dma_start3A_204 = arith.constant 0 : i32
    %dma_start3A_205 = arith.constant 0 : i32
    %dma_start3A_206 = tpu.memref_slice %arg3[%dma_start3A_204, %dma_start3A_205] : memref<100000x1024xf32, #tpu.memory_space<hbm>> -> memref<100000x1024xf32, #tpu.memory_space<hbm>>
    tpu.enqueue_indirect_dma source(%dma_start3A_206 : memref<100000x1024xf32, #tpu.memory_space<hbm>>) target(%arg8 : memref<8x1024xf32, #tpu.memory_space<vmem>>) offsets(%dma_start3A_203 : memref<8xi32, #tpu.memory_space<vmem>>) semaphore(%arg17 : memref<!tpu.dma_semaphore, #tpu.memory_space<semaphore_mem>>)
    %dma_start3A_207 = arith.constant 2 : i32
    %dma_start3A_208 = arith.constant 0 : i32
    %dma_start3A_209 = tpu.memref_slice %arg6[%dma_start3A_207, %dma_start3A_208] : memref<4x64xi32, #tpu.memory_space<vmem>> -> memref<1x8xi32, #tpu.memory_space<vmem>>
    %dma_start3A_210 = tpu.memref_squeeze %dma_start3A_209 : memref<1x8xi32, #tpu.memory_space<vmem>> -> memref<8xi32, #tpu.memory_space<vmem>>
    %dma_start3A_211 = arith.constant 0 : i32
    %dma_start3A_212 = arith.constant 0 : i32
    %dma_start3A_213 = tpu.memref_slice %arg3[%dma_start3A_211, %dma_start3A_212] : memref<100000x1024xf32, #tpu.memory_space<hbm>> -> memref<100000x1024xf32, #tpu.memory_space<hbm>>
    tpu.enqueue_indirect_dma source(%dma_start3A_213 : memref<100000x1024xf32, #tpu.memory_space<hbm>>) target(%arg9 : memref<8x1024xf32, #tpu.memory_space<vmem>>) offsets(%dma_start3A_210 : memref<8xi32, #tpu.memory_space<vmem>>) semaphore(%arg18 : memref<!tpu.dma_semaphore, #tpu.memory_space<semaphore_mem>>)
    %dma_start3A_214 = arith.constant 3 : i32
    %dma_start3A_215 = arith.constant 0 : i32
    %dma_start3A_216 = tpu.memref_slice %arg6[%dma_start3A_214, %dma_start3A_215] : memref<4x64xi32, #tpu.memory_space<vmem>> -> memref<1x8xi32, #tpu.memory_space<vmem>>
    %dma_start3A_217 = tpu.memref_squeeze %dma_start3A_216 : memref<1x8xi32, #tpu.memory_space<vmem>> -> memref<8xi32, #tpu.memory_space<vmem>>
    %dma_start3A_218 = arith.constant 0 : i32
    %dma_start3A_219 = arith.constant 0 : i32
    %dma_start3A_220 = tpu.memref_slice %arg3[%dma_start3A_218, %dma_start3A_219] : memref<100000x1024xf32, #tpu.memory_space<hbm>> -> memref<100000x1024xf32, #tpu.memory_space<hbm>>
    tpu.enqueue_indirect_dma source(%dma_start3A_220 : memref<100000x1024xf32, #tpu.memory_space<hbm>>) target(%arg10 : memref<8x1024xf32, #tpu.memory_space<vmem>>) offsets(%dma_start3A_217 : memref<8xi32, #tpu.memory_space<vmem>>) semaphore(%arg19 : memref<!tpu.dma_semaphore, #tpu.memory_space<semaphore_mem>>)
    %dma_start3A_221 = arith.constant 0 : i32
    %dma_start3A_222 = arith.constant 8 : i32
    %dma_start3A_223 = tpu.memref_slice %arg6[%dma_start3A_221, %dma_start3A_222] : memref<4x64xi32, #tpu.memory_space<vmem>> -> memref<1x8xi32, #tpu.memory_space<vmem>>
    %dma_start3A_224 = tpu.memref_squeeze %dma_start3A_223 : memref<1x8xi32, #tpu.memory_space<vmem>> -> memref<8xi32, #tpu.memory_space<vmem>>
    %dma_start3A_225 = arith.constant 0 : i32
    %dma_start3A_226 = arith.constant 0 : i32
    %dma_start3A_227 = tpu.memref_slice %arg3[%dma_start3A_225, %dma_start3A_226] : memref<100000x1024xf32, #tpu.memory_space<hbm>> -> memref<100000x1024xf32, #tpu.memory_space<hbm>>
    tpu.enqueue_indirect_dma source(%dma_start3A_227 : memref<100000x1024xf32, #tpu.memory_space<hbm>>) target(%arg11 : memref<8x1024xf32, #tpu.memory_space<vmem>>) offsets(%dma_start3A_224 : memref<8xi32, #tpu.memory_space<vmem>>) semaphore(%arg20 : memref<!tpu.dma_semaphore, #tpu.memory_space<semaphore_mem>>)
    %dma_wait3A_228 = arith.constant 0 : i32
    %dma_wait3A_229 = arith.constant 0 : i32
    %dma_wait3A_230 = tpu.memref_slice %arg6[%dma_wait3A_228, %dma_wait3A_229] : memref<4x64xi32, #tpu.memory_space<vmem>> -> memref<1x8xi32, #tpu.memory_space<vmem>>
    %dma_wait3A_231 = tpu.memref_squeeze %dma_wait3A_230 : memref<1x8xi32, #tpu.memory_space<vmem>> -> memref<8xi32, #tpu.memory_space<vmem>>
    %dma_wait3A_232 = arith.constant 0 : i32
    %dma_wait3A_233 = arith.constant 0 : i32
    %dma_wait3A_234 = tpu.memref_slice %arg3[%dma_wait3A_232, %dma_wait3A_233] : memref<100000x1024xf32, #tpu.memory_space<hbm>> -> memref<100000x1024xf32, #tpu.memory_space<hbm>>
    tpu.wait_indirect_dma semaphore(%arg16 : memref<!tpu.dma_semaphore, #tpu.memory_space<semaphore_mem>>) src(%dma_wait3A_234 : memref<100000x1024xf32, #tpu.memory_space<hbm>>) dst(%arg7 : memref<8x1024xf32, #tpu.memory_space<vmem>>)
    %dma_wait3A_235 = arith.constant 0 : i32
    %dma_wait3A_236 = arith.constant 0 : i32
    %dma_wait3A_237 = tpu.memref_slice %arg14[%dma_wait3A_235, %dma_wait3A_236] : memref<64x1024xf32, #tpu.memory_space<vmem>> -> memref<8x1024xf32, #tpu.memory_space<vmem>>
    %dma_wait3A_238 = arith.constant 0 : i32
    %dma_wait3A_239 = tpu.memref_slice %arg4[%add3A_51, %dma_wait3A_238] : memref<2048x1024xf32, #tpu.memory_space<hbm>> -> memref<8x1024xf32, #tpu.memory_space<hbm>>
    %dma_wait3A_240 = arith.constant 0 : i32
    %dma_wait3A_241 = arith.constant 0 : i32
    %dma_wait3A_242 = tpu.memref_slice %arg14[%dma_wait3A_240, %dma_wait3A_241] : memref<64x1024xf32, #tpu.memory_space<vmem>> -> memref<8x1024xf32, #tpu.memory_space<vmem>>
    %dma_wait3A_243 = arith.constant 0 : i32
    %dma_wait3A_244 = tpu.memref_slice %arg4[%add3A_51, %dma_wait3A_243] : memref<2048x1024xf32, #tpu.memory_space<hbm>> -> memref<8x1024xf32, #tpu.memory_space<hbm>>
    tpu.wait_dma2 semaphore(%arg30 : memref<!tpu.dma_semaphore, #tpu.memory_space<semaphore_mem>>) src(%dma_wait3A_244 : memref<8x1024xf32, #tpu.memory_space<hbm>>) dst(%dma_wait3A_242 : memref<8x1024xf32, #tpu.memory_space<vmem>>)
    %parallel_loop3A = arith.constant 0 : i32
    %parallel_loop3A_245 = arith.constant 512 : i32
    %parallel_loop3A_246 = arith.constant 1 : i32
    scf.for %parallel_loop3A_1328 = %parallel_loop3A to %parallel_loop3A_245 step %parallel_loop3A_246  : i32 {
      %parallel_loop3A_1329 = arith.constant 6 : i32
      %parallel_loop3A_1330 = arith.shrsi %parallel_loop3A_1328, %parallel_loop3A_1329 : i32
      %parallel_loop3A_1331 = arith.constant 63 : i32
      %parallel_loop3A_1332 = arith.andi %parallel_loop3A_1328, %parallel_loop3A_1331 : i32
      %parallel_loop3A_1333 = arith.constant 16 : i32
      %parallel_loop3A_1334 = arith.muli %parallel_loop3A_1332, %parallel_loop3A_1333 : i32
      %parallel_loop3A_1335 = arith.constant 0 : i32
      %parallel_loop3A_1336 = arith.addi %parallel_loop3A_1335, %parallel_loop3A_1330 : i32
      %parallel_loop3A_1337 = arith.index_cast %parallel_loop3A_1336 : i32 to index
      %parallel_loop3A_1338 = arith.index_cast %parallel_loop3A_1334 : i32 to index
      %parallel_loop3A_1339 = tpu.vector_load %arg14[%parallel_loop3A_1337, %parallel_loop3A_1338] {strides = array<i32>} : memref<64x1024xf32, #tpu.memory_space<vmem>>, vector<1x16xf32>,
      %parallel_loop3A_1340 = vector.shape_cast %parallel_loop3A_1339 : vector<1x16xf32> to vector<16xf32>
      %parallel_loop3A_1341 = arith.index_cast %parallel_loop3A_1330 : i32 to index
      %parallel_loop3A_1342 = arith.index_cast %parallel_loop3A_1334 : i32 to index
      %parallel_loop3A_1343 = tpu.vector_load %arg7[%parallel_loop3A_1341, %parallel_loop3A_1342] {strides = array<i32>} : memref<8x1024xf32, #tpu.memory_space<vmem>>, vector<1x16xf32>,
      %parallel_loop3A_1344 = vector.shape_cast %parallel_loop3A_1343 : vector<1x16xf32> to vector<16xf32>
      %parallel_loop3A_1345 = vector.shape_cast %parallel_loop3A_1340 : vector<16xf32> to vector<1x16xf32>
      tpu.vector_store %arg7[%parallel_loop3A_1341, %parallel_loop3A_1342], %parallel_loop3A_1345 {add = true, strides = array<i32>} : memref<8x1024xf32, #tpu.memory_space<vmem>>, vector<1x16xf32>,
    } {sc.loop_unroll_factor = 8 : i64, sc.parallel_access}
    %add3A_247 = arith.constant 0 : i32
    %add3A_248 = arith.addi %mul3A_2, %add3A_247 : i32
    %dma_start3A_249 = arith.constant 1 : i32
    %dma_start3A_250 = arith.constant 8 : i32
    %dma_start3A_251 = tpu.memref_slice %arg6[%dma_start3A_249, %dma_start3A_250] : memref<4x64xi32, #tpu.memory_space<vmem>> -> memref<1x8xi32, #tpu.memory_space<vmem>>
    %dma_start3A_252 = tpu.memref_squeeze %dma_start3A_251 : memref<1x8xi32, #tpu.memory_space<vmem>> -> memref<8xi32, #tpu.memory_space<vmem>>
    %dma_start3A_253 = arith.constant 0 : i32
    %dma_start3A_254 = arith.constant 0 : i32
    %dma_start3A_255 = tpu.memref_slice %arg3[%dma_start3A_253, %dma_start3A_254] : memref<100000x1024xf32, #tpu.memory_space<hbm>> -> memref<100000x1024xf32, #tpu.memory_space<hbm>>
    tpu.enqueue_indirect_dma source(%dma_start3A_255 : memref<100000x1024xf32, #tpu.memory_space<hbm>>) target(%arg12 : memref<8x1024xf32, #tpu.memory_space<vmem>>) offsets(%dma_start3A_252 : memref<8xi32, #tpu.memory_space<vmem>>) semaphore(%arg21 : memref<!tpu.dma_semaphore, #tpu.memory_space<semaphore_mem>>)
    %dma_wait3A_256 = arith.constant 1 : i32
    %dma_wait3A_257 = arith.constant 0 : i32
    %dma_wait3A_258 = tpu.memref_slice %arg6[%dma_wait3A_256, %dma_wait3A_257] : memref<4x64xi32, #tpu.memory_space<vmem>> -> memref<1x8xi32, #tpu.memory_space<vmem>>
    %dma_wait3A_259 = tpu.memref_squeeze %dma_wait3A_258 : memref<1x8xi32, #tpu.memory_space<vmem>> -> memref<8xi32, #tpu.memory_space<vmem>>
    %dma_wait3A_260 = arith.constant 0 : i32
    %dma_wait3A_261 = arith.constant 0 : i32
    %dma_wait3A_262 = tpu.memref_slice %arg3[%dma_wait3A_260, %dma_wait3A_261] : memref<100000x1024xf32, #tpu.memory_space<hbm>> -> memref<100000x1024xf32, #tpu.memory_space<hbm>>
    tpu.wait_indirect_dma semaphore(%arg17 : memref<!tpu.dma_semaphore, #tpu.memory_space<semaphore_mem>>) src(%dma_wait3A_262 : memref<100000x1024xf32, #tpu.memory_space<hbm>>) dst(%arg8 : memref<8x1024xf32, #tpu.memory_space<vmem>>)
    %parallel_loop3A_263 = arith.constant 0 : i32
    %parallel_loop3A_264 = arith.constant 512 : i32
    %parallel_loop3A_265 = arith.constant 1 : i32
    scf.for %parallel_loop3A_1328 = %parallel_loop3A_263 to %parallel_loop3A_264 step %parallel_loop3A_265  : i32 {
      %parallel_loop3A_1329 = arith.constant 6 : i32
      %parallel_loop3A_1330 = arith.shrsi %parallel_loop3A_1328, %parallel_loop3A_1329 : i32
      %parallel_loop3A_1331 = arith.constant 63 : i32
      %parallel_loop3A_1332 = arith.andi %parallel_loop3A_1328, %parallel_loop3A_1331 : i32
      %parallel_loop3A_1333 = arith.constant 16 : i32
      %parallel_loop3A_1334 = arith.muli %parallel_loop3A_1332, %parallel_loop3A_1333 : i32
      %parallel_loop3A_1335 = arith.constant 0 : i32
      %parallel_loop3A_1336 = arith.addi %parallel_loop3A_1335, %parallel_loop3A_1330 : i32
      %parallel_loop3A_1337 = arith.index_cast %parallel_loop3A_1336 : i32 to index
      %parallel_loop3A_1338 = arith.index_cast %parallel_loop3A_1334 : i32 to index
      %parallel_loop3A_1339 = tpu.vector_load %arg14[%parallel_loop3A_1337, %parallel_loop3A_1338] {strides = array<i32>} : memref<64x1024xf32, #tpu.memory_space<vmem>>, vector<1x16xf32>,
      %parallel_loop3A_1340 = vector.shape_cast %parallel_loop3A_1339 : vector<1x16xf32> to vector<16xf32>
      %parallel_loop3A_1341 = arith.index_cast %parallel_loop3A_1330 : i32 to index
      %parallel_loop3A_1342 = arith.index_cast %parallel_loop3A_1334 : i32 to index
      %parallel_loop3A_1343 = tpu.vector_load %arg8[%parallel_loop3A_1341, %parallel_loop3A_1342] {strides = array<i32>} : memref<8x1024xf32, #tpu.memory_space<vmem>>, vector<1x16xf32>,
      %parallel_loop3A_1344 = vector.shape_cast %parallel_loop3A_1343 : vector<1x16xf32> to vector<16xf32>
      %parallel_loop3A_1345 = vector.shape_cast %parallel_loop3A_1340 : vector<16xf32> to vector<1x16xf32>
      tpu.vector_store %arg8[%parallel_loop3A_1341, %parallel_loop3A_1342], %parallel_loop3A_1345 {add = true, strides = array<i32>} : memref<8x1024xf32, #tpu.memory_space<vmem>>, vector<1x16xf32>,
    } {sc.loop_unroll_factor = 8 : i64, sc.parallel_access}
    %dma_start3A_266 = arith.constant 0 : i32
    %dma_start3A_267 = arith.constant 0 : i32
    %dma_start3A_268 = tpu.memref_slice %arg5[%dma_start3A_266, %add3A_248, %dma_start3A_267] : memref<4x2048x1024xf32, #tpu.memory_space<hbm>> -> memref<1x8x1024xf32, #tpu.memory_space<hbm>>
    %dma_start3A_269 = tpu.memref_squeeze %dma_start3A_268 : memref<1x8x1024xf32, #tpu.memory_space<hbm>> -> memref<8x1024xf32, #tpu.memory_space<hbm>>
    %dma_start3A_270 = arith.constant 0 : i32
    %dma_start3A_271 = tpu.memref_slice %arg5[%dma_start3A_266, %add3A_248, %dma_start3A_270] : memref<4x2048x1024xf32, #tpu.memory_space<hbm>> -> memref<1x8x1024xf32, #tpu.memory_space<hbm>>
    %dma_start3A_272 = tpu.memref_squeeze %dma_start3A_271 : memref<1x8x1024xf32, #tpu.memory_space<hbm>> -> memref<8x1024xf32, #tpu.memory_space<hbm>>
    tpu.enqueue_dma source(%arg7 : memref<8x1024xf32, #tpu.memory_space<vmem>>) target(%dma_start3A_272 : memref<8x1024xf32, #tpu.memory_space<hbm>>) target_semaphore(%arg23 : memref<!tpu.dma_semaphore, #tpu.memory_space<semaphore_mem>>)
    %add3A_273 = arith.constant 0 : i32
    %add3A_274 = arith.addi %mul3A_2, %add3A_273 : i32
    %dma_start3A_275 = arith.constant 2 : i32
    %dma_start3A_276 = arith.constant 8 : i32
    %dma_start3A_277 = tpu.memref_slice %arg6[%dma_start3A_275, %dma_start3A_276] : memref<4x64xi32, #tpu.memory_space<vmem>> -> memref<1x8xi32, #tpu.memory_space<vmem>>
    %dma_start3A_278 = tpu.memref_squeeze %dma_start3A_277 : memref<1x8xi32, #tpu.memory_space<vmem>> -> memref<8xi32, #tpu.memory_space<vmem>>
    %dma_start3A_279 = arith.constant 0 : i32
    %dma_start3A_280 = arith.constant 0 : i32
    %dma_start3A_281 = tpu.memref_slice %arg3[%dma_start3A_279, %dma_start3A_280] : memref<100000x1024xf32, #tpu.memory_space<hbm>> -> memref<100000x1024xf32, #tpu.memory_space<hbm>>
    tpu.enqueue_indirect_dma source(%dma_start3A_281 : memref<100000x1024xf32, #tpu.memory_space<hbm>>) target(%arg13 : memref<8x1024xf32, #tpu.memory_space<vmem>>) offsets(%dma_start3A_278 : memref<8xi32, #tpu.memory_space<vmem>>) semaphore(%arg22 : memref<!tpu.dma_semaphore, #tpu.memory_space<semaphore_mem>>)
    %dma_wait3A_282 = arith.constant 2 : i32
    %dma_wait3A_283 = arith.constant 0 : i32
    %dma_wait3A_284 = tpu.memref_slice %arg6[%dma_wait3A_282, %dma_wait3A_283] : memref<4x64xi32, #tpu.memory_space<vmem>> -> memref<1x8xi32, #tpu.memory_space<vmem>>
    %dma_wait3A_285 = tpu.memref_squeeze %dma_wait3A_284 : memref<1x8xi32, #tpu.memory_space<vmem>> -> memref<8xi32, #tpu.memory_space<vmem>>
    %dma_wait3A_286 = arith.constant 0 : i32
    %dma_wait3A_287 = arith.constant 0 : i32
    %dma_wait3A_288 = tpu.memref_slice %arg3[%dma_wait3A_286, %dma_wait3A_287] : memref<100000x1024xf32, #tpu.memory_space<hbm>> -> memref<100000x1024xf32, #tpu.memory_space<hbm>>
    tpu.wait_indirect_dma semaphore(%arg18 : memref<!tpu.dma_semaphore, #tpu.memory_space<semaphore_mem>>) src(%dma_wait3A_288 : memref<100000x1024xf32, #tpu.memory_space<hbm>>) dst(%arg9 : memref<8x1024xf32, #tpu.memory_space<vmem>>)
    %parallel_loop3A_289 = arith.constant 0 : i32
    %parallel_loop3A_290 = arith.constant 512 : i32
    %parallel_loop3A_291 = arith.constant 1 : i32
    scf.for %parallel_loop3A_1328 = %parallel_loop3A_289 to %parallel_loop3A_290 step %parallel_loop3A_291  : i32 {
      %parallel_loop3A_1329 = arith.constant 6 : i32
      %parallel_loop3A_1330 = arith.shrsi %parallel_loop3A_1328, %parallel_loop3A_1329 : i32
      %parallel_loop3A_1331 = arith.constant 63 : i32
      %parallel_loop3A_1332 = arith.andi %parallel_loop3A_1328, %parallel_loop3A_1331 : i32
      %parallel_loop3A_1333 = arith.constant 16 : i32
      %parallel_loop3A_1334 = arith.muli %parallel_loop3A_1332, %parallel_loop3A_1333 : i32
      %parallel_loop3A_1335 = arith.constant 0 : i32
      %parallel_loop3A_1336 = arith.addi %parallel_loop3A_1335, %parallel_loop3A_1330 : i32
      %parallel_loop3A_1337 = arith.index_cast %parallel_loop3A_1336 : i32 to index
      %parallel_loop3A_1338 = arith.index_cast %parallel_loop3A_1334 : i32 to index
      %parallel_loop3A_1339 = tpu.vector_load %arg14[%parallel_loop3A_1337, %parallel_loop3A_1338] {strides = array<i32>} : memref<64x1024xf32, #tpu.memory_space<vmem>>, vector<1x16xf32>,
      %parallel_loop3A_1340 = vector.shape_cast %parallel_loop3A_1339 : vector<1x16xf32> to vector<16xf32>
      %parallel_loop3A_1341 = arith.index_cast %parallel_loop3A_1330 : i32 to index
      %parallel_loop3A_1342 = arith.index_cast %parallel_loop3A_1334 : i32 to index
      %parallel_loop3A_1343 = tpu.vector_load %arg9[%parallel_loop3A_1341, %parallel_loop3A_1342] {strides = array<i32>} : memref<8x1024xf32, #tpu.memory_space<vmem>>, vector<1x16xf32>,
      %parallel_loop3A_1344 = vector.shape_cast %parallel_loop3A_1343 : vector<1x16xf32> to vector<16xf32>
      %parallel_loop3A_1345 = vector.shape_cast %parallel_loop3A_1340 : vector<16xf32> to vector<1x16xf32>
      tpu.vector_store %arg9[%parallel_loop3A_1341, %parallel_loop3A_1342], %parallel_loop3A_1345 {add = true, strides = array<i32>} : memref<8x1024xf32, #tpu.memory_space<vmem>>, vector<1x16xf32>,
    } {sc.loop_unroll_factor = 8 : i64, sc.parallel_access}
    %dma_start3A_292 = arith.constant 1 : i32
    %dma_start3A_293 = arith.constant 0 : i32
    %dma_start3A_294 = tpu.memref_slice %arg5[%dma_start3A_292, %add3A_274, %dma_start3A_293] : memref<4x2048x1024xf32, #tpu.memory_space<hbm>> -> memref<1x8x1024xf32, #tpu.memory_space<hbm>>
    %dma_start3A_295 = tpu.memref_squeeze %dma_start3A_294 : memref<1x8x1024xf32, #tpu.memory_space<hbm>> -> memref<8x1024xf32, #tpu.memory_space<hbm>>
    %dma_start3A_296 = arith.constant 0 : i32
    %dma_start3A_297 = tpu.memref_slice %arg5[%dma_start3A_292, %add3A_274, %dma_start3A_296] : memref<4x2048x1024xf32, #tpu.memory_space<hbm>> -> memref<1x8x1024xf32, #tpu.memory_space<hbm>>
    %dma_start3A_298 = tpu.memref_squeeze %dma_start3A_297 : memref<1x8x1024xf32, #tpu.memory_space<hbm>> -> memref<8x1024xf32, #tpu.memory_space<hbm>>
    tpu.enqueue_dma source(%arg8 : memref<8x1024xf32, #tpu.memory_space<vmem>>) target(%dma_start3A_298 : memref<8x1024xf32, #tpu.memory_space<hbm>>) target_semaphore(%arg24 : memref<!tpu.dma_semaphore, #tpu.memory_space<semaphore_mem>>)
    %add3A_299 = arith.constant 0 : i32
    %add3A_300 = arith.addi %mul3A_2, %add3A_299 : i32
    %dma_wait3A_301 = arith.constant 0 : i32
    %dma_wait3A_302 = arith.constant 0 : i32
    %dma_wait3A_303 = tpu.memref_slice %arg5[%dma_wait3A_301, %add3A_248, %dma_wait3A_302] : memref<4x2048x1024xf32, #tpu.memory_space<hbm>> -> memref<1x8x1024xf32, #tpu.memory_space<hbm>>
    %dma_wait3A_304 = tpu.memref_squeeze %dma_wait3A_303 : memref<1x8x1024xf32, #tpu.memory_space<hbm>> -> memref<8x1024xf32, #tpu.memory_space<hbm>>
    %dma_wait3A_305 = arith.constant 0 : i32
    %dma_wait3A_306 = tpu.memref_slice %arg5[%dma_wait3A_301, %add3A_248, %dma_wait3A_305] : memref<4x2048x1024xf32, #tpu.memory_space<hbm>> -> memref<1x8x1024xf32, #tpu.memory_space<hbm>>
    %dma_wait3A_307 = tpu.memref_squeeze %dma_wait3A_306 : memref<1x8x1024xf32, #tpu.memory_space<hbm>> -> memref<8x1024xf32, #tpu.memory_space<hbm>>
    tpu.wait_dma2 semaphore(%arg23 : memref<!tpu.dma_semaphore, #tpu.memory_space<semaphore_mem>>) src(%arg7 : memref<8x1024xf32, #tpu.memory_space<vmem>>) dst(%dma_wait3A_307 : memref<8x1024xf32, #tpu.memory_space<hbm>>)
    %dma_start3A_308 = arith.constant 3 : i32
    %dma_start3A_309 = arith.constant 8 : i32
    %dma_start3A_310 = tpu.memref_slice %arg6[%dma_start3A_308, %dma_start3A_309] : memref<4x64xi32, #tpu.memory_space<vmem>> -> memref<1x8xi32, #tpu.memory_space<vmem>>
    %dma_start3A_311 = tpu.memref_squeeze %dma_start3A_310 : memref<1x8xi32, #tpu.memory_space<vmem>> -> memref<8xi32, #tpu.memory_space<vmem>>
    %dma_start3A_312 = arith.constant 0 : i32
    %dma_start3A_313 = arith.constant 0 : i32
    %dma_start3A_314 = tpu.memref_slice %arg3[%dma_start3A_312, %dma_start3A_313] : memref<100000x1024xf32, #tpu.memory_space<hbm>> -> memref<100000x1024xf32, #tpu.memory_space<hbm>>
    tpu.enqueue_indirect_dma source(%dma_start3A_314 : memref<100000x1024xf32, #tpu.memory_space<hbm>>) target(%arg7 : memref<8x1024xf32, #tpu.memory_space<vmem>>) offsets(%dma_start3A_311 : memref<8xi32, #tpu.memory_space<vmem>>) semaphore(%arg16 : memref<!tpu.dma_semaphore, #tpu.memory_space<semaphore_mem>>)
    %dma_wait3A_315 = arith.constant 3 : i32
    %dma_wait3A_316 = arith.constant 0 : i32
    %dma_wait3A_317 = tpu.memref_slice %arg6[%dma_wait3A_315, %dma_wait3A_316] : memref<4x64xi32, #tpu.memory_space<vmem>> -> memref<1x8xi32, #tpu.memory_space<vmem>>
    %dma_wait3A_318 = tpu.memref_squeeze %dma_wait3A_317 : memref<1x8xi32, #tpu.memory_space<vmem>> -> memref<8xi32, #tpu.memory_space<vmem>>
    %dma_wait3A_319 = arith.constant 0 : i32
    %dma_wait3A_320 = arith.constant 0 : i32
    %dma_wait3A_321 = tpu.memref_slice %arg3[%dma_wait3A_319, %dma_wait3A_320] : memref<100000x1024xf32, #tpu.memory_space<hbm>> -> memref<100000x1024xf32, #tpu.memory_space<hbm>>
    tpu.wait_indirect_dma semaphore(%arg19 : memref<!tpu.dma_semaphore, #tpu.memory_space<semaphore_mem>>) src(%dma_wait3A_321 : memref<100000x1024xf32, #tpu.memory_space<hbm>>) dst(%arg10 : memref<8x1024xf32, #tpu.memory_space<vmem>>)
    %parallel_loop3A_322 = arith.constant 0 : i32
    %parallel_loop3A_323 = arith.constant 512 : i32
    %parallel_loop3A_324 = arith.constant 1 : i32
    scf.for %parallel_loop3A_1328 = %parallel_loop3A_322 to %parallel_loop3A_323 step %parallel_loop3A_324  : i32 {
      %parallel_loop3A_1329 = arith.constant 6 : i32
      %parallel_loop3A_1330 = arith.shrsi %parallel_loop3A_1328, %parallel_loop3A_1329 : i32
      %parallel_loop3A_1331 = arith.constant 63 : i32
      %parallel_loop3A_1332 = arith.andi %parallel_loop3A_1328, %parallel_loop3A_1331 : i32
      %parallel_loop3A_1333 = arith.constant 16 : i32
      %parallel_loop3A_1334 = arith.muli %parallel_loop3A_1332, %parallel_loop3A_1333 : i32
      %parallel_loop3A_1335 = arith.constant 0 : i32
      %parallel_loop3A_1336 = arith.addi %parallel_loop3A_1335, %parallel_loop3A_1330 : i32
      %parallel_loop3A_1337 = arith.index_cast %parallel_loop3A_1336 : i32 to index
      %parallel_loop3A_1338 = arith.index_cast %parallel_loop3A_1334 : i32 to index
      %parallel_loop3A_1339 = tpu.vector_load %arg14[%parallel_loop3A_1337, %parallel_loop3A_1338] {strides = array<i32>} : memref<64x1024xf32, #tpu.memory_space<vmem>>, vector<1x16xf32>,
      %parallel_loop3A_1340 = vector.shape_cast %parallel_loop3A_1339 : vector<1x16xf32> to vector<16xf32>
      %parallel_loop3A_1341 = arith.index_cast %parallel_loop3A_1330 : i32 to index
      %parallel_loop3A_1342 = arith.index_cast %parallel_loop3A_1334 : i32 to index
      %parallel_loop3A_1343 = tpu.vector_load %arg10[%parallel_loop3A_1341, %parallel_loop3A_1342] {strides = array<i32>} : memref<8x1024xf32, #tpu.memory_space<vmem>>, vector<1x16xf32>,
      %parallel_loop3A_1344 = vector.shape_cast %parallel_loop3A_1343 : vector<1x16xf32> to vector<16xf32>
      %parallel_loop3A_1345 = vector.shape_cast %parallel_loop3A_1340 : vector<16xf32> to vector<1x16xf32>
      tpu.vector_store %arg10[%parallel_loop3A_1341, %parallel_loop3A_1342], %parallel_loop3A_1345 {add = true, strides = array<i32>} : memref<8x1024xf32, #tpu.memory_space<vmem>>, vector<1x16xf32>,
    } {sc.loop_unroll_factor = 8 : i64, sc.parallel_access}
    %dma_start3A_325 = arith.constant 2 : i32
    %dma_start3A_326 = arith.constant 0 : i32
    %dma_start3A_327 = tpu.memref_slice %arg5[%dma_start3A_325, %add3A_300, %dma_start3A_326] : memref<4x2048x1024xf32, #tpu.memory_space<hbm>> -> memref<1x8x1024xf32, #tpu.memory_space<hbm>>
    %dma_start3A_328 = tpu.memref_squeeze %dma_start3A_327 : memref<1x8x1024xf32, #tpu.memory_space<hbm>> -> memref<8x1024xf32, #tpu.memory_space<hbm>>
    %dma_start3A_329 = arith.constant 0 : i32
    %dma_start3A_330 = tpu.memref_slice %arg5[%dma_start3A_325, %add3A_300, %dma_start3A_329] : memref<4x2048x1024xf32, #tpu.memory_space<hbm>> -> memref<1x8x1024xf32, #tpu.memory_space<hbm>>
    %dma_start3A_331 = tpu.memref_squeeze %dma_start3A_330 : memref<1x8x1024xf32, #tpu.memory_space<hbm>> -> memref<8x1024xf32, #tpu.memory_space<hbm>>
    tpu.enqueue_dma source(%arg9 : memref<8x1024xf32, #tpu.memory_space<vmem>>) target(%dma_start3A_331 : memref<8x1024xf32, #tpu.memory_space<hbm>>) target_semaphore(%arg25 : memref<!tpu.dma_semaphore, #tpu.memory_space<semaphore_mem>>)
    %add3A_332 = arith.constant 0 : i32
    %add3A_333 = arith.addi %mul3A_2, %add3A_332 : i32
    %dma_wait3A_334 = arith.constant 1 : i32
    %dma_wait3A_335 = arith.constant 0 : i32
    %dma_wait3A_336 = tpu.memref_slice %arg5[%dma_wait3A_334, %add3A_274, %dma_wait3A_335] : memref<4x2048x1024xf32, #tpu.memory_space<hbm>> -> memref<1x8x1024xf32, #tpu.memory_space<hbm>>
    %dma_wait3A_337 = tpu.memref_squeeze %dma_wait3A_336 : memref<1x8x1024xf32, #tpu.memory_space<hbm>> -> memref<8x1024xf32, #tpu.memory_space<hbm>>
    %dma_wait3A_338 = arith.constant 0 : i32
    %dma_wait3A_339 = tpu.memref_slice %arg5[%dma_wait3A_334, %add3A_274, %dma_wait3A_338] : memref<4x2048x1024xf32, #tpu.memory_space<hbm>> -> memref<1x8x1024xf32, #tpu.memory_space<hbm>>
    %dma_wait3A_340 = tpu.memref_squeeze %dma_wait3A_339 : memref<1x8x1024xf32, #tpu.memory_space<hbm>> -> memref<8x1024xf32, #tpu.memory_space<hbm>>
    tpu.wait_dma2 semaphore(%arg24 : memref<!tpu.dma_semaphore, #tpu.memory_space<semaphore_mem>>) src(%arg8 : memref<8x1024xf32, #tpu.memory_space<vmem>>) dst(%dma_wait3A_340 : memref<8x1024xf32, #tpu.memory_space<hbm>>)
    %dma_start3A_341 = arith.constant 0 : i32
    %dma_start3A_342 = arith.constant 16 : i32
    %dma_start3A_343 = tpu.memref_slice %arg6[%dma_start3A_341, %dma_start3A_342] : memref<4x64xi32, #tpu.memory_space<vmem>> -> memref<1x8xi32, #tpu.memory_space<vmem>>
    %dma_start3A_344 = tpu.memref_squeeze %dma_start3A_343 : memref<1x8xi32, #tpu.memory_space<vmem>> -> memref<8xi32, #tpu.memory_space<vmem>>
    %dma_start3A_345 = arith.constant 0 : i32
    %dma_start3A_346 = arith.constant 0 : i32
    %dma_start3A_347 = tpu.memref_slice %arg3[%dma_start3A_345, %dma_start3A_346] : memref<100000x1024xf32, #tpu.memory_space<hbm>> -> memref<100000x1024xf32, #tpu.memory_space<hbm>>
    tpu.enqueue_indirect_dma source(%dma_start3A_347 : memref<100000x1024xf32, #tpu.memory_space<hbm>>) target(%arg8 : memref<8x1024xf32, #tpu.memory_space<vmem>>) offsets(%dma_start3A_344 : memref<8xi32, #tpu.memory_space<vmem>>) semaphore(%arg17 : memref<!tpu.dma_semaphore, #tpu.memory_space<semaphore_mem>>)
    %dma_wait3A_348 = arith.constant 0 : i32
    %dma_wait3A_349 = arith.constant 8 : i32
    %dma_wait3A_350 = tpu.memref_slice %arg6[%dma_wait3A_348, %dma_wait3A_349] : memref<4x64xi32, #tpu.memory_space<vmem>> -> memref<1x8xi32, #tpu.memory_space<vmem>>
    %dma_wait3A_351 = tpu.memref_squeeze %dma_wait3A_350 : memref<1x8xi32, #tpu.memory_space<vmem>> -> memref<8xi32, #tpu.memory_space<vmem>>
    %dma_wait3A_352 = arith.constant 0 : i32
    %dma_wait3A_353 = arith.constant 0 : i32
    %dma_wait3A_354 = tpu.memref_slice %arg3[%dma_wait3A_352, %dma_wait3A_353] : memref<100000x1024xf32, #tpu.memory_space<hbm>> -> memref<100000x1024xf32, #tpu.memory_space<hbm>>
    tpu.wait_indirect_dma semaphore(%arg20 : memref<!tpu.dma_semaphore, #tpu.memory_space<semaphore_mem>>) src(%dma_wait3A_354 : memref<100000x1024xf32, #tpu.memory_space<hbm>>) dst(%arg11 : memref<8x1024xf32, #tpu.memory_space<vmem>>)
    %dma_wait3A_355 = arith.constant 8 : i32
    %dma_wait3A_356 = arith.constant 0 : i32
    %dma_wait3A_357 = tpu.memref_slice %arg14[%dma_wait3A_355, %dma_wait3A_356] : memref<64x1024xf32, #tpu.memory_space<vmem>> -> memref<8x1024xf32, #tpu.memory_space<vmem>>
    %dma_wait3A_358 = arith.constant 0 : i32
    %dma_wait3A_359 = tpu.memref_slice %arg4[%add3A_63, %dma_wait3A_358] : memref<2048x1024xf32, #tpu.memory_space<hbm>> -> memref<8x1024xf32, #tpu.memory_space<hbm>>
    %dma_wait3A_360 = arith.constant 8 : i32
    %dma_wait3A_361 = arith.constant 0 : i32
    %dma_wait3A_362 = tpu.memref_slice %arg14[%dma_wait3A_360, %dma_wait3A_361] : memref<64x1024xf32, #tpu.memory_space<vmem>> -> memref<8x1024xf32, #tpu.memory_space<vmem>>
    %dma_wait3A_363 = arith.constant 0 : i32
    %dma_wait3A_364 = tpu.memref_slice %arg4[%add3A_63, %dma_wait3A_363] : memref<2048x1024xf32, #tpu.memory_space<hbm>> -> memref<8x1024xf32, #tpu.memory_space<hbm>>
    tpu.wait_dma2 semaphore(%arg30 : memref<!tpu.dma_semaphore, #tpu.memory_space<semaphore_mem>>) src(%dma_wait3A_364 : memref<8x1024xf32, #tpu.memory_space<hbm>>) dst(%dma_wait3A_362 : memref<8x1024xf32, #tpu.memory_space<vmem>>)
    %parallel_loop3A_365 = arith.constant 0 : i32
    %parallel_loop3A_366 = arith.constant 512 : i32
    %parallel_loop3A_367 = arith.constant 1 : i32
    scf.for %parallel_loop3A_1328 = %parallel_loop3A_365 to %parallel_loop3A_366 step %parallel_loop3A_367  : i32 {
      %parallel_loop3A_1329 = arith.constant 6 : i32
      %parallel_loop3A_1330 = arith.shrsi %parallel_loop3A_1328, %parallel_loop3A_1329 : i32
      %parallel_loop3A_1331 = arith.constant 63 : i32
      %parallel_loop3A_1332 = arith.andi %parallel_loop3A_1328, %parallel_loop3A_1331 : i32
      %parallel_loop3A_1333 = arith.constant 16 : i32
      %parallel_loop3A_1334 = arith.muli %parallel_loop3A_1332, %parallel_loop3A_1333 : i32
      %parallel_loop3A_1335 = arith.constant 8 : i32
      %parallel_loop3A_1336 = arith.addi %parallel_loop3A_1335, %parallel_loop3A_1330 : i32
      %parallel_loop3A_1337 = arith.index_cast %parallel_loop3A_1336 : i32 to index
      %parallel_loop3A_1338 = arith.index_cast %parallel_loop3A_1334 : i32 to index
      %parallel_loop3A_1339 = tpu.vector_load %arg14[%parallel_loop3A_1337, %parallel_loop3A_1338] {strides = array<i32>} : memref<64x1024xf32, #tpu.memory_space<vmem>>, vector<1x16xf32>,
      %parallel_loop3A_1340 = vector.shape_cast %parallel_loop3A_1339 : vector<1x16xf32> to vector<16xf32>
      %parallel_loop3A_1341 = arith.index_cast %parallel_loop3A_1330 : i32 to index
      %parallel_loop3A_1342 = arith.index_cast %parallel_loop3A_1334 : i32 to index
      %parallel_loop3A_1343 = tpu.vector_load %arg11[%parallel_loop3A_1341, %parallel_loop3A_1342] {strides = array<i32>} : memref<8x1024xf32, #tpu.memory_space<vmem>>, vector<1x16xf32>,
      %parallel_loop3A_1344 = vector.shape_cast %parallel_loop3A_1343 : vector<1x16xf32> to vector<16xf32>
      %parallel_loop3A_1345 = vector.shape_cast %parallel_loop3A_1340 : vector<16xf32> to vector<1x16xf32>
      tpu.vector_store %arg11[%parallel_loop3A_1341, %parallel_loop3A_1342], %parallel_loop3A_1345 {add = true, strides = array<i32>} : memref<8x1024xf32, #tpu.memory_space<vmem>>, vector<1x16xf32>,
    } {sc.loop_unroll_factor = 8 : i64, sc.parallel_access}
    %dma_start3A_368 = arith.constant 3 : i32
    %dma_start3A_369 = arith.constant 0 : i32
    %dma_start3A_370 = tpu.memref_slice %arg5[%dma_start3A_368, %add3A_333, %dma_start3A_369] : memref<4x2048x1024xf32, #tpu.memory_space<hbm>> -> memref<1x8x1024xf32, #tpu.memory_space<hbm>>
    %dma_start3A_371 = tpu.memref_squeeze %dma_start3A_370 : memref<1x8x1024xf32, #tpu.memory_space<hbm>> -> memref<8x1024xf32, #tpu.memory_space<hbm>>
    %dma_start3A_372 = arith.constant 0 : i32
    %dma_start3A_373 = tpu.memref_slice %arg5[%dma_start3A_368, %add3A_333, %dma_start3A_372] : memref<4x2048x1024xf32, #tpu.memory_space<hbm>> -> memref<1x8x1024xf32, #tpu.memory_space<hbm>>
    %dma_start3A_374 = tpu.memref_squeeze %dma_start3A_373 : memref<1x8x1024xf32, #tpu.memory_space<hbm>> -> memref<8x1024xf32, #tpu.memory_space<hbm>>
    tpu.enqueue_dma source(%arg10 : memref<8x1024xf32, #tpu.memory_space<vmem>>) target(%dma_start3A_374 : memref<8x1024xf32, #tpu.memory_space<hbm>>) target_semaphore(%arg26 : memref<!tpu.dma_semaphore, #tpu.memory_space<semaphore_mem>>)
    %add3A_375 = arith.constant 8 : i32
    %add3A_376 = arith.addi %mul3A_2, %add3A_375 : i32
    %dma_wait3A_377 = arith.constant 2 : i32
    %dma_wait3A_378 = arith.constant 0 : i32
    %dma_wait3A_379 = tpu.memref_slice %arg5[%dma_wait3A_377, %add3A_300, %dma_wait3A_378] : memref<4x2048x1024xf32, #tpu.memory_space<hbm>> -> memref<1x8x1024xf32, #tpu.memory_space<hbm>>
    %dma_wait3A_380 = tpu.memref_squeeze %dma_wait3A_379 : memref<1x8x1024xf32, #tpu.memory_space<hbm>> -> memref<8x1024xf32, #tpu.memory_space<hbm>>
    %dma_wait3A_381 = arith.constant 0 : i32
    %dma_wait3A_382 = tpu.memref_slice %arg5[%dma_wait3A_377, %add3A_300, %dma_wait3A_381] : memref<4x2048x1024xf32, #tpu.memory_space<hbm>> -> memref<1x8x1024xf32, #tpu.memory_space<hbm>>
    %dma_wait3A_383 = tpu.memref_squeeze %dma_wait3A_382 : memref<1x8x1024xf32, #tpu.memory_space<hbm>> -> memref<8x1024xf32, #tpu.memory_space<hbm>>
    tpu.wait_dma2 semaphore(%arg25 : memref<!tpu.dma_semaphore, #tpu.memory_space<semaphore_mem>>) src(%arg9 : memref<8x1024xf32, #tpu.memory_space<vmem>>) dst(%dma_wait3A_383 : memref<8x1024xf32, #tpu.memory_space<hbm>>)
    %dma_start3A_384 = arith.constant 1 : i32
    %dma_start3A_385 = arith.constant 16 : i32
    %dma_start3A_386 = tpu.memref_slice %arg6[%dma_start3A_384, %dma_start3A_385] : memref<4x64xi32, #tpu.memory_space<vmem>> -> memref<1x8xi32, #tpu.memory_space<vmem>>
    %dma_start3A_387 = tpu.memref_squeeze %dma_start3A_386 : memref<1x8xi32, #tpu.memory_space<vmem>> -> memref<8xi32, #tpu.memory_space<vmem>>
    %dma_start3A_388 = arith.constant 0 : i32
    %dma_start3A_389 = arith.constant 0 : i32
    %dma_start3A_390 = tpu.memref_slice %arg3[%dma_start3A_388, %dma_start3A_389] : memref<100000x1024xf32, #tpu.memory_space<hbm>> -> memref<100000x1024xf32, #tpu.memory_space<hbm>>
    tpu.enqueue_indirect_dma source(%dma_start3A_390 : memref<100000x1024xf32, #tpu.memory_space<hbm>>) target(%arg9 : memref<8x1024xf32, #tpu.memory_space<vmem>>) offsets(%dma_start3A_387 : memref<8xi32, #tpu.memory_space<vmem>>) semaphore(%arg18 : memref<!tpu.dma_semaphore, #tpu.memory_space<semaphore_mem>>)
    %dma_wait3A_391 = arith.constant 1 : i32
    %dma_wait3A_392 = arith.constant 8 : i32
    %dma_wait3A_393 = tpu.memref_slice %arg6[%dma_wait3A_391, %dma_wait3A_392] : memref<4x64xi32, #tpu.memory_space<vmem>> -> memref<1x8xi32, #tpu.memory_space<vmem>>
    %dma_wait3A_394 = tpu.memref_squeeze %dma_wait3A_393 : memref<1x8xi32, #tpu.memory_space<vmem>> -> memref<8xi32, #tpu.memory_space<vmem>>
    %dma_wait3A_395 = arith.constant 0 : i32
    %dma_wait3A_396 = arith.constant 0 : i32
    %dma_wait3A_397 = tpu.memref_slice %arg3[%dma_wait3A_395, %dma_wait3A_396] : memref<100000x1024xf32, #tpu.memory_space<hbm>> -> memref<100000x1024xf32, #tpu.memory_space<hbm>>
    tpu.wait_indirect_dma semaphore(%arg21 : memref<!tpu.dma_semaphore, #tpu.memory_space<semaphore_mem>>) src(%dma_wait3A_397 : memref<100000x1024xf32, #tpu.memory_space<hbm>>) dst(%arg12 : memref<8x1024xf32, #tpu.memory_space<vmem>>)
    %parallel_loop3A_398 = arith.constant 0 : i32
    %parallel_loop3A_399 = arith.constant 512 : i32
    %parallel_loop3A_400 = arith.constant 1 : i32
    scf.for %parallel_loop3A_1328 = %parallel_loop3A_398 to %parallel_loop3A_399 step %parallel_loop3A_400  : i32 {
      %parallel_loop3A_1329 = arith.constant 6 : i32
      %parallel_loop3A_1330 = arith.shrsi %parallel_loop3A_1328, %parallel_loop3A_1329 : i32
      %parallel_loop3A_1331 = arith.constant 63 : i32
      %parallel_loop3A_1332 = arith.andi %parallel_loop3A_1328, %parallel_loop3A_1331 : i32
      %parallel_loop3A_1333 = arith.constant 16 : i32
      %parallel_loop3A_1334 = arith.muli %parallel_loop3A_1332, %parallel_loop3A_1333 : i32
      %parallel_loop3A_1335 = arith.constant 8 : i32
      %parallel_loop3A_1336 = arith.addi %parallel_loop3A_1335, %parallel_loop3A_1330 : i32
      %parallel_loop3A_1337 = arith.index_cast %parallel_loop3A_1336 : i32 to index
      %parallel_loop3A_1338 = arith.index_cast %parallel_loop3A_1334 : i32 to index
      %parallel_loop3A_1339 = tpu.vector_load %arg14[%parallel_loop3A_1337, %parallel_loop3A_1338] {strides = array<i32>} : memref<64x1024xf32, #tpu.memory_space<vmem>>, vector<1x16xf32>,
      %parallel_loop3A_1340 = vector.shape_cast %parallel_loop3A_1339 : vector<1x16xf32> to vector<16xf32>
      %parallel_loop3A_1341 = arith.index_cast %parallel_loop3A_1330 : i32 to index
      %parallel_loop3A_1342 = arith.index_cast %parallel_loop3A_1334 : i32 to index
      %parallel_loop3A_1343 = tpu.vector_load %arg12[%parallel_loop3A_1341, %parallel_loop3A_1342] {strides = array<i32>} : memref<8x1024xf32, #tpu.memory_space<vmem>>, vector<1x16xf32>,
      %parallel_loop3A_1344 = vector.shape_cast %parallel_loop3A_1343 : vector<1x16xf32> to vector<16xf32>
      %parallel_loop3A_1345 = vector.shape_cast %parallel_loop3A_1340 : vector<16xf32> to vector<1x16xf32>
      tpu.vector_store %arg12[%parallel_loop3A_1341, %parallel_loop3A_1342], %parallel_loop3A_1345 {add = true, strides = array<i32>} : memref<8x1024xf32, #tpu.memory_space<vmem>>, vector<1x16xf32>,
    } {sc.loop_unroll_factor = 8 : i64, sc.parallel_access}
    %dma_start3A_401 = arith.constant 0 : i32
    %dma_start3A_402 = arith.constant 0 : i32
    %dma_start3A_403 = tpu.memref_slice %arg5[%dma_start3A_401, %add3A_376, %dma_start3A_402] : memref<4x2048x1024xf32, #tpu.memory_space<hbm>> -> memref<1x8x1024xf32, #tpu.memory_space<hbm>>
    %dma_start3A_404 = tpu.memref_squeeze %dma_start3A_403 : memref<1x8x1024xf32, #tpu.memory_space<hbm>> -> memref<8x1024xf32, #tpu.memory_space<hbm>>
    %dma_start3A_405 = arith.constant 0 : i32
    %dma_start3A_406 = tpu.memref_slice %arg5[%dma_start3A_401, %add3A_376, %dma_start3A_405] : memref<4x2048x1024xf32, #tpu.memory_space<hbm>> -> memref<1x8x1024xf32, #tpu.memory_space<hbm>>
    %dma_start3A_407 = tpu.memref_squeeze %dma_start3A_406 : memref<1x8x1024xf32, #tpu.memory_space<hbm>> -> memref<8x1024xf32, #tpu.memory_space<hbm>>
    tpu.enqueue_dma source(%arg11 : memref<8x1024xf32, #tpu.memory_space<vmem>>) target(%dma_start3A_407 : memref<8x1024xf32, #tpu.memory_space<hbm>>) target_semaphore(%arg27 : memref<!tpu.dma_semaphore, #tpu.memory_space<semaphore_mem>>)
    %add3A_408 = arith.constant 8 : i32
    %add3A_409 = arith.addi %mul3A_2, %add3A_408 : i32
    %dma_wait3A_410 = arith.constant 3 : i32
    %dma_wait3A_411 = arith.constant 0 : i32
    %dma_wait3A_412 = tpu.memref_slice %arg5[%dma_wait3A_410, %add3A_333, %dma_wait3A_411] : memref<4x2048x1024xf32, #tpu.memory_space<hbm>> -> memref<1x8x1024xf32, #tpu.memory_space<hbm>>
    %dma_wait3A_413 = tpu.memref_squeeze %dma_wait3A_412 : memref<1x8x1024xf32, #tpu.memory_space<hbm>> -> memref<8x1024xf32, #tpu.memory_space<hbm>>
    %dma_wait3A_414 = arith.constant 0 : i32
    %dma_wait3A_415 = tpu.memref_slice %arg5[%dma_wait3A_410, %add3A_333, %dma_wait3A_414] : memref<4x2048x1024xf32, #tpu.memory_space<hbm>> -> memref<1x8x1024xf32, #tpu.memory_space<hbm>>
    %dma_wait3A_416 = tpu.memref_squeeze %dma_wait3A_415 : memref<1x8x1024xf32, #tpu.memory_space<hbm>> -> memref<8x1024xf32, #tpu.memory_space<hbm>>
    tpu.wait_dma2 semaphore(%arg26 : memref<!tpu.dma_semaphore, #tpu.memory_space<semaphore_mem>>) src(%arg10 : memref<8x1024xf32, #tpu.memory_space<vmem>>) dst(%dma_wait3A_416 : memref<8x1024xf32, #tpu.memory_space<hbm>>)
    %dma_start3A_417 = arith.constant 2 : i32
    %dma_start3A_418 = arith.constant 16 : i32
    %dma_start3A_419 = tpu.memref_slice %arg6[%dma_start3A_417, %dma_start3A_418] : memref<4x64xi32, #tpu.memory_space<vmem>> -> memref<1x8xi32, #tpu.memory_space<vmem>>
    %dma_start3A_420 = tpu.memref_squeeze %dma_start3A_419 : memref<1x8xi32, #tpu.memory_space<vmem>> -> memref<8xi32, #tpu.memory_space<vmem>>
    %dma_start3A_421 = arith.constant 0 : i32
    %dma_start3A_422 = arith.constant 0 : i32
    %dma_start3A_423 = tpu.memref_slice %arg3[%dma_start3A_421, %dma_start3A_422] : memref<100000x1024xf32, #tpu.memory_space<hbm>> -> memref<100000x1024xf32, #tpu.memory_space<hbm>>
    tpu.enqueue_indirect_dma source(%dma_start3A_423 : memref<100000x1024xf32, #tpu.memory_space<hbm>>) target(%arg10 : memref<8x1024xf32, #tpu.memory_space<vmem>>) offsets(%dma_start3A_420 : memref<8xi32, #tpu.memory_space<vmem>>) semaphore(%arg19 : memref<!tpu.dma_semaphore, #tpu.memory_space<semaphore_mem>>)
    %dma_wait3A_424 = arith.constant 2 : i32
    %dma_wait3A_425 = arith.constant 8 : i32
    %dma_wait3A_426 = tpu.memref_slice %arg6[%dma_wait3A_424, %dma_wait3A_425] : memref<4x64xi32, #tpu.memory_space<vmem>> -> memref<1x8xi32, #tpu.memory_space<vmem>>
    %dma_wait3A_427 = tpu.memref_squeeze %dma_wait3A_426 : memref<1x8xi32, #tpu.memory_space<vmem>> -> memref<8xi32, #tpu.memory_space<vmem>>
    %dma_wait3A_428 = arith.constant 0 : i32
    %dma_wait3A_429 = arith.constant 0 : i32
    %dma_wait3A_430 = tpu.memref_slice %arg3[%dma_wait3A_428, %dma_wait3A_429] : memref<100000x1024xf32, #tpu.memory_space<hbm>> -> memref<100000x1024xf32, #tpu.memory_space<hbm>>
    tpu.wait_indirect_dma semaphore(%arg22 : memref<!tpu.dma_semaphore, #tpu.memory_space<semaphore_mem>>) src(%dma_wait3A_430 : memref<100000x1024xf32, #tpu.memory_space<hbm>>) dst(%arg13 : memref<8x1024xf32, #tpu.memory_space<vmem>>)
    %parallel_loop3A_431 = arith.constant 0 : i32
    %parallel_loop3A_432 = arith.constant 512 : i32
    %parallel_loop3A_433 = arith.constant 1 : i32
    scf.for %parallel_loop3A_1328 = %parallel_loop3A_431 to %parallel_loop3A_432 step %parallel_loop3A_433  : i32 {
      %parallel_loop3A_1329 = arith.constant 6 : i32
      %parallel_loop3A_1330 = arith.shrsi %parallel_loop3A_1328, %parallel_loop3A_1329 : i32
      %parallel_loop3A_1331 = arith.constant 63 : i32
      %parallel_loop3A_1332 = arith.andi %parallel_loop3A_1328, %parallel_loop3A_1331 : i32
      %parallel_loop3A_1333 = arith.constant 16 : i32
      %parallel_loop3A_1334 = arith.muli %parallel_loop3A_1332, %parallel_loop3A_1333 : i32
      %parallel_loop3A_1335 = arith.constant 8 : i32
      %parallel_loop3A_1336 = arith.addi %parallel_loop3A_1335, %parallel_loop3A_1330 : i32
      %parallel_loop3A_1337 = arith.index_cast %parallel_loop3A_1336 : i32 to index
      %parallel_loop3A_1338 = arith.index_cast %parallel_loop3A_1334 : i32 to index
      %parallel_loop3A_1339 = tpu.vector_load %arg14[%parallel_loop3A_1337, %parallel_loop3A_1338] {strides = array<i32>} : memref<64x1024xf32, #tpu.memory_space<vmem>>, vector<1x16xf32>,
      %parallel_loop3A_1340 = vector.shape_cast %parallel_loop3A_1339 : vector<1x16xf32> to vector<16xf32>
      %parallel_loop3A_1341 = arith.index_cast %parallel_loop3A_1330 : i32 to index
      %parallel_loop3A_1342 = arith.index_cast %parallel_loop3A_1334 : i32 to index
      %parallel_loop3A_1343 = tpu.vector_load %arg13[%parallel_loop3A_1341, %parallel_loop3A_1342] {strides = array<i32>} : memref<8x1024xf32, #tpu.memory_space<vmem>>, vector<1x16xf32>,
      %parallel_loop3A_1344 = vector.shape_cast %parallel_loop3A_1343 : vector<1x16xf32> to vector<16xf32>
      %parallel_loop3A_1345 = vector.shape_cast %parallel_loop3A_1340 : vector<16xf32> to vector<1x16xf32>
      tpu.vector_store %arg13[%parallel_loop3A_1341, %parallel_loop3A_1342], %parallel_loop3A_1345 {add = true, strides = array<i32>} : memref<8x1024xf32, #tpu.memory_space<vmem>>, vector<1x16xf32>,
    } {sc.loop_unroll_factor = 8 : i64, sc.parallel_access}
    %dma_start3A_434 = arith.constant 1 : i32
    %dma_start3A_435 = arith.constant 0 : i32
    %dma_start3A_436 = tpu.memref_slice %arg5[%dma_start3A_434, %add3A_409, %dma_start3A_435] : memref<4x2048x1024xf32, #tpu.memory_space<hbm>> -> memref<1x8x1024xf32, #tpu.memory_space<hbm>>
    %dma_start3A_437 = tpu.memref_squeeze %dma_start3A_436 : memref<1x8x1024xf32, #tpu.memory_space<hbm>> -> memref<8x1024xf32, #tpu.memory_space<hbm>>
    %dma_start3A_438 = arith.constant 0 : i32
    %dma_start3A_439 = tpu.memref_slice %arg5[%dma_start3A_434, %add3A_409, %dma_start3A_438] : memref<4x2048x1024xf32, #tpu.memory_space<hbm>> -> memref<1x8x1024xf32, #tpu.memory_space<hbm>>
    %dma_start3A_440 = tpu.memref_squeeze %dma_start3A_439 : memref<1x8x1024xf32, #tpu.memory_space<hbm>> -> memref<8x1024xf32, #tpu.memory_space<hbm>>
    tpu.enqueue_dma source(%arg12 : memref<8x1024xf32, #tpu.memory_space<vmem>>) target(%dma_start3A_440 : memref<8x1024xf32, #tpu.memory_space<hbm>>) target_semaphore(%arg28 : memref<!tpu.dma_semaphore, #tpu.memory_space<semaphore_mem>>)
    %add3A_441 = arith.constant 8 : i32
    %add3A_442 = arith.addi %mul3A_2, %add3A_441 : i32
    %dma_wait3A_443 = arith.constant 0 : i32
    %dma_wait3A_444 = arith.constant 0 : i32
    %dma_wait3A_445 = tpu.memref_slice %arg5[%dma_wait3A_443, %add3A_376, %dma_wait3A_444] : memref<4x2048x1024xf32, #tpu.memory_space<hbm>> -> memref<1x8x1024xf32, #tpu.memory_space<hbm>>
    %dma_wait3A_446 = tpu.memref_squeeze %dma_wait3A_445 : memref<1x8x1024xf32, #tpu.memory_space<hbm>> -> memref<8x1024xf32, #tpu.memory_space<hbm>>
    %dma_wait3A_447 = arith.constant 0 : i32
    %dma_wait3A_448 = tpu.memref_slice %arg5[%dma_wait3A_443, %add3A_376, %dma_wait3A_447] : memref<4x2048x1024xf32, #tpu.memory_space<hbm>> -> memref<1x8x1024xf32, #tpu.memory_space<hbm>>
    %dma_wait3A_449 = tpu.memref_squeeze %dma_wait3A_448 : memref<1x8x1024xf32, #tpu.memory_space<hbm>> -> memref<8x1024xf32, #tpu.memory_space<hbm>>
    tpu.wait_dma2 semaphore(%arg27 : memref<!tpu.dma_semaphore, #tpu.memory_space<semaphore_mem>>) src(%arg11 : memref<8x1024xf32, #tpu.memory_space<vmem>>) dst(%dma_wait3A_449 : memref<8x1024xf32, #tpu.memory_space<hbm>>)
    %dma_start3A_450 = arith.constant 3 : i32
    %dma_start3A_451 = arith.constant 16 : i32
    %dma_start3A_452 = tpu.memref_slice %arg6[%dma_start3A_450, %dma_start3A_451] : memref<4x64xi32, #tpu.memory_space<vmem>> -> memref<1x8xi32, #tpu.memory_space<vmem>>
    %dma_start3A_453 = tpu.memref_squeeze %dma_start3A_452 : memref<1x8xi32, #tpu.memory_space<vmem>> -> memref<8xi32, #tpu.memory_space<vmem>>
    %dma_start3A_454 = arith.constant 0 : i32
    %dma_start3A_455 = arith.constant 0 : i32
    %dma_start3A_456 = tpu.memref_slice %arg3[%dma_start3A_454, %dma_start3A_455] : memref<100000x1024xf32, #tpu.memory_space<hbm>> -> memref<100000x1024xf32, #tpu.memory_space<hbm>>
    tpu.enqueue_indirect_dma source(%dma_start3A_456 : memref<100000x1024xf32, #tpu.memory_space<hbm>>) target(%arg11 : memref<8x1024xf32, #tpu.memory_space<vmem>>) offsets(%dma_start3A_453 : memref<8xi32, #tpu.memory_space<vmem>>) semaphore(%arg20 : memref<!tpu.dma_semaphore, #tpu.memory_space<semaphore_mem>>)
    %dma_wait3A_457 = arith.constant 3 : i32
    %dma_wait3A_458 = arith.constant 8 : i32
    %dma_wait3A_459 = tpu.memref_slice %arg6[%dma_wait3A_457, %dma_wait3A_458] : memref<4x64xi32, #tpu.memory_space<vmem>> -> memref<1x8xi32, #tpu.memory_space<vmem>>
    %dma_wait3A_460 = tpu.memref_squeeze %dma_wait3A_459 : memref<1x8xi32, #tpu.memory_space<vmem>> -> memref<8xi32, #tpu.memory_space<vmem>>
    %dma_wait3A_461 = arith.constant 0 : i32
    %dma_wait3A_462 = arith.constant 0 : i32
    %dma_wait3A_463 = tpu.memref_slice %arg3[%dma_wait3A_461, %dma_wait3A_462] : memref<100000x1024xf32, #tpu.memory_space<hbm>> -> memref<100000x1024xf32, #tpu.memory_space<hbm>>
    tpu.wait_indirect_dma semaphore(%arg16 : memref<!tpu.dma_semaphore, #tpu.memory_space<semaphore_mem>>) src(%dma_wait3A_463 : memref<100000x1024xf32, #tpu.memory_space<hbm>>) dst(%arg7 : memref<8x1024xf32, #tpu.memory_space<vmem>>)
    %parallel_loop3A_464 = arith.constant 0 : i32
    %parallel_loop3A_465 = arith.constant 512 : i32
    %parallel_loop3A_466 = arith.constant 1 : i32
    scf.for %parallel_loop3A_1328 = %parallel_loop3A_464 to %parallel_loop3A_465 step %parallel_loop3A_466  : i32 {
      %parallel_loop3A_1329 = arith.constant 6 : i32
      %parallel_loop3A_1330 = arith.shrsi %parallel_loop3A_1328, %parallel_loop3A_1329 : i32
      %parallel_loop3A_1331 = arith.constant 63 : i32
      %parallel_loop3A_1332 = arith.andi %parallel_loop3A_1328, %parallel_loop3A_1331 : i32
      %parallel_loop3A_1333 = arith.constant 16 : i32
      %parallel_loop3A_1334 = arith.muli %parallel_loop3A_1332, %parallel_loop3A_1333 : i32
      %parallel_loop3A_1335 = arith.constant 8 : i32
      %parallel_loop3A_1336 = arith.addi %parallel_loop3A_1335, %parallel_loop3A_1330 : i32
      %parallel_loop3A_1337 = arith.index_cast %parallel_loop3A_1336 : i32 to index
      %parallel_loop3A_1338 = arith.index_cast %parallel_loop3A_1334 : i32 to index
      %parallel_loop3A_1339 = tpu.vector_load %arg14[%parallel_loop3A_1337, %parallel_loop3A_1338] {strides = array<i32>} : memref<64x1024xf32, #tpu.memory_space<vmem>>, vector<1x16xf32>,
      %parallel_loop3A_1340 = vector.shape_cast %parallel_loop3A_1339 : vector<1x16xf32> to vector<16xf32>
      %parallel_loop3A_1341 = arith.index_cast %parallel_loop3A_1330 : i32 to index
      %parallel_loop3A_1342 = arith.index_cast %parallel_loop3A_1334 : i32 to index
      %parallel_loop3A_1343 = tpu.vector_load %arg7[%parallel_loop3A_1341, %parallel_loop3A_1342] {strides = array<i32>} : memref<8x1024xf32, #tpu.memory_space<vmem>>, vector<1x16xf32>,
      %parallel_loop3A_1344 = vector.shape_cast %parallel_loop3A_1343 : vector<1x16xf32> to vector<16xf32>
      %parallel_loop3A_1345 = vector.shape_cast %parallel_loop3A_1340 : vector<16xf32> to vector<1x16xf32>
      tpu.vector_store %arg7[%parallel_loop3A_1341, %parallel_loop3A_1342], %parallel_loop3A_1345 {add = true, strides = array<i32>} : memref<8x1024xf32, #tpu.memory_space<vmem>>, vector<1x16xf32>,
    } {sc.loop_unroll_factor = 8 : i64, sc.parallel_access}
    %dma_start3A_467 = arith.constant 2 : i32
    %dma_start3A_468 = arith.constant 0 : i32
    %dma_start3A_469 = tpu.memref_slice %arg5[%dma_start3A_467, %add3A_442, %dma_start3A_468] : memref<4x2048x1024xf32, #tpu.memory_space<hbm>> -> memref<1x8x1024xf32, #tpu.memory_space<hbm>>
    %dma_start3A_470 = tpu.memref_squeeze %dma_start3A_469 : memref<1x8x1024xf32, #tpu.memory_space<hbm>> -> memref<8x1024xf32, #tpu.memory_space<hbm>>
    %dma_start3A_471 = arith.constant 0 : i32
    %dma_start3A_472 = tpu.memref_slice %arg5[%dma_start3A_467, %add3A_442, %dma_start3A_471] : memref<4x2048x1024xf32, #tpu.memory_space<hbm>> -> memref<1x8x1024xf32, #tpu.memory_space<hbm>>
    %dma_start3A_473 = tpu.memref_squeeze %dma_start3A_472 : memref<1x8x1024xf32, #tpu.memory_space<hbm>> -> memref<8x1024xf32, #tpu.memory_space<hbm>>
    tpu.enqueue_dma source(%arg13 : memref<8x1024xf32, #tpu.memory_space<vmem>>) target(%dma_start3A_473 : memref<8x1024xf32, #tpu.memory_space<hbm>>) target_semaphore(%arg29 : memref<!tpu.dma_semaphore, #tpu.memory_space<semaphore_mem>>)
    %add3A_474 = arith.constant 8 : i32
    %add3A_475 = arith.addi %mul3A_2, %add3A_474 : i32
    %dma_wait3A_476 = arith.constant 1 : i32
    %dma_wait3A_477 = arith.constant 0 : i32
    %dma_wait3A_478 = tpu.memref_slice %arg5[%dma_wait3A_476, %add3A_409, %dma_wait3A_477] : memref<4x2048x1024xf32, #tpu.memory_space<hbm>> -> memref<1x8x1024xf32, #tpu.memory_space<hbm>>
    %dma_wait3A_479 = tpu.memref_squeeze %dma_wait3A_478 : memref<1x8x1024xf32, #tpu.memory_space<hbm>> -> memref<8x1024xf32, #tpu.memory_space<hbm>>
    %dma_wait3A_480 = arith.constant 0 : i32
    %dma_wait3A_481 = tpu.memref_slice %arg5[%dma_wait3A_476, %add3A_409, %dma_wait3A_480] : memref<4x2048x1024xf32, #tpu.memory_space<hbm>> -> memref<1x8x1024xf32, #tpu.memory_space<hbm>>
    %dma_wait3A_482 = tpu.memref_squeeze %dma_wait3A_481 : memref<1x8x1024xf32, #tpu.memory_space<hbm>> -> memref<8x1024xf32, #tpu.memory_space<hbm>>
    tpu.wait_dma2 semaphore(%arg28 : memref<!tpu.dma_semaphore, #tpu.memory_space<semaphore_mem>>) src(%arg12 : memref<8x1024xf32, #tpu.memory_space<vmem>>) dst(%dma_wait3A_482 : memref<8x1024xf32, #tpu.memory_space<hbm>>)
    %dma_start3A_483 = arith.constant 0 : i32
    %dma_start3A_484 = arith.constant 24 : i32
    %dma_start3A_485 = tpu.memref_slice %arg6[%dma_start3A_483, %dma_start3A_484] : memref<4x64xi32, #tpu.memory_space<vmem>> -> memref<1x8xi32, #tpu.memory_space<vmem>>
    %dma_start3A_486 = tpu.memref_squeeze %dma_start3A_485 : memref<1x8xi32, #tpu.memory_space<vmem>> -> memref<8xi32, #tpu.memory_space<vmem>>
    %dma_start3A_487 = arith.constant 0 : i32
    %dma_start3A_488 = arith.constant 0 : i32
    %dma_start3A_489 = tpu.memref_slice %arg3[%dma_start3A_487, %dma_start3A_488] : memref<100000x1024xf32, #tpu.memory_space<hbm>> -> memref<100000x1024xf32, #tpu.memory_space<hbm>>
    tpu.enqueue_indirect_dma source(%dma_start3A_489 : memref<100000x1024xf32, #tpu.memory_space<hbm>>) target(%arg12 : memref<8x1024xf32, #tpu.memory_space<vmem>>) offsets(%dma_start3A_486 : memref<8xi32, #tpu.memory_space<vmem>>) semaphore(%arg21 : memref<!tpu.dma_semaphore, #tpu.memory_space<semaphore_mem>>)
    %dma_wait3A_490 = arith.constant 0 : i32
    %dma_wait3A_491 = arith.constant 16 : i32
    %dma_wait3A_492 = tpu.memref_slice %arg6[%dma_wait3A_490, %dma_wait3A_491] : memref<4x64xi32, #tpu.memory_space<vmem>> -> memref<1x8xi32, #tpu.memory_space<vmem>>
    %dma_wait3A_493 = tpu.memref_squeeze %dma_wait3A_492 : memref<1x8xi32, #tpu.memory_space<vmem>> -> memref<8xi32, #tpu.memory_space<vmem>>
    %dma_wait3A_494 = arith.constant 0 : i32
    %dma_wait3A_495 = arith.constant 0 : i32
    %dma_wait3A_496 = tpu.memref_slice %arg3[%dma_wait3A_494, %dma_wait3A_495] : memref<100000x1024xf32, #tpu.memory_space<hbm>> -> memref<100000x1024xf32, #tpu.memory_space<hbm>>
    tpu.wait_indirect_dma semaphore(%arg17 : memref<!tpu.dma_semaphore, #tpu.memory_space<semaphore_mem>>) src(%dma_wait3A_496 : memref<100000x1024xf32, #tpu.memory_space<hbm>>) dst(%arg8 : memref<8x1024xf32, #tpu.memory_space<vmem>>)
    %dma_wait3A_497 = arith.constant 16 : i32
    %dma_wait3A_498 = arith.constant 0 : i32
    %dma_wait3A_499 = tpu.memref_slice %arg14[%dma_wait3A_497, %dma_wait3A_498] : memref<64x1024xf32, #tpu.memory_space<vmem>> -> memref<8x1024xf32, #tpu.memory_space<vmem>>
    %dma_wait3A_500 = arith.constant 0 : i32
    %dma_wait3A_501 = tpu.memref_slice %arg4[%add3A_75, %dma_wait3A_500] : memref<2048x1024xf32, #tpu.memory_space<hbm>> -> memref<8x1024xf32, #tpu.memory_space<hbm>>
    %dma_wait3A_502 = arith.constant 16 : i32
    %dma_wait3A_503 = arith.constant 0 : i32
    %dma_wait3A_504 = tpu.memref_slice %arg14[%dma_wait3A_502, %dma_wait3A_503] : memref<64x1024xf32, #tpu.memory_space<vmem>> -> memref<8x1024xf32, #tpu.memory_space<vmem>>
    %dma_wait3A_505 = arith.constant 0 : i32
    %dma_wait3A_506 = tpu.memref_slice %arg4[%add3A_75, %dma_wait3A_505] : memref<2048x1024xf32, #tpu.memory_space<hbm>> -> memref<8x1024xf32, #tpu.memory_space<hbm>>
    tpu.wait_dma2 semaphore(%arg30 : memref<!tpu.dma_semaphore, #tpu.memory_space<semaphore_mem>>) src(%dma_wait3A_506 : memref<8x1024xf32, #tpu.memory_space<hbm>>) dst(%dma_wait3A_504 : memref<8x1024xf32, #tpu.memory_space<vmem>>)
    %parallel_loop3A_507 = arith.constant 0 : i32
    %parallel_loop3A_508 = arith.constant 512 : i32
    %parallel_loop3A_509 = arith.constant 1 : i32
    scf.for %parallel_loop3A_1328 = %parallel_loop3A_507 to %parallel_loop3A_508 step %parallel_loop3A_509  : i32 {
      %parallel_loop3A_1329 = arith.constant 6 : i32
      %parallel_loop3A_1330 = arith.shrsi %parallel_loop3A_1328, %parallel_loop3A_1329 : i32
      %parallel_loop3A_1331 = arith.constant 63 : i32
      %parallel_loop3A_1332 = arith.andi %parallel_loop3A_1328, %parallel_loop3A_1331 : i32
      %parallel_loop3A_1333 = arith.constant 16 : i32
      %parallel_loop3A_1334 = arith.muli %parallel_loop3A_1332, %parallel_loop3A_1333 : i32
      %parallel_loop3A_1335 = arith.constant 16 : i32
      %parallel_loop3A_1336 = arith.addi %parallel_loop3A_1335, %parallel_loop3A_1330 : i32
      %parallel_loop3A_1337 = arith.index_cast %parallel_loop3A_1336 : i32 to index
      %parallel_loop3A_1338 = arith.index_cast %parallel_loop3A_1334 : i32 to index
      %parallel_loop3A_1339 = tpu.vector_load %arg14[%parallel_loop3A_1337, %parallel_loop3A_1338] {strides = array<i32>} : memref<64x1024xf32, #tpu.memory_space<vmem>>, vector<1x16xf32>,
      %parallel_loop3A_1340 = vector.shape_cast %parallel_loop3A_1339 : vector<1x16xf32> to vector<16xf32>
      %parallel_loop3A_1341 = arith.index_cast %parallel_loop3A_1330 : i32 to index
      %parallel_loop3A_1342 = arith.index_cast %parallel_loop3A_1334 : i32 to index
      %parallel_loop3A_1343 = tpu.vector_load %arg8[%parallel_loop3A_1341, %parallel_loop3A_1342] {strides = array<i32>} : memref<8x1024xf32, #tpu.memory_space<vmem>>, vector<1x16xf32>,
      %parallel_loop3A_1344 = vector.shape_cast %parallel_loop3A_1343 : vector<1x16xf32> to vector<16xf32>
      %parallel_loop3A_1345 = vector.shape_cast %parallel_loop3A_1340 : vector<16xf32> to vector<1x16xf32>
      tpu.vector_store %arg8[%parallel_loop3A_1341, %parallel_loop3A_1342], %parallel_loop3A_1345 {add = true, strides = array<i32>} : memref<8x1024xf32, #tpu.memory_space<vmem>>, vector<1x16xf32>,
    } {sc.loop_unroll_factor = 8 : i64, sc.parallel_access}
    %dma_start3A_510 = arith.constant 3 : i32
    %dma_start3A_511 = arith.constant 0 : i32
    %dma_start3A_512 = tpu.memref_slice %arg5[%dma_start3A_510, %add3A_475, %dma_start3A_511] : memref<4x2048x1024xf32, #tpu.memory_space<hbm>> -> memref<1x8x1024xf32, #tpu.memory_space<hbm>>
    %dma_start3A_513 = tpu.memref_squeeze %dma_start3A_512 : memref<1x8x1024xf32, #tpu.memory_space<hbm>> -> memref<8x1024xf32, #tpu.memory_space<hbm>>
    %dma_start3A_514 = arith.constant 0 : i32
    %dma_start3A_515 = tpu.memref_slice %arg5[%dma_start3A_510, %add3A_475, %dma_start3A_514] : memref<4x2048x1024xf32, #tpu.memory_space<hbm>> -> memref<1x8x1024xf32, #tpu.memory_space<hbm>>
    %dma_start3A_516 = tpu.memref_squeeze %dma_start3A_515 : memref<1x8x1024xf32, #tpu.memory_space<hbm>> -> memref<8x1024xf32, #tpu.memory_space<hbm>>
    tpu.enqueue_dma source(%arg7 : memref<8x1024xf32, #tpu.memory_space<vmem>>) target(%dma_start3A_516 : memref<8x1024xf32, #tpu.memory_space<hbm>>) target_semaphore(%arg23 : memref<!tpu.dma_semaphore, #tpu.memory_space<semaphore_mem>>)
    %add3A_517 = arith.constant 16 : i32
    %add3A_518 = arith.addi %mul3A_2, %add3A_517 : i32
    %dma_wait3A_519 = arith.constant 2 : i32
    %dma_wait3A_520 = arith.constant 0 : i32
    %dma_wait3A_521 = tpu.memref_slice %arg5[%dma_wait3A_519, %add3A_442, %dma_wait3A_520] : memref<4x2048x1024xf32, #tpu.memory_space<hbm>> -> memref<1x8x1024xf32, #tpu.memory_space<hbm>>
    %dma_wait3A_522 = tpu.memref_squeeze %dma_wait3A_521 : memref<1x8x1024xf32, #tpu.memory_space<hbm>> -> memref<8x1024xf32, #tpu.memory_space<hbm>>
    %dma_wait3A_523 = arith.constant 0 : i32
    %dma_wait3A_524 = tpu.memref_slice %arg5[%dma_wait3A_519, %add3A_442, %dma_wait3A_523] : memref<4x2048x1024xf32, #tpu.memory_space<hbm>> -> memref<1x8x1024xf32, #tpu.memory_space<hbm>>
    %dma_wait3A_525 = tpu.memref_squeeze %dma_wait3A_524 : memref<1x8x1024xf32, #tpu.memory_space<hbm>> -> memref<8x1024xf32, #tpu.memory_space<hbm>>
    tpu.wait_dma2 semaphore(%arg29 : memref<!tpu.dma_semaphore, #tpu.memory_space<semaphore_mem>>) src(%arg13 : memref<8x1024xf32, #tpu.memory_space<vmem>>) dst(%dma_wait3A_525 : memref<8x1024xf32, #tpu.memory_space<hbm>>)
    %dma_start3A_526 = arith.constant 1 : i32
    %dma_start3A_527 = arith.constant 24 : i32
    %dma_start3A_528 = tpu.memref_slice %arg6[%dma_start3A_526, %dma_start3A_527] : memref<4x64xi32, #tpu.memory_space<vmem>> -> memref<1x8xi32, #tpu.memory_space<vmem>>
    %dma_start3A_529 = tpu.memref_squeeze %dma_start3A_528 : memref<1x8xi32, #tpu.memory_space<vmem>> -> memref<8xi32, #tpu.memory_space<vmem>>
    %dma_start3A_530 = arith.constant 0 : i32
    %dma_start3A_531 = arith.constant 0 : i32
    %dma_start3A_532 = tpu.memref_slice %arg3[%dma_start3A_530, %dma_start3A_531] : memref<100000x1024xf32, #tpu.memory_space<hbm>> -> memref<100000x1024xf32, #tpu.memory_space<hbm>>
    tpu.enqueue_indirect_dma source(%dma_start3A_532 : memref<100000x1024xf32, #tpu.memory_space<hbm>>) target(%arg13 : memref<8x1024xf32, #tpu.memory_space<vmem>>) offsets(%dma_start3A_529 : memref<8xi32, #tpu.memory_space<vmem>>) semaphore(%arg22 : memref<!tpu.dma_semaphore, #tpu.memory_space<semaphore_mem>>)
    %dma_wait3A_533 = arith.constant 1 : i32
    %dma_wait3A_534 = arith.constant 16 : i32
    %dma_wait3A_535 = tpu.memref_slice %arg6[%dma_wait3A_533, %dma_wait3A_534] : memref<4x64xi32, #tpu.memory_space<vmem>> -> memref<1x8xi32, #tpu.memory_space<vmem>>
    %dma_wait3A_536 = tpu.memref_squeeze %dma_wait3A_535 : memref<1x8xi32, #tpu.memory_space<vmem>> -> memref<8xi32, #tpu.memory_space<vmem>>
    %dma_wait3A_537 = arith.constant 0 : i32
    %dma_wait3A_538 = arith.constant 0 : i32
    %dma_wait3A_539 = tpu.memref_slice %arg3[%dma_wait3A_537, %dma_wait3A_538] : memref<100000x1024xf32, #tpu.memory_space<hbm>> -> memref<100000x1024xf32, #tpu.memory_space<hbm>>
    tpu.wait_indirect_dma semaphore(%arg18 : memref<!tpu.dma_semaphore, #tpu.memory_space<semaphore_mem>>) src(%dma_wait3A_539 : memref<100000x1024xf32, #tpu.memory_space<hbm>>) dst(%arg9 : memref<8x1024xf32, #tpu.memory_space<vmem>>)
    %parallel_loop3A_540 = arith.constant 0 : i32
    %parallel_loop3A_541 = arith.constant 512 : i32
    %parallel_loop3A_542 = arith.constant 1 : i32
    scf.for %parallel_loop3A_1328 = %parallel_loop3A_540 to %parallel_loop3A_541 step %parallel_loop3A_542  : i32 {
      %parallel_loop3A_1329 = arith.constant 6 : i32
      %parallel_loop3A_1330 = arith.shrsi %parallel_loop3A_1328, %parallel_loop3A_1329 : i32
      %parallel_loop3A_1331 = arith.constant 63 : i32
      %parallel_loop3A_1332 = arith.andi %parallel_loop3A_1328, %parallel_loop3A_1331 : i32
      %parallel_loop3A_1333 = arith.constant 16 : i32
      %parallel_loop3A_1334 = arith.muli %parallel_loop3A_1332, %parallel_loop3A_1333 : i32
      %parallel_loop3A_1335 = arith.constant 16 : i32
      %parallel_loop3A_1336 = arith.addi %parallel_loop3A_1335, %parallel_loop3A_1330 : i32
      %parallel_loop3A_1337 = arith.index_cast %parallel_loop3A_1336 : i32 to index
      %parallel_loop3A_1338 = arith.index_cast %parallel_loop3A_1334 : i32 to index
      %parallel_loop3A_1339 = tpu.vector_load %arg14[%parallel_loop3A_1337, %parallel_loop3A_1338] {strides = array<i32>} : memref<64x1024xf32, #tpu.memory_space<vmem>>, vector<1x16xf32>,
      %parallel_loop3A_1340 = vector.shape_cast %parallel_loop3A_1339 : vector<1x16xf32> to vector<16xf32>
      %parallel_loop3A_1341 = arith.index_cast %parallel_loop3A_1330 : i32 to index
      %parallel_loop3A_1342 = arith.index_cast %parallel_loop3A_1334 : i32 to index
      %parallel_loop3A_1343 = tpu.vector_load %arg9[%parallel_loop3A_1341, %parallel_loop3A_1342] {strides = array<i32>} : memref<8x1024xf32, #tpu.memory_space<vmem>>, vector<1x16xf32>,
      %parallel_loop3A_1344 = vector.shape_cast %parallel_loop3A_1343 : vector<1x16xf32> to vector<16xf32>
      %parallel_loop3A_1345 = vector.shape_cast %parallel_loop3A_1340 : vector<16xf32> to vector<1x16xf32>
      tpu.vector_store %arg9[%parallel_loop3A_1341, %parallel_loop3A_1342], %parallel_loop3A_1345 {add = true, strides = array<i32>} : memref<8x1024xf32, #tpu.memory_space<vmem>>, vector<1x16xf32>,
    } {sc.loop_unroll_factor = 8 : i64, sc.parallel_access}
    %dma_start3A_543 = arith.constant 0 : i32
    %dma_start3A_544 = arith.constant 0 : i32
    %dma_start3A_545 = tpu.memref_slice %arg5[%dma_start3A_543, %add3A_518, %dma_start3A_544] : memref<4x2048x1024xf32, #tpu.memory_space<hbm>> -> memref<1x8x1024xf32, #tpu.memory_space<hbm>>
    %dma_start3A_546 = tpu.memref_squeeze %dma_start3A_545 : memref<1x8x1024xf32, #tpu.memory_space<hbm>> -> memref<8x1024xf32, #tpu.memory_space<hbm>>
    %dma_start3A_547 = arith.constant 0 : i32
    %dma_start3A_548 = tpu.memref_slice %arg5[%dma_start3A_543, %add3A_518, %dma_start3A_547] : memref<4x2048x1024xf32, #tpu.memory_space<hbm>> -> memref<1x8x1024xf32, #tpu.memory_space<hbm>>
    %dma_start3A_549 = tpu.memref_squeeze %dma_start3A_548 : memref<1x8x1024xf32, #tpu.memory_space<hbm>> -> memref<8x1024xf32, #tpu.memory_space<hbm>>
    tpu.enqueue_dma source(%arg8 : memref<8x1024xf32, #tpu.memory_space<vmem>>) target(%dma_start3A_549 : memref<8x1024xf32, #tpu.memory_space<hbm>>) target_semaphore(%arg24 : memref<!tpu.dma_semaphore, #tpu.memory_space<semaphore_mem>>)
    %add3A_550 = arith.constant 16 : i32
    %add3A_551 = arith.addi %mul3A_2, %add3A_550 : i32
    %dma_wait3A_552 = arith.constant 3 : i32
    %dma_wait3A_553 = arith.constant 0 : i32
    %dma_wait3A_554 = tpu.memref_slice %arg5[%dma_wait3A_552, %add3A_475, %dma_wait3A_553] : memref<4x2048x1024xf32, #tpu.memory_space<hbm>> -> memref<1x8x1024xf32, #tpu.memory_space<hbm>>
    %dma_wait3A_555 = tpu.memref_squeeze %dma_wait3A_554 : memref<1x8x1024xf32, #tpu.memory_space<hbm>> -> memref<8x1024xf32, #tpu.memory_space<hbm>>
    %dma_wait3A_556 = arith.constant 0 : i32
    %dma_wait3A_557 = tpu.memref_slice %arg5[%dma_wait3A_552, %add3A_475, %dma_wait3A_556] : memref<4x2048x1024xf32, #tpu.memory_space<hbm>> -> memref<1x8x1024xf32, #tpu.memory_space<hbm>>
    %dma_wait3A_558 = tpu.memref_squeeze %dma_wait3A_557 : memref<1x8x1024xf32, #tpu.memory_space<hbm>> -> memref<8x1024xf32, #tpu.memory_space<hbm>>
    tpu.wait_dma2 semaphore(%arg23 : memref<!tpu.dma_semaphore, #tpu.memory_space<semaphore_mem>>) src(%arg7 : memref<8x1024xf32, #tpu.memory_space<vmem>>) dst(%dma_wait3A_558 : memref<8x1024xf32, #tpu.memory_space<hbm>>)
    %dma_start3A_559 = arith.constant 2 : i32
    %dma_start3A_560 = arith.constant 24 : i32
    %dma_start3A_561 = tpu.memref_slice %arg6[%dma_start3A_559, %dma_start3A_560] : memref<4x64xi32, #tpu.memory_space<vmem>> -> memref<1x8xi32, #tpu.memory_space<vmem>>
    %dma_start3A_562 = tpu.memref_squeeze %dma_start3A_561 : memref<1x8xi32, #tpu.memory_space<vmem>> -> memref<8xi32, #tpu.memory_space<vmem>>
    %dma_start3A_563 = arith.constant 0 : i32
    %dma_start3A_564 = arith.constant 0 : i32
    %dma_start3A_565 = tpu.memref_slice %arg3[%dma_start3A_563, %dma_start3A_564] : memref<100000x1024xf32, #tpu.memory_space<hbm>> -> memref<100000x1024xf32, #tpu.memory_space<hbm>>
    tpu.enqueue_indirect_dma source(%dma_start3A_565 : memref<100000x1024xf32, #tpu.memory_space<hbm>>) target(%arg7 : memref<8x1024xf32, #tpu.memory_space<vmem>>) offsets(%dma_start3A_562 : memref<8xi32, #tpu.memory_space<vmem>>) semaphore(%arg16 : memref<!tpu.dma_semaphore, #tpu.memory_space<semaphore_mem>>)
    %dma_wait3A_566 = arith.constant 2 : i32
    %dma_wait3A_567 = arith.constant 16 : i32
    %dma_wait3A_568 = tpu.memref_slice %arg6[%dma_wait3A_566, %dma_wait3A_567] : memref<4x64xi32, #tpu.memory_space<vmem>> -> memref<1x8xi32, #tpu.memory_space<vmem>>
    %dma_wait3A_569 = tpu.memref_squeeze %dma_wait3A_568 : memref<1x8xi32, #tpu.memory_space<vmem>> -> memref<8xi32, #tpu.memory_space<vmem>>
    %dma_wait3A_570 = arith.constant 0 : i32
    %dma_wait3A_571 = arith.constant 0 : i32
    %dma_wait3A_572 = tpu.memref_slice %arg3[%dma_wait3A_570, %dma_wait3A_571] : memref<100000x1024xf32, #tpu.memory_space<hbm>> -> memref<100000x1024xf32, #tpu.memory_space<hbm>>
    tpu.wait_indirect_dma semaphore(%arg19 : memref<!tpu.dma_semaphore, #tpu.memory_space<semaphore_mem>>) src(%dma_wait3A_572 : memref<100000x1024xf32, #tpu.memory_space<hbm>>) dst(%arg10 : memref<8x1024xf32, #tpu.memory_space<vmem>>)
    %parallel_loop3A_573 = arith.constant 0 : i32
    %parallel_loop3A_574 = arith.constant 512 : i32
    %parallel_loop3A_575 = arith.constant 1 : i32
    scf.for %parallel_loop3A_1328 = %parallel_loop3A_573 to %parallel_loop3A_574 step %parallel_loop3A_575  : i32 {
      %parallel_loop3A_1329 = arith.constant 6 : i32
      %parallel_loop3A_1330 = arith.shrsi %parallel_loop3A_1328, %parallel_loop3A_1329 : i32
      %parallel_loop3A_1331 = arith.constant 63 : i32
      %parallel_loop3A_1332 = arith.andi %parallel_loop3A_1328, %parallel_loop3A_1331 : i32
      %parallel_loop3A_1333 = arith.constant 16 : i32
      %parallel_loop3A_1334 = arith.muli %parallel_loop3A_1332, %parallel_loop3A_1333 : i32
      %parallel_loop3A_1335 = arith.constant 16 : i32
      %parallel_loop3A_1336 = arith.addi %parallel_loop3A_1335, %parallel_loop3A_1330 : i32
      %parallel_loop3A_1337 = arith.index_cast %parallel_loop3A_1336 : i32 to index
      %parallel_loop3A_1338 = arith.index_cast %parallel_loop3A_1334 : i32 to index
      %parallel_loop3A_1339 = tpu.vector_load %arg14[%parallel_loop3A_1337, %parallel_loop3A_1338] {strides = array<i32>} : memref<64x1024xf32, #tpu.memory_space<vmem>>, vector<1x16xf32>,
      %parallel_loop3A_1340 = vector.shape_cast %parallel_loop3A_1339 : vector<1x16xf32> to vector<16xf32>
      %parallel_loop3A_1341 = arith.index_cast %parallel_loop3A_1330 : i32 to index
      %parallel_loop3A_1342 = arith.index_cast %parallel_loop3A_1334 : i32 to index
      %parallel_loop3A_1343 = tpu.vector_load %arg10[%parallel_loop3A_1341, %parallel_loop3A_1342] {strides = array<i32>} : memref<8x1024xf32, #tpu.memory_space<vmem>>, vector<1x16xf32>,
      %parallel_loop3A_1344 = vector.shape_cast %parallel_loop3A_1343 : vector<1x16xf32> to vector<16xf32>
      %parallel_loop3A_1345 = vector.shape_cast %parallel_loop3A_1340 : vector<16xf32> to vector<1x16xf32>
      tpu.vector_store %arg10[%parallel_loop3A_1341, %parallel_loop3A_1342], %parallel_loop3A_1345 {add = true, strides = array<i32>} : memref<8x1024xf32, #tpu.memory_space<vmem>>, vector<1x16xf32>,
    } {sc.loop_unroll_factor = 8 : i64, sc.parallel_access}
    %dma_start3A_576 = arith.constant 1 : i32
    %dma_start3A_577 = arith.constant 0 : i32
    %dma_start3A_578 = tpu.memref_slice %arg5[%dma_start3A_576, %add3A_551, %dma_start3A_577] : memref<4x2048x1024xf32, #tpu.memory_space<hbm>> -> memref<1x8x1024xf32, #tpu.memory_space<hbm>>
    %dma_start3A_579 = tpu.memref_squeeze %dma_start3A_578 : memref<1x8x1024xf32, #tpu.memory_space<hbm>> -> memref<8x1024xf32, #tpu.memory_space<hbm>>
    %dma_start3A_580 = arith.constant 0 : i32
    %dma_start3A_581 = tpu.memref_slice %arg5[%dma_start3A_576, %add3A_551, %dma_start3A_580] : memref<4x2048x1024xf32, #tpu.memory_space<hbm>> -> memref<1x8x1024xf32, #tpu.memory_space<hbm>>
    %dma_start3A_582 = tpu.memref_squeeze %dma_start3A_581 : memref<1x8x1024xf32, #tpu.memory_space<hbm>> -> memref<8x1024xf32, #tpu.memory_space<hbm>>
    tpu.enqueue_dma source(%arg9 : memref<8x1024xf32, #tpu.memory_space<vmem>>) target(%dma_start3A_582 : memref<8x1024xf32, #tpu.memory_space<hbm>>) target_semaphore(%arg25 : memref<!tpu.dma_semaphore, #tpu.memory_space<semaphore_mem>>)
    %add3A_583 = arith.constant 16 : i32
    %add3A_584 = arith.addi %mul3A_2, %add3A_583 : i32
    %dma_wait3A_585 = arith.constant 0 : i32
    %dma_wait3A_586 = arith.constant 0 : i32
    %dma_wait3A_587 = tpu.memref_slice %arg5[%dma_wait3A_585, %add3A_518, %dma_wait3A_586] : memref<4x2048x1024xf32, #tpu.memory_space<hbm>> -> memref<1x8x1024xf32, #tpu.memory_space<hbm>>
    %dma_wait3A_588 = tpu.memref_squeeze %dma_wait3A_587 : memref<1x8x1024xf32, #tpu.memory_space<hbm>> -> memref<8x1024xf32, #tpu.memory_space<hbm>>
    %dma_wait3A_589 = arith.constant 0 : i32
    %dma_wait3A_590 = tpu.memref_slice %arg5[%dma_wait3A_585, %add3A_518, %dma_wait3A_589] : memref<4x2048x1024xf32, #tpu.memory_space<hbm>> -> memref<1x8x1024xf32, #tpu.memory_space<hbm>>
    %dma_wait3A_591 = tpu.memref_squeeze %dma_wait3A_590 : memref<1x8x1024xf32, #tpu.memory_space<hbm>> -> memref<8x1024xf32, #tpu.memory_space<hbm>>
    tpu.wait_dma2 semaphore(%arg24 : memref<!tpu.dma_semaphore, #tpu.memory_space<semaphore_mem>>) src(%arg8 : memref<8x1024xf32, #tpu.memory_space<vmem>>) dst(%dma_wait3A_591 : memref<8x1024xf32, #tpu.memory_space<hbm>>)
    %dma_start3A_592 = arith.constant 3 : i32
    %dma_start3A_593 = arith.constant 24 : i32
    %dma_start3A_594 = tpu.memref_slice %arg6[%dma_start3A_592, %dma_start3A_593] : memref<4x64xi32, #tpu.memory_space<vmem>> -> memref<1x8xi32, #tpu.memory_space<vmem>>
    %dma_start3A_595 = tpu.memref_squeeze %dma_start3A_594 : memref<1x8xi32, #tpu.memory_space<vmem>> -> memref<8xi32, #tpu.memory_space<vmem>>
    %dma_start3A_596 = arith.constant 0 : i32
    %dma_start3A_597 = arith.constant 0 : i32
    %dma_start3A_598 = tpu.memref_slice %arg3[%dma_start3A_596, %dma_start3A_597] : memref<100000x1024xf32, #tpu.memory_space<hbm>> -> memref<100000x1024xf32, #tpu.memory_space<hbm>>
    tpu.enqueue_indirect_dma source(%dma_start3A_598 : memref<100000x1024xf32, #tpu.memory_space<hbm>>) target(%arg8 : memref<8x1024xf32, #tpu.memory_space<vmem>>) offsets(%dma_start3A_595 : memref<8xi32, #tpu.memory_space<vmem>>) semaphore(%arg17 : memref<!tpu.dma_semaphore, #tpu.memory_space<semaphore_mem>>)
    %dma_wait3A_599 = arith.constant 3 : i32
    %dma_wait3A_600 = arith.constant 16 : i32
    %dma_wait3A_601 = tpu.memref_slice %arg6[%dma_wait3A_599, %dma_wait3A_600] : memref<4x64xi32, #tpu.memory_space<vmem>> -> memref<1x8xi32, #tpu.memory_space<vmem>>
    %dma_wait3A_602 = tpu.memref_squeeze %dma_wait3A_601 : memref<1x8xi32, #tpu.memory_space<vmem>> -> memref<8xi32, #tpu.memory_space<vmem>>
    %dma_wait3A_603 = arith.constant 0 : i32
    %dma_wait3A_604 = arith.constant 0 : i32
    %dma_wait3A_605 = tpu.memref_slice %arg3[%dma_wait3A_603, %dma_wait3A_604] : memref<100000x1024xf32, #tpu.memory_space<hbm>> -> memref<100000x1024xf32, #tpu.memory_space<hbm>>
    tpu.wait_indirect_dma semaphore(%arg20 : memref<!tpu.dma_semaphore, #tpu.memory_space<semaphore_mem>>) src(%dma_wait3A_605 : memref<100000x1024xf32, #tpu.memory_space<hbm>>) dst(%arg11 : memref<8x1024xf32, #tpu.memory_space<vmem>>)
    %parallel_loop3A_606 = arith.constant 0 : i32
    %parallel_loop3A_607 = arith.constant 512 : i32
    %parallel_loop3A_608 = arith.constant 1 : i32
    scf.for %parallel_loop3A_1328 = %parallel_loop3A_606 to %parallel_loop3A_607 step %parallel_loop3A_608  : i32 {
      %parallel_loop3A_1329 = arith.constant 6 : i32
      %parallel_loop3A_1330 = arith.shrsi %parallel_loop3A_1328, %parallel_loop3A_1329 : i32
      %parallel_loop3A_1331 = arith.constant 63 : i32
      %parallel_loop3A_1332 = arith.andi %parallel_loop3A_1328, %parallel_loop3A_1331 : i32
      %parallel_loop3A_1333 = arith.constant 16 : i32
      %parallel_loop3A_1334 = arith.muli %parallel_loop3A_1332, %parallel_loop3A_1333 : i32
      %parallel_loop3A_1335 = arith.constant 16 : i32
      %parallel_loop3A_1336 = arith.addi %parallel_loop3A_1335, %parallel_loop3A_1330 : i32
      %parallel_loop3A_1337 = arith.index_cast %parallel_loop3A_1336 : i32 to index
      %parallel_loop3A_1338 = arith.index_cast %parallel_loop3A_1334 : i32 to index
      %parallel_loop3A_1339 = tpu.vector_load %arg14[%parallel_loop3A_1337, %parallel_loop3A_1338] {strides = array<i32>} : memref<64x1024xf32, #tpu.memory_space<vmem>>, vector<1x16xf32>,
      %parallel_loop3A_1340 = vector.shape_cast %parallel_loop3A_1339 : vector<1x16xf32> to vector<16xf32>
      %parallel_loop3A_1341 = arith.index_cast %parallel_loop3A_1330 : i32 to index
      %parallel_loop3A_1342 = arith.index_cast %parallel_loop3A_1334 : i32 to index
      %parallel_loop3A_1343 = tpu.vector_load %arg11[%parallel_loop3A_1341, %parallel_loop3A_1342] {strides = array<i32>} : memref<8x1024xf32, #tpu.memory_space<vmem>>, vector<1x16xf32>,
      %parallel_loop3A_1344 = vector.shape_cast %parallel_loop3A_1343 : vector<1x16xf32> to vector<16xf32>
      %parallel_loop3A_1345 = vector.shape_cast %parallel_loop3A_1340 : vector<16xf32> to vector<1x16xf32>
      tpu.vector_store %arg11[%parallel_loop3A_1341, %parallel_loop3A_1342], %parallel_loop3A_1345 {add = true, strides = array<i32>} : memref<8x1024xf32, #tpu.memory_space<vmem>>, vector<1x16xf32>,
    } {sc.loop_unroll_factor = 8 : i64, sc.parallel_access}
    %dma_start3A_609 = arith.constant 2 : i32
    %dma_start3A_610 = arith.constant 0 : i32
    %dma_start3A_611 = tpu.memref_slice %arg5[%dma_start3A_609, %add3A_584, %dma_start3A_610] : memref<4x2048x1024xf32, #tpu.memory_space<hbm>> -> memref<1x8x1024xf32, #tpu.memory_space<hbm>>
    %dma_start3A_612 = tpu.memref_squeeze %dma_start3A_611 : memref<1x8x1024xf32, #tpu.memory_space<hbm>> -> memref<8x1024xf32, #tpu.memory_space<hbm>>
    %dma_start3A_613 = arith.constant 0 : i32
    %dma_start3A_614 = tpu.memref_slice %arg5[%dma_start3A_609, %add3A_584, %dma_start3A_613] : memref<4x2048x1024xf32, #tpu.memory_space<hbm>> -> memref<1x8x1024xf32, #tpu.memory_space<hbm>>
    %dma_start3A_615 = tpu.memref_squeeze %dma_start3A_614 : memref<1x8x1024xf32, #tpu.memory_space<hbm>> -> memref<8x1024xf32, #tpu.memory_space<hbm>>
    tpu.enqueue_dma source(%arg10 : memref<8x1024xf32, #tpu.memory_space<vmem>>) target(%dma_start3A_615 : memref<8x1024xf32, #tpu.memory_space<hbm>>) target_semaphore(%arg26 : memref<!tpu.dma_semaphore, #tpu.memory_space<semaphore_mem>>)
    %add3A_616 = arith.constant 16 : i32
    %add3A_617 = arith.addi %mul3A_2, %add3A_616 : i32
    %dma_wait3A_618 = arith.constant 1 : i32
    %dma_wait3A_619 = arith.constant 0 : i32
    %dma_wait3A_620 = tpu.memref_slice %arg5[%dma_wait3A_618, %add3A_551, %dma_wait3A_619] : memref<4x2048x1024xf32, #tpu.memory_space<hbm>> -> memref<1x8x1024xf32, #tpu.memory_space<hbm>>
    %dma_wait3A_621 = tpu.memref_squeeze %dma_wait3A_620 : memref<1x8x1024xf32, #tpu.memory_space<hbm>> -> memref<8x1024xf32, #tpu.memory_space<hbm>>
    %dma_wait3A_622 = arith.constant 0 : i32
    %dma_wait3A_623 = tpu.memref_slice %arg5[%dma_wait3A_618, %add3A_551, %dma_wait3A_622] : memref<4x2048x1024xf32, #tpu.memory_space<hbm>> -> memref<1x8x1024xf32, #tpu.memory_space<hbm>>
    %dma_wait3A_624 = tpu.memref_squeeze %dma_wait3A_623 : memref<1x8x1024xf32, #tpu.memory_space<hbm>> -> memref<8x1024xf32, #tpu.memory_space<hbm>>
    tpu.wait_dma2 semaphore(%arg25 : memref<!tpu.dma_semaphore, #tpu.memory_space<semaphore_mem>>) src(%arg9 : memref<8x1024xf32, #tpu.memory_space<vmem>>) dst(%dma_wait3A_624 : memref<8x1024xf32, #tpu.memory_space<hbm>>)
    %dma_start3A_625 = arith.constant 0 : i32
    %dma_start3A_626 = arith.constant 32 : i32
    %dma_start3A_627 = tpu.memref_slice %arg6[%dma_start3A_625, %dma_start3A_626] : memref<4x64xi32, #tpu.memory_space<vmem>> -> memref<1x8xi32, #tpu.memory_space<vmem>>
    %dma_start3A_628 = tpu.memref_squeeze %dma_start3A_627 : memref<1x8xi32, #tpu.memory_space<vmem>> -> memref<8xi32, #tpu.memory_space<vmem>>
    %dma_start3A_629 = arith.constant 0 : i32
    %dma_start3A_630 = arith.constant 0 : i32
    %dma_start3A_631 = tpu.memref_slice %arg3[%dma_start3A_629, %dma_start3A_630] : memref<100000x1024xf32, #tpu.memory_space<hbm>> -> memref<100000x1024xf32, #tpu.memory_space<hbm>>
    tpu.enqueue_indirect_dma source(%dma_start3A_631 : memref<100000x1024xf32, #tpu.memory_space<hbm>>) target(%arg9 : memref<8x1024xf32, #tpu.memory_space<vmem>>) offsets(%dma_start3A_628 : memref<8xi32, #tpu.memory_space<vmem>>) semaphore(%arg18 : memref<!tpu.dma_semaphore, #tpu.memory_space<semaphore_mem>>)
    %dma_wait3A_632 = arith.constant 0 : i32
    %dma_wait3A_633 = arith.constant 24 : i32
    %dma_wait3A_634 = tpu.memref_slice %arg6[%dma_wait3A_632, %dma_wait3A_633] : memref<4x64xi32, #tpu.memory_space<vmem>> -> memref<1x8xi32, #tpu.memory_space<vmem>>
    %dma_wait3A_635 = tpu.memref_squeeze %dma_wait3A_634 : memref<1x8xi32, #tpu.memory_space<vmem>> -> memref<8xi32, #tpu.memory_space<vmem>>
    %dma_wait3A_636 = arith.constant 0 : i32
    %dma_wait3A_637 = arith.constant 0 : i32
    %dma_wait3A_638 = tpu.memref_slice %arg3[%dma_wait3A_636, %dma_wait3A_637] : memref<100000x1024xf32, #tpu.memory_space<hbm>> -> memref<100000x1024xf32, #tpu.memory_space<hbm>>
    tpu.wait_indirect_dma semaphore(%arg21 : memref<!tpu.dma_semaphore, #tpu.memory_space<semaphore_mem>>) src(%dma_wait3A_638 : memref<100000x1024xf32, #tpu.memory_space<hbm>>) dst(%arg12 : memref<8x1024xf32, #tpu.memory_space<vmem>>)
    %dma_wait3A_639 = arith.constant 24 : i32
    %dma_wait3A_640 = arith.constant 0 : i32
    %dma_wait3A_641 = tpu.memref_slice %arg14[%dma_wait3A_639, %dma_wait3A_640] : memref<64x1024xf32, #tpu.memory_space<vmem>> -> memref<8x1024xf32, #tpu.memory_space<vmem>>
    %dma_wait3A_642 = arith.constant 0 : i32
    %dma_wait3A_643 = tpu.memref_slice %arg4[%add3A_87, %dma_wait3A_642] : memref<2048x1024xf32, #tpu.memory_space<hbm>> -> memref<8x1024xf32, #tpu.memory_space<hbm>>
    %dma_wait3A_644 = arith.constant 24 : i32
    %dma_wait3A_645 = arith.constant 0 : i32
    %dma_wait3A_646 = tpu.memref_slice %arg14[%dma_wait3A_644, %dma_wait3A_645] : memref<64x1024xf32, #tpu.memory_space<vmem>> -> memref<8x1024xf32, #tpu.memory_space<vmem>>
    %dma_wait3A_647 = arith.constant 0 : i32
    %dma_wait3A_648 = tpu.memref_slice %arg4[%add3A_87, %dma_wait3A_647] : memref<2048x1024xf32, #tpu.memory_space<hbm>> -> memref<8x1024xf32, #tpu.memory_space<hbm>>
    tpu.wait_dma2 semaphore(%arg30 : memref<!tpu.dma_semaphore, #tpu.memory_space<semaphore_mem>>) src(%dma_wait3A_648 : memref<8x1024xf32, #tpu.memory_space<hbm>>) dst(%dma_wait3A_646 : memref<8x1024xf32, #tpu.memory_space<vmem>>)
    %parallel_loop3A_649 = arith.constant 0 : i32
    %parallel_loop3A_650 = arith.constant 512 : i32
    %parallel_loop3A_651 = arith.constant 1 : i32
    scf.for %parallel_loop3A_1328 = %parallel_loop3A_649 to %parallel_loop3A_650 step %parallel_loop3A_651  : i32 {
      %parallel_loop3A_1329 = arith.constant 6 : i32
      %parallel_loop3A_1330 = arith.shrsi %parallel_loop3A_1328, %parallel_loop3A_1329 : i32
      %parallel_loop3A_1331 = arith.constant 63 : i32
      %parallel_loop3A_1332 = arith.andi %parallel_loop3A_1328, %parallel_loop3A_1331 : i32
      %parallel_loop3A_1333 = arith.constant 16 : i32
      %parallel_loop3A_1334 = arith.muli %parallel_loop3A_1332, %parallel_loop3A_1333 : i32
      %parallel_loop3A_1335 = arith.constant 24 : i32
      %parallel_loop3A_1336 = arith.addi %parallel_loop3A_1335, %parallel_loop3A_1330 : i32
      %parallel_loop3A_1337 = arith.index_cast %parallel_loop3A_1336 : i32 to index
      %parallel_loop3A_1338 = arith.index_cast %parallel_loop3A_1334 : i32 to index
      %parallel_loop3A_1339 = tpu.vector_load %arg14[%parallel_loop3A_1337, %parallel_loop3A_1338] {strides = array<i32>} : memref<64x1024xf32, #tpu.memory_space<vmem>>, vector<1x16xf32>,
      %parallel_loop3A_1340 = vector.shape_cast %parallel_loop3A_1339 : vector<1x16xf32> to vector<16xf32>
      %parallel_loop3A_1341 = arith.index_cast %parallel_loop3A_1330 : i32 to index
      %parallel_loop3A_1342 = arith.index_cast %parallel_loop3A_1334 : i32 to index
      %parallel_loop3A_1343 = tpu.vector_load %arg12[%parallel_loop3A_1341, %parallel_loop3A_1342] {strides = array<i32>} : memref<8x1024xf32, #tpu.memory_space<vmem>>, vector<1x16xf32>,
      %parallel_loop3A_1344 = vector.shape_cast %parallel_loop3A_1343 : vector<1x16xf32> to vector<16xf32>
      %parallel_loop3A_1345 = vector.shape_cast %parallel_loop3A_1340 : vector<16xf32> to vector<1x16xf32>
      tpu.vector_store %arg12[%parallel_loop3A_1341, %parallel_loop3A_1342], %parallel_loop3A_1345 {add = true, strides = array<i32>} : memref<8x1024xf32, #tpu.memory_space<vmem>>, vector<1x16xf32>,
    } {sc.loop_unroll_factor = 8 : i64, sc.parallel_access}
    %dma_start3A_652 = arith.constant 3 : i32
    %dma_start3A_653 = arith.constant 0 : i32
    %dma_start3A_654 = tpu.memref_slice %arg5[%dma_start3A_652, %add3A_617, %dma_start3A_653] : memref<4x2048x1024xf32, #tpu.memory_space<hbm>> -> memref<1x8x1024xf32, #tpu.memory_space<hbm>>
    %dma_start3A_655 = tpu.memref_squeeze %dma_start3A_654 : memref<1x8x1024xf32, #tpu.memory_space<hbm>> -> memref<8x1024xf32, #tpu.memory_space<hbm>>
    %dma_start3A_656 = arith.constant 0 : i32
    %dma_start3A_657 = tpu.memref_slice %arg5[%dma_start3A_652, %add3A_617, %dma_start3A_656] : memref<4x2048x1024xf32, #tpu.memory_space<hbm>> -> memref<1x8x1024xf32, #tpu.memory_space<hbm>>
    %dma_start3A_658 = tpu.memref_squeeze %dma_start3A_657 : memref<1x8x1024xf32, #tpu.memory_space<hbm>> -> memref<8x1024xf32, #tpu.memory_space<hbm>>
    tpu.enqueue_dma source(%arg11 : memref<8x1024xf32, #tpu.memory_space<vmem>>) target(%dma_start3A_658 : memref<8x1024xf32, #tpu.memory_space<hbm>>) target_semaphore(%arg27 : memref<!tpu.dma_semaphore, #tpu.memory_space<semaphore_mem>>)
    %add3A_659 = arith.constant 24 : i32
    %add3A_660 = arith.addi %mul3A_2, %add3A_659 : i32
    %dma_wait3A_661 = arith.constant 2 : i32
    %dma_wait3A_662 = arith.constant 0 : i32
    %dma_wait3A_663 = tpu.memref_slice %arg5[%dma_wait3A_661, %add3A_584, %dma_wait3A_662] : memref<4x2048x1024xf32, #tpu.memory_space<hbm>> -> memref<1x8x1024xf32, #tpu.memory_space<hbm>>
    %dma_wait3A_664 = tpu.memref_squeeze %dma_wait3A_663 : memref<1x8x1024xf32, #tpu.memory_space<hbm>> -> memref<8x1024xf32, #tpu.memory_space<hbm>>
    %dma_wait3A_665 = arith.constant 0 : i32
    %dma_wait3A_666 = tpu.memref_slice %arg5[%dma_wait3A_661, %add3A_584, %dma_wait3A_665] : memref<4x2048x1024xf32, #tpu.memory_space<hbm>> -> memref<1x8x1024xf32, #tpu.memory_space<hbm>>
    %dma_wait3A_667 = tpu.memref_squeeze %dma_wait3A_666 : memref<1x8x1024xf32, #tpu.memory_space<hbm>> -> memref<8x1024xf32, #tpu.memory_space<hbm>>
    tpu.wait_dma2 semaphore(%arg26 : memref<!tpu.dma_semaphore, #tpu.memory_space<semaphore_mem>>) src(%arg10 : memref<8x1024xf32, #tpu.memory_space<vmem>>) dst(%dma_wait3A_667 : memref<8x1024xf32, #tpu.memory_space<hbm>>)
    %dma_start3A_668 = arith.constant 1 : i32
    %dma_start3A_669 = arith.constant 32 : i32
    %dma_start3A_670 = tpu.memref_slice %arg6[%dma_start3A_668, %dma_start3A_669] : memref<4x64xi32, #tpu.memory_space<vmem>> -> memref<1x8xi32, #tpu.memory_space<vmem>>
    %dma_start3A_671 = tpu.memref_squeeze %dma_start3A_670 : memref<1x8xi32, #tpu.memory_space<vmem>> -> memref<8xi32, #tpu.memory_space<vmem>>
    %dma_start3A_672 = arith.constant 0 : i32
    %dma_start3A_673 = arith.constant 0 : i32
    %dma_start3A_674 = tpu.memref_slice %arg3[%dma_start3A_672, %dma_start3A_673] : memref<100000x1024xf32, #tpu.memory_space<hbm>> -> memref<100000x1024xf32, #tpu.memory_space<hbm>>
    tpu.enqueue_indirect_dma source(%dma_start3A_674 : memref<100000x1024xf32, #tpu.memory_space<hbm>>) target(%arg10 : memref<8x1024xf32, #tpu.memory_space<vmem>>) offsets(%dma_start3A_671 : memref<8xi32, #tpu.memory_space<vmem>>) semaphore(%arg19 : memref<!tpu.dma_semaphore, #tpu.memory_space<semaphore_mem>>)
    %dma_wait3A_675 = arith.constant 1 : i32
    %dma_wait3A_676 = arith.constant 24 : i32
    %dma_wait3A_677 = tpu.memref_slice %arg6[%dma_wait3A_675, %dma_wait3A_676] : memref<4x64xi32, #tpu.memory_space<vmem>> -> memref<1x8xi32, #tpu.memory_space<vmem>>
    %dma_wait3A_678 = tpu.memref_squeeze %dma_wait3A_677 : memref<1x8xi32, #tpu.memory_space<vmem>> -> memref<8xi32, #tpu.memory_space<vmem>>
    %dma_wait3A_679 = arith.constant 0 : i32
    %dma_wait3A_680 = arith.constant 0 : i32
    %dma_wait3A_681 = tpu.memref_slice %arg3[%dma_wait3A_679, %dma_wait3A_680] : memref<100000x1024xf32, #tpu.memory_space<hbm>> -> memref<100000x1024xf32, #tpu.memory_space<hbm>>
    tpu.wait_indirect_dma semaphore(%arg22 : memref<!tpu.dma_semaphore, #tpu.memory_space<semaphore_mem>>) src(%dma_wait3A_681 : memref<100000x1024xf32, #tpu.memory_space<hbm>>) dst(%arg13 : memref<8x1024xf32, #tpu.memory_space<vmem>>)
    %parallel_loop3A_682 = arith.constant 0 : i32
    %parallel_loop3A_683 = arith.constant 512 : i32
    %parallel_loop3A_684 = arith.constant 1 : i32
    scf.for %parallel_loop3A_1328 = %parallel_loop3A_682 to %parallel_loop3A_683 step %parallel_loop3A_684  : i32 {
      %parallel_loop3A_1329 = arith.constant 6 : i32
      %parallel_loop3A_1330 = arith.shrsi %parallel_loop3A_1328, %parallel_loop3A_1329 : i32
      %parallel_loop3A_1331 = arith.constant 63 : i32
      %parallel_loop3A_1332 = arith.andi %parallel_loop3A_1328, %parallel_loop3A_1331 : i32
      %parallel_loop3A_1333 = arith.constant 16 : i32
      %parallel_loop3A_1334 = arith.muli %parallel_loop3A_1332, %parallel_loop3A_1333 : i32
      %parallel_loop3A_1335 = arith.constant 24 : i32
      %parallel_loop3A_1336 = arith.addi %parallel_loop3A_1335, %parallel_loop3A_1330 : i32
      %parallel_loop3A_1337 = arith.index_cast %parallel_loop3A_1336 : i32 to index
      %parallel_loop3A_1338 = arith.index_cast %parallel_loop3A_1334 : i32 to index
      %parallel_loop3A_1339 = tpu.vector_load %arg14[%parallel_loop3A_1337, %parallel_loop3A_1338] {strides = array<i32>} : memref<64x1024xf32, #tpu.memory_space<vmem>>, vector<1x16xf32>,
      %parallel_loop3A_1340 = vector.shape_cast %parallel_loop3A_1339 : vector<1x16xf32> to vector<16xf32>
      %parallel_loop3A_1341 = arith.index_cast %parallel_loop3A_1330 : i32 to index
      %parallel_loop3A_1342 = arith.index_cast %parallel_loop3A_1334 : i32 to index
      %parallel_loop3A_1343 = tpu.vector_load %arg13[%parallel_loop3A_1341, %parallel_loop3A_1342] {strides = array<i32>} : memref<8x1024xf32, #tpu.memory_space<vmem>>, vector<1x16xf32>,
      %parallel_loop3A_1344 = vector.shape_cast %parallel_loop3A_1343 : vector<1x16xf32> to vector<16xf32>
      %parallel_loop3A_1345 = vector.shape_cast %parallel_loop3A_1340 : vector<16xf32> to vector<1x16xf32>
      tpu.vector_store %arg13[%parallel_loop3A_1341, %parallel_loop3A_1342], %parallel_loop3A_1345 {add = true, strides = array<i32>} : memref<8x1024xf32, #tpu.memory_space<vmem>>, vector<1x16xf32>,
    } {sc.loop_unroll_factor = 8 : i64, sc.parallel_access}
    %dma_start3A_685 = arith.constant 0 : i32
    %dma_start3A_686 = arith.constant 0 : i32
    %dma_start3A_687 = tpu.memref_slice %arg5[%dma_start3A_685, %add3A_660, %dma_start3A_686] : memref<4x2048x1024xf32, #tpu.memory_space<hbm>> -> memref<1x8x1024xf32, #tpu.memory_space<hbm>>
    %dma_start3A_688 = tpu.memref_squeeze %dma_start3A_687 : memref<1x8x1024xf32, #tpu.memory_space<hbm>> -> memref<8x1024xf32, #tpu.memory_space<hbm>>
    %dma_start3A_689 = arith.constant 0 : i32
    %dma_start3A_690 = tpu.memref_slice %arg5[%dma_start3A_685, %add3A_660, %dma_start3A_689] : memref<4x2048x1024xf32, #tpu.memory_space<hbm>> -> memref<1x8x1024xf32, #tpu.memory_space<hbm>>
    %dma_start3A_691 = tpu.memref_squeeze %dma_start3A_690 : memref<1x8x1024xf32, #tpu.memory_space<hbm>> -> memref<8x1024xf32, #tpu.memory_space<hbm>>
    tpu.enqueue_dma source(%arg12 : memref<8x1024xf32, #tpu.memory_space<vmem>>) target(%dma_start3A_691 : memref<8x1024xf32, #tpu.memory_space<hbm>>) target_semaphore(%arg28 : memref<!tpu.dma_semaphore, #tpu.memory_space<semaphore_mem>>)
    %add3A_692 = arith.constant 24 : i32
    %add3A_693 = arith.addi %mul3A_2, %add3A_692 : i32
    %dma_wait3A_694 = arith.constant 3 : i32
    %dma_wait3A_695 = arith.constant 0 : i32
    %dma_wait3A_696 = tpu.memref_slice %arg5[%dma_wait3A_694, %add3A_617, %dma_wait3A_695] : memref<4x2048x1024xf32, #tpu.memory_space<hbm>> -> memref<1x8x1024xf32, #tpu.memory_space<hbm>>
    %dma_wait3A_697 = tpu.memref_squeeze %dma_wait3A_696 : memref<1x8x1024xf32, #tpu.memory_space<hbm>> -> memref<8x1024xf32, #tpu.memory_space<hbm>>
    %dma_wait3A_698 = arith.constant 0 : i32
    %dma_wait3A_699 = tpu.memref_slice %arg5[%dma_wait3A_694, %add3A_617, %dma_wait3A_698] : memref<4x2048x1024xf32, #tpu.memory_space<hbm>> -> memref<1x8x1024xf32, #tpu.memory_space<hbm>>
    %dma_wait3A_700 = tpu.memref_squeeze %dma_wait3A_699 : memref<1x8x1024xf32, #tpu.memory_space<hbm>> -> memref<8x1024xf32, #tpu.memory_space<hbm>>
    tpu.wait_dma2 semaphore(%arg27 : memref<!tpu.dma_semaphore, #tpu.memory_space<semaphore_mem>>) src(%arg11 : memref<8x1024xf32, #tpu.memory_space<vmem>>) dst(%dma_wait3A_700 : memref<8x1024xf32, #tpu.memory_space<hbm>>)
    %dma_start3A_701 = arith.constant 2 : i32
    %dma_start3A_702 = arith.constant 32 : i32
    %dma_start3A_703 = tpu.memref_slice %arg6[%dma_start3A_701, %dma_start3A_702] : memref<4x64xi32, #tpu.memory_space<vmem>> -> memref<1x8xi32, #tpu.memory_space<vmem>>
    %dma_start3A_704 = tpu.memref_squeeze %dma_start3A_703 : memref<1x8xi32, #tpu.memory_space<vmem>> -> memref<8xi32, #tpu.memory_space<vmem>>
    %dma_start3A_705 = arith.constant 0 : i32
    %dma_start3A_706 = arith.constant 0 : i32
    %dma_start3A_707 = tpu.memref_slice %arg3[%dma_start3A_705, %dma_start3A_706] : memref<100000x1024xf32, #tpu.memory_space<hbm>> -> memref<100000x1024xf32, #tpu.memory_space<hbm>>
    tpu.enqueue_indirect_dma source(%dma_start3A_707 : memref<100000x1024xf32, #tpu.memory_space<hbm>>) target(%arg11 : memref<8x1024xf32, #tpu.memory_space<vmem>>) offsets(%dma_start3A_704 : memref<8xi32, #tpu.memory_space<vmem>>) semaphore(%arg20 : memref<!tpu.dma_semaphore, #tpu.memory_space<semaphore_mem>>)
    %dma_wait3A_708 = arith.constant 2 : i32
    %dma_wait3A_709 = arith.constant 24 : i32
    %dma_wait3A_710 = tpu.memref_slice %arg6[%dma_wait3A_708, %dma_wait3A_709] : memref<4x64xi32, #tpu.memory_space<vmem>> -> memref<1x8xi32, #tpu.memory_space<vmem>>
    %dma_wait3A_711 = tpu.memref_squeeze %dma_wait3A_710 : memref<1x8xi32, #tpu.memory_space<vmem>> -> memref<8xi32, #tpu.memory_space<vmem>>
    %dma_wait3A_712 = arith.constant 0 : i32
    %dma_wait3A_713 = arith.constant 0 : i32
    %dma_wait3A_714 = tpu.memref_slice %arg3[%dma_wait3A_712, %dma_wait3A_713] : memref<100000x1024xf32, #tpu.memory_space<hbm>> -> memref<100000x1024xf32, #tpu.memory_space<hbm>>
    tpu.wait_indirect_dma semaphore(%arg16 : memref<!tpu.dma_semaphore, #tpu.memory_space<semaphore_mem>>) src(%dma_wait3A_714 : memref<100000x1024xf32, #tpu.memory_space<hbm>>) dst(%arg7 : memref<8x1024xf32, #tpu.memory_space<vmem>>)
    %parallel_loop3A_715 = arith.constant 0 : i32
    %parallel_loop3A_716 = arith.constant 512 : i32
    %parallel_loop3A_717 = arith.constant 1 : i32
    scf.for %parallel_loop3A_1328 = %parallel_loop3A_715 to %parallel_loop3A_716 step %parallel_loop3A_717  : i32 {
      %parallel_loop3A_1329 = arith.constant 6 : i32
      %parallel_loop3A_1330 = arith.shrsi %parallel_loop3A_1328, %parallel_loop3A_1329 : i32
      %parallel_loop3A_1331 = arith.constant 63 : i32
      %parallel_loop3A_1332 = arith.andi %parallel_loop3A_1328, %parallel_loop3A_1331 : i32
      %parallel_loop3A_1333 = arith.constant 16 : i32
      %parallel_loop3A_1334 = arith.muli %parallel_loop3A_1332, %parallel_loop3A_1333 : i32
      %parallel_loop3A_1335 = arith.constant 24 : i32
      %parallel_loop3A_1336 = arith.addi %parallel_loop3A_1335, %parallel_loop3A_1330 : i32
      %parallel_loop3A_1337 = arith.index_cast %parallel_loop3A_1336 : i32 to index
      %parallel_loop3A_1338 = arith.index_cast %parallel_loop3A_1334 : i32 to index
      %parallel_loop3A_1339 = tpu.vector_load %arg14[%parallel_loop3A_1337, %parallel_loop3A_1338] {strides = array<i32>} : memref<64x1024xf32, #tpu.memory_space<vmem>>, vector<1x16xf32>,
      %parallel_loop3A_1340 = vector.shape_cast %parallel_loop3A_1339 : vector<1x16xf32> to vector<16xf32>
      %parallel_loop3A_1341 = arith.index_cast %parallel_loop3A_1330 : i32 to index
      %parallel_loop3A_1342 = arith.index_cast %parallel_loop3A_1334 : i32 to index
      %parallel_loop3A_1343 = tpu.vector_load %arg7[%parallel_loop3A_1341, %parallel_loop3A_1342] {strides = array<i32>} : memref<8x1024xf32, #tpu.memory_space<vmem>>, vector<1x16xf32>,
      %parallel_loop3A_1344 = vector.shape_cast %parallel_loop3A_1343 : vector<1x16xf32> to vector<16xf32>
      %parallel_loop3A_1345 = vector.shape_cast %parallel_loop3A_1340 : vector<16xf32> to vector<1x16xf32>
      tpu.vector_store %arg7[%parallel_loop3A_1341, %parallel_loop3A_1342], %parallel_loop3A_1345 {add = true, strides = array<i32>} : memref<8x1024xf32, #tpu.memory_space<vmem>>, vector<1x16xf32>,
    } {sc.loop_unroll_factor = 8 : i64, sc.parallel_access}
    %dma_start3A_718 = arith.constant 1 : i32
    %dma_start3A_719 = arith.constant 0 : i32
    %dma_start3A_720 = tpu.memref_slice %arg5[%dma_start3A_718, %add3A_693, %dma_start3A_719] : memref<4x2048x1024xf32, #tpu.memory_space<hbm>> -> memref<1x8x1024xf32, #tpu.memory_space<hbm>>
    %dma_start3A_721 = tpu.memref_squeeze %dma_start3A_720 : memref<1x8x1024xf32, #tpu.memory_space<hbm>> -> memref<8x1024xf32, #tpu.memory_space<hbm>>
    %dma_start3A_722 = arith.constant 0 : i32
    %dma_start3A_723 = tpu.memref_slice %arg5[%dma_start3A_718, %add3A_693, %dma_start3A_722] : memref<4x2048x1024xf32, #tpu.memory_space<hbm>> -> memref<1x8x1024xf32, #tpu.memory_space<hbm>>
    %dma_start3A_724 = tpu.memref_squeeze %dma_start3A_723 : memref<1x8x1024xf32, #tpu.memory_space<hbm>> -> memref<8x1024xf32, #tpu.memory_space<hbm>>
    tpu.enqueue_dma source(%arg13 : memref<8x1024xf32, #tpu.memory_space<vmem>>) target(%dma_start3A_724 : memref<8x1024xf32, #tpu.memory_space<hbm>>) target_semaphore(%arg29 : memref<!tpu.dma_semaphore, #tpu.memory_space<semaphore_mem>>)
    %add3A_725 = arith.constant 24 : i32
    %add3A_726 = arith.addi %mul3A_2, %add3A_725 : i32
    %dma_wait3A_727 = arith.constant 0 : i32
    %dma_wait3A_728 = arith.constant 0 : i32
    %dma_wait3A_729 = tpu.memref_slice %arg5[%dma_wait3A_727, %add3A_660, %dma_wait3A_728] : memref<4x2048x1024xf32, #tpu.memory_space<hbm>> -> memref<1x8x1024xf32, #tpu.memory_space<hbm>>
    %dma_wait3A_730 = tpu.memref_squeeze %dma_wait3A_729 : memref<1x8x1024xf32, #tpu.memory_space<hbm>> -> memref<8x1024xf32, #tpu.memory_space<hbm>>
    %dma_wait3A_731 = arith.constant 0 : i32
    %dma_wait3A_732 = tpu.memref_slice %arg5[%dma_wait3A_727, %add3A_660, %dma_wait3A_731] : memref<4x2048x1024xf32, #tpu.memory_space<hbm>> -> memref<1x8x1024xf32, #tpu.memory_space<hbm>>
    %dma_wait3A_733 = tpu.memref_squeeze %dma_wait3A_732 : memref<1x8x1024xf32, #tpu.memory_space<hbm>> -> memref<8x1024xf32, #tpu.memory_space<hbm>>
    tpu.wait_dma2 semaphore(%arg28 : memref<!tpu.dma_semaphore, #tpu.memory_space<semaphore_mem>>) src(%arg12 : memref<8x1024xf32, #tpu.memory_space<vmem>>) dst(%dma_wait3A_733 : memref<8x1024xf32, #tpu.memory_space<hbm>>)
    %dma_start3A_734 = arith.constant 3 : i32
    %dma_start3A_735 = arith.constant 32 : i32
    %dma_start3A_736 = tpu.memref_slice %arg6[%dma_start3A_734, %dma_start3A_735] : memref<4x64xi32, #tpu.memory_space<vmem>> -> memref<1x8xi32, #tpu.memory_space<vmem>>
    %dma_start3A_737 = tpu.memref_squeeze %dma_start3A_736 : memref<1x8xi32, #tpu.memory_space<vmem>> -> memref<8xi32, #tpu.memory_space<vmem>>
    %dma_start3A_738 = arith.constant 0 : i32
    %dma_start3A_739 = arith.constant 0 : i32
    %dma_start3A_740 = tpu.memref_slice %arg3[%dma_start3A_738, %dma_start3A_739] : memref<100000x1024xf32, #tpu.memory_space<hbm>> -> memref<100000x1024xf32, #tpu.memory_space<hbm>>
    tpu.enqueue_indirect_dma source(%dma_start3A_740 : memref<100000x1024xf32, #tpu.memory_space<hbm>>) target(%arg12 : memref<8x1024xf32, #tpu.memory_space<vmem>>) offsets(%dma_start3A_737 : memref<8xi32, #tpu.memory_space<vmem>>) semaphore(%arg21 : memref<!tpu.dma_semaphore, #tpu.memory_space<semaphore_mem>>)
    %dma_wait3A_741 = arith.constant 3 : i32
    %dma_wait3A_742 = arith.constant 24 : i32
    %dma_wait3A_743 = tpu.memref_slice %arg6[%dma_wait3A_741, %dma_wait3A_742] : memref<4x64xi32, #tpu.memory_space<vmem>> -> memref<1x8xi32, #tpu.memory_space<vmem>>
    %dma_wait3A_744 = tpu.memref_squeeze %dma_wait3A_743 : memref<1x8xi32, #tpu.memory_space<vmem>> -> memref<8xi32, #tpu.memory_space<vmem>>
    %dma_wait3A_745 = arith.constant 0 : i32
    %dma_wait3A_746 = arith.constant 0 : i32
    %dma_wait3A_747 = tpu.memref_slice %arg3[%dma_wait3A_745, %dma_wait3A_746] : memref<100000x1024xf32, #tpu.memory_space<hbm>> -> memref<100000x1024xf32, #tpu.memory_space<hbm>>
    tpu.wait_indirect_dma semaphore(%arg17 : memref<!tpu.dma_semaphore, #tpu.memory_space<semaphore_mem>>) src(%dma_wait3A_747 : memref<100000x1024xf32, #tpu.memory_space<hbm>>) dst(%arg8 : memref<8x1024xf32, #tpu.memory_space<vmem>>)
    %parallel_loop3A_748 = arith.constant 0 : i32
    %parallel_loop3A_749 = arith.constant 512 : i32
    %parallel_loop3A_750 = arith.constant 1 : i32
    scf.for %parallel_loop3A_1328 = %parallel_loop3A_748 to %parallel_loop3A_749 step %parallel_loop3A_750  : i32 {
      %parallel_loop3A_1329 = arith.constant 6 : i32
      %parallel_loop3A_1330 = arith.shrsi %parallel_loop3A_1328, %parallel_loop3A_1329 : i32
      %parallel_loop3A_1331 = arith.constant 63 : i32
      %parallel_loop3A_1332 = arith.andi %parallel_loop3A_1328, %parallel_loop3A_1331 : i32
      %parallel_loop3A_1333 = arith.constant 16 : i32
      %parallel_loop3A_1334 = arith.muli %parallel_loop3A_1332, %parallel_loop3A_1333 : i32
      %parallel_loop3A_1335 = arith.constant 24 : i32
      %parallel_loop3A_1336 = arith.addi %parallel_loop3A_1335, %parallel_loop3A_1330 : i32
      %parallel_loop3A_1337 = arith.index_cast %parallel_loop3A_1336 : i32 to index
      %parallel_loop3A_1338 = arith.index_cast %parallel_loop3A_1334 : i32 to index
      %parallel_loop3A_1339 = tpu.vector_load %arg14[%parallel_loop3A_1337, %parallel_loop3A_1338] {strides = array<i32>} : memref<64x1024xf32, #tpu.memory_space<vmem>>, vector<1x16xf32>,
      %parallel_loop3A_1340 = vector.shape_cast %parallel_loop3A_1339 : vector<1x16xf32> to vector<16xf32>
      %parallel_loop3A_1341 = arith.index_cast %parallel_loop3A_1330 : i32 to index
      %parallel_loop3A_1342 = arith.index_cast %parallel_loop3A_1334 : i32 to index
      %parallel_loop3A_1343 = tpu.vector_load %arg8[%parallel_loop3A_1341, %parallel_loop3A_1342] {strides = array<i32>} : memref<8x1024xf32, #tpu.memory_space<vmem>>, vector<1x16xf32>,
      %parallel_loop3A_1344 = vector.shape_cast %parallel_loop3A_1343 : vector<1x16xf32> to vector<16xf32>
      %parallel_loop3A_1345 = vector.shape_cast %parallel_loop3A_1340 : vector<16xf32> to vector<1x16xf32>
      tpu.vector_store %arg8[%parallel_loop3A_1341, %parallel_loop3A_1342], %parallel_loop3A_1345 {add = true, strides = array<i32>} : memref<8x1024xf32, #tpu.memory_space<vmem>>, vector<1x16xf32>,
    } {sc.loop_unroll_factor = 8 : i64, sc.parallel_access}
    %dma_start3A_751 = arith.constant 2 : i32
    %dma_start3A_752 = arith.constant 0 : i32
    %dma_start3A_753 = tpu.memref_slice %arg5[%dma_start3A_751, %add3A_726, %dma_start3A_752] : memref<4x2048x1024xf32, #tpu.memory_space<hbm>> -> memref<1x8x1024xf32, #tpu.memory_space<hbm>>
    %dma_start3A_754 = tpu.memref_squeeze %dma_start3A_753 : memref<1x8x1024xf32, #tpu.memory_space<hbm>> -> memref<8x1024xf32, #tpu.memory_space<hbm>>
    %dma_start3A_755 = arith.constant 0 : i32
    %dma_start3A_756 = tpu.memref_slice %arg5[%dma_start3A_751, %add3A_726, %dma_start3A_755] : memref<4x2048x1024xf32, #tpu.memory_space<hbm>> -> memref<1x8x1024xf32, #tpu.memory_space<hbm>>
    %dma_start3A_757 = tpu.memref_squeeze %dma_start3A_756 : memref<1x8x1024xf32, #tpu.memory_space<hbm>> -> memref<8x1024xf32, #tpu.memory_space<hbm>>
    tpu.enqueue_dma source(%arg7 : memref<8x1024xf32, #tpu.memory_space<vmem>>) target(%dma_start3A_757 : memref<8x1024xf32, #tpu.memory_space<hbm>>) target_semaphore(%arg23 : memref<!tpu.dma_semaphore, #tpu.memory_space<semaphore_mem>>)
    %add3A_758 = arith.constant 24 : i32
    %add3A_759 = arith.addi %mul3A_2, %add3A_758 : i32
    %dma_wait3A_760 = arith.constant 1 : i32
    %dma_wait3A_761 = arith.constant 0 : i32
    %dma_wait3A_762 = tpu.memref_slice %arg5[%dma_wait3A_760, %add3A_693, %dma_wait3A_761] : memref<4x2048x1024xf32, #tpu.memory_space<hbm>> -> memref<1x8x1024xf32, #tpu.memory_space<hbm>>
    %dma_wait3A_763 = tpu.memref_squeeze %dma_wait3A_762 : memref<1x8x1024xf32, #tpu.memory_space<hbm>> -> memref<8x1024xf32, #tpu.memory_space<hbm>>
    %dma_wait3A_764 = arith.constant 0 : i32
    %dma_wait3A_765 = tpu.memref_slice %arg5[%dma_wait3A_760, %add3A_693, %dma_wait3A_764] : memref<4x2048x1024xf32, #tpu.memory_space<hbm>> -> memref<1x8x1024xf32, #tpu.memory_space<hbm>>
    %dma_wait3A_766 = tpu.memref_squeeze %dma_wait3A_765 : memref<1x8x1024xf32, #tpu.memory_space<hbm>> -> memref<8x1024xf32, #tpu.memory_space<hbm>>
    tpu.wait_dma2 semaphore(%arg29 : memref<!tpu.dma_semaphore, #tpu.memory_space<semaphore_mem>>) src(%arg13 : memref<8x1024xf32, #tpu.memory_space<vmem>>) dst(%dma_wait3A_766 : memref<8x1024xf32, #tpu.memory_space<hbm>>)
    %dma_start3A_767 = arith.constant 0 : i32
    %dma_start3A_768 = arith.constant 40 : i32
    %dma_start3A_769 = tpu.memref_slice %arg6[%dma_start3A_767, %dma_start3A_768] : memref<4x64xi32, #tpu.memory_space<vmem>> -> memref<1x8xi32, #tpu.memory_space<vmem>>
    %dma_start3A_770 = tpu.memref_squeeze %dma_start3A_769 : memref<1x8xi32, #tpu.memory_space<vmem>> -> memref<8xi32, #tpu.memory_space<vmem>>
    %dma_start3A_771 = arith.constant 0 : i32
    %dma_start3A_772 = arith.constant 0 : i32
    %dma_start3A_773 = tpu.memref_slice %arg3[%dma_start3A_771, %dma_start3A_772] : memref<100000x1024xf32, #tpu.memory_space<hbm>> -> memref<100000x1024xf32, #tpu.memory_space<hbm>>
    tpu.enqueue_indirect_dma source(%dma_start3A_773 : memref<100000x1024xf32, #tpu.memory_space<hbm>>) target(%arg13 : memref<8x1024xf32, #tpu.memory_space<vmem>>) offsets(%dma_start3A_770 : memref<8xi32, #tpu.memory_space<vmem>>) semaphore(%arg22 : memref<!tpu.dma_semaphore, #tpu.memory_space<semaphore_mem>>)
    %dma_wait3A_774 = arith.constant 0 : i32
    %dma_wait3A_775 = arith.constant 32 : i32
    %dma_wait3A_776 = tpu.memref_slice %arg6[%dma_wait3A_774, %dma_wait3A_775] : memref<4x64xi32, #tpu.memory_space<vmem>> -> memref<1x8xi32, #tpu.memory_space<vmem>>
    %dma_wait3A_777 = tpu.memref_squeeze %dma_wait3A_776 : memref<1x8xi32, #tpu.memory_space<vmem>> -> memref<8xi32, #tpu.memory_space<vmem>>
    %dma_wait3A_778 = arith.constant 0 : i32
    %dma_wait3A_779 = arith.constant 0 : i32
    %dma_wait3A_780 = tpu.memref_slice %arg3[%dma_wait3A_778, %dma_wait3A_779] : memref<100000x1024xf32, #tpu.memory_space<hbm>> -> memref<100000x1024xf32, #tpu.memory_space<hbm>>
    tpu.wait_indirect_dma semaphore(%arg18 : memref<!tpu.dma_semaphore, #tpu.memory_space<semaphore_mem>>) src(%dma_wait3A_780 : memref<100000x1024xf32, #tpu.memory_space<hbm>>) dst(%arg9 : memref<8x1024xf32, #tpu.memory_space<vmem>>)
    %dma_wait3A_781 = arith.constant 32 : i32
    %dma_wait3A_782 = arith.constant 0 : i32
    %dma_wait3A_783 = tpu.memref_slice %arg14[%dma_wait3A_781, %dma_wait3A_782] : memref<64x1024xf32, #tpu.memory_space<vmem>> -> memref<8x1024xf32, #tpu.memory_space<vmem>>
    %dma_wait3A_784 = arith.constant 0 : i32
    %dma_wait3A_785 = tpu.memref_slice %arg4[%add3A_99, %dma_wait3A_784] : memref<2048x1024xf32, #tpu.memory_space<hbm>> -> memref<8x1024xf32, #tpu.memory_space<hbm>>
    %dma_wait3A_786 = arith.constant 32 : i32
    %dma_wait3A_787 = arith.constant 0 : i32
    %dma_wait3A_788 = tpu.memref_slice %arg14[%dma_wait3A_786, %dma_wait3A_787] : memref<64x1024xf32, #tpu.memory_space<vmem>> -> memref<8x1024xf32, #tpu.memory_space<vmem>>
    %dma_wait3A_789 = arith.constant 0 : i32
    %dma_wait3A_790 = tpu.memref_slice %arg4[%add3A_99, %dma_wait3A_789] : memref<2048x1024xf32, #tpu.memory_space<hbm>> -> memref<8x1024xf32, #tpu.memory_space<hbm>>
    tpu.wait_dma2 semaphore(%arg30 : memref<!tpu.dma_semaphore, #tpu.memory_space<semaphore_mem>>) src(%dma_wait3A_790 : memref<8x1024xf32, #tpu.memory_space<hbm>>) dst(%dma_wait3A_788 : memref<8x1024xf32, #tpu.memory_space<vmem>>)
    %parallel_loop3A_791 = arith.constant 0 : i32
    %parallel_loop3A_792 = arith.constant 512 : i32
    %parallel_loop3A_793 = arith.constant 1 : i32
    scf.for %parallel_loop3A_1328 = %parallel_loop3A_791 to %parallel_loop3A_792 step %parallel_loop3A_793  : i32 {
      %parallel_loop3A_1329 = arith.constant 6 : i32
      %parallel_loop3A_1330 = arith.shrsi %parallel_loop3A_1328, %parallel_loop3A_1329 : i32
      %parallel_loop3A_1331 = arith.constant 63 : i32
      %parallel_loop3A_1332 = arith.andi %parallel_loop3A_1328, %parallel_loop3A_1331 : i32
      %parallel_loop3A_1333 = arith.constant 16 : i32
      %parallel_loop3A_1334 = arith.muli %parallel_loop3A_1332, %parallel_loop3A_1333 : i32
      %parallel_loop3A_1335 = arith.constant 32 : i32
      %parallel_loop3A_1336 = arith.addi %parallel_loop3A_1335, %parallel_loop3A_1330 : i32
      %parallel_loop3A_1337 = arith.index_cast %parallel_loop3A_1336 : i32 to index
      %parallel_loop3A_1338 = arith.index_cast %parallel_loop3A_1334 : i32 to index
      %parallel_loop3A_1339 = tpu.vector_load %arg14[%parallel_loop3A_1337, %parallel_loop3A_1338] {strides = array<i32>} : memref<64x1024xf32, #tpu.memory_space<vmem>>, vector<1x16xf32>,
      %parallel_loop3A_1340 = vector.shape_cast %parallel_loop3A_1339 : vector<1x16xf32> to vector<16xf32>
      %parallel_loop3A_1341 = arith.index_cast %parallel_loop3A_1330 : i32 to index
      %parallel_loop3A_1342 = arith.index_cast %parallel_loop3A_1334 : i32 to index
      %parallel_loop3A_1343 = tpu.vector_load %arg9[%parallel_loop3A_1341, %parallel_loop3A_1342] {strides = array<i32>} : memref<8x1024xf32, #tpu.memory_space<vmem>>, vector<1x16xf32>,
      %parallel_loop3A_1344 = vector.shape_cast %parallel_loop3A_1343 : vector<1x16xf32> to vector<16xf32>
      %parallel_loop3A_1345 = vector.shape_cast %parallel_loop3A_1340 : vector<16xf32> to vector<1x16xf32>
      tpu.vector_store %arg9[%parallel_loop3A_1341, %parallel_loop3A_1342], %parallel_loop3A_1345 {add = true, strides = array<i32>} : memref<8x1024xf32, #tpu.memory_space<vmem>>, vector<1x16xf32>,
    } {sc.loop_unroll_factor = 8 : i64, sc.parallel_access}
    %dma_start3A_794 = arith.constant 3 : i32
    %dma_start3A_795 = arith.constant 0 : i32
    %dma_start3A_796 = tpu.memref_slice %arg5[%dma_start3A_794, %add3A_759, %dma_start3A_795] : memref<4x2048x1024xf32, #tpu.memory_space<hbm>> -> memref<1x8x1024xf32, #tpu.memory_space<hbm>>
    %dma_start3A_797 = tpu.memref_squeeze %dma_start3A_796 : memref<1x8x1024xf32, #tpu.memory_space<hbm>> -> memref<8x1024xf32, #tpu.memory_space<hbm>>
    %dma_start3A_798 = arith.constant 0 : i32
    %dma_start3A_799 = tpu.memref_slice %arg5[%dma_start3A_794, %add3A_759, %dma_start3A_798] : memref<4x2048x1024xf32, #tpu.memory_space<hbm>> -> memref<1x8x1024xf32, #tpu.memory_space<hbm>>
    %dma_start3A_800 = tpu.memref_squeeze %dma_start3A_799 : memref<1x8x1024xf32, #tpu.memory_space<hbm>> -> memref<8x1024xf32, #tpu.memory_space<hbm>>
    tpu.enqueue_dma source(%arg8 : memref<8x1024xf32, #tpu.memory_space<vmem>>) target(%dma_start3A_800 : memref<8x1024xf32, #tpu.memory_space<hbm>>) target_semaphore(%arg24 : memref<!tpu.dma_semaphore, #tpu.memory_space<semaphore_mem>>)
    %add3A_801 = arith.constant 32 : i32
    %add3A_802 = arith.addi %mul3A_2, %add3A_801 : i32
    %dma_wait3A_803 = arith.constant 2 : i32
    %dma_wait3A_804 = arith.constant 0 : i32
    %dma_wait3A_805 = tpu.memref_slice %arg5[%dma_wait3A_803, %add3A_726, %dma_wait3A_804] : memref<4x2048x1024xf32, #tpu.memory_space<hbm>> -> memref<1x8x1024xf32, #tpu.memory_space<hbm>>
    %dma_wait3A_806 = tpu.memref_squeeze %dma_wait3A_805 : memref<1x8x1024xf32, #tpu.memory_space<hbm>> -> memref<8x1024xf32, #tpu.memory_space<hbm>>
    %dma_wait3A_807 = arith.constant 0 : i32
    %dma_wait3A_808 = tpu.memref_slice %arg5[%dma_wait3A_803, %add3A_726, %dma_wait3A_807] : memref<4x2048x1024xf32, #tpu.memory_space<hbm>> -> memref<1x8x1024xf32, #tpu.memory_space<hbm>>
    %dma_wait3A_809 = tpu.memref_squeeze %dma_wait3A_808 : memref<1x8x1024xf32, #tpu.memory_space<hbm>> -> memref<8x1024xf32, #tpu.memory_space<hbm>>
    tpu.wait_dma2 semaphore(%arg23 : memref<!tpu.dma_semaphore, #tpu.memory_space<semaphore_mem>>) src(%arg7 : memref<8x1024xf32, #tpu.memory_space<vmem>>) dst(%dma_wait3A_809 : memref<8x1024xf32, #tpu.memory_space<hbm>>)
    %dma_start3A_810 = arith.constant 1 : i32
    %dma_start3A_811 = arith.constant 40 : i32
    %dma_start3A_812 = tpu.memref_slice %arg6[%dma_start3A_810, %dma_start3A_811] : memref<4x64xi32, #tpu.memory_space<vmem>> -> memref<1x8xi32, #tpu.memory_space<vmem>>
    %dma_start3A_813 = tpu.memref_squeeze %dma_start3A_812 : memref<1x8xi32, #tpu.memory_space<vmem>> -> memref<8xi32, #tpu.memory_space<vmem>>
    %dma_start3A_814 = arith.constant 0 : i32
    %dma_start3A_815 = arith.constant 0 : i32
    %dma_start3A_816 = tpu.memref_slice %arg3[%dma_start3A_814, %dma_start3A_815] : memref<100000x1024xf32, #tpu.memory_space<hbm>> -> memref<100000x1024xf32, #tpu.memory_space<hbm>>
    tpu.enqueue_indirect_dma source(%dma_start3A_816 : memref<100000x1024xf32, #tpu.memory_space<hbm>>) target(%arg7 : memref<8x1024xf32, #tpu.memory_space<vmem>>) offsets(%dma_start3A_813 : memref<8xi32, #tpu.memory_space<vmem>>) semaphore(%arg16 : memref<!tpu.dma_semaphore, #tpu.memory_space<semaphore_mem>>)
    %dma_wait3A_817 = arith.constant 1 : i32
    %dma_wait3A_818 = arith.constant 32 : i32
    %dma_wait3A_819 = tpu.memref_slice %arg6[%dma_wait3A_817, %dma_wait3A_818] : memref<4x64xi32, #tpu.memory_space<vmem>> -> memref<1x8xi32, #tpu.memory_space<vmem>>
    %dma_wait3A_820 = tpu.memref_squeeze %dma_wait3A_819 : memref<1x8xi32, #tpu.memory_space<vmem>> -> memref<8xi32, #tpu.memory_space<vmem>>
    %dma_wait3A_821 = arith.constant 0 : i32
    %dma_wait3A_822 = arith.constant 0 : i32
    %dma_wait3A_823 = tpu.memref_slice %arg3[%dma_wait3A_821, %dma_wait3A_822] : memref<100000x1024xf32, #tpu.memory_space<hbm>> -> memref<100000x1024xf32, #tpu.memory_space<hbm>>
    tpu.wait_indirect_dma semaphore(%arg19 : memref<!tpu.dma_semaphore, #tpu.memory_space<semaphore_mem>>) src(%dma_wait3A_823 : memref<100000x1024xf32, #tpu.memory_space<hbm>>) dst(%arg10 : memref<8x1024xf32, #tpu.memory_space<vmem>>)
    %parallel_loop3A_824 = arith.constant 0 : i32
    %parallel_loop3A_825 = arith.constant 512 : i32
    %parallel_loop3A_826 = arith.constant 1 : i32
    scf.for %parallel_loop3A_1328 = %parallel_loop3A_824 to %parallel_loop3A_825 step %parallel_loop3A_826  : i32 {
      %parallel_loop3A_1329 = arith.constant 6 : i32
      %parallel_loop3A_1330 = arith.shrsi %parallel_loop3A_1328, %parallel_loop3A_1329 : i32
      %parallel_loop3A_1331 = arith.constant 63 : i32
      %parallel_loop3A_1332 = arith.andi %parallel_loop3A_1328, %parallel_loop3A_1331 : i32
      %parallel_loop3A_1333 = arith.constant 16 : i32
      %parallel_loop3A_1334 = arith.muli %parallel_loop3A_1332, %parallel_loop3A_1333 : i32
      %parallel_loop3A_1335 = arith.constant 32 : i32
      %parallel_loop3A_1336 = arith.addi %parallel_loop3A_1335, %parallel_loop3A_1330 : i32
      %parallel_loop3A_1337 = arith.index_cast %parallel_loop3A_1336 : i32 to index
      %parallel_loop3A_1338 = arith.index_cast %parallel_loop3A_1334 : i32 to index
      %parallel_loop3A_1339 = tpu.vector_load %arg14[%parallel_loop3A_1337, %parallel_loop3A_1338] {strides = array<i32>} : memref<64x1024xf32, #tpu.memory_space<vmem>>, vector<1x16xf32>,
      %parallel_loop3A_1340 = vector.shape_cast %parallel_loop3A_1339 : vector<1x16xf32> to vector<16xf32>
      %parallel_loop3A_1341 = arith.index_cast %parallel_loop3A_1330 : i32 to index
      %parallel_loop3A_1342 = arith.index_cast %parallel_loop3A_1334 : i32 to index
      %parallel_loop3A_1343 = tpu.vector_load %arg10[%parallel_loop3A_1341, %parallel_loop3A_1342] {strides = array<i32>} : memref<8x1024xf32, #tpu.memory_space<vmem>>, vector<1x16xf32>,
      %parallel_loop3A_1344 = vector.shape_cast %parallel_loop3A_1343 : vector<1x16xf32> to vector<16xf32>
      %parallel_loop3A_1345 = vector.shape_cast %parallel_loop3A_1340 : vector<16xf32> to vector<1x16xf32>
      tpu.vector_store %arg10[%parallel_loop3A_1341, %parallel_loop3A_1342], %parallel_loop3A_1345 {add = true, strides = array<i32>} : memref<8x1024xf32, #tpu.memory_space<vmem>>, vector<1x16xf32>,
    } {sc.loop_unroll_factor = 8 : i64, sc.parallel_access}
    %dma_start3A_827 = arith.constant 0 : i32
    %dma_start3A_828 = arith.constant 0 : i32
    %dma_start3A_829 = tpu.memref_slice %arg5[%dma_start3A_827, %add3A_802, %dma_start3A_828] : memref<4x2048x1024xf32, #tpu.memory_space<hbm>> -> memref<1x8x1024xf32, #tpu.memory_space<hbm>>
    %dma_start3A_830 = tpu.memref_squeeze %dma_start3A_829 : memref<1x8x1024xf32, #tpu.memory_space<hbm>> -> memref<8x1024xf32, #tpu.memory_space<hbm>>
    %dma_start3A_831 = arith.constant 0 : i32
    %dma_start3A_832 = tpu.memref_slice %arg5[%dma_start3A_827, %add3A_802, %dma_start3A_831] : memref<4x2048x1024xf32, #tpu.memory_space<hbm>> -> memref<1x8x1024xf32, #tpu.memory_space<hbm>>
    %dma_start3A_833 = tpu.memref_squeeze %dma_start3A_832 : memref<1x8x1024xf32, #tpu.memory_space<hbm>> -> memref<8x1024xf32, #tpu.memory_space<hbm>>
    tpu.enqueue_dma source(%arg9 : memref<8x1024xf32, #tpu.memory_space<vmem>>) target(%dma_start3A_833 : memref<8x1024xf32, #tpu.memory_space<hbm>>) target_semaphore(%arg25 : memref<!tpu.dma_semaphore, #tpu.memory_space<semaphore_mem>>)
    %add3A_834 = arith.constant 32 : i32
    %add3A_835 = arith.addi %mul3A_2, %add3A_834 : i32
    %dma_wait3A_836 = arith.constant 3 : i32
    %dma_wait3A_837 = arith.constant 0 : i32
    %dma_wait3A_838 = tpu.memref_slice %arg5[%dma_wait3A_836, %add3A_759, %dma_wait3A_837] : memref<4x2048x1024xf32, #tpu.memory_space<hbm>> -> memref<1x8x1024xf32, #tpu.memory_space<hbm>>
    %dma_wait3A_839 = tpu.memref_squeeze %dma_wait3A_838 : memref<1x8x1024xf32, #tpu.memory_space<hbm>> -> memref<8x1024xf32, #tpu.memory_space<hbm>>
    %dma_wait3A_840 = arith.constant 0 : i32
    %dma_wait3A_841 = tpu.memref_slice %arg5[%dma_wait3A_836, %add3A_759, %dma_wait3A_840] : memref<4x2048x1024xf32, #tpu.memory_space<hbm>> -> memref<1x8x1024xf32, #tpu.memory_space<hbm>>
    %dma_wait3A_842 = tpu.memref_squeeze %dma_wait3A_841 : memref<1x8x1024xf32, #tpu.memory_space<hbm>> -> memref<8x1024xf32, #tpu.memory_space<hbm>>
    tpu.wait_dma2 semaphore(%arg24 : memref<!tpu.dma_semaphore, #tpu.memory_space<semaphore_mem>>) src(%arg8 : memref<8x1024xf32, #tpu.memory_space<vmem>>) dst(%dma_wait3A_842 : memref<8x1024xf32, #tpu.memory_space<hbm>>)
    %dma_start3A_843 = arith.constant 2 : i32
    %dma_start3A_844 = arith.constant 40 : i32
    %dma_start3A_845 = tpu.memref_slice %arg6[%dma_start3A_843, %dma_start3A_844] : memref<4x64xi32, #tpu.memory_space<vmem>> -> memref<1x8xi32, #tpu.memory_space<vmem>>
    %dma_start3A_846 = tpu.memref_squeeze %dma_start3A_845 : memref<1x8xi32, #tpu.memory_space<vmem>> -> memref<8xi32, #tpu.memory_space<vmem>>
    %dma_start3A_847 = arith.constant 0 : i32
    %dma_start3A_848 = arith.constant 0 : i32
    %dma_start3A_849 = tpu.memref_slice %arg3[%dma_start3A_847, %dma_start3A_848] : memref<100000x1024xf32, #tpu.memory_space<hbm>> -> memref<100000x1024xf32, #tpu.memory_space<hbm>>
    tpu.enqueue_indirect_dma source(%dma_start3A_849 : memref<100000x1024xf32, #tpu.memory_space<hbm>>) target(%arg8 : memref<8x1024xf32, #tpu.memory_space<vmem>>) offsets(%dma_start3A_846 : memref<8xi32, #tpu.memory_space<vmem>>) semaphore(%arg17 : memref<!tpu.dma_semaphore, #tpu.memory_space<semaphore_mem>>)
    %dma_wait3A_850 = arith.constant 2 : i32
    %dma_wait3A_851 = arith.constant 32 : i32
    %dma_wait3A_852 = tpu.memref_slice %arg6[%dma_wait3A_850, %dma_wait3A_851] : memref<4x64xi32, #tpu.memory_space<vmem>> -> memref<1x8xi32, #tpu.memory_space<vmem>>
    %dma_wait3A_853 = tpu.memref_squeeze %dma_wait3A_852 : memref<1x8xi32, #tpu.memory_space<vmem>> -> memref<8xi32, #tpu.memory_space<vmem>>
    %dma_wait3A_854 = arith.constant 0 : i32
    %dma_wait3A_855 = arith.constant 0 : i32
    %dma_wait3A_856 = tpu.memref_slice %arg3[%dma_wait3A_854, %dma_wait3A_855] : memref<100000x1024xf32, #tpu.memory_space<hbm>> -> memref<100000x1024xf32, #tpu.memory_space<hbm>>
    tpu.wait_indirect_dma semaphore(%arg20 : memref<!tpu.dma_semaphore, #tpu.memory_space<semaphore_mem>>) src(%dma_wait3A_856 : memref<100000x1024xf32, #tpu.memory_space<hbm>>) dst(%arg11 : memref<8x1024xf32, #tpu.memory_space<vmem>>)
    %parallel_loop3A_857 = arith.constant 0 : i32
    %parallel_loop3A_858 = arith.constant 512 : i32
    %parallel_loop3A_859 = arith.constant 1 : i32
    scf.for %parallel_loop3A_1328 = %parallel_loop3A_857 to %parallel_loop3A_858 step %parallel_loop3A_859  : i32 {
      %parallel_loop3A_1329 = arith.constant 6 : i32
      %parallel_loop3A_1330 = arith.shrsi %parallel_loop3A_1328, %parallel_loop3A_1329 : i32
      %parallel_loop3A_1331 = arith.constant 63 : i32
      %parallel_loop3A_1332 = arith.andi %parallel_loop3A_1328, %parallel_loop3A_1331 : i32
      %parallel_loop3A_1333 = arith.constant 16 : i32
      %parallel_loop3A_1334 = arith.muli %parallel_loop3A_1332, %parallel_loop3A_1333 : i32
      %parallel_loop3A_1335 = arith.constant 32 : i32
      %parallel_loop3A_1336 = arith.addi %parallel_loop3A_1335, %parallel_loop3A_1330 : i32
      %parallel_loop3A_1337 = arith.index_cast %parallel_loop3A_1336 : i32 to index
      %parallel_loop3A_1338 = arith.index_cast %parallel_loop3A_1334 : i32 to index
      %parallel_loop3A_1339 = tpu.vector_load %arg14[%parallel_loop3A_1337, %parallel_loop3A_1338] {strides = array<i32>} : memref<64x1024xf32, #tpu.memory_space<vmem>>, vector<1x16xf32>,
      %parallel_loop3A_1340 = vector.shape_cast %parallel_loop3A_1339 : vector<1x16xf32> to vector<16xf32>
      %parallel_loop3A_1341 = arith.index_cast %parallel_loop3A_1330 : i32 to index
      %parallel_loop3A_1342 = arith.index_cast %parallel_loop3A_1334 : i32 to index
      %parallel_loop3A_1343 = tpu.vector_load %arg11[%parallel_loop3A_1341, %parallel_loop3A_1342] {strides = array<i32>} : memref<8x1024xf32, #tpu.memory_space<vmem>>, vector<1x16xf32>,
      %parallel_loop3A_1344 = vector.shape_cast %parallel_loop3A_1343 : vector<1x16xf32> to vector<16xf32>
      %parallel_loop3A_1345 = vector.shape_cast %parallel_loop3A_1340 : vector<16xf32> to vector<1x16xf32>
      tpu.vector_store %arg11[%parallel_loop3A_1341, %parallel_loop3A_1342], %parallel_loop3A_1345 {add = true, strides = array<i32>} : memref<8x1024xf32, #tpu.memory_space<vmem>>, vector<1x16xf32>,
    } {sc.loop_unroll_factor = 8 : i64, sc.parallel_access}
    %dma_start3A_860 = arith.constant 1 : i32
    %dma_start3A_861 = arith.constant 0 : i32
    %dma_start3A_862 = tpu.memref_slice %arg5[%dma_start3A_860, %add3A_835, %dma_start3A_861] : memref<4x2048x1024xf32, #tpu.memory_space<hbm>> -> memref<1x8x1024xf32, #tpu.memory_space<hbm>>
    %dma_start3A_863 = tpu.memref_squeeze %dma_start3A_862 : memref<1x8x1024xf32, #tpu.memory_space<hbm>> -> memref<8x1024xf32, #tpu.memory_space<hbm>>
    %dma_start3A_864 = arith.constant 0 : i32
    %dma_start3A_865 = tpu.memref_slice %arg5[%dma_start3A_860, %add3A_835, %dma_start3A_864] : memref<4x2048x1024xf32, #tpu.memory_space<hbm>> -> memref<1x8x1024xf32, #tpu.memory_space<hbm>>
    %dma_start3A_866 = tpu.memref_squeeze %dma_start3A_865 : memref<1x8x1024xf32, #tpu.memory_space<hbm>> -> memref<8x1024xf32, #tpu.memory_space<hbm>>
    tpu.enqueue_dma source(%arg10 : memref<8x1024xf32, #tpu.memory_space<vmem>>) target(%dma_start3A_866 : memref<8x1024xf32, #tpu.memory_space<hbm>>) target_semaphore(%arg26 : memref<!tpu.dma_semaphore, #tpu.memory_space<semaphore_mem>>)
    %add3A_867 = arith.constant 32 : i32
    %add3A_868 = arith.addi %mul3A_2, %add3A_867 : i32
    %dma_wait3A_869 = arith.constant 0 : i32
    %dma_wait3A_870 = arith.constant 0 : i32
    %dma_wait3A_871 = tpu.memref_slice %arg5[%dma_wait3A_869, %add3A_802, %dma_wait3A_870] : memref<4x2048x1024xf32, #tpu.memory_space<hbm>> -> memref<1x8x1024xf32, #tpu.memory_space<hbm>>
    %dma_wait3A_872 = tpu.memref_squeeze %dma_wait3A_871 : memref<1x8x1024xf32, #tpu.memory_space<hbm>> -> memref<8x1024xf32, #tpu.memory_space<hbm>>
    %dma_wait3A_873 = arith.constant 0 : i32
    %dma_wait3A_874 = tpu.memref_slice %arg5[%dma_wait3A_869, %add3A_802, %dma_wait3A_873] : memref<4x2048x1024xf32, #tpu.memory_space<hbm>> -> memref<1x8x1024xf32, #tpu.memory_space<hbm>>
    %dma_wait3A_875 = tpu.memref_squeeze %dma_wait3A_874 : memref<1x8x1024xf32, #tpu.memory_space<hbm>> -> memref<8x1024xf32, #tpu.memory_space<hbm>>
    tpu.wait_dma2 semaphore(%arg25 : memref<!tpu.dma_semaphore, #tpu.memory_space<semaphore_mem>>) src(%arg9 : memref<8x1024xf32, #tpu.memory_space<vmem>>) dst(%dma_wait3A_875 : memref<8x1024xf32, #tpu.memory_space<hbm>>)
    %dma_start3A_876 = arith.constant 3 : i32
    %dma_start3A_877 = arith.constant 40 : i32
    %dma_start3A_878 = tpu.memref_slice %arg6[%dma_start3A_876, %dma_start3A_877] : memref<4x64xi32, #tpu.memory_space<vmem>> -> memref<1x8xi32, #tpu.memory_space<vmem>>
    %dma_start3A_879 = tpu.memref_squeeze %dma_start3A_878 : memref<1x8xi32, #tpu.memory_space<vmem>> -> memref<8xi32, #tpu.memory_space<vmem>>
    %dma_start3A_880 = arith.constant 0 : i32
    %dma_start3A_881 = arith.constant 0 : i32
    %dma_start3A_882 = tpu.memref_slice %arg3[%dma_start3A_880, %dma_start3A_881] : memref<100000x1024xf32, #tpu.memory_space<hbm>> -> memref<100000x1024xf32, #tpu.memory_space<hbm>>
    tpu.enqueue_indirect_dma source(%dma_start3A_882 : memref<100000x1024xf32, #tpu.memory_space<hbm>>) target(%arg9 : memref<8x1024xf32, #tpu.memory_space<vmem>>) offsets(%dma_start3A_879 : memref<8xi32, #tpu.memory_space<vmem>>) semaphore(%arg18 : memref<!tpu.dma_semaphore, #tpu.memory_space<semaphore_mem>>)
    %dma_wait3A_883 = arith.constant 3 : i32
    %dma_wait3A_884 = arith.constant 32 : i32
    %dma_wait3A_885 = tpu.memref_slice %arg6[%dma_wait3A_883, %dma_wait3A_884] : memref<4x64xi32, #tpu.memory_space<vmem>> -> memref<1x8xi32, #tpu.memory_space<vmem>>
    %dma_wait3A_886 = tpu.memref_squeeze %dma_wait3A_885 : memref<1x8xi32, #tpu.memory_space<vmem>> -> memref<8xi32, #tpu.memory_space<vmem>>
    %dma_wait3A_887 = arith.constant 0 : i32
    %dma_wait3A_888 = arith.constant 0 : i32
    %dma_wait3A_889 = tpu.memref_slice %arg3[%dma_wait3A_887, %dma_wait3A_888] : memref<100000x1024xf32, #tpu.memory_space<hbm>> -> memref<100000x1024xf32, #tpu.memory_space<hbm>>
    tpu.wait_indirect_dma semaphore(%arg21 : memref<!tpu.dma_semaphore, #tpu.memory_space<semaphore_mem>>) src(%dma_wait3A_889 : memref<100000x1024xf32, #tpu.memory_space<hbm>>) dst(%arg12 : memref<8x1024xf32, #tpu.memory_space<vmem>>)
    %parallel_loop3A_890 = arith.constant 0 : i32
    %parallel_loop3A_891 = arith.constant 512 : i32
    %parallel_loop3A_892 = arith.constant 1 : i32
    scf.for %parallel_loop3A_1328 = %parallel_loop3A_890 to %parallel_loop3A_891 step %parallel_loop3A_892  : i32 {
      %parallel_loop3A_1329 = arith.constant 6 : i32
      %parallel_loop3A_1330 = arith.shrsi %parallel_loop3A_1328, %parallel_loop3A_1329 : i32
      %parallel_loop3A_1331 = arith.constant 63 : i32
      %parallel_loop3A_1332 = arith.andi %parallel_loop3A_1328, %parallel_loop3A_1331 : i32
      %parallel_loop3A_1333 = arith.constant 16 : i32
      %parallel_loop3A_1334 = arith.muli %parallel_loop3A_1332, %parallel_loop3A_1333 : i32
      %parallel_loop3A_1335 = arith.constant 32 : i32
      %parallel_loop3A_1336 = arith.addi %parallel_loop3A_1335, %parallel_loop3A_1330 : i32
      %parallel_loop3A_1337 = arith.index_cast %parallel_loop3A_1336 : i32 to index
      %parallel_loop3A_1338 = arith.index_cast %parallel_loop3A_1334 : i32 to index
      %parallel_loop3A_1339 = tpu.vector_load %arg14[%parallel_loop3A_1337, %parallel_loop3A_1338] {strides = array<i32>} : memref<64x1024xf32, #tpu.memory_space<vmem>>, vector<1x16xf32>,
      %parallel_loop3A_1340 = vector.shape_cast %parallel_loop3A_1339 : vector<1x16xf32> to vector<16xf32>
      %parallel_loop3A_1341 = arith.index_cast %parallel_loop3A_1330 : i32 to index
      %parallel_loop3A_1342 = arith.index_cast %parallel_loop3A_1334 : i32 to index
      %parallel_loop3A_1343 = tpu.vector_load %arg12[%parallel_loop3A_1341, %parallel_loop3A_1342] {strides = array<i32>} : memref<8x1024xf32, #tpu.memory_space<vmem>>, vector<1x16xf32>,
      %parallel_loop3A_1344 = vector.shape_cast %parallel_loop3A_1343 : vector<1x16xf32> to vector<16xf32>
      %parallel_loop3A_1345 = vector.shape_cast %parallel_loop3A_1340 : vector<16xf32> to vector<1x16xf32>
      tpu.vector_store %arg12[%parallel_loop3A_1341, %parallel_loop3A_1342], %parallel_loop3A_1345 {add = true, strides = array<i32>} : memref<8x1024xf32, #tpu.memory_space<vmem>>, vector<1x16xf32>,
    } {sc.loop_unroll_factor = 8 : i64, sc.parallel_access}
    %dma_start3A_893 = arith.constant 2 : i32
    %dma_start3A_894 = arith.constant 0 : i32
    %dma_start3A_895 = tpu.memref_slice %arg5[%dma_start3A_893, %add3A_868, %dma_start3A_894] : memref<4x2048x1024xf32, #tpu.memory_space<hbm>> -> memref<1x8x1024xf32, #tpu.memory_space<hbm>>
    %dma_start3A_896 = tpu.memref_squeeze %dma_start3A_895 : memref<1x8x1024xf32, #tpu.memory_space<hbm>> -> memref<8x1024xf32, #tpu.memory_space<hbm>>
    %dma_start3A_897 = arith.constant 0 : i32
    %dma_start3A_898 = tpu.memref_slice %arg5[%dma_start3A_893, %add3A_868, %dma_start3A_897] : memref<4x2048x1024xf32, #tpu.memory_space<hbm>> -> memref<1x8x1024xf32, #tpu.memory_space<hbm>>
    %dma_start3A_899 = tpu.memref_squeeze %dma_start3A_898 : memref<1x8x1024xf32, #tpu.memory_space<hbm>> -> memref<8x1024xf32, #tpu.memory_space<hbm>>
    tpu.enqueue_dma source(%arg11 : memref<8x1024xf32, #tpu.memory_space<vmem>>) target(%dma_start3A_899 : memref<8x1024xf32, #tpu.memory_space<hbm>>) target_semaphore(%arg27 : memref<!tpu.dma_semaphore, #tpu.memory_space<semaphore_mem>>)
    %add3A_900 = arith.constant 32 : i32
    %add3A_901 = arith.addi %mul3A_2, %add3A_900 : i32
    %dma_wait3A_902 = arith.constant 1 : i32
    %dma_wait3A_903 = arith.constant 0 : i32
    %dma_wait3A_904 = tpu.memref_slice %arg5[%dma_wait3A_902, %add3A_835, %dma_wait3A_903] : memref<4x2048x1024xf32, #tpu.memory_space<hbm>> -> memref<1x8x1024xf32, #tpu.memory_space<hbm>>
    %dma_wait3A_905 = tpu.memref_squeeze %dma_wait3A_904 : memref<1x8x1024xf32, #tpu.memory_space<hbm>> -> memref<8x1024xf32, #tpu.memory_space<hbm>>
    %dma_wait3A_906 = arith.constant 0 : i32
    %dma_wait3A_907 = tpu.memref_slice %arg5[%dma_wait3A_902, %add3A_835, %dma_wait3A_906] : memref<4x2048x1024xf32, #tpu.memory_space<hbm>> -> memref<1x8x1024xf32, #tpu.memory_space<hbm>>
    %dma_wait3A_908 = tpu.memref_squeeze %dma_wait3A_907 : memref<1x8x1024xf32, #tpu.memory_space<hbm>> -> memref<8x1024xf32, #tpu.memory_space<hbm>>
    tpu.wait_dma2 semaphore(%arg26 : memref<!tpu.dma_semaphore, #tpu.memory_space<semaphore_mem>>) src(%arg10 : memref<8x1024xf32, #tpu.memory_space<vmem>>) dst(%dma_wait3A_908 : memref<8x1024xf32, #tpu.memory_space<hbm>>)
    %dma_start3A_909 = arith.constant 0 : i32
    %dma_start3A_910 = arith.constant 48 : i32
    %dma_start3A_911 = tpu.memref_slice %arg6[%dma_start3A_909, %dma_start3A_910] : memref<4x64xi32, #tpu.memory_space<vmem>> -> memref<1x8xi32, #tpu.memory_space<vmem>>
    %dma_start3A_912 = tpu.memref_squeeze %dma_start3A_911 : memref<1x8xi32, #tpu.memory_space<vmem>> -> memref<8xi32, #tpu.memory_space<vmem>>
    %dma_start3A_913 = arith.constant 0 : i32
    %dma_start3A_914 = arith.constant 0 : i32
    %dma_start3A_915 = tpu.memref_slice %arg3[%dma_start3A_913, %dma_start3A_914] : memref<100000x1024xf32, #tpu.memory_space<hbm>> -> memref<100000x1024xf32, #tpu.memory_space<hbm>>
    tpu.enqueue_indirect_dma source(%dma_start3A_915 : memref<100000x1024xf32, #tpu.memory_space<hbm>>) target(%arg10 : memref<8x1024xf32, #tpu.memory_space<vmem>>) offsets(%dma_start3A_912 : memref<8xi32, #tpu.memory_space<vmem>>) semaphore(%arg19 : memref<!tpu.dma_semaphore, #tpu.memory_space<semaphore_mem>>)
    %dma_wait3A_916 = arith.constant 0 : i32
    %dma_wait3A_917 = arith.constant 40 : i32
    %dma_wait3A_918 = tpu.memref_slice %arg6[%dma_wait3A_916, %dma_wait3A_917] : memref<4x64xi32, #tpu.memory_space<vmem>> -> memref<1x8xi32, #tpu.memory_space<vmem>>
    %dma_wait3A_919 = tpu.memref_squeeze %dma_wait3A_918 : memref<1x8xi32, #tpu.memory_space<vmem>> -> memref<8xi32, #tpu.memory_space<vmem>>
    %dma_wait3A_920 = arith.constant 0 : i32
    %dma_wait3A_921 = arith.constant 0 : i32
    %dma_wait3A_922 = tpu.memref_slice %arg3[%dma_wait3A_920, %dma_wait3A_921] : memref<100000x1024xf32, #tpu.memory_space<hbm>> -> memref<100000x1024xf32, #tpu.memory_space<hbm>>
    tpu.wait_indirect_dma semaphore(%arg22 : memref<!tpu.dma_semaphore, #tpu.memory_space<semaphore_mem>>) src(%dma_wait3A_922 : memref<100000x1024xf32, #tpu.memory_space<hbm>>) dst(%arg13 : memref<8x1024xf32, #tpu.memory_space<vmem>>)
    %dma_wait3A_923 = arith.constant 40 : i32
    %dma_wait3A_924 = arith.constant 0 : i32
    %dma_wait3A_925 = tpu.memref_slice %arg14[%dma_wait3A_923, %dma_wait3A_924] : memref<64x1024xf32, #tpu.memory_space<vmem>> -> memref<8x1024xf32, #tpu.memory_space<vmem>>
    %dma_wait3A_926 = arith.constant 0 : i32
    %dma_wait3A_927 = tpu.memref_slice %arg4[%add3A_111, %dma_wait3A_926] : memref<2048x1024xf32, #tpu.memory_space<hbm>> -> memref<8x1024xf32, #tpu.memory_space<hbm>>
    %dma_wait3A_928 = arith.constant 40 : i32
    %dma_wait3A_929 = arith.constant 0 : i32
    %dma_wait3A_930 = tpu.memref_slice %arg14[%dma_wait3A_928, %dma_wait3A_929] : memref<64x1024xf32, #tpu.memory_space<vmem>> -> memref<8x1024xf32, #tpu.memory_space<vmem>>
    %dma_wait3A_931 = arith.constant 0 : i32
    %dma_wait3A_932 = tpu.memref_slice %arg4[%add3A_111, %dma_wait3A_931] : memref<2048x1024xf32, #tpu.memory_space<hbm>> -> memref<8x1024xf32, #tpu.memory_space<hbm>>
    tpu.wait_dma2 semaphore(%arg30 : memref<!tpu.dma_semaphore, #tpu.memory_space<semaphore_mem>>) src(%dma_wait3A_932 : memref<8x1024xf32, #tpu.memory_space<hbm>>) dst(%dma_wait3A_930 : memref<8x1024xf32, #tpu.memory_space<vmem>>)
    %parallel_loop3A_933 = arith.constant 0 : i32
    %parallel_loop3A_934 = arith.constant 512 : i32
    %parallel_loop3A_935 = arith.constant 1 : i32
    scf.for %parallel_loop3A_1328 = %parallel_loop3A_933 to %parallel_loop3A_934 step %parallel_loop3A_935  : i32 {
      %parallel_loop3A_1329 = arith.constant 6 : i32
      %parallel_loop3A_1330 = arith.shrsi %parallel_loop3A_1328, %parallel_loop3A_1329 : i32
      %parallel_loop3A_1331 = arith.constant 63 : i32
      %parallel_loop3A_1332 = arith.andi %parallel_loop3A_1328, %parallel_loop3A_1331 : i32
      %parallel_loop3A_1333 = arith.constant 16 : i32
      %parallel_loop3A_1334 = arith.muli %parallel_loop3A_1332, %parallel_loop3A_1333 : i32
      %parallel_loop3A_1335 = arith.constant 40 : i32
      %parallel_loop3A_1336 = arith.addi %parallel_loop3A_1335, %parallel_loop3A_1330 : i32
      %parallel_loop3A_1337 = arith.index_cast %parallel_loop3A_1336 : i32 to index
      %parallel_loop3A_1338 = arith.index_cast %parallel_loop3A_1334 : i32 to index
      %parallel_loop3A_1339 = tpu.vector_load %arg14[%parallel_loop3A_1337, %parallel_loop3A_1338] {strides = array<i32>} : memref<64x1024xf32, #tpu.memory_space<vmem>>, vector<1x16xf32>,
      %parallel_loop3A_1340 = vector.shape_cast %parallel_loop3A_1339 : vector<1x16xf32> to vector<16xf32>
      %parallel_loop3A_1341 = arith.index_cast %parallel_loop3A_1330 : i32 to index
      %parallel_loop3A_1342 = arith.index_cast %parallel_loop3A_1334 : i32 to index
      %parallel_loop3A_1343 = tpu.vector_load %arg13[%parallel_loop3A_1341, %parallel_loop3A_1342] {strides = array<i32>} : memref<8x1024xf32, #tpu.memory_space<vmem>>, vector<1x16xf32>,
      %parallel_loop3A_1344 = vector.shape_cast %parallel_loop3A_1343 : vector<1x16xf32> to vector<16xf32>
      %parallel_loop3A_1345 = vector.shape_cast %parallel_loop3A_1340 : vector<16xf32> to vector<1x16xf32>
      tpu.vector_store %arg13[%parallel_loop3A_1341, %parallel_loop3A_1342], %parallel_loop3A_1345 {add = true, strides = array<i32>} : memref<8x1024xf32, #tpu.memory_space<vmem>>, vector<1x16xf32>,
    } {sc.loop_unroll_factor = 8 : i64, sc.parallel_access}
    %dma_start3A_936 = arith.constant 3 : i32
    %dma_start3A_937 = arith.constant 0 : i32
    %dma_start3A_938 = tpu.memref_slice %arg5[%dma_start3A_936, %add3A_901, %dma_start3A_937] : memref<4x2048x1024xf32, #tpu.memory_space<hbm>> -> memref<1x8x1024xf32, #tpu.memory_space<hbm>>
    %dma_start3A_939 = tpu.memref_squeeze %dma_start3A_938 : memref<1x8x1024xf32, #tpu.memory_space<hbm>> -> memref<8x1024xf32, #tpu.memory_space<hbm>>
    %dma_start3A_940 = arith.constant 0 : i32
    %dma_start3A_941 = tpu.memref_slice %arg5[%dma_start3A_936, %add3A_901, %dma_start3A_940] : memref<4x2048x1024xf32, #tpu.memory_space<hbm>> -> memref<1x8x1024xf32, #tpu.memory_space<hbm>>
    %dma_start3A_942 = tpu.memref_squeeze %dma_start3A_941 : memref<1x8x1024xf32, #tpu.memory_space<hbm>> -> memref<8x1024xf32, #tpu.memory_space<hbm>>
    tpu.enqueue_dma source(%arg12 : memref<8x1024xf32, #tpu.memory_space<vmem>>) target(%dma_start3A_942 : memref<8x1024xf32, #tpu.memory_space<hbm>>) target_semaphore(%arg28 : memref<!tpu.dma_semaphore, #tpu.memory_space<semaphore_mem>>)
    %add3A_943 = arith.constant 40 : i32
    %add3A_944 = arith.addi %mul3A_2, %add3A_943 : i32
    %dma_wait3A_945 = arith.constant 2 : i32
    %dma_wait3A_946 = arith.constant 0 : i32
    %dma_wait3A_947 = tpu.memref_slice %arg5[%dma_wait3A_945, %add3A_868, %dma_wait3A_946] : memref<4x2048x1024xf32, #tpu.memory_space<hbm>> -> memref<1x8x1024xf32, #tpu.memory_space<hbm>>
    %dma_wait3A_948 = tpu.memref_squeeze %dma_wait3A_947 : memref<1x8x1024xf32, #tpu.memory_space<hbm>> -> memref<8x1024xf32, #tpu.memory_space<hbm>>
    %dma_wait3A_949 = arith.constant 0 : i32
    %dma_wait3A_950 = tpu.memref_slice %arg5[%dma_wait3A_945, %add3A_868, %dma_wait3A_949] : memref<4x2048x1024xf32, #tpu.memory_space<hbm>> -> memref<1x8x1024xf32, #tpu.memory_space<hbm>>
    %dma_wait3A_951 = tpu.memref_squeeze %dma_wait3A_950 : memref<1x8x1024xf32, #tpu.memory_space<hbm>> -> memref<8x1024xf32, #tpu.memory_space<hbm>>
    tpu.wait_dma2 semaphore(%arg27 : memref<!tpu.dma_semaphore, #tpu.memory_space<semaphore_mem>>) src(%arg11 : memref<8x1024xf32, #tpu.memory_space<vmem>>) dst(%dma_wait3A_951 : memref<8x1024xf32, #tpu.memory_space<hbm>>)
    %dma_start3A_952 = arith.constant 1 : i32
    %dma_start3A_953 = arith.constant 48 : i32
    %dma_start3A_954 = tpu.memref_slice %arg6[%dma_start3A_952, %dma_start3A_953] : memref<4x64xi32, #tpu.memory_space<vmem>> -> memref<1x8xi32, #tpu.memory_space<vmem>>
    %dma_start3A_955 = tpu.memref_squeeze %dma_start3A_954 : memref<1x8xi32, #tpu.memory_space<vmem>> -> memref<8xi32, #tpu.memory_space<vmem>>
    %dma_start3A_956 = arith.constant 0 : i32
    %dma_start3A_957 = arith.constant 0 : i32
    %dma_start3A_958 = tpu.memref_slice %arg3[%dma_start3A_956, %dma_start3A_957] : memref<100000x1024xf32, #tpu.memory_space<hbm>> -> memref<100000x1024xf32, #tpu.memory_space<hbm>>
    tpu.enqueue_indirect_dma source(%dma_start3A_958 : memref<100000x1024xf32, #tpu.memory_space<hbm>>) target(%arg11 : memref<8x1024xf32, #tpu.memory_space<vmem>>) offsets(%dma_start3A_955 : memref<8xi32, #tpu.memory_space<vmem>>) semaphore(%arg20 : memref<!tpu.dma_semaphore, #tpu.memory_space<semaphore_mem>>)
    %dma_wait3A_959 = arith.constant 1 : i32
    %dma_wait3A_960 = arith.constant 40 : i32
    %dma_wait3A_961 = tpu.memref_slice %arg6[%dma_wait3A_959, %dma_wait3A_960] : memref<4x64xi32, #tpu.memory_space<vmem>> -> memref<1x8xi32, #tpu.memory_space<vmem>>
    %dma_wait3A_962 = tpu.memref_squeeze %dma_wait3A_961 : memref<1x8xi32, #tpu.memory_space<vmem>> -> memref<8xi32, #tpu.memory_space<vmem>>
    %dma_wait3A_963 = arith.constant 0 : i32
    %dma_wait3A_964 = arith.constant 0 : i32
    %dma_wait3A_965 = tpu.memref_slice %arg3[%dma_wait3A_963, %dma_wait3A_964] : memref<100000x1024xf32, #tpu.memory_space<hbm>> -> memref<100000x1024xf32, #tpu.memory_space<hbm>>
    tpu.wait_indirect_dma semaphore(%arg16 : memref<!tpu.dma_semaphore, #tpu.memory_space<semaphore_mem>>) src(%dma_wait3A_965 : memref<100000x1024xf32, #tpu.memory_space<hbm>>) dst(%arg7 : memref<8x1024xf32, #tpu.memory_space<vmem>>)
    %parallel_loop3A_966 = arith.constant 0 : i32
    %parallel_loop3A_967 = arith.constant 512 : i32
    %parallel_loop3A_968 = arith.constant 1 : i32
    scf.for %parallel_loop3A_1328 = %parallel_loop3A_966 to %parallel_loop3A_967 step %parallel_loop3A_968  : i32 {
      %parallel_loop3A_1329 = arith.constant 6 : i32
      %parallel_loop3A_1330 = arith.shrsi %parallel_loop3A_1328, %parallel_loop3A_1329 : i32
      %parallel_loop3A_1331 = arith.constant 63 : i32
      %parallel_loop3A_1332 = arith.andi %parallel_loop3A_1328, %parallel_loop3A_1331 : i32
      %parallel_loop3A_1333 = arith.constant 16 : i32
      %parallel_loop3A_1334 = arith.muli %parallel_loop3A_1332, %parallel_loop3A_1333 : i32
      %parallel_loop3A_1335 = arith.constant 40 : i32
      %parallel_loop3A_1336 = arith.addi %parallel_loop3A_1335, %parallel_loop3A_1330 : i32
      %parallel_loop3A_1337 = arith.index_cast %parallel_loop3A_1336 : i32 to index
      %parallel_loop3A_1338 = arith.index_cast %parallel_loop3A_1334 : i32 to index
      %parallel_loop3A_1339 = tpu.vector_load %arg14[%parallel_loop3A_1337, %parallel_loop3A_1338] {strides = array<i32>} : memref<64x1024xf32, #tpu.memory_space<vmem>>, vector<1x16xf32>,
      %parallel_loop3A_1340 = vector.shape_cast %parallel_loop3A_1339 : vector<1x16xf32> to vector<16xf32>
      %parallel_loop3A_1341 = arith.index_cast %parallel_loop3A_1330 : i32 to index
      %parallel_loop3A_1342 = arith.index_cast %parallel_loop3A_1334 : i32 to index
      %parallel_loop3A_1343 = tpu.vector_load %arg7[%parallel_loop3A_1341, %parallel_loop3A_1342] {strides = array<i32>} : memref<8x1024xf32, #tpu.memory_space<vmem>>, vector<1x16xf32>,
      %parallel_loop3A_1344 = vector.shape_cast %parallel_loop3A_1343 : vector<1x16xf32> to vector<16xf32>
      %parallel_loop3A_1345 = vector.shape_cast %parallel_loop3A_1340 : vector<16xf32> to vector<1x16xf32>
      tpu.vector_store %arg7[%parallel_loop3A_1341, %parallel_loop3A_1342], %parallel_loop3A_1345 {add = true, strides = array<i32>} : memref<8x1024xf32, #tpu.memory_space<vmem>>, vector<1x16xf32>,
    } {sc.loop_unroll_factor = 8 : i64, sc.parallel_access}
    %dma_start3A_969 = arith.constant 0 : i32
    %dma_start3A_970 = arith.constant 0 : i32
    %dma_start3A_971 = tpu.memref_slice %arg5[%dma_start3A_969, %add3A_944, %dma_start3A_970] : memref<4x2048x1024xf32, #tpu.memory_space<hbm>> -> memref<1x8x1024xf32, #tpu.memory_space<hbm>>
    %dma_start3A_972 = tpu.memref_squeeze %dma_start3A_971 : memref<1x8x1024xf32, #tpu.memory_space<hbm>> -> memref<8x1024xf32, #tpu.memory_space<hbm>>
    %dma_start3A_973 = arith.constant 0 : i32
    %dma_start3A_974 = tpu.memref_slice %arg5[%dma_start3A_969, %add3A_944, %dma_start3A_973] : memref<4x2048x1024xf32, #tpu.memory_space<hbm>> -> memref<1x8x1024xf32, #tpu.memory_space<hbm>>
    %dma_start3A_975 = tpu.memref_squeeze %dma_start3A_974 : memref<1x8x1024xf32, #tpu.memory_space<hbm>> -> memref<8x1024xf32, #tpu.memory_space<hbm>>
    tpu.enqueue_dma source(%arg13 : memref<8x1024xf32, #tpu.memory_space<vmem>>) target(%dma_start3A_975 : memref<8x1024xf32, #tpu.memory_space<hbm>>) target_semaphore(%arg29 : memref<!tpu.dma_semaphore, #tpu.memory_space<semaphore_mem>>)
    %add3A_976 = arith.constant 40 : i32
    %add3A_977 = arith.addi %mul3A_2, %add3A_976 : i32
    %dma_wait3A_978 = arith.constant 3 : i32
    %dma_wait3A_979 = arith.constant 0 : i32
    %dma_wait3A_980 = tpu.memref_slice %arg5[%dma_wait3A_978, %add3A_901, %dma_wait3A_979] : memref<4x2048x1024xf32, #tpu.memory_space<hbm>> -> memref<1x8x1024xf32, #tpu.memory_space<hbm>>
    %dma_wait3A_981 = tpu.memref_squeeze %dma_wait3A_980 : memref<1x8x1024xf32, #tpu.memory_space<hbm>> -> memref<8x1024xf32, #tpu.memory_space<hbm>>
    %dma_wait3A_982 = arith.constant 0 : i32
    %dma_wait3A_983 = tpu.memref_slice %arg5[%dma_wait3A_978, %add3A_901, %dma_wait3A_982] : memref<4x2048x1024xf32, #tpu.memory_space<hbm>> -> memref<1x8x1024xf32, #tpu.memory_space<hbm>>
    %dma_wait3A_984 = tpu.memref_squeeze %dma_wait3A_983 : memref<1x8x1024xf32, #tpu.memory_space<hbm>> -> memref<8x1024xf32, #tpu.memory_space<hbm>>
    tpu.wait_dma2 semaphore(%arg28 : memref<!tpu.dma_semaphore, #tpu.memory_space<semaphore_mem>>) src(%arg12 : memref<8x1024xf32, #tpu.memory_space<vmem>>) dst(%dma_wait3A_984 : memref<8x1024xf32, #tpu.memory_space<hbm>>)
    %dma_start3A_985 = arith.constant 2 : i32
    %dma_start3A_986 = arith.constant 48 : i32
    %dma_start3A_987 = tpu.memref_slice %arg6[%dma_start3A_985, %dma_start3A_986] : memref<4x64xi32, #tpu.memory_space<vmem>> -> memref<1x8xi32, #tpu.memory_space<vmem>>
    %dma_start3A_988 = tpu.memref_squeeze %dma_start3A_987 : memref<1x8xi32, #tpu.memory_space<vmem>> -> memref<8xi32, #tpu.memory_space<vmem>>
    %dma_start3A_989 = arith.constant 0 : i32
    %dma_start3A_990 = arith.constant 0 : i32
    %dma_start3A_991 = tpu.memref_slice %arg3[%dma_start3A_989, %dma_start3A_990] : memref<100000x1024xf32, #tpu.memory_space<hbm>> -> memref<100000x1024xf32, #tpu.memory_space<hbm>>
    tpu.enqueue_indirect_dma source(%dma_start3A_991 : memref<100000x1024xf32, #tpu.memory_space<hbm>>) target(%arg12 : memref<8x1024xf32, #tpu.memory_space<vmem>>) offsets(%dma_start3A_988 : memref<8xi32, #tpu.memory_space<vmem>>) semaphore(%arg21 : memref<!tpu.dma_semaphore, #tpu.memory_space<semaphore_mem>>)
    %dma_wait3A_992 = arith.constant 2 : i32
    %dma_wait3A_993 = arith.constant 40 : i32
    %dma_wait3A_994 = tpu.memref_slice %arg6[%dma_wait3A_992, %dma_wait3A_993] : memref<4x64xi32, #tpu.memory_space<vmem>> -> memref<1x8xi32, #tpu.memory_space<vmem>>
    %dma_wait3A_995 = tpu.memref_squeeze %dma_wait3A_994 : memref<1x8xi32, #tpu.memory_space<vmem>> -> memref<8xi32, #tpu.memory_space<vmem>>
    %dma_wait3A_996 = arith.constant 0 : i32
    %dma_wait3A_997 = arith.constant 0 : i32
    %dma_wait3A_998 = tpu.memref_slice %arg3[%dma_wait3A_996, %dma_wait3A_997] : memref<100000x1024xf32, #tpu.memory_space<hbm>> -> memref<100000x1024xf32, #tpu.memory_space<hbm>>
    tpu.wait_indirect_dma semaphore(%arg17 : memref<!tpu.dma_semaphore, #tpu.memory_space<semaphore_mem>>) src(%dma_wait3A_998 : memref<100000x1024xf32, #tpu.memory_space<hbm>>) dst(%arg8 : memref<8x1024xf32, #tpu.memory_space<vmem>>)
    %parallel_loop3A_999 = arith.constant 0 : i32
    %parallel_loop3A_1000 = arith.constant 512 : i32
    %parallel_loop3A_1001 = arith.constant 1 : i32
    scf.for %parallel_loop3A_1328 = %parallel_loop3A_999 to %parallel_loop3A_1000 step %parallel_loop3A_1001  : i32 {
      %parallel_loop3A_1329 = arith.constant 6 : i32
      %parallel_loop3A_1330 = arith.shrsi %parallel_loop3A_1328, %parallel_loop3A_1329 : i32
      %parallel_loop3A_1331 = arith.constant 63 : i32
      %parallel_loop3A_1332 = arith.andi %parallel_loop3A_1328, %parallel_loop3A_1331 : i32
      %parallel_loop3A_1333 = arith.constant 16 : i32
      %parallel_loop3A_1334 = arith.muli %parallel_loop3A_1332, %parallel_loop3A_1333 : i32
      %parallel_loop3A_1335 = arith.constant 40 : i32
      %parallel_loop3A_1336 = arith.addi %parallel_loop3A_1335, %parallel_loop3A_1330 : i32
      %parallel_loop3A_1337 = arith.index_cast %parallel_loop3A_1336 : i32 to index
      %parallel_loop3A_1338 = arith.index_cast %parallel_loop3A_1334 : i32 to index
      %parallel_loop3A_1339 = tpu.vector_load %arg14[%parallel_loop3A_1337, %parallel_loop3A_1338] {strides = array<i32>} : memref<64x1024xf32, #tpu.memory_space<vmem>>, vector<1x16xf32>,
      %parallel_loop3A_1340 = vector.shape_cast %parallel_loop3A_1339 : vector<1x16xf32> to vector<16xf32>
      %parallel_loop3A_1341 = arith.index_cast %parallel_loop3A_1330 : i32 to index
      %parallel_loop3A_1342 = arith.index_cast %parallel_loop3A_1334 : i32 to index
      %parallel_loop3A_1343 = tpu.vector_load %arg8[%parallel_loop3A_1341, %parallel_loop3A_1342] {strides = array<i32>} : memref<8x1024xf32, #tpu.memory_space<vmem>>, vector<1x16xf32>,
      %parallel_loop3A_1344 = vector.shape_cast %parallel_loop3A_1343 : vector<1x16xf32> to vector<16xf32>
      %parallel_loop3A_1345 = vector.shape_cast %parallel_loop3A_1340 : vector<16xf32> to vector<1x16xf32>
      tpu.vector_store %arg8[%parallel_loop3A_1341, %parallel_loop3A_1342], %parallel_loop3A_1345 {add = true, strides = array<i32>} : memref<8x1024xf32, #tpu.memory_space<vmem>>, vector<1x16xf32>,
    } {sc.loop_unroll_factor = 8 : i64, sc.parallel_access}
    %dma_start3A_1002 = arith.constant 1 : i32
    %dma_start3A_1003 = arith.constant 0 : i32
    %dma_start3A_1004 = tpu.memref_slice %arg5[%dma_start3A_1002, %add3A_977, %dma_start3A_1003] : memref<4x2048x1024xf32, #tpu.memory_space<hbm>> -> memref<1x8x1024xf32, #tpu.memory_space<hbm>>
    %dma_start3A_1005 = tpu.memref_squeeze %dma_start3A_1004 : memref<1x8x1024xf32, #tpu.memory_space<hbm>> -> memref<8x1024xf32, #tpu.memory_space<hbm>>
    %dma_start3A_1006 = arith.constant 0 : i32
    %dma_start3A_1007 = tpu.memref_slice %arg5[%dma_start3A_1002, %add3A_977, %dma_start3A_1006] : memref<4x2048x1024xf32, #tpu.memory_space<hbm>> -> memref<1x8x1024xf32, #tpu.memory_space<hbm>>
    %dma_start3A_1008 = tpu.memref_squeeze %dma_start3A_1007 : memref<1x8x1024xf32, #tpu.memory_space<hbm>> -> memref<8x1024xf32, #tpu.memory_space<hbm>>
    tpu.enqueue_dma source(%arg7 : memref<8x1024xf32, #tpu.memory_space<vmem>>) target(%dma_start3A_1008 : memref<8x1024xf32, #tpu.memory_space<hbm>>) target_semaphore(%arg23 : memref<!tpu.dma_semaphore, #tpu.memory_space<semaphore_mem>>)
    %add3A_1009 = arith.constant 40 : i32
    %add3A_1010 = arith.addi %mul3A_2, %add3A_1009 : i32
    %dma_wait3A_1011 = arith.constant 0 : i32
    %dma_wait3A_1012 = arith.constant 0 : i32
    %dma_wait3A_1013 = tpu.memref_slice %arg5[%dma_wait3A_1011, %add3A_944, %dma_wait3A_1012] : memref<4x2048x1024xf32, #tpu.memory_space<hbm>> -> memref<1x8x1024xf32, #tpu.memory_space<hbm>>
    %dma_wait3A_1014 = tpu.memref_squeeze %dma_wait3A_1013 : memref<1x8x1024xf32, #tpu.memory_space<hbm>> -> memref<8x1024xf32, #tpu.memory_space<hbm>>
    %dma_wait3A_1015 = arith.constant 0 : i32
    %dma_wait3A_1016 = tpu.memref_slice %arg5[%dma_wait3A_1011, %add3A_944, %dma_wait3A_1015] : memref<4x2048x1024xf32, #tpu.memory_space<hbm>> -> memref<1x8x1024xf32, #tpu.memory_space<hbm>>
    %dma_wait3A_1017 = tpu.memref_squeeze %dma_wait3A_1016 : memref<1x8x1024xf32, #tpu.memory_space<hbm>> -> memref<8x1024xf32, #tpu.memory_space<hbm>>
    tpu.wait_dma2 semaphore(%arg29 : memref<!tpu.dma_semaphore, #tpu.memory_space<semaphore_mem>>) src(%arg13 : memref<8x1024xf32, #tpu.memory_space<vmem>>) dst(%dma_wait3A_1017 : memref<8x1024xf32, #tpu.memory_space<hbm>>)
    %dma_start3A_1018 = arith.constant 3 : i32
    %dma_start3A_1019 = arith.constant 48 : i32
    %dma_start3A_1020 = tpu.memref_slice %arg6[%dma_start3A_1018, %dma_start3A_1019] : memref<4x64xi32, #tpu.memory_space<vmem>> -> memref<1x8xi32, #tpu.memory_space<vmem>>
    %dma_start3A_1021 = tpu.memref_squeeze %dma_start3A_1020 : memref<1x8xi32, #tpu.memory_space<vmem>> -> memref<8xi32, #tpu.memory_space<vmem>>
    %dma_start3A_1022 = arith.constant 0 : i32
    %dma_start3A_1023 = arith.constant 0 : i32
    %dma_start3A_1024 = tpu.memref_slice %arg3[%dma_start3A_1022, %dma_start3A_1023] : memref<100000x1024xf32, #tpu.memory_space<hbm>> -> memref<100000x1024xf32, #tpu.memory_space<hbm>>
    tpu.enqueue_indirect_dma source(%dma_start3A_1024 : memref<100000x1024xf32, #tpu.memory_space<hbm>>) target(%arg13 : memref<8x1024xf32, #tpu.memory_space<vmem>>) offsets(%dma_start3A_1021 : memref<8xi32, #tpu.memory_space<vmem>>) semaphore(%arg22 : memref<!tpu.dma_semaphore, #tpu.memory_space<semaphore_mem>>)
    %dma_wait3A_1025 = arith.constant 3 : i32
    %dma_wait3A_1026 = arith.constant 40 : i32
    %dma_wait3A_1027 = tpu.memref_slice %arg6[%dma_wait3A_1025, %dma_wait3A_1026] : memref<4x64xi32, #tpu.memory_space<vmem>> -> memref<1x8xi32, #tpu.memory_space<vmem>>
    %dma_wait3A_1028 = tpu.memref_squeeze %dma_wait3A_1027 : memref<1x8xi32, #tpu.memory_space<vmem>> -> memref<8xi32, #tpu.memory_space<vmem>>
    %dma_wait3A_1029 = arith.constant 0 : i32
    %dma_wait3A_1030 = arith.constant 0 : i32
    %dma_wait3A_1031 = tpu.memref_slice %arg3[%dma_wait3A_1029, %dma_wait3A_1030] : memref<100000x1024xf32, #tpu.memory_space<hbm>> -> memref<100000x1024xf32, #tpu.memory_space<hbm>>
    tpu.wait_indirect_dma semaphore(%arg18 : memref<!tpu.dma_semaphore, #tpu.memory_space<semaphore_mem>>) src(%dma_wait3A_1031 : memref<100000x1024xf32, #tpu.memory_space<hbm>>) dst(%arg9 : memref<8x1024xf32, #tpu.memory_space<vmem>>)
    %parallel_loop3A_1032 = arith.constant 0 : i32
    %parallel_loop3A_1033 = arith.constant 512 : i32
    %parallel_loop3A_1034 = arith.constant 1 : i32
    scf.for %parallel_loop3A_1328 = %parallel_loop3A_1032 to %parallel_loop3A_1033 step %parallel_loop3A_1034  : i32 {
      %parallel_loop3A_1329 = arith.constant 6 : i32
      %parallel_loop3A_1330 = arith.shrsi %parallel_loop3A_1328, %parallel_loop3A_1329 : i32
      %parallel_loop3A_1331 = arith.constant 63 : i32
      %parallel_loop3A_1332 = arith.andi %parallel_loop3A_1328, %parallel_loop3A_1331 : i32
      %parallel_loop3A_1333 = arith.constant 16 : i32
      %parallel_loop3A_1334 = arith.muli %parallel_loop3A_1332, %parallel_loop3A_1333 : i32
      %parallel_loop3A_1335 = arith.constant 40 : i32
      %parallel_loop3A_1336 = arith.addi %parallel_loop3A_1335, %parallel_loop3A_1330 : i32
      %parallel_loop3A_1337 = arith.index_cast %parallel_loop3A_1336 : i32 to index
      %parallel_loop3A_1338 = arith.index_cast %parallel_loop3A_1334 : i32 to index
      %parallel_loop3A_1339 = tpu.vector_load %arg14[%parallel_loop3A_1337, %parallel_loop3A_1338] {strides = array<i32>} : memref<64x1024xf32, #tpu.memory_space<vmem>>, vector<1x16xf32>,
      %parallel_loop3A_1340 = vector.shape_cast %parallel_loop3A_1339 : vector<1x16xf32> to vector<16xf32>
      %parallel_loop3A_1341 = arith.index_cast %parallel_loop3A_1330 : i32 to index
      %parallel_loop3A_1342 = arith.index_cast %parallel_loop3A_1334 : i32 to index
      %parallel_loop3A_1343 = tpu.vector_load %arg9[%parallel_loop3A_1341, %parallel_loop3A_1342] {strides = array<i32>} : memref<8x1024xf32, #tpu.memory_space<vmem>>, vector<1x16xf32>,
      %parallel_loop3A_1344 = vector.shape_cast %parallel_loop3A_1343 : vector<1x16xf32> to vector<16xf32>
      %parallel_loop3A_1345 = vector.shape_cast %parallel_loop3A_1340 : vector<16xf32> to vector<1x16xf32>
      tpu.vector_store %arg9[%parallel_loop3A_1341, %parallel_loop3A_1342], %parallel_loop3A_1345 {add = true, strides = array<i32>} : memref<8x1024xf32, #tpu.memory_space<vmem>>, vector<1x16xf32>,
    } {sc.loop_unroll_factor = 8 : i64, sc.parallel_access}
    %dma_start3A_1035 = arith.constant 2 : i32
    %dma_start3A_1036 = arith.constant 0 : i32
    %dma_start3A_1037 = tpu.memref_slice %arg5[%dma_start3A_1035, %add3A_1010, %dma_start3A_1036] : memref<4x2048x1024xf32, #tpu.memory_space<hbm>> -> memref<1x8x1024xf32, #tpu.memory_space<hbm>>
    %dma_start3A_1038 = tpu.memref_squeeze %dma_start3A_1037 : memref<1x8x1024xf32, #tpu.memory_space<hbm>> -> memref<8x1024xf32, #tpu.memory_space<hbm>>
    %dma_start3A_1039 = arith.constant 0 : i32
    %dma_start3A_1040 = tpu.memref_slice %arg5[%dma_start3A_1035, %add3A_1010, %dma_start3A_1039] : memref<4x2048x1024xf32, #tpu.memory_space<hbm>> -> memref<1x8x1024xf32, #tpu.memory_space<hbm>>
    %dma_start3A_1041 = tpu.memref_squeeze %dma_start3A_1040 : memref<1x8x1024xf32, #tpu.memory_space<hbm>> -> memref<8x1024xf32, #tpu.memory_space<hbm>>
    tpu.enqueue_dma source(%arg8 : memref<8x1024xf32, #tpu.memory_space<vmem>>) target(%dma_start3A_1041 : memref<8x1024xf32, #tpu.memory_space<hbm>>) target_semaphore(%arg24 : memref<!tpu.dma_semaphore, #tpu.memory_space<semaphore_mem>>)
    %add3A_1042 = arith.constant 40 : i32
    %add3A_1043 = arith.addi %mul3A_2, %add3A_1042 : i32
    %dma_wait3A_1044 = arith.constant 1 : i32
    %dma_wait3A_1045 = arith.constant 0 : i32
    %dma_wait3A_1046 = tpu.memref_slice %arg5[%dma_wait3A_1044, %add3A_977, %dma_wait3A_1045] : memref<4x2048x1024xf32, #tpu.memory_space<hbm>> -> memref<1x8x1024xf32, #tpu.memory_space<hbm>>
    %dma_wait3A_1047 = tpu.memref_squeeze %dma_wait3A_1046 : memref<1x8x1024xf32, #tpu.memory_space<hbm>> -> memref<8x1024xf32, #tpu.memory_space<hbm>>
    %dma_wait3A_1048 = arith.constant 0 : i32
    %dma_wait3A_1049 = tpu.memref_slice %arg5[%dma_wait3A_1044, %add3A_977, %dma_wait3A_1048] : memref<4x2048x1024xf32, #tpu.memory_space<hbm>> -> memref<1x8x1024xf32, #tpu.memory_space<hbm>>
    %dma_wait3A_1050 = tpu.memref_squeeze %dma_wait3A_1049 : memref<1x8x1024xf32, #tpu.memory_space<hbm>> -> memref<8x1024xf32, #tpu.memory_space<hbm>>
    tpu.wait_dma2 semaphore(%arg23 : memref<!tpu.dma_semaphore, #tpu.memory_space<semaphore_mem>>) src(%arg7 : memref<8x1024xf32, #tpu.memory_space<vmem>>) dst(%dma_wait3A_1050 : memref<8x1024xf32, #tpu.memory_space<hbm>>)
    %dma_start3A_1051 = arith.constant 0 : i32
    %dma_start3A_1052 = arith.constant 56 : i32
    %dma_start3A_1053 = tpu.memref_slice %arg6[%dma_start3A_1051, %dma_start3A_1052] : memref<4x64xi32, #tpu.memory_space<vmem>> -> memref<1x8xi32, #tpu.memory_space<vmem>>
    %dma_start3A_1054 = tpu.memref_squeeze %dma_start3A_1053 : memref<1x8xi32, #tpu.memory_space<vmem>> -> memref<8xi32, #tpu.memory_space<vmem>>
    %dma_start3A_1055 = arith.constant 0 : i32
    %dma_start3A_1056 = arith.constant 0 : i32
    %dma_start3A_1057 = tpu.memref_slice %arg3[%dma_start3A_1055, %dma_start3A_1056] : memref<100000x1024xf32, #tpu.memory_space<hbm>> -> memref<100000x1024xf32, #tpu.memory_space<hbm>>
    tpu.enqueue_indirect_dma source(%dma_start3A_1057 : memref<100000x1024xf32, #tpu.memory_space<hbm>>) target(%arg7 : memref<8x1024xf32, #tpu.memory_space<vmem>>) offsets(%dma_start3A_1054 : memref<8xi32, #tpu.memory_space<vmem>>) semaphore(%arg16 : memref<!tpu.dma_semaphore, #tpu.memory_space<semaphore_mem>>)
    %dma_wait3A_1058 = arith.constant 0 : i32
    %dma_wait3A_1059 = arith.constant 48 : i32
    %dma_wait3A_1060 = tpu.memref_slice %arg6[%dma_wait3A_1058, %dma_wait3A_1059] : memref<4x64xi32, #tpu.memory_space<vmem>> -> memref<1x8xi32, #tpu.memory_space<vmem>>
    %dma_wait3A_1061 = tpu.memref_squeeze %dma_wait3A_1060 : memref<1x8xi32, #tpu.memory_space<vmem>> -> memref<8xi32, #tpu.memory_space<vmem>>
    %dma_wait3A_1062 = arith.constant 0 : i32
    %dma_wait3A_1063 = arith.constant 0 : i32
    %dma_wait3A_1064 = tpu.memref_slice %arg3[%dma_wait3A_1062, %dma_wait3A_1063] : memref<100000x1024xf32, #tpu.memory_space<hbm>> -> memref<100000x1024xf32, #tpu.memory_space<hbm>>
    tpu.wait_indirect_dma semaphore(%arg19 : memref<!tpu.dma_semaphore, #tpu.memory_space<semaphore_mem>>) src(%dma_wait3A_1064 : memref<100000x1024xf32, #tpu.memory_space<hbm>>) dst(%arg10 : memref<8x1024xf32, #tpu.memory_space<vmem>>)
    %dma_wait3A_1065 = arith.constant 48 : i32
    %dma_wait3A_1066 = arith.constant 0 : i32
    %dma_wait3A_1067 = tpu.memref_slice %arg14[%dma_wait3A_1065, %dma_wait3A_1066] : memref<64x1024xf32, #tpu.memory_space<vmem>> -> memref<8x1024xf32, #tpu.memory_space<vmem>>
    %dma_wait3A_1068 = arith.constant 0 : i32
    %dma_wait3A_1069 = tpu.memref_slice %arg4[%add3A_123, %dma_wait3A_1068] : memref<2048x1024xf32, #tpu.memory_space<hbm>> -> memref<8x1024xf32, #tpu.memory_space<hbm>>
    %dma_wait3A_1070 = arith.constant 48 : i32
    %dma_wait3A_1071 = arith.constant 0 : i32
    %dma_wait3A_1072 = tpu.memref_slice %arg14[%dma_wait3A_1070, %dma_wait3A_1071] : memref<64x1024xf32, #tpu.memory_space<vmem>> -> memref<8x1024xf32, #tpu.memory_space<vmem>>
    %dma_wait3A_1073 = arith.constant 0 : i32
    %dma_wait3A_1074 = tpu.memref_slice %arg4[%add3A_123, %dma_wait3A_1073] : memref<2048x1024xf32, #tpu.memory_space<hbm>> -> memref<8x1024xf32, #tpu.memory_space<hbm>>
    tpu.wait_dma2 semaphore(%arg30 : memref<!tpu.dma_semaphore, #tpu.memory_space<semaphore_mem>>) src(%dma_wait3A_1074 : memref<8x1024xf32, #tpu.memory_space<hbm>>) dst(%dma_wait3A_1072 : memref<8x1024xf32, #tpu.memory_space<vmem>>)
    %parallel_loop3A_1075 = arith.constant 0 : i32
    %parallel_loop3A_1076 = arith.constant 512 : i32
    %parallel_loop3A_1077 = arith.constant 1 : i32
    scf.for %parallel_loop3A_1328 = %parallel_loop3A_1075 to %parallel_loop3A_1076 step %parallel_loop3A_1077  : i32 {
      %parallel_loop3A_1329 = arith.constant 6 : i32
      %parallel_loop3A_1330 = arith.shrsi %parallel_loop3A_1328, %parallel_loop3A_1329 : i32
      %parallel_loop3A_1331 = arith.constant 63 : i32
      %parallel_loop3A_1332 = arith.andi %parallel_loop3A_1328, %parallel_loop3A_1331 : i32
      %parallel_loop3A_1333 = arith.constant 16 : i32
      %parallel_loop3A_1334 = arith.muli %parallel_loop3A_1332, %parallel_loop3A_1333 : i32
      %parallel_loop3A_1335 = arith.constant 48 : i32
      %parallel_loop3A_1336 = arith.addi %parallel_loop3A_1335, %parallel_loop3A_1330 : i32
      %parallel_loop3A_1337 = arith.index_cast %parallel_loop3A_1336 : i32 to index
      %parallel_loop3A_1338 = arith.index_cast %parallel_loop3A_1334 : i32 to index
      %parallel_loop3A_1339 = tpu.vector_load %arg14[%parallel_loop3A_1337, %parallel_loop3A_1338] {strides = array<i32>} : memref<64x1024xf32, #tpu.memory_space<vmem>>, vector<1x16xf32>,
      %parallel_loop3A_1340 = vector.shape_cast %parallel_loop3A_1339 : vector<1x16xf32> to vector<16xf32>
      %parallel_loop3A_1341 = arith.index_cast %parallel_loop3A_1330 : i32 to index
      %parallel_loop3A_1342 = arith.index_cast %parallel_loop3A_1334 : i32 to index
      %parallel_loop3A_1343 = tpu.vector_load %arg10[%parallel_loop3A_1341, %parallel_loop3A_1342] {strides = array<i32>} : memref<8x1024xf32, #tpu.memory_space<vmem>>, vector<1x16xf32>,
      %parallel_loop3A_1344 = vector.shape_cast %parallel_loop3A_1343 : vector<1x16xf32> to vector<16xf32>
      %parallel_loop3A_1345 = vector.shape_cast %parallel_loop3A_1340 : vector<16xf32> to vector<1x16xf32>
      tpu.vector_store %arg10[%parallel_loop3A_1341, %parallel_loop3A_1342], %parallel_loop3A_1345 {add = true, strides = array<i32>} : memref<8x1024xf32, #tpu.memory_space<vmem>>, vector<1x16xf32>,
    } {sc.loop_unroll_factor = 8 : i64, sc.parallel_access}
    %dma_start3A_1078 = arith.constant 3 : i32
    %dma_start3A_1079 = arith.constant 0 : i32
    %dma_start3A_1080 = tpu.memref_slice %arg5[%dma_start3A_1078, %add3A_1043, %dma_start3A_1079] : memref<4x2048x1024xf32, #tpu.memory_space<hbm>> -> memref<1x8x1024xf32, #tpu.memory_space<hbm>>
    %dma_start3A_1081 = tpu.memref_squeeze %dma_start3A_1080 : memref<1x8x1024xf32, #tpu.memory_space<hbm>> -> memref<8x1024xf32, #tpu.memory_space<hbm>>
    %dma_start3A_1082 = arith.constant 0 : i32
    %dma_start3A_1083 = tpu.memref_slice %arg5[%dma_start3A_1078, %add3A_1043, %dma_start3A_1082] : memref<4x2048x1024xf32, #tpu.memory_space<hbm>> -> memref<1x8x1024xf32, #tpu.memory_space<hbm>>
    %dma_start3A_1084 = tpu.memref_squeeze %dma_start3A_1083 : memref<1x8x1024xf32, #tpu.memory_space<hbm>> -> memref<8x1024xf32, #tpu.memory_space<hbm>>
    tpu.enqueue_dma source(%arg9 : memref<8x1024xf32, #tpu.memory_space<vmem>>) target(%dma_start3A_1084 : memref<8x1024xf32, #tpu.memory_space<hbm>>) target_semaphore(%arg25 : memref<!tpu.dma_semaphore, #tpu.memory_space<semaphore_mem>>)
    %add3A_1085 = arith.constant 48 : i32
    %add3A_1086 = arith.addi %mul3A_2, %add3A_1085 : i32
    %dma_wait3A_1087 = arith.constant 2 : i32
    %dma_wait3A_1088 = arith.constant 0 : i32
    %dma_wait3A_1089 = tpu.memref_slice %arg5[%dma_wait3A_1087, %add3A_1010, %dma_wait3A_1088] : memref<4x2048x1024xf32, #tpu.memory_space<hbm>> -> memref<1x8x1024xf32, #tpu.memory_space<hbm>>
    %dma_wait3A_1090 = tpu.memref_squeeze %dma_wait3A_1089 : memref<1x8x1024xf32, #tpu.memory_space<hbm>> -> memref<8x1024xf32, #tpu.memory_space<hbm>>
    %dma_wait3A_1091 = arith.constant 0 : i32
    %dma_wait3A_1092 = tpu.memref_slice %arg5[%dma_wait3A_1087, %add3A_1010, %dma_wait3A_1091] : memref<4x2048x1024xf32, #tpu.memory_space<hbm>> -> memref<1x8x1024xf32, #tpu.memory_space<hbm>>
    %dma_wait3A_1093 = tpu.memref_squeeze %dma_wait3A_1092 : memref<1x8x1024xf32, #tpu.memory_space<hbm>> -> memref<8x1024xf32, #tpu.memory_space<hbm>>
    tpu.wait_dma2 semaphore(%arg24 : memref<!tpu.dma_semaphore, #tpu.memory_space<semaphore_mem>>) src(%arg8 : memref<8x1024xf32, #tpu.memory_space<vmem>>) dst(%dma_wait3A_1093 : memref<8x1024xf32, #tpu.memory_space<hbm>>)
    %dma_start3A_1094 = arith.constant 1 : i32
    %dma_start3A_1095 = arith.constant 56 : i32
    %dma_start3A_1096 = tpu.memref_slice %arg6[%dma_start3A_1094, %dma_start3A_1095] : memref<4x64xi32, #tpu.memory_space<vmem>> -> memref<1x8xi32, #tpu.memory_space<vmem>>
    %dma_start3A_1097 = tpu.memref_squeeze %dma_start3A_1096 : memref<1x8xi32, #tpu.memory_space<vmem>> -> memref<8xi32, #tpu.memory_space<vmem>>
    %dma_start3A_1098 = arith.constant 0 : i32
    %dma_start3A_1099 = arith.constant 0 : i32
    %dma_start3A_1100 = tpu.memref_slice %arg3[%dma_start3A_1098, %dma_start3A_1099] : memref<100000x1024xf32, #tpu.memory_space<hbm>> -> memref<100000x1024xf32, #tpu.memory_space<hbm>>
    tpu.enqueue_indirect_dma source(%dma_start3A_1100 : memref<100000x1024xf32, #tpu.memory_space<hbm>>) target(%arg8 : memref<8x1024xf32, #tpu.memory_space<vmem>>) offsets(%dma_start3A_1097 : memref<8xi32, #tpu.memory_space<vmem>>) semaphore(%arg17 : memref<!tpu.dma_semaphore, #tpu.memory_space<semaphore_mem>>)
    %dma_wait3A_1101 = arith.constant 1 : i32
    %dma_wait3A_1102 = arith.constant 48 : i32
    %dma_wait3A_1103 = tpu.memref_slice %arg6[%dma_wait3A_1101, %dma_wait3A_1102] : memref<4x64xi32, #tpu.memory_space<vmem>> -> memref<1x8xi32, #tpu.memory_space<vmem>>
    %dma_wait3A_1104 = tpu.memref_squeeze %dma_wait3A_1103 : memref<1x8xi32, #tpu.memory_space<vmem>> -> memref<8xi32, #tpu.memory_space<vmem>>
    %dma_wait3A_1105 = arith.constant 0 : i32
    %dma_wait3A_1106 = arith.constant 0 : i32
    %dma_wait3A_1107 = tpu.memref_slice %arg3[%dma_wait3A_1105, %dma_wait3A_1106] : memref<100000x1024xf32, #tpu.memory_space<hbm>> -> memref<100000x1024xf32, #tpu.memory_space<hbm>>
    tpu.wait_indirect_dma semaphore(%arg20 : memref<!tpu.dma_semaphore, #tpu.memory_space<semaphore_mem>>) src(%dma_wait3A_1107 : memref<100000x1024xf32, #tpu.memory_space<hbm>>) dst(%arg11 : memref<8x1024xf32, #tpu.memory_space<vmem>>)
    %parallel_loop3A_1108 = arith.constant 0 : i32
    %parallel_loop3A_1109 = arith.constant 512 : i32
    %parallel_loop3A_1110 = arith.constant 1 : i32
    scf.for %parallel_loop3A_1328 = %parallel_loop3A_1108 to %parallel_loop3A_1109 step %parallel_loop3A_1110  : i32 {
      %parallel_loop3A_1329 = arith.constant 6 : i32
      %parallel_loop3A_1330 = arith.shrsi %parallel_loop3A_1328, %parallel_loop3A_1329 : i32
      %parallel_loop3A_1331 = arith.constant 63 : i32
      %parallel_loop3A_1332 = arith.andi %parallel_loop3A_1328, %parallel_loop3A_1331 : i32
      %parallel_loop3A_1333 = arith.constant 16 : i32
      %parallel_loop3A_1334 = arith.muli %parallel_loop3A_1332, %parallel_loop3A_1333 : i32
      %parallel_loop3A_1335 = arith.constant 48 : i32
      %parallel_loop3A_1336 = arith.addi %parallel_loop3A_1335, %parallel_loop3A_1330 : i32
      %parallel_loop3A_1337 = arith.index_cast %parallel_loop3A_1336 : i32 to index
      %parallel_loop3A_1338 = arith.index_cast %parallel_loop3A_1334 : i32 to index
      %parallel_loop3A_1339 = tpu.vector_load %arg14[%parallel_loop3A_1337, %parallel_loop3A_1338] {strides = array<i32>} : memref<64x1024xf32, #tpu.memory_space<vmem>>, vector<1x16xf32>,
      %parallel_loop3A_1340 = vector.shape_cast %parallel_loop3A_1339 : vector<1x16xf32> to vector<16xf32>
      %parallel_loop3A_1341 = arith.index_cast %parallel_loop3A_1330 : i32 to index
      %parallel_loop3A_1342 = arith.index_cast %parallel_loop3A_1334 : i32 to index
      %parallel_loop3A_1343 = tpu.vector_load %arg11[%parallel_loop3A_1341, %parallel_loop3A_1342] {strides = array<i32>} : memref<8x1024xf32, #tpu.memory_space<vmem>>, vector<1x16xf32>,
      %parallel_loop3A_1344 = vector.shape_cast %parallel_loop3A_1343 : vector<1x16xf32> to vector<16xf32>
      %parallel_loop3A_1345 = vector.shape_cast %parallel_loop3A_1340 : vector<16xf32> to vector<1x16xf32>
      tpu.vector_store %arg11[%parallel_loop3A_1341, %parallel_loop3A_1342], %parallel_loop3A_1345 {add = true, strides = array<i32>} : memref<8x1024xf32, #tpu.memory_space<vmem>>, vector<1x16xf32>,
    } {sc.loop_unroll_factor = 8 : i64, sc.parallel_access}
    %dma_start3A_1111 = arith.constant 0 : i32
    %dma_start3A_1112 = arith.constant 0 : i32
    %dma_start3A_1113 = tpu.memref_slice %arg5[%dma_start3A_1111, %add3A_1086, %dma_start3A_1112] : memref<4x2048x1024xf32, #tpu.memory_space<hbm>> -> memref<1x8x1024xf32, #tpu.memory_space<hbm>>
    %dma_start3A_1114 = tpu.memref_squeeze %dma_start3A_1113 : memref<1x8x1024xf32, #tpu.memory_space<hbm>> -> memref<8x1024xf32, #tpu.memory_space<hbm>>
    %dma_start3A_1115 = arith.constant 0 : i32
    %dma_start3A_1116 = tpu.memref_slice %arg5[%dma_start3A_1111, %add3A_1086, %dma_start3A_1115] : memref<4x2048x1024xf32, #tpu.memory_space<hbm>> -> memref<1x8x1024xf32, #tpu.memory_space<hbm>>
    %dma_start3A_1117 = tpu.memref_squeeze %dma_start3A_1116 : memref<1x8x1024xf32, #tpu.memory_space<hbm>> -> memref<8x1024xf32, #tpu.memory_space<hbm>>
    tpu.enqueue_dma source(%arg10 : memref<8x1024xf32, #tpu.memory_space<vmem>>) target(%dma_start3A_1117 : memref<8x1024xf32, #tpu.memory_space<hbm>>) target_semaphore(%arg26 : memref<!tpu.dma_semaphore, #tpu.memory_space<semaphore_mem>>)
    %add3A_1118 = arith.constant 48 : i32
    %add3A_1119 = arith.addi %mul3A_2, %add3A_1118 : i32
    %dma_wait3A_1120 = arith.constant 3 : i32
    %dma_wait3A_1121 = arith.constant 0 : i32
    %dma_wait3A_1122 = tpu.memref_slice %arg5[%dma_wait3A_1120, %add3A_1043, %dma_wait3A_1121] : memref<4x2048x1024xf32, #tpu.memory_space<hbm>> -> memref<1x8x1024xf32, #tpu.memory_space<hbm>>
    %dma_wait3A_1123 = tpu.memref_squeeze %dma_wait3A_1122 : memref<1x8x1024xf32, #tpu.memory_space<hbm>> -> memref<8x1024xf32, #tpu.memory_space<hbm>>
    %dma_wait3A_1124 = arith.constant 0 : i32
    %dma_wait3A_1125 = tpu.memref_slice %arg5[%dma_wait3A_1120, %add3A_1043, %dma_wait3A_1124] : memref<4x2048x1024xf32, #tpu.memory_space<hbm>> -> memref<1x8x1024xf32, #tpu.memory_space<hbm>>
    %dma_wait3A_1126 = tpu.memref_squeeze %dma_wait3A_1125 : memref<1x8x1024xf32, #tpu.memory_space<hbm>> -> memref<8x1024xf32, #tpu.memory_space<hbm>>
    tpu.wait_dma2 semaphore(%arg25 : memref<!tpu.dma_semaphore, #tpu.memory_space<semaphore_mem>>) src(%arg9 : memref<8x1024xf32, #tpu.memory_space<vmem>>) dst(%dma_wait3A_1126 : memref<8x1024xf32, #tpu.memory_space<hbm>>)
    %dma_start3A_1127 = arith.constant 2 : i32
    %dma_start3A_1128 = arith.constant 56 : i32
    %dma_start3A_1129 = tpu.memref_slice %arg6[%dma_start3A_1127, %dma_start3A_1128] : memref<4x64xi32, #tpu.memory_space<vmem>> -> memref<1x8xi32, #tpu.memory_space<vmem>>
    %dma_start3A_1130 = tpu.memref_squeeze %dma_start3A_1129 : memref<1x8xi32, #tpu.memory_space<vmem>> -> memref<8xi32, #tpu.memory_space<vmem>>
    %dma_start3A_1131 = arith.constant 0 : i32
    %dma_start3A_1132 = arith.constant 0 : i32
    %dma_start3A_1133 = tpu.memref_slice %arg3[%dma_start3A_1131, %dma_start3A_1132] : memref<100000x1024xf32, #tpu.memory_space<hbm>> -> memref<100000x1024xf32, #tpu.memory_space<hbm>>
    tpu.enqueue_indirect_dma source(%dma_start3A_1133 : memref<100000x1024xf32, #tpu.memory_space<hbm>>) target(%arg9 : memref<8x1024xf32, #tpu.memory_space<vmem>>) offsets(%dma_start3A_1130 : memref<8xi32, #tpu.memory_space<vmem>>) semaphore(%arg18 : memref<!tpu.dma_semaphore, #tpu.memory_space<semaphore_mem>>)
    %dma_wait3A_1134 = arith.constant 2 : i32
    %dma_wait3A_1135 = arith.constant 48 : i32
    %dma_wait3A_1136 = tpu.memref_slice %arg6[%dma_wait3A_1134, %dma_wait3A_1135] : memref<4x64xi32, #tpu.memory_space<vmem>> -> memref<1x8xi32, #tpu.memory_space<vmem>>
    %dma_wait3A_1137 = tpu.memref_squeeze %dma_wait3A_1136 : memref<1x8xi32, #tpu.memory_space<vmem>> -> memref<8xi32, #tpu.memory_space<vmem>>
    %dma_wait3A_1138 = arith.constant 0 : i32
    %dma_wait3A_1139 = arith.constant 0 : i32
    %dma_wait3A_1140 = tpu.memref_slice %arg3[%dma_wait3A_1138, %dma_wait3A_1139] : memref<100000x1024xf32, #tpu.memory_space<hbm>> -> memref<100000x1024xf32, #tpu.memory_space<hbm>>
    tpu.wait_indirect_dma semaphore(%arg21 : memref<!tpu.dma_semaphore, #tpu.memory_space<semaphore_mem>>) src(%dma_wait3A_1140 : memref<100000x1024xf32, #tpu.memory_space<hbm>>) dst(%arg12 : memref<8x1024xf32, #tpu.memory_space<vmem>>)
    %parallel_loop3A_1141 = arith.constant 0 : i32
    %parallel_loop3A_1142 = arith.constant 512 : i32
    %parallel_loop3A_1143 = arith.constant 1 : i32
    scf.for %parallel_loop3A_1328 = %parallel_loop3A_1141 to %parallel_loop3A_1142 step %parallel_loop3A_1143  : i32 {
      %parallel_loop3A_1329 = arith.constant 6 : i32
      %parallel_loop3A_1330 = arith.shrsi %parallel_loop3A_1328, %parallel_loop3A_1329 : i32
      %parallel_loop3A_1331 = arith.constant 63 : i32
      %parallel_loop3A_1332 = arith.andi %parallel_loop3A_1328, %parallel_loop3A_1331 : i32
      %parallel_loop3A_1333 = arith.constant 16 : i32
      %parallel_loop3A_1334 = arith.muli %parallel_loop3A_1332, %parallel_loop3A_1333 : i32
      %parallel_loop3A_1335 = arith.constant 48 : i32
      %parallel_loop3A_1336 = arith.addi %parallel_loop3A_1335, %parallel_loop3A_1330 : i32
      %parallel_loop3A_1337 = arith.index_cast %parallel_loop3A_1336 : i32 to index
      %parallel_loop3A_1338 = arith.index_cast %parallel_loop3A_1334 : i32 to index
      %parallel_loop3A_1339 = tpu.vector_load %arg14[%parallel_loop3A_1337, %parallel_loop3A_1338] {strides = array<i32>} : memref<64x1024xf32, #tpu.memory_space<vmem>>, vector<1x16xf32>,
      %parallel_loop3A_1340 = vector.shape_cast %parallel_loop3A_1339 : vector<1x16xf32> to vector<16xf32>
      %parallel_loop3A_1341 = arith.index_cast %parallel_loop3A_1330 : i32 to index
      %parallel_loop3A_1342 = arith.index_cast %parallel_loop3A_1334 : i32 to index
      %parallel_loop3A_1343 = tpu.vector_load %arg12[%parallel_loop3A_1341, %parallel_loop3A_1342] {strides = array<i32>} : memref<8x1024xf32, #tpu.memory_space<vmem>>, vector<1x16xf32>,
      %parallel_loop3A_1344 = vector.shape_cast %parallel_loop3A_1343 : vector<1x16xf32> to vector<16xf32>
      %parallel_loop3A_1345 = vector.shape_cast %parallel_loop3A_1340 : vector<16xf32> to vector<1x16xf32>
      tpu.vector_store %arg12[%parallel_loop3A_1341, %parallel_loop3A_1342], %parallel_loop3A_1345 {add = true, strides = array<i32>} : memref<8x1024xf32, #tpu.memory_space<vmem>>, vector<1x16xf32>,
    } {sc.loop_unroll_factor = 8 : i64, sc.parallel_access}
    %dma_start3A_1144 = arith.constant 1 : i32
    %dma_start3A_1145 = arith.constant 0 : i32
    %dma_start3A_1146 = tpu.memref_slice %arg5[%dma_start3A_1144, %add3A_1119, %dma_start3A_1145] : memref<4x2048x1024xf32, #tpu.memory_space<hbm>> -> memref<1x8x1024xf32, #tpu.memory_space<hbm>>
    %dma_start3A_1147 = tpu.memref_squeeze %dma_start3A_1146 : memref<1x8x1024xf32, #tpu.memory_space<hbm>> -> memref<8x1024xf32, #tpu.memory_space<hbm>>
    %dma_start3A_1148 = arith.constant 0 : i32
    %dma_start3A_1149 = tpu.memref_slice %arg5[%dma_start3A_1144, %add3A_1119, %dma_start3A_1148] : memref<4x2048x1024xf32, #tpu.memory_space<hbm>> -> memref<1x8x1024xf32, #tpu.memory_space<hbm>>
    %dma_start3A_1150 = tpu.memref_squeeze %dma_start3A_1149 : memref<1x8x1024xf32, #tpu.memory_space<hbm>> -> memref<8x1024xf32, #tpu.memory_space<hbm>>
    tpu.enqueue_dma source(%arg11 : memref<8x1024xf32, #tpu.memory_space<vmem>>) target(%dma_start3A_1150 : memref<8x1024xf32, #tpu.memory_space<hbm>>) target_semaphore(%arg27 : memref<!tpu.dma_semaphore, #tpu.memory_space<semaphore_mem>>)
    %add3A_1151 = arith.constant 48 : i32
    %add3A_1152 = arith.addi %mul3A_2, %add3A_1151 : i32
    %dma_wait3A_1153 = arith.constant 0 : i32
    %dma_wait3A_1154 = arith.constant 0 : i32
    %dma_wait3A_1155 = tpu.memref_slice %arg5[%dma_wait3A_1153, %add3A_1086, %dma_wait3A_1154] : memref<4x2048x1024xf32, #tpu.memory_space<hbm>> -> memref<1x8x1024xf32, #tpu.memory_space<hbm>>
    %dma_wait3A_1156 = tpu.memref_squeeze %dma_wait3A_1155 : memref<1x8x1024xf32, #tpu.memory_space<hbm>> -> memref<8x1024xf32, #tpu.memory_space<hbm>>
    %dma_wait3A_1157 = arith.constant 0 : i32
    %dma_wait3A_1158 = tpu.memref_slice %arg5[%dma_wait3A_1153, %add3A_1086, %dma_wait3A_1157] : memref<4x2048x1024xf32, #tpu.memory_space<hbm>> -> memref<1x8x1024xf32, #tpu.memory_space<hbm>>
    %dma_wait3A_1159 = tpu.memref_squeeze %dma_wait3A_1158 : memref<1x8x1024xf32, #tpu.memory_space<hbm>> -> memref<8x1024xf32, #tpu.memory_space<hbm>>
    tpu.wait_dma2 semaphore(%arg26 : memref<!tpu.dma_semaphore, #tpu.memory_space<semaphore_mem>>) src(%arg10 : memref<8x1024xf32, #tpu.memory_space<vmem>>) dst(%dma_wait3A_1159 : memref<8x1024xf32, #tpu.memory_space<hbm>>)
    %dma_start3A_1160 = arith.constant 3 : i32
    %dma_start3A_1161 = arith.constant 56 : i32
    %dma_start3A_1162 = tpu.memref_slice %arg6[%dma_start3A_1160, %dma_start3A_1161] : memref<4x64xi32, #tpu.memory_space<vmem>> -> memref<1x8xi32, #tpu.memory_space<vmem>>
    %dma_start3A_1163 = tpu.memref_squeeze %dma_start3A_1162 : memref<1x8xi32, #tpu.memory_space<vmem>> -> memref<8xi32, #tpu.memory_space<vmem>>
    %dma_start3A_1164 = arith.constant 0 : i32
    %dma_start3A_1165 = arith.constant 0 : i32
    %dma_start3A_1166 = tpu.memref_slice %arg3[%dma_start3A_1164, %dma_start3A_1165] : memref<100000x1024xf32, #tpu.memory_space<hbm>> -> memref<100000x1024xf32, #tpu.memory_space<hbm>>
    tpu.enqueue_indirect_dma source(%dma_start3A_1166 : memref<100000x1024xf32, #tpu.memory_space<hbm>>) target(%arg10 : memref<8x1024xf32, #tpu.memory_space<vmem>>) offsets(%dma_start3A_1163 : memref<8xi32, #tpu.memory_space<vmem>>) semaphore(%arg19 : memref<!tpu.dma_semaphore, #tpu.memory_space<semaphore_mem>>)
    %dma_wait3A_1167 = arith.constant 3 : i32
    %dma_wait3A_1168 = arith.constant 48 : i32
    %dma_wait3A_1169 = tpu.memref_slice %arg6[%dma_wait3A_1167, %dma_wait3A_1168] : memref<4x64xi32, #tpu.memory_space<vmem>> -> memref<1x8xi32, #tpu.memory_space<vmem>>
    %dma_wait3A_1170 = tpu.memref_squeeze %dma_wait3A_1169 : memref<1x8xi32, #tpu.memory_space<vmem>> -> memref<8xi32, #tpu.memory_space<vmem>>
    %dma_wait3A_1171 = arith.constant 0 : i32
    %dma_wait3A_1172 = arith.constant 0 : i32
    %dma_wait3A_1173 = tpu.memref_slice %arg3[%dma_wait3A_1171, %dma_wait3A_1172] : memref<100000x1024xf32, #tpu.memory_space<hbm>> -> memref<100000x1024xf32, #tpu.memory_space<hbm>>
    tpu.wait_indirect_dma semaphore(%arg22 : memref<!tpu.dma_semaphore, #tpu.memory_space<semaphore_mem>>) src(%dma_wait3A_1173 : memref<100000x1024xf32, #tpu.memory_space<hbm>>) dst(%arg13 : memref<8x1024xf32, #tpu.memory_space<vmem>>)
    %parallel_loop3A_1174 = arith.constant 0 : i32
    %parallel_loop3A_1175 = arith.constant 512 : i32
    %parallel_loop3A_1176 = arith.constant 1 : i32
    scf.for %parallel_loop3A_1328 = %parallel_loop3A_1174 to %parallel_loop3A_1175 step %parallel_loop3A_1176  : i32 {
      %parallel_loop3A_1329 = arith.constant 6 : i32
      %parallel_loop3A_1330 = arith.shrsi %parallel_loop3A_1328, %parallel_loop3A_1329 : i32
      %parallel_loop3A_1331 = arith.constant 63 : i32
      %parallel_loop3A_1332 = arith.andi %parallel_loop3A_1328, %parallel_loop3A_1331 : i32
      %parallel_loop3A_1333 = arith.constant 16 : i32
      %parallel_loop3A_1334 = arith.muli %parallel_loop3A_1332, %parallel_loop3A_1333 : i32
      %parallel_loop3A_1335 = arith.constant 48 : i32
      %parallel_loop3A_1336 = arith.addi %parallel_loop3A_1335, %parallel_loop3A_1330 : i32
      %parallel_loop3A_1337 = arith.index_cast %parallel_loop3A_1336 : i32 to index
      %parallel_loop3A_1338 = arith.index_cast %parallel_loop3A_1334 : i32 to index
      %parallel_loop3A_1339 = tpu.vector_load %arg14[%parallel_loop3A_1337, %parallel_loop3A_1338] {strides = array<i32>} : memref<64x1024xf32, #tpu.memory_space<vmem>>, vector<1x16xf32>,
      %parallel_loop3A_1340 = vector.shape_cast %parallel_loop3A_1339 : vector<1x16xf32> to vector<16xf32>
      %parallel_loop3A_1341 = arith.index_cast %parallel_loop3A_1330 : i32 to index
      %parallel_loop3A_1342 = arith.index_cast %parallel_loop3A_1334 : i32 to index
      %parallel_loop3A_1343 = tpu.vector_load %arg13[%parallel_loop3A_1341, %parallel_loop3A_1342] {strides = array<i32>} : memref<8x1024xf32, #tpu.memory_space<vmem>>, vector<1x16xf32>,
      %parallel_loop3A_1344 = vector.shape_cast %parallel_loop3A_1343 : vector<1x16xf32> to vector<16xf32>
      %parallel_loop3A_1345 = vector.shape_cast %parallel_loop3A_1340 : vector<16xf32> to vector<1x16xf32>
      tpu.vector_store %arg13[%parallel_loop3A_1341, %parallel_loop3A_1342], %parallel_loop3A_1345 {add = true, strides = array<i32>} : memref<8x1024xf32, #tpu.memory_space<vmem>>, vector<1x16xf32>,
    } {sc.loop_unroll_factor = 8 : i64, sc.parallel_access}
    %dma_start3A_1177 = arith.constant 2 : i32
    %dma_start3A_1178 = arith.constant 0 : i32
    %dma_start3A_1179 = tpu.memref_slice %arg5[%dma_start3A_1177, %add3A_1152, %dma_start3A_1178] : memref<4x2048x1024xf32, #tpu.memory_space<hbm>> -> memref<1x8x1024xf32, #tpu.memory_space<hbm>>
    %dma_start3A_1180 = tpu.memref_squeeze %dma_start3A_1179 : memref<1x8x1024xf32, #tpu.memory_space<hbm>> -> memref<8x1024xf32, #tpu.memory_space<hbm>>
    %dma_start3A_1181 = arith.constant 0 : i32
    %dma_start3A_1182 = tpu.memref_slice %arg5[%dma_start3A_1177, %add3A_1152, %dma_start3A_1181] : memref<4x2048x1024xf32, #tpu.memory_space<hbm>> -> memref<1x8x1024xf32, #tpu.memory_space<hbm>>
    %dma_start3A_1183 = tpu.memref_squeeze %dma_start3A_1182 : memref<1x8x1024xf32, #tpu.memory_space<hbm>> -> memref<8x1024xf32, #tpu.memory_space<hbm>>
    tpu.enqueue_dma source(%arg12 : memref<8x1024xf32, #tpu.memory_space<vmem>>) target(%dma_start3A_1183 : memref<8x1024xf32, #tpu.memory_space<hbm>>) target_semaphore(%arg28 : memref<!tpu.dma_semaphore, #tpu.memory_space<semaphore_mem>>)
    %add3A_1184 = arith.constant 48 : i32
    %add3A_1185 = arith.addi %mul3A_2, %add3A_1184 : i32
    %dma_wait3A_1186 = arith.constant 0 : i32
    %dma_wait3A_1187 = arith.constant 56 : i32
    %dma_wait3A_1188 = tpu.memref_slice %arg6[%dma_wait3A_1186, %dma_wait3A_1187] : memref<4x64xi32, #tpu.memory_space<vmem>> -> memref<1x8xi32, #tpu.memory_space<vmem>>
    %dma_wait3A_1189 = tpu.memref_squeeze %dma_wait3A_1188 : memref<1x8xi32, #tpu.memory_space<vmem>> -> memref<8xi32, #tpu.memory_space<vmem>>
    %dma_wait3A_1190 = arith.constant 0 : i32
    %dma_wait3A_1191 = arith.constant 0 : i32
    %dma_wait3A_1192 = tpu.memref_slice %arg3[%dma_wait3A_1190, %dma_wait3A_1191] : memref<100000x1024xf32, #tpu.memory_space<hbm>> -> memref<100000x1024xf32, #tpu.memory_space<hbm>>
    tpu.wait_indirect_dma semaphore(%arg16 : memref<!tpu.dma_semaphore, #tpu.memory_space<semaphore_mem>>) src(%dma_wait3A_1192 : memref<100000x1024xf32, #tpu.memory_space<hbm>>) dst(%arg7 : memref<8x1024xf32, #tpu.memory_space<vmem>>)
    %dma_wait3A_1193 = arith.constant 56 : i32
    %dma_wait3A_1194 = arith.constant 0 : i32
    %dma_wait3A_1195 = tpu.memref_slice %arg14[%dma_wait3A_1193, %dma_wait3A_1194] : memref<64x1024xf32, #tpu.memory_space<vmem>> -> memref<8x1024xf32, #tpu.memory_space<vmem>>
    %dma_wait3A_1196 = arith.constant 0 : i32
    %dma_wait3A_1197 = tpu.memref_slice %arg4[%add3A_135, %dma_wait3A_1196] : memref<2048x1024xf32, #tpu.memory_space<hbm>> -> memref<8x1024xf32, #tpu.memory_space<hbm>>
    %dma_wait3A_1198 = arith.constant 56 : i32
    %dma_wait3A_1199 = arith.constant 0 : i32
    %dma_wait3A_1200 = tpu.memref_slice %arg14[%dma_wait3A_1198, %dma_wait3A_1199] : memref<64x1024xf32, #tpu.memory_space<vmem>> -> memref<8x1024xf32, #tpu.memory_space<vmem>>
    %dma_wait3A_1201 = arith.constant 0 : i32
    %dma_wait3A_1202 = tpu.memref_slice %arg4[%add3A_135, %dma_wait3A_1201] : memref<2048x1024xf32, #tpu.memory_space<hbm>> -> memref<8x1024xf32, #tpu.memory_space<hbm>>
    tpu.wait_dma2 semaphore(%arg30 : memref<!tpu.dma_semaphore, #tpu.memory_space<semaphore_mem>>) src(%dma_wait3A_1202 : memref<8x1024xf32, #tpu.memory_space<hbm>>) dst(%dma_wait3A_1200 : memref<8x1024xf32, #tpu.memory_space<vmem>>)
    %parallel_loop3A_1203 = arith.constant 0 : i32
    %parallel_loop3A_1204 = arith.constant 512 : i32
    %parallel_loop3A_1205 = arith.constant 1 : i32
    scf.for %parallel_loop3A_1328 = %parallel_loop3A_1203 to %parallel_loop3A_1204 step %parallel_loop3A_1205  : i32 {
      %parallel_loop3A_1329 = arith.constant 6 : i32
      %parallel_loop3A_1330 = arith.shrsi %parallel_loop3A_1328, %parallel_loop3A_1329 : i32
      %parallel_loop3A_1331 = arith.constant 63 : i32
      %parallel_loop3A_1332 = arith.andi %parallel_loop3A_1328, %parallel_loop3A_1331 : i32
      %parallel_loop3A_1333 = arith.constant 16 : i32
      %parallel_loop3A_1334 = arith.muli %parallel_loop3A_1332, %parallel_loop3A_1333 : i32
      %parallel_loop3A_1335 = arith.constant 56 : i32
      %parallel_loop3A_1336 = arith.addi %parallel_loop3A_1335, %parallel_loop3A_1330 : i32
      %parallel_loop3A_1337 = arith.index_cast %parallel_loop3A_1336 : i32 to index
      %parallel_loop3A_1338 = arith.index_cast %parallel_loop3A_1334 : i32 to index
      %parallel_loop3A_1339 = tpu.vector_load %arg14[%parallel_loop3A_1337, %parallel_loop3A_1338] {strides = array<i32>} : memref<64x1024xf32, #tpu.memory_space<vmem>>, vector<1x16xf32>,
      %parallel_loop3A_1340 = vector.shape_cast %parallel_loop3A_1339 : vector<1x16xf32> to vector<16xf32>
      %parallel_loop3A_1341 = arith.index_cast %parallel_loop3A_1330 : i32 to index
      %parallel_loop3A_1342 = arith.index_cast %parallel_loop3A_1334 : i32 to index
      %parallel_loop3A_1343 = tpu.vector_load %arg7[%parallel_loop3A_1341, %parallel_loop3A_1342] {strides = array<i32>} : memref<8x1024xf32, #tpu.memory_space<vmem>>, vector<1x16xf32>,
      %parallel_loop3A_1344 = vector.shape_cast %parallel_loop3A_1343 : vector<1x16xf32> to vector<16xf32>
      %parallel_loop3A_1345 = vector.shape_cast %parallel_loop3A_1340 : vector<16xf32> to vector<1x16xf32>
      tpu.vector_store %arg7[%parallel_loop3A_1341, %parallel_loop3A_1342], %parallel_loop3A_1345 {add = true, strides = array<i32>} : memref<8x1024xf32, #tpu.memory_space<vmem>>, vector<1x16xf32>,
    } {sc.loop_unroll_factor = 8 : i64, sc.parallel_access}
    %dma_start3A_1206 = arith.constant 3 : i32
    %dma_start3A_1207 = arith.constant 0 : i32
    %dma_start3A_1208 = tpu.memref_slice %arg5[%dma_start3A_1206, %add3A_1185, %dma_start3A_1207] : memref<4x2048x1024xf32, #tpu.memory_space<hbm>> -> memref<1x8x1024xf32, #tpu.memory_space<hbm>>
    %dma_start3A_1209 = tpu.memref_squeeze %dma_start3A_1208 : memref<1x8x1024xf32, #tpu.memory_space<hbm>> -> memref<8x1024xf32, #tpu.memory_space<hbm>>
    %dma_start3A_1210 = arith.constant 0 : i32
    %dma_start3A_1211 = tpu.memref_slice %arg5[%dma_start3A_1206, %add3A_1185, %dma_start3A_1210] : memref<4x2048x1024xf32, #tpu.memory_space<hbm>> -> memref<1x8x1024xf32, #tpu.memory_space<hbm>>
    %dma_start3A_1212 = tpu.memref_squeeze %dma_start3A_1211 : memref<1x8x1024xf32, #tpu.memory_space<hbm>> -> memref<8x1024xf32, #tpu.memory_space<hbm>>
    tpu.enqueue_dma source(%arg13 : memref<8x1024xf32, #tpu.memory_space<vmem>>) target(%dma_start3A_1212 : memref<8x1024xf32, #tpu.memory_space<hbm>>) target_semaphore(%arg29 : memref<!tpu.dma_semaphore, #tpu.memory_space<semaphore_mem>>)
    %add3A_1213 = arith.constant 56 : i32
    %add3A_1214 = arith.addi %mul3A_2, %add3A_1213 : i32
    %dma_wait3A_1215 = arith.constant 1 : i32
    %dma_wait3A_1216 = arith.constant 56 : i32
    %dma_wait3A_1217 = tpu.memref_slice %arg6[%dma_wait3A_1215, %dma_wait3A_1216] : memref<4x64xi32, #tpu.memory_space<vmem>> -> memref<1x8xi32, #tpu.memory_space<vmem>>
    %dma_wait3A_1218 = tpu.memref_squeeze %dma_wait3A_1217 : memref<1x8xi32, #tpu.memory_space<vmem>> -> memref<8xi32, #tpu.memory_space<vmem>>
    %dma_wait3A_1219 = arith.constant 0 : i32
    %dma_wait3A_1220 = arith.constant 0 : i32
    %dma_wait3A_1221 = tpu.memref_slice %arg3[%dma_wait3A_1219, %dma_wait3A_1220] : memref<100000x1024xf32, #tpu.memory_space<hbm>> -> memref<100000x1024xf32, #tpu.memory_space<hbm>>
    tpu.wait_indirect_dma semaphore(%arg17 : memref<!tpu.dma_semaphore, #tpu.memory_space<semaphore_mem>>) src(%dma_wait3A_1221 : memref<100000x1024xf32, #tpu.memory_space<hbm>>) dst(%arg8 : memref<8x1024xf32, #tpu.memory_space<vmem>>)
    %parallel_loop3A_1222 = arith.constant 0 : i32
    %parallel_loop3A_1223 = arith.constant 512 : i32
    %parallel_loop3A_1224 = arith.constant 1 : i32
    scf.for %parallel_loop3A_1328 = %parallel_loop3A_1222 to %parallel_loop3A_1223 step %parallel_loop3A_1224  : i32 {
      %parallel_loop3A_1329 = arith.constant 6 : i32
      %parallel_loop3A_1330 = arith.shrsi %parallel_loop3A_1328, %parallel_loop3A_1329 : i32
      %parallel_loop3A_1331 = arith.constant 63 : i32
      %parallel_loop3A_1332 = arith.andi %parallel_loop3A_1328, %parallel_loop3A_1331 : i32
      %parallel_loop3A_1333 = arith.constant 16 : i32
      %parallel_loop3A_1334 = arith.muli %parallel_loop3A_1332, %parallel_loop3A_1333 : i32
      %parallel_loop3A_1335 = arith.constant 56 : i32
      %parallel_loop3A_1336 = arith.addi %parallel_loop3A_1335, %parallel_loop3A_1330 : i32
      %parallel_loop3A_1337 = arith.index_cast %parallel_loop3A_1336 : i32 to index
      %parallel_loop3A_1338 = arith.index_cast %parallel_loop3A_1334 : i32 to index
      %parallel_loop3A_1339 = tpu.vector_load %arg14[%parallel_loop3A_1337, %parallel_loop3A_1338] {strides = array<i32>} : memref<64x1024xf32, #tpu.memory_space<vmem>>, vector<1x16xf32>,
      %parallel_loop3A_1340 = vector.shape_cast %parallel_loop3A_1339 : vector<1x16xf32> to vector<16xf32>
      %parallel_loop3A_1341 = arith.index_cast %parallel_loop3A_1330 : i32 to index
      %parallel_loop3A_1342 = arith.index_cast %parallel_loop3A_1334 : i32 to index
      %parallel_loop3A_1343 = tpu.vector_load %arg8[%parallel_loop3A_1341, %parallel_loop3A_1342] {strides = array<i32>} : memref<8x1024xf32, #tpu.memory_space<vmem>>, vector<1x16xf32>,
      %parallel_loop3A_1344 = vector.shape_cast %parallel_loop3A_1343 : vector<1x16xf32> to vector<16xf32>
      %parallel_loop3A_1345 = vector.shape_cast %parallel_loop3A_1340 : vector<16xf32> to vector<1x16xf32>
      tpu.vector_store %arg8[%parallel_loop3A_1341, %parallel_loop3A_1342], %parallel_loop3A_1345 {add = true, strides = array<i32>} : memref<8x1024xf32, #tpu.memory_space<vmem>>, vector<1x16xf32>,
    } {sc.loop_unroll_factor = 8 : i64, sc.parallel_access}
    %dma_start3A_1225 = arith.constant 0 : i32
    %dma_start3A_1226 = arith.constant 0 : i32
    %dma_start3A_1227 = tpu.memref_slice %arg5[%dma_start3A_1225, %add3A_1214, %dma_start3A_1226] : memref<4x2048x1024xf32, #tpu.memory_space<hbm>> -> memref<1x8x1024xf32, #tpu.memory_space<hbm>>
    %dma_start3A_1228 = tpu.memref_squeeze %dma_start3A_1227 : memref<1x8x1024xf32, #tpu.memory_space<hbm>> -> memref<8x1024xf32, #tpu.memory_space<hbm>>
    %dma_start3A_1229 = arith.constant 0 : i32
    %dma_start3A_1230 = tpu.memref_slice %arg5[%dma_start3A_1225, %add3A_1214, %dma_start3A_1229] : memref<4x2048x1024xf32, #tpu.memory_space<hbm>> -> memref<1x8x1024xf32, #tpu.memory_space<hbm>>
    %dma_start3A_1231 = tpu.memref_squeeze %dma_start3A_1230 : memref<1x8x1024xf32, #tpu.memory_space<hbm>> -> memref<8x1024xf32, #tpu.memory_space<hbm>>
    tpu.enqueue_dma source(%arg7 : memref<8x1024xf32, #tpu.memory_space<vmem>>) target(%dma_start3A_1231 : memref<8x1024xf32, #tpu.memory_space<hbm>>) target_semaphore(%arg23 : memref<!tpu.dma_semaphore, #tpu.memory_space<semaphore_mem>>)
    %add3A_1232 = arith.constant 56 : i32
    %add3A_1233 = arith.addi %mul3A_2, %add3A_1232 : i32
    %dma_wait3A_1234 = arith.constant 2 : i32
    %dma_wait3A_1235 = arith.constant 56 : i32
    %dma_wait3A_1236 = tpu.memref_slice %arg6[%dma_wait3A_1234, %dma_wait3A_1235] : memref<4x64xi32, #tpu.memory_space<vmem>> -> memref<1x8xi32, #tpu.memory_space<vmem>>
    %dma_wait3A_1237 = tpu.memref_squeeze %dma_wait3A_1236 : memref<1x8xi32, #tpu.memory_space<vmem>> -> memref<8xi32, #tpu.memory_space<vmem>>
    %dma_wait3A_1238 = arith.constant 0 : i32
    %dma_wait3A_1239 = arith.constant 0 : i32
    %dma_wait3A_1240 = tpu.memref_slice %arg3[%dma_wait3A_1238, %dma_wait3A_1239] : memref<100000x1024xf32, #tpu.memory_space<hbm>> -> memref<100000x1024xf32, #tpu.memory_space<hbm>>
    tpu.wait_indirect_dma semaphore(%arg18 : memref<!tpu.dma_semaphore, #tpu.memory_space<semaphore_mem>>) src(%dma_wait3A_1240 : memref<100000x1024xf32, #tpu.memory_space<hbm>>) dst(%arg9 : memref<8x1024xf32, #tpu.memory_space<vmem>>)
    %parallel_loop3A_1241 = arith.constant 0 : i32
    %parallel_loop3A_1242 = arith.constant 512 : i32
    %parallel_loop3A_1243 = arith.constant 1 : i32
    scf.for %parallel_loop3A_1328 = %parallel_loop3A_1241 to %parallel_loop3A_1242 step %parallel_loop3A_1243  : i32 {
      %parallel_loop3A_1329 = arith.constant 6 : i32
      %parallel_loop3A_1330 = arith.shrsi %parallel_loop3A_1328, %parallel_loop3A_1329 : i32
      %parallel_loop3A_1331 = arith.constant 63 : i32
      %parallel_loop3A_1332 = arith.andi %parallel_loop3A_1328, %parallel_loop3A_1331 : i32
      %parallel_loop3A_1333 = arith.constant 16 : i32
      %parallel_loop3A_1334 = arith.muli %parallel_loop3A_1332, %parallel_loop3A_1333 : i32
      %parallel_loop3A_1335 = arith.constant 56 : i32
      %parallel_loop3A_1336 = arith.addi %parallel_loop3A_1335, %parallel_loop3A_1330 : i32
      %parallel_loop3A_1337 = arith.index_cast %parallel_loop3A_1336 : i32 to index
      %parallel_loop3A_1338 = arith.index_cast %parallel_loop3A_1334 : i32 to index
      %parallel_loop3A_1339 = tpu.vector_load %arg14[%parallel_loop3A_1337, %parallel_loop3A_1338] {strides = array<i32>} : memref<64x1024xf32, #tpu.memory_space<vmem>>, vector<1x16xf32>,
      %parallel_loop3A_1340 = vector.shape_cast %parallel_loop3A_1339 : vector<1x16xf32> to vector<16xf32>
      %parallel_loop3A_1341 = arith.index_cast %parallel_loop3A_1330 : i32 to index
      %parallel_loop3A_1342 = arith.index_cast %parallel_loop3A_1334 : i32 to index
      %parallel_loop3A_1343 = tpu.vector_load %arg9[%parallel_loop3A_1341, %parallel_loop3A_1342] {strides = array<i32>} : memref<8x1024xf32, #tpu.memory_space<vmem>>, vector<1x16xf32>,
      %parallel_loop3A_1344 = vector.shape_cast %parallel_loop3A_1343 : vector<1x16xf32> to vector<16xf32>
      %parallel_loop3A_1345 = vector.shape_cast %parallel_loop3A_1340 : vector<16xf32> to vector<1x16xf32>
      tpu.vector_store %arg9[%parallel_loop3A_1341, %parallel_loop3A_1342], %parallel_loop3A_1345 {add = true, strides = array<i32>} : memref<8x1024xf32, #tpu.memory_space<vmem>>, vector<1x16xf32>,
    } {sc.loop_unroll_factor = 8 : i64, sc.parallel_access}
    %dma_start3A_1244 = arith.constant 1 : i32
    %dma_start3A_1245 = arith.constant 0 : i32
    %dma_start3A_1246 = tpu.memref_slice %arg5[%dma_start3A_1244, %add3A_1233, %dma_start3A_1245] : memref<4x2048x1024xf32, #tpu.memory_space<hbm>> -> memref<1x8x1024xf32, #tpu.memory_space<hbm>>
    %dma_start3A_1247 = tpu.memref_squeeze %dma_start3A_1246 : memref<1x8x1024xf32, #tpu.memory_space<hbm>> -> memref<8x1024xf32, #tpu.memory_space<hbm>>
    %dma_start3A_1248 = arith.constant 0 : i32
    %dma_start3A_1249 = tpu.memref_slice %arg5[%dma_start3A_1244, %add3A_1233, %dma_start3A_1248] : memref<4x2048x1024xf32, #tpu.memory_space<hbm>> -> memref<1x8x1024xf32, #tpu.memory_space<hbm>>
    %dma_start3A_1250 = tpu.memref_squeeze %dma_start3A_1249 : memref<1x8x1024xf32, #tpu.memory_space<hbm>> -> memref<8x1024xf32, #tpu.memory_space<hbm>>
    tpu.enqueue_dma source(%arg8 : memref<8x1024xf32, #tpu.memory_space<vmem>>) target(%dma_start3A_1250 : memref<8x1024xf32, #tpu.memory_space<hbm>>) target_semaphore(%arg24 : memref<!tpu.dma_semaphore, #tpu.memory_space<semaphore_mem>>)
    %add3A_1251 = arith.constant 56 : i32
    %add3A_1252 = arith.addi %mul3A_2, %add3A_1251 : i32
    %dma_wait3A_1253 = arith.constant 3 : i32
    %dma_wait3A_1254 = arith.constant 56 : i32
    %dma_wait3A_1255 = tpu.memref_slice %arg6[%dma_wait3A_1253, %dma_wait3A_1254] : memref<4x64xi32, #tpu.memory_space<vmem>> -> memref<1x8xi32, #tpu.memory_space<vmem>>
    %dma_wait3A_1256 = tpu.memref_squeeze %dma_wait3A_1255 : memref<1x8xi32, #tpu.memory_space<vmem>> -> memref<8xi32, #tpu.memory_space<vmem>>
    %dma_wait3A_1257 = arith.constant 0 : i32
    %dma_wait3A_1258 = arith.constant 0 : i32
    %dma_wait3A_1259 = tpu.memref_slice %arg3[%dma_wait3A_1257, %dma_wait3A_1258] : memref<100000x1024xf32, #tpu.memory_space<hbm>> -> memref<100000x1024xf32, #tpu.memory_space<hbm>>
    tpu.wait_indirect_dma semaphore(%arg19 : memref<!tpu.dma_semaphore, #tpu.memory_space<semaphore_mem>>) src(%dma_wait3A_1259 : memref<100000x1024xf32, #tpu.memory_space<hbm>>) dst(%arg10 : memref<8x1024xf32, #tpu.memory_space<vmem>>)
    %parallel_loop3A_1260 = arith.constant 0 : i32
    %parallel_loop3A_1261 = arith.constant 512 : i32
    %parallel_loop3A_1262 = arith.constant 1 : i32
    scf.for %parallel_loop3A_1328 = %parallel_loop3A_1260 to %parallel_loop3A_1261 step %parallel_loop3A_1262  : i32 {
      %parallel_loop3A_1329 = arith.constant 6 : i32
      %parallel_loop3A_1330 = arith.shrsi %parallel_loop3A_1328, %parallel_loop3A_1329 : i32
      %parallel_loop3A_1331 = arith.constant 63 : i32
      %parallel_loop3A_1332 = arith.andi %parallel_loop3A_1328, %parallel_loop3A_1331 : i32
      %parallel_loop3A_1333 = arith.constant 16 : i32
      %parallel_loop3A_1334 = arith.muli %parallel_loop3A_1332, %parallel_loop3A_1333 : i32
      %parallel_loop3A_1335 = arith.constant 56 : i32
      %parallel_loop3A_1336 = arith.addi %parallel_loop3A_1335, %parallel_loop3A_1330 : i32
      %parallel_loop3A_1337 = arith.index_cast %parallel_loop3A_1336 : i32 to index
      %parallel_loop3A_1338 = arith.index_cast %parallel_loop3A_1334 : i32 to index
      %parallel_loop3A_1339 = tpu.vector_load %arg14[%parallel_loop3A_1337, %parallel_loop3A_1338] {strides = array<i32>} : memref<64x1024xf32, #tpu.memory_space<vmem>>, vector<1x16xf32>,
      %parallel_loop3A_1340 = vector.shape_cast %parallel_loop3A_1339 : vector<1x16xf32> to vector<16xf32>
      %parallel_loop3A_1341 = arith.index_cast %parallel_loop3A_1330 : i32 to index
      %parallel_loop3A_1342 = arith.index_cast %parallel_loop3A_1334 : i32 to index
      %parallel_loop3A_1343 = tpu.vector_load %arg10[%parallel_loop3A_1341, %parallel_loop3A_1342] {strides = array<i32>} : memref<8x1024xf32, #tpu.memory_space<vmem>>, vector<1x16xf32>,
      %parallel_loop3A_1344 = vector.shape_cast %parallel_loop3A_1343 : vector<1x16xf32> to vector<16xf32>
      %parallel_loop3A_1345 = vector.shape_cast %parallel_loop3A_1340 : vector<16xf32> to vector<1x16xf32>
      tpu.vector_store %arg10[%parallel_loop3A_1341, %parallel_loop3A_1342], %parallel_loop3A_1345 {add = true, strides = array<i32>} : memref<8x1024xf32, #tpu.memory_space<vmem>>, vector<1x16xf32>,
    } {sc.loop_unroll_factor = 8 : i64, sc.parallel_access}
    %dma_start3A_1263 = arith.constant 2 : i32
    %dma_start3A_1264 = arith.constant 0 : i32
    %dma_start3A_1265 = tpu.memref_slice %arg5[%dma_start3A_1263, %add3A_1252, %dma_start3A_1264] : memref<4x2048x1024xf32, #tpu.memory_space<hbm>> -> memref<1x8x1024xf32, #tpu.memory_space<hbm>>
    %dma_start3A_1266 = tpu.memref_squeeze %dma_start3A_1265 : memref<1x8x1024xf32, #tpu.memory_space<hbm>> -> memref<8x1024xf32, #tpu.memory_space<hbm>>
    %dma_start3A_1267 = arith.constant 0 : i32
    %dma_start3A_1268 = tpu.memref_slice %arg5[%dma_start3A_1263, %add3A_1252, %dma_start3A_1267] : memref<4x2048x1024xf32, #tpu.memory_space<hbm>> -> memref<1x8x1024xf32, #tpu.memory_space<hbm>>
    %dma_start3A_1269 = tpu.memref_squeeze %dma_start3A_1268 : memref<1x8x1024xf32, #tpu.memory_space<hbm>> -> memref<8x1024xf32, #tpu.memory_space<hbm>>
    tpu.enqueue_dma source(%arg9 : memref<8x1024xf32, #tpu.memory_space<vmem>>) target(%dma_start3A_1269 : memref<8x1024xf32, #tpu.memory_space<hbm>>) target_semaphore(%arg25 : memref<!tpu.dma_semaphore, #tpu.memory_space<semaphore_mem>>)
    %add3A_1270 = arith.constant 56 : i32
    %add3A_1271 = arith.addi %mul3A_2, %add3A_1270 : i32
    %dma_start3A_1272 = arith.constant 3 : i32
    %dma_start3A_1273 = arith.constant 0 : i32
    %dma_start3A_1274 = tpu.memref_slice %arg5[%dma_start3A_1272, %add3A_1271, %dma_start3A_1273] : memref<4x2048x1024xf32, #tpu.memory_space<hbm>> -> memref<1x8x1024xf32, #tpu.memory_space<hbm>>
    %dma_start3A_1275 = tpu.memref_squeeze %dma_start3A_1274 : memref<1x8x1024xf32, #tpu.memory_space<hbm>> -> memref<8x1024xf32, #tpu.memory_space<hbm>>
    %dma_start3A_1276 = arith.constant 0 : i32
    %dma_start3A_1277 = tpu.memref_slice %arg5[%dma_start3A_1272, %add3A_1271, %dma_start3A_1276] : memref<4x2048x1024xf32, #tpu.memory_space<hbm>> -> memref<1x8x1024xf32, #tpu.memory_space<hbm>>
    %dma_start3A_1278 = tpu.memref_squeeze %dma_start3A_1277 : memref<1x8x1024xf32, #tpu.memory_space<hbm>> -> memref<8x1024xf32, #tpu.memory_space<hbm>>
    tpu.enqueue_dma source(%arg10 : memref<8x1024xf32, #tpu.memory_space<vmem>>) target(%dma_start3A_1278 : memref<8x1024xf32, #tpu.memory_space<hbm>>) target_semaphore(%arg26 : memref<!tpu.dma_semaphore, #tpu.memory_space<semaphore_mem>>)
    %dma_wait3A_1279 = arith.constant 1 : i32
    %dma_wait3A_1280 = arith.constant 0 : i32
    %dma_wait3A_1281 = tpu.memref_slice %arg5[%dma_wait3A_1279, %add3A_1119, %dma_wait3A_1280] : memref<4x2048x1024xf32, #tpu.memory_space<hbm>> -> memref<1x8x1024xf32, #tpu.memory_space<hbm>>
    %dma_wait3A_1282 = tpu.memref_squeeze %dma_wait3A_1281 : memref<1x8x1024xf32, #tpu.memory_space<hbm>> -> memref<8x1024xf32, #tpu.memory_space<hbm>>
    %dma_wait3A_1283 = arith.constant 0 : i32
    %dma_wait3A_1284 = tpu.memref_slice %arg5[%dma_wait3A_1279, %add3A_1119, %dma_wait3A_1283] : memref<4x2048x1024xf32, #tpu.memory_space<hbm>> -> memref<1x8x1024xf32, #tpu.memory_space<hbm>>
    %dma_wait3A_1285 = tpu.memref_squeeze %dma_wait3A_1284 : memref<1x8x1024xf32, #tpu.memory_space<hbm>> -> memref<8x1024xf32, #tpu.memory_space<hbm>>
    tpu.wait_dma2 semaphore(%arg27 : memref<!tpu.dma_semaphore, #tpu.memory_space<semaphore_mem>>) src(%arg11 : memref<8x1024xf32, #tpu.memory_space<vmem>>) dst(%dma_wait3A_1285 : memref<8x1024xf32, #tpu.memory_space<hbm>>)
    %dma_wait3A_1286 = arith.constant 2 : i32
    %dma_wait3A_1287 = arith.constant 0 : i32
    %dma_wait3A_1288 = tpu.memref_slice %arg5[%dma_wait3A_1286, %add3A_1152, %dma_wait3A_1287] : memref<4x2048x1024xf32, #tpu.memory_space<hbm>> -> memref<1x8x1024xf32, #tpu.memory_space<hbm>>
    %dma_wait3A_1289 = tpu.memref_squeeze %dma_wait3A_1288 : memref<1x8x1024xf32, #tpu.memory_space<hbm>> -> memref<8x1024xf32, #tpu.memory_space<hbm>>
    %dma_wait3A_1290 = arith.constant 0 : i32
    %dma_wait3A_1291 = tpu.memref_slice %arg5[%dma_wait3A_1286, %add3A_1152, %dma_wait3A_1290] : memref<4x2048x1024xf32, #tpu.memory_space<hbm>> -> memref<1x8x1024xf32, #tpu.memory_space<hbm>>
    %dma_wait3A_1292 = tpu.memref_squeeze %dma_wait3A_1291 : memref<1x8x1024xf32, #tpu.memory_space<hbm>> -> memref<8x1024xf32, #tpu.memory_space<hbm>>
    tpu.wait_dma2 semaphore(%arg28 : memref<!tpu.dma_semaphore, #tpu.memory_space<semaphore_mem>>) src(%arg12 : memref<8x1024xf32, #tpu.memory_space<vmem>>) dst(%dma_wait3A_1292 : memref<8x1024xf32, #tpu.memory_space<hbm>>)
    %dma_wait3A_1293 = arith.constant 3 : i32
    %dma_wait3A_1294 = arith.constant 0 : i32
    %dma_wait3A_1295 = tpu.memref_slice %arg5[%dma_wait3A_1293, %add3A_1185, %dma_wait3A_1294] : memref<4x2048x1024xf32, #tpu.memory_space<hbm>> -> memref<1x8x1024xf32, #tpu.memory_space<hbm>>
    %dma_wait3A_1296 = tpu.memref_squeeze %dma_wait3A_1295 : memref<1x8x1024xf32, #tpu.memory_space<hbm>> -> memref<8x1024xf32, #tpu.memory_space<hbm>>
    %dma_wait3A_1297 = arith.constant 0 : i32
    %dma_wait3A_1298 = tpu.memref_slice %arg5[%dma_wait3A_1293, %add3A_1185, %dma_wait3A_1297] : memref<4x2048x1024xf32, #tpu.memory_space<hbm>> -> memref<1x8x1024xf32, #tpu.memory_space<hbm>>
    %dma_wait3A_1299 = tpu.memref_squeeze %dma_wait3A_1298 : memref<1x8x1024xf32, #tpu.memory_space<hbm>> -> memref<8x1024xf32, #tpu.memory_space<hbm>>
    tpu.wait_dma2 semaphore(%arg29 : memref<!tpu.dma_semaphore, #tpu.memory_space<semaphore_mem>>) src(%arg13 : memref<8x1024xf32, #tpu.memory_space<vmem>>) dst(%dma_wait3A_1299 : memref<8x1024xf32, #tpu.memory_space<hbm>>)
    %dma_wait3A_1300 = arith.constant 0 : i32
    %dma_wait3A_1301 = arith.constant 0 : i32
    %dma_wait3A_1302 = tpu.memref_slice %arg5[%dma_wait3A_1300, %add3A_1214, %dma_wait3A_1301] : memref<4x2048x1024xf32, #tpu.memory_space<hbm>> -> memref<1x8x1024xf32, #tpu.memory_space<hbm>>
    %dma_wait3A_1303 = tpu.memref_squeeze %dma_wait3A_1302 : memref<1x8x1024xf32, #tpu.memory_space<hbm>> -> memref<8x1024xf32, #tpu.memory_space<hbm>>
    %dma_wait3A_1304 = arith.constant 0 : i32
    %dma_wait3A_1305 = tpu.memref_slice %arg5[%dma_wait3A_1300, %add3A_1214, %dma_wait3A_1304] : memref<4x2048x1024xf32, #tpu.memory_space<hbm>> -> memref<1x8x1024xf32, #tpu.memory_space<hbm>>
    %dma_wait3A_1306 = tpu.memref_squeeze %dma_wait3A_1305 : memref<1x8x1024xf32, #tpu.memory_space<hbm>> -> memref<8x1024xf32, #tpu.memory_space<hbm>>
    tpu.wait_dma2 semaphore(%arg23 : memref<!tpu.dma_semaphore, #tpu.memory_space<semaphore_mem>>) src(%arg7 : memref<8x1024xf32, #tpu.memory_space<vmem>>) dst(%dma_wait3A_1306 : memref<8x1024xf32, #tpu.memory_space<hbm>>)
    %dma_wait3A_1307 = arith.constant 1 : i32
    %dma_wait3A_1308 = arith.constant 0 : i32
    %dma_wait3A_1309 = tpu.memref_slice %arg5[%dma_wait3A_1307, %add3A_1233, %dma_wait3A_1308] : memref<4x2048x1024xf32, #tpu.memory_space<hbm>> -> memref<1x8x1024xf32, #tpu.memory_space<hbm>>
    %dma_wait3A_1310 = tpu.memref_squeeze %dma_wait3A_1309 : memref<1x8x1024xf32, #tpu.memory_space<hbm>> -> memref<8x1024xf32, #tpu.memory_space<hbm>>
    %dma_wait3A_1311 = arith.constant 0 : i32
    %dma_wait3A_1312 = tpu.memref_slice %arg5[%dma_wait3A_1307, %add3A_1233, %dma_wait3A_1311] : memref<4x2048x1024xf32, #tpu.memory_space<hbm>> -> memref<1x8x1024xf32, #tpu.memory_space<hbm>>
    %dma_wait3A_1313 = tpu.memref_squeeze %dma_wait3A_1312 : memref<1x8x1024xf32, #tpu.memory_space<hbm>> -> memref<8x1024xf32, #tpu.memory_space<hbm>>
    tpu.wait_dma2 semaphore(%arg24 : memref<!tpu.dma_semaphore, #tpu.memory_space<semaphore_mem>>) src(%arg8 : memref<8x1024xf32, #tpu.memory_space<vmem>>) dst(%dma_wait3A_1313 : memref<8x1024xf32, #tpu.memory_space<hbm>>)
    %dma_wait3A_1314 = arith.constant 2 : i32
    %dma_wait3A_1315 = arith.constant 0 : i32
    %dma_wait3A_1316 = tpu.memref_slice %arg5[%dma_wait3A_1314, %add3A_1252, %dma_wait3A_1315] : memref<4x2048x1024xf32, #tpu.memory_space<hbm>> -> memref<1x8x1024xf32, #tpu.memory_space<hbm>>
    %dma_wait3A_1317 = tpu.memref_squeeze %dma_wait3A_1316 : memref<1x8x1024xf32, #tpu.memory_space<hbm>> -> memref<8x1024xf32, #tpu.memory_space<hbm>>
    %dma_wait3A_1318 = arith.constant 0 : i32
    %dma_wait3A_1319 = tpu.memref_slice %arg5[%dma_wait3A_1314, %add3A_1252, %dma_wait3A_1318] : memref<4x2048x1024xf32, #tpu.memory_space<hbm>> -> memref<1x8x1024xf32, #tpu.memory_space<hbm>>
    %dma_wait3A_1320 = tpu.memref_squeeze %dma_wait3A_1319 : memref<1x8x1024xf32, #tpu.memory_space<hbm>> -> memref<8x1024xf32, #tpu.memory_space<hbm>>
    tpu.wait_dma2 semaphore(%arg25 : memref<!tpu.dma_semaphore, #tpu.memory_space<semaphore_mem>>) src(%arg9 : memref<8x1024xf32, #tpu.memory_space<vmem>>) dst(%dma_wait3A_1320 : memref<8x1024xf32, #tpu.memory_space<hbm>>)
    %dma_wait3A_1321 = arith.constant 3 : i32
    %dma_wait3A_1322 = arith.constant 0 : i32
    %dma_wait3A_1323 = tpu.memref_slice %arg5[%dma_wait3A_1321, %add3A_1271, %dma_wait3A_1322] : memref<4x2048x1024xf32, #tpu.memory_space<hbm>> -> memref<1x8x1024xf32, #tpu.memory_space<hbm>>
    %dma_wait3A_1324 = tpu.memref_squeeze %dma_wait3A_1323 : memref<1x8x1024xf32, #tpu.memory_space<hbm>> -> memref<8x1024xf32, #tpu.memory_space<hbm>>
    %dma_wait3A_1325 = arith.constant 0 : i32
    %dma_wait3A_1326 = tpu.memref_slice %arg5[%dma_wait3A_1321, %add3A_1271, %dma_wait3A_1325] : memref<4x2048x1024xf32, #tpu.memory_space<hbm>> -> memref<1x8x1024xf32, #tpu.memory_space<hbm>>
    %dma_wait3A_1327 = tpu.memref_squeeze %dma_wait3A_1326 : memref<1x8x1024xf32, #tpu.memory_space<hbm>> -> memref<8x1024xf32, #tpu.memory_space<hbm>>
    tpu.wait_dma2 semaphore(%arg26 : memref<!tpu.dma_semaphore, #tpu.memory_space<semaphore_mem>>) src(%arg10 : memref<8x1024xf32, #tpu.memory_space<vmem>>) dst(%dma_wait3A_1327 : memref<8x1024xf32, #tpu.memory_space<hbm>>)
    return
  }
}

</mosaic_0001>

<sc_bundles>
// kernel: _emb.3.cloned.1.call-start
scs
__scs_entry_jumppad:
0x0: {  	(pc) =	sbr.rel $0x88, $3  }
0x1: {  	(tag) =	ssettag $0x0;
	lr =	simm.s32 $0x1  }
0x2: {  	[smem:$0x3F9E] =	sst lr;
	_ =	strace $0xD0000000  }
0x3: {  	_ = 	snop  }
0x4: {  	_ = 	snop  }
0x5: {  	_ = 	snop  }
0x6: {  	_ = 	snop  }
0x7: {  	_ = 	snop  }
__scs_overlays_trampoline_lowered:
0x8: {  	[smem:$0x3FAD] =	sst s0  }
0x9: {  	[smem:$0x3FAE] =	sst s1  }
0xa: {  	[smem:$0x3FAF] =	sst s2  }
0xb: {  	[smem:$0x3FB0] =	sst s3  }
0xc: {  	[smem:$0x3FB1] =	sst s4  }
0xd: {  	[smem:$0x3FB2] =	sst s5  }
0xe: {  	[smem:$0x3FB3] =	sst s6  }
0xf: {  	[smem:$0x3FB4] =	sst s7  }
0x10: {  	[smem:$0x3FB5] =	sst s8  }
0x11: {  	[smem:$0x3FB6] =	sst s9;
	s0 =	simm.s32 @!p0 $0x0  }
0x12: {  	s1 =	sld [smem:$0x3F9C];
	s0 =	simm.s32 @p0 $0x1  }
0x13: {  	[smem:$0x3FB7] =	sst s0;
	s0 =	simm.s32 @!p1 $0x0  }
0x14: {  	s2 =	sld [smem:$0x3F9B];
	s0 =	simm.s32 @p1 $0x1  }
0x15: {  	[smem:$0x3FB8] =	sst s0;
	s0 =	simm.s32 @!p2 $0x0  }
0x16: {  	s3 =	sld [smem:$0x3FDB];
	s0 =	simm.s32 @p2 $0x1  }
0x17: {  	s4 =	simm.s32 $0x1BF5;
	[smem:$0x3FBA] =	sst s0  }
0x18: {  	s0 =	sld [smem:$0x3F9D];
	_ =	swait.ge [sflag:s4], $0x0  }
0x19: {  	s7 =	sld [smem:$0x3F9E]  }
0x1a: {  	s8 =	sadd.s32 $0xFFFFE003, lr  }
0x1b: {  	s9 =	sadd.s32 $0xFFFFFEF7, lr;
	s5 =	simm.s32 $0xFFFFFFFF;
	p2 =	slt.u32 s8, $0xFFFFF086  }
0x1c: {  	p1 =	slt.u32 s9, $0xF7A;
	s5 =	simm.s32 @!p2 $0x0  }
0x1d: {  	s5 =	simm.s32 @p1 $0x1;
	p0 =	seq.s32 s7, s2  }
0x1e: {  	s7 =	smul.u32 @!p0 $0xF7A, s2;
	p2 =	seq.s32 @!p0 s5, $0x0  }
0x1f: {  	s9 =	smul.u32 $0xF7A, s1;
	s8 =	simm.s32 @!p0 $0x1BF5;
	p2 =	por !p2, p0  }
0x20: {  	[sflag:s8] =	ssyncset.s32 @!p0 $0xFFFFF086;
	s6 =	sadd.s32 @!p0 s3, s7;
	s7 =	simm.s32 @!p0 $0x108  }
0x21: {  	s3 =	sadd.s32 s3, s9;
	s6 =	sadd.s32 @!p0 $0x88, s6;
	s7 =	simm.s32 @p2 $0x1082  }
0x22: {  	[simem:s7], [sflag:s8] =	dma.local @!p0 [hbm:s6], $0xF7A  }
0x23: {  	s9 =	sor.u32 $0xD0000000, s2;
	s6 =	simm.s32 $0x108;
	_ =	swait.ge @!p0 [sflag:s8], $0x0  }
0x24: {  	s3 =	sadd.s32 $0x88, s3;
	s6 =	simm.s32 @!p1 $0x1082;
	[sflag:s4] =	ssyncset.s32 $0xFFFFF086  }
0x25: {  	[simem:s6], [sflag:s4] =	dma.local [hbm:s3], $0xF7A  }
0x26: {  	[smem:$0x3F9E] =	sst s1;
	(tag) =	ssettag s2;
	_ =	strace s9  }
0x27: {  	s1 =	sld [smem:$0x3FAE]  }
0x28: {  	s2 =	sld [smem:$0x3FAF]  }
0x29: {  	s4 =	sld [smem:$0x3FB1]  }
0x2a: {  	p0 =	seq.s32 s5, $0x0;
	s5 =	sld [smem:$0x3FB2]  }
0x2b: {  	s6 =	sld [smem:$0x3FB3]  }
0x2c: {  	s7 =	sld [smem:$0x3FB4]  }
0x2d: {  	s3 =	simm.s32 $0x108;
	s8 =	sld [smem:$0x3FB5]  }
0x2e: {  	s3 =	simm.s32 @!p0 $0x1082;
	s9 =	sld [smem:$0x3FB6]  }
0x2f: {  	lr =	sadd.s32 s0, s3;
	s0 =	sld [smem:$0x3FAD]  }
0x30: {  	s3 =	sld [smem:$0x3FB0]  }
0x31: {  	[smem:$0x3FB9] =	sst s10  }
0x32: {  	s10 =	sld [smem:$0x3FB7];
	_ =	sdelay $0x3  }
0x33: {  	p0 =	seq.s32 s10, $0x1;
	s10 =	sld [smem:$0x3FB9];
	_ =	sdelay $0x3  }
0x34: {  	[smem:$0x3FB9] =	sst s10  }
0x35: {  	s10 =	sld [smem:$0x3FB8];
	_ =	sdelay $0x3  }
0x36: {  	p1 =	seq.s32 s10, $0x1;
	s10 =	sld [smem:$0x3FB9];
	_ =	sdelay $0x3  }
0x37: {  	[smem:$0x3FB9] =	sst s10  }
0x38: {  	s10 =	sld [smem:$0x3FBA]  }
0x39: {  	_ = 	snop;
	(pc) =	sbr.ind lr, $3  }
0x3a: {  	_ = 	snop  }
0x3b: {  	_ = 	snop  }
0x3c: {  	p2 =	seq.s32 s10, $0x1;
	s10 =	sld [smem:$0x3FB9]  }
0x3d: {  	_ =	shalt  }
0x3e: {  	_ =	shalt  }
0x3f: {  	_ =	shalt  }
0x40: {  	_ =	shalt  }
0x41: {  	_ =	shalt  }
0x42: {  	_ =	shalt  }
0x43: {  	_ =	shalt  }
0x44: {  	_ =	shalt  }
0x45: {  	_ =	shalt  }
0x46: {  	_ =	shalt  }
0x47: {  	_ =	shalt  }
0x48: {  	_ =	shalt  }
0x49: {  	_ =	shalt  }
0x4a: {  	_ =	shalt  }
0x4b: {  	_ =	shalt  }
0x4c: {  	_ =	shalt  }
0x4d: {  	_ =	shalt  }
0x4e: {  	_ =	shalt  }
0x4f: {  	_ =	shalt  }
0x50: {  	_ =	shalt  }
0x51: {  	_ =	shalt  }
0x52: {  	_ =	shalt  }
0x53: {  	_ =	shalt  }
0x54: {  	_ =	shalt  }
0x55: {  	_ =	shalt  }
0x56: {  	_ =	shalt  }
0x57: {  	_ =	shalt  }
0x58: {  	_ =	shalt  }
0x59: {  	_ =	shalt  }
0x5a: {  	_ =	shalt  }
0x5b: {  	_ =	shalt  }
0x5c: {  	_ =	shalt  }
0x5d: {  	_ =	shalt  }
0x5e: {  	_ =	shalt  }
0x5f: {  	_ =	shalt  }
0x60: {  	_ =	shalt  }
0x61: {  	_ =	shalt  }
0x62: {  	_ =	shalt  }
0x63: {  	_ =	shalt  }
0x64: {  	_ =	shalt  }
0x65: {  	_ =	shalt  }
0x66: {  	_ =	shalt  }
0x67: {  	_ =	shalt  }
0x68: {  	_ =	shalt  }
0x69: {  	_ =	shalt  }
0x6a: {  	_ =	shalt  }
0x6b: {  	_ =	shalt  }
0x6c: {  	_ =	shalt  }
0x6d: {  	_ =	shalt  }
0x6e: {  	_ =	shalt  }
0x6f: {  	_ =	shalt  }
0x70: {  	_ =	shalt  }
0x71: {  	_ =	shalt  }
0x72: {  	_ =	shalt  }
0x73: {  	_ =	shalt  }
0x74: {  	_ =	shalt  }
0x75: {  	_ =	shalt  }
0x76: {  	_ =	shalt  }
0x77: {  	_ =	shalt  }
0x78: {  	_ =	shalt  }
0x79: {  	_ =	shalt  }
0x7a: {  	_ =	shalt  }
0x7b: {  	_ =	shalt  }
0x7c: {  	_ =	shalt  }
0x7d: {  	_ =	shalt  }
0x7e: {  	_ =	shalt  }
0x7f: {  	_ =	shalt  }
0x80: {  	_ =	shalt  }
0x81: {  	_ =	shalt  }
0x82: {  	_ =	shalt  }
0x83: {  	_ =	shalt  }
0x84: {  	_ =	shalt  }
0x85: {  	_ =	shalt  }
0x86: {  	_ =	shalt  }
0x87: {  	_ =	shalt  }
.Lfunc_end0:
.L_simem_size_0:
called_computation_lowered:
.L_overlay_start_0:
0x88: {  	s2 =	sld [smem:$0x3FD9]  }
0x89: {  	s3 =	sld [smem:$0x3FFE];
	_ =	sdelay $0x1  }
0x8a: {  	s1 =	srdreg.scid  }
0x8b: {  	s0 =	sand.u32 $0x1, s1  }
0x8c: {  	s18 =	sshll.u32 s0, $0xA;
	s2 =	sadd.s32 s3, s2  }
0x8d: {  	s2 =	sadd.s32 s2, s18  }
0x8e: {  	[smem:$0x3FC5] =	sst s2  }
0x8f: {  	_ = 	snop  }
0x90: {  	s2 =	sld [smem:$0x3FC9]  }
0x91: {  	s19 =	sld [smem:$0x3FC8]  }
0x92: {  	s4 =	sld [smem:$0x3FC7]  }
0x93: {  	s5 =	sld [smem:$0x3FD0];
	(tm) =	ssettm $0x1  }
0x94: {  	s6 =	sld [smem:$0x3FFB];
	_ =	sdelay $0x3  }
0x95: {  	_ =	strace s6  }
0x96: {  	s6 =	sld [smem:$0x3FFC];
	_ =	sdelay $0x3  }
0x97: {  	_ =	strace s6  }
0x98: {  	s6 =	sld [smem:$0x3FFD];
	_ =	sdelay $0x3  }
0x99: {  	_ =	strace s6  }
0x9a: {  	_ =	strace $0x8FFFFFFF  }
0x9b: {  	s20 =	sld [smem:$0x3FDB];
	_ =	sdelay $0x1  }
0x9c: {  	s7 =	simm.s32 $_scs_section_size  }
0x9d: {  	s8 =	simm.s32 $_size__tile_overlayer_lowered;
	s9 =	simm.s32 $_tile_overlayer_lowered  }
0x9e: {  	s23 =	simm.s32 $0x1BFF;
	s22 =	sshll.u32 s9, $0x1;
	s6 =	sadd.s32 s7, s20  }
0x9f: {  	s10 =	simm.s32 $0x0;
	s21 =	sshll.u32 s8, $0x1;
	s8 =	sadd.s32 s22, s6  }
0xa0: {  	[timem:s10], [sflag:s23] =	dma.local [hbm:s8], s21  }
0xa1: {  	_ =	swait.ge [sflag:s23], s21  }
0xa2: {  	s7 =	ssub.s32 $0x0, s21;
	[sflag:s23] =	ssyncset.done $0x0  }
0xa3: {  	[sflag:s23] =	ssyncadd.s32 s7;
	_ =	sdelay $0x1  }
0xa4: {  	s24 =	simm.s32 $0x1B8B  }
0xa5: {  	_ =	swait.ge [sflag:s24], $0x1  }
0xa6: {  	[sflag:s24] =	ssyncset.done $0x0  }
0xa7: {  	s25 =	simm.s32 $0x1B8E;
	[sflag:s24] =	ssyncadd.s32 $0xFFFFFFFF  }
0xa8: {  	s26 =	simm.s32 $execute0_lowered;
	[smem:$0x3FD2] =	sst s25  }
0xa9: {  	s7 =	sshll.u32 s26, $0x1;
	_ =	strace $0x80000046;
	[dreg:$0x1] =	wrdreg $0xFFFFFFFF  }
0xaa: {  	s28 =	simm.s32 $_size_execute0_lowered;
	s6 =	sadd.s32 s6, s7;
	[dreg:$0x0] =	wrdreg $0x0  }
0xab: {  	s7 =	sshll.u32 s28, $0x1;
	[dreg:$0x2] =	wrdreg s6  }
0xac: {  	[dreg:$0x3] =	wrdreg s7  }
0xad: {  	[dreg:$0x4] =	wrdreg $0xC0  }
0xae: {  	_ =	task [dreg:s10], $0x5FFFF  }
0xaf: {  	[dreg:$0x1] =	wrdreg $0xFFFFFFFF  }
0xb0: {  	[dreg:$0x0] =	wrdreg $0x60  }
0xb1: {  	[dreg:$0x2] =	wrdreg s2  }
0xb2: {  	[dreg:$0x3] =	wrdreg s19  }
0xb3: {  	[dreg:$0x4] =	wrdreg s4  }
0xb4: {  	[dreg:$0x5] =	wrdreg s5  }
0xb5: {  	[dreg:$0x6] =	wrdreg $0x9  }
0xb6: {  	_ =	task.clear_ibuf [dreg:s10], $0x7FFFF;
	_ =	strace $0x90000046  }
0xb7: {  	s29 =	simm.s32 $0x9;
	_ =	strace $0x80000048  }
0xb8: {  	_ =	swait.ge [sflag:s29], $0x1  }
0xb9: {  	[sflag:s29] =	ssyncadd.s32 $0xFFFFFFFF  }
0xba: {  	_ =	strace $0x90000048  }
0xbb: {  	_ =	sfence  }
0xbc: {  	s30 =	sld [smem:$0x0];
	_ =	sdelay $0x2  }
0xbd: {  	s31 =	sshll.u32 s1, $0xD;
	s1 =	sshrl.u32 s1, $0x2  }
0xbe: {  	s3 =	sand.u32 $0x4000, s31;
	s1 =	sadd.s32 s1, s30  }
0xbf: {  	s0 =	sor.u32 s3, s0;
	s1 =	sshll.u32 s1, $0x11  }
0xc0: {  	s0 =	sor.u32 s1, s0  }
0xc1: {  	s0 =	sadd.s32 $0x8F2B, s0  }
0xc2: {  	[sflag:s0] =	ssyncadd.remote.s32 $0x1  }
0xc3: {  	_ =	sfence.sel $0xFFFF  }
0xc4: {  	[dreg:$0x0] =	wrdreg $0xFFFFFFFF;
	(pc) =	sbr.abs _section_cstart, $3  }
0xc5: {  	[dreg:$0x1] =	wrdreg $0xFFFFFFFF  }
0xc6: {  	_ =	task.clear_ibuf [dreg:s10], $0x2FFFF;
	_ =	strace $0x9FFFFFFF  }
0xc7: {  	(tm) =	ssettm $0x7FFFFFFF  }
tec
execute0_lowered:
.L_overlay_start_1:
0x0: {  	(tag) =	ssettag $0x1  }
0x1: {  	s0 =	rddreg [dreg:$0x0]  }
0x2: {  	s2 =	srdreg.scid;
	s1 =	rddreg [dreg:$0x1]  }
0x3: {  	s3 =	stileid.u32;
	s4 =	rddreg [dreg:$0x2];
	s2 =	sand.u32 $0x1, s2  }
0x4: {  	s6 =	rddreg [dreg:$0x3];
	s3 =	sshll.u32 s3, $0x7;
	s5 =	sshll.u32 s2, $0x6  }
0x5: {  	s2 =	ssub.s32 $0x2, s2;
	s7 =	sor.u32 s5, s3;
	s3 =	simm.s32 $0x0  }
0x6: {  	s8 =	sshll.u32 s7, $0x2;
	[smem:$0x7FF] =	sst s3;
	s7 =	sshll.u32 s7, $0x7  }
0x7: {  	_ =	strace $0x80000047;
	s18 =	sadd.s32 s4, s7;
	s19 =	sor.u32 $0x400, s7  }
0x8: {  	s21 =	sor.u32 $0x800, s7;
	[dreg:$0x9] =	wrdreg s18;
	s20 =	sadd.s32 s4, s19  }
0x9: {  	s22 =	sor.u32 $0xC00, s7;
	s23 =	sadd.s32 s4, s21;
	[dreg:$0xa] =	wrdreg s20  }
0xa: {  	s25 =	sor.u32 $0x1000, s7;
	s24 =	sadd.s32 s4, s22;
	[dreg:$0xb] =	wrdreg s23  }
0xb: {  	s26 =	sor.u32 $0x1400, s7;
	s10 =	sadd.s32 s4, s25;
	[dreg:$0xc] =	wrdreg s24  }
0xc: {  	s11 =	sor.u32 $0x1800, s7;
	s12 =	sadd.s32 s4, s26;
	[dreg:$0xd] =	wrdreg s10  }
0xd: {  	s14 =	sor.u32 $0x1C00, s7;
	s13 =	sadd.s32 s4, s11;
	[dreg:$0xe] =	wrdreg s12  }
0xe: {  	s15 =	sshrl.u32 s2, $0x1;
	s4 =	sadd.s32 s4, s14;
	[dreg:$0xf] =	wrdreg s13  }
0xf: {  	s2 =	ssub.s32 s2, s15;
	s15 =	sadd.s32 s6, s21;
	[dreg:$0x10] =	wrdreg s4  }
0x10: {  	s18 =	sadd.s32 s6, s26;
	[dreg:$0x13] =	wrdreg s15  }
0x11: {  	s9 =	sand.u32 $0x1E00, s8;
	s21 =	smax.u32 s2, $0x1;
	[dreg:$0x16] =	wrdreg s18  }
0x12: {  	s9 =	sor.u32 s5, s9;
	s20 =	sadd.s32 s6, s14;
	[dreg:$0x19] =	wrdreg s21  }
0x13: {  	s9 =	sshrl.u32 s9, $0x3;
	s4 =	sadd.s32 s6, s7;
	[dreg:$0x18] =	wrdreg s20  }
0x14: {  	s9 =	sadd.s32 s0, s9;
	[dreg:$0x11] =	wrdreg s4  }
0x15: {  	s23 =	sadd.s32 $0x80000, s4;
	[dreg:$0x5] =	wrdreg s9  }
0x16: {  	s2 =	sadd.s32 $0x40400, s4;
	[dreg:$0x1b] =	wrdreg s23  }
0x17: {  	s7 =	sadd.s32 $0x40800, s4;
	[dreg:$0x1d] =	wrdreg s2  }
0x18: {  	s10 =	sadd.s32 $0x40C00, s4;
	[smem:$0x7EC] =	sst s7  }
0x19: {  	s12 =	sadd.s32 $0xC0C00, s4;
	[smem:$0x7EF] =	sst s10  }
0x1a: {  	s13 =	sadd.s32 $0x41000, s4;
	[smem:$0x7F1] =	sst s12  }
0x1b: {  	s14 =	sadd.s32 $0x81000, s4;
	[smem:$0x7F2] =	sst s13  }
0x1c: {  	s15 =	sadd.s32 $0xC1000, s4;
	[smem:$0x7F3] =	sst s14  }
0x1d: {  	s18 =	sadd.s32 $0xC1400, s4;
	[smem:$0x7F4] =	sst s15  }
0x1e: {  	s5 =	sor.u32 s5, s8;
	s20 =	sadd.s32 $0x81800, s4;
	[smem:$0x7F7] =	sst s18  }
0x1f: {  	s5 =	sshrl.u32 s5, $0x3;
	s21 =	sadd.s32 $0xC1800, s4;
	[smem:$0x7F9] =	sst s20  }
0x20: {  	s17 =	sor.u32 $0x20, s5;
	s16 =	sadd.s32 $0x10, s9;
	[smem:$0x7FA] =	sst s21  }
0x21: {  	s5 =	sor.u32 $0x30, s5;
	s8 =	sadd.s32 s0, s17;
	[dreg:$0x6] =	wrdreg s16  }
0x22: {  	s0 =	sadd.s32 s0, s5;
	[dreg:$0x7] =	wrdreg s8  }
0x23: {  	s17 =	sadd.s32 s6, s25;
	[dreg:$0x8] =	wrdreg s0  }
0x24: {  	s29 =	simm.s32 $0x1;
	s25 =	sadd.s32 $0xC0000, s4;
	[dreg:$0x15] =	wrdreg s17  }
0x25: {  	s30 =	simm.s32 $0x200;
	s5 =	sadd.s32 $0x80400, s4;
	[dreg:$0x1c] =	wrdreg s25  }
0x26: {  	s31 =	simm.s32 $0xA;
	s9 =	sadd.s32 $0xC0800, s4;
	[dreg:$0x1e] =	wrdreg s5  }
0x27: {  	s28 =	sadd.s32 $0x300, s1;
	s23 =	sadd.s32 $0x81C00, s4;
	[smem:$0x7EE] =	sst s9  }
0x28: {  	s26 =	sadd.s32 $0x200, s1;
	s0 =	sadd.s32 s6, s19;
	[smem:$0x7FC] =	sst s23  }
0x29: {  	s24 =	sadd.s32 $0x100, s1;
	s16 =	sadd.s32 s6, s22;
	[dreg:$0x12] =	wrdreg s0  }
0x2a: {  	s20 =	simm.s32 $0x3;
	s19 =	sadd.s32 s6, s11;
	[dreg:$0x14] =	wrdreg s16  }
0x2b: {  	s2 =	simm.s32 $0x6;
	s22 =	sadd.s32 $0x40000, s4;
	[dreg:$0x17] =	wrdreg s19  }
0x2c: {  	s7 =	simm.s32 $0xC;
	s6 =	sadd.s32 $0xC0400, s4;
	[dreg:$0x1a] =	wrdreg s22  }
0x2d: {  	s10 =	simm.s32 $0xD;
	s8 =	sadd.s32 $0x80800, s4;
	[dreg:$0x1f] =	wrdreg s6  }
0x2e: {  	s12 =	simm.s32 $0xF;
	s11 =	sadd.s32 $0x80C00, s4;
	[smem:$0x7ED] =	sst s8  }
0x2f: {  	s14 =	simm.s32 $0x0;
	s17 =	sadd.s32 $0x81400, s4;
	[smem:$0x7F0] =	sst s11  }
0x30: {  	s25 =	sadd.s32 $0xC1C00, s4;
	s23 =	simm.s32 $0x10;
	[smem:$0x7F6] =	sst s17  }
0x31: {  	s16 =	sadd.s32 $0x41400, s4;
	s19 =	sadd.s32 $0x41800, s4;
	[smem:$0x7FD] =	sst s25  }
0x32: {  	s22 =	sadd.s32 $0x41C00, s4;
	s4 =	simm.s32 $0x4;
	[smem:$0x7F5] =	sst s16  }
0x33: {  	v0 =	vlaneseq.u32;
	s0 =	simm.s32 $0xB;
	s6 =	simm.s32 $0x7;
	[smem:$0x7F8] =	sst s19  }
0x34: {  	v1 =	vshrl.u32 v0, $0x3;
	s8 =	simm.s32 $0x8;
	s11 =	simm.s32 $0xE;
	[smem:$0x7FB] =	sst s22  }
0x35: {  	vm0 =	vmmov $0xffff;
	v0 =	vand.u32 $0x7, v0;
	v1 =	vmul.u32 $0x8, v1;
	s22 =	simm.s32 $0x2;
	s16 =	simm.s32 $0x9;
	s19 =	simm.s32 $0x5  }
.LBB2_1:
0x36: {  	s5 =	rddreg [dreg:$0x5]  }
0x37: {  	[tilespmem:s3], [sflag:$0x1] =	stream.linear.gather [hbm4b:s5+s3], $0x40, $0x38;
	[tilespmem:$0x1E200] =	vst v63  }
0x38: {  	s18 =	rddreg [dreg:$0x6];
	s15 =	simm.s32 $0x80  }
0x39: {  	[tilespmem:s15], [sflag:$0x1] =	stream.linear.gather [hbm4b:s18+s3], $0x40, $0x38;
	[tilespmem:$0x1E200] =	vst v63  }
0x3a: {  	s21 =	rddreg [dreg:$0x7];
	s25 =	simm.s32 $0x100  }
0x3b: {  	[tilespmem:s25], [sflag:$0x1] =	stream.linear.gather [hbm4b:s21+s3], $0x40, $0x38;
	[tilespmem:$0x1E200] =	vst v63  }
0x3c: {  	s9 =	rddreg [dreg:$0x8];
	s13 =	simm.s32 $0x180  }
0x3d: {  	[tilespmem:s13], [sflag:$0x1] =	stream.linear.gather [hbm4b:s9+s3], $0x40, $0x38;
	[tilespmem:$0x1E200] =	vst v63  }
0x3e: {  	s17 =	rddreg [dreg:$0x9];
	s18 =	simm.s32 $0xE200  }
0x3f: {  	[tilespmem:s18], [sflag:$0x10] =	stream.linear.gather [hbm4b:s17+s3], $0x2000, $0x38;
	[tilespmem:$0x1E200] =	vst v63  }
0x40: {  	s21 =	rddreg [dreg:$0xa];
	s25 =	simm.s32 $0x10200  }
0x41: {  	[tilespmem:s25], [sflag:$0x10] =	stream.linear.gather [hbm4b:s21+s3], $0x2000, $0x38;
	[tilespmem:$0x1E200] =	vst v63  }
0x42: {  	s9 =	rddreg [dreg:$0xb];
	s13 =	simm.s32 $0x12200  }
0x43: {  	[tilespmem:s13], [sflag:$0x10] =	stream.linear.gather [hbm4b:s9+s3], $0x2000, $0x38;
	[tilespmem:$0x1E200] =	vst v63  }
0x44: {  	s17 =	rddreg [dreg:$0xc];
	s18 =	simm.s32 $0x14200  }
0x45: {  	[tilespmem:s18], [sflag:$0x10] =	stream.linear.gather [hbm4b:s17+s3], $0x2000, $0x38;
	[tilespmem:$0x1E200] =	vst v63  }
0x46: {  	s21 =	rddreg [dreg:$0xd];
	s25 =	simm.s32 $0x16200  }
0x47: {  	[tilespmem:s25], [sflag:$0x10] =	stream.linear.gather [hbm4b:s21+s3], $0x2000, $0x38;
	[tilespmem:$0x1E200] =	vst v63  }
0x48: {  	s9 =	rddreg [dreg:$0xe];
	s13 =	simm.s32 $0x18200  }
0x49: {  	[tilespmem:s13], [sflag:$0x10] =	stream.linear.gather [hbm4b:s9+s3], $0x2000, $0x38;
	[tilespmem:$0x1E200] =	vst v63  }
0x4a: {  	s15 =	rddreg [dreg:$0xf];
	s17 =	simm.s32 $0x1A200  }
0x4b: {  	[tilespmem:s17], [sflag:$0x10] =	stream.linear.gather [hbm4b:s15+s3], $0x2000, $0x38;
	[tilespmem:$0x1E200] =	vst v63  }
0x4c: {  	s18 =	rddreg [dreg:$0x10];
	s21 =	simm.s32 $0x1C200  }
0x4d: {  	[tilespmem:s21], [sflag:$0x10] =	stream.linear.gather [hbm4b:s18+s3], $0x2000, $0x38;
	[tilespmem:$0x1E200] =	vst v63  }
0x4e: {  	_ =	swait.ge [sflag:s29], $0x40  }
0x4f: {  	[sflag:s29] =	ssyncset.done $0x0  }
0x50: {  	[sflag:s29] =	ssyncadd.s32 $0xFFFFFFC0  }
0x51: {  	_ =	swait.ge [sflag:s29], $0x40  }
0x52: {  	[sflag:s29] =	ssyncset.done $0x0  }
0x53: {  	[sflag:s29] =	ssyncadd.s32 $0xFFFFFFC0  }
0x54: {  	_ =	swait.ge [sflag:s29], $0x40  }
0x55: {  	[sflag:s29] =	ssyncset.done $0x0  }
0x56: {  	[sflag:s29] =	ssyncadd.s32 $0xFFFFFFC0  }
0x57: {  	_ =	swait.ge [sflag:s29], $0x40  }
0x58: {  	[sflag:s29] =	ssyncset.done $0x0  }
0x59: {  	[sflag:s29] =	ssyncadd.s32 $0xFFFFFFC0  }
0x5a: {  	v2 =	vld.msk [tilespmem:$0x0], $0xff;
	_ =	sdelay $0x4  }
0x5b: {  	v3 =	vshll.u32 v2, $0x3  }
0x5c: {  	v2 =	vand.u32 $0x7, v2;
	v3 =	vand.u32 $0xFFFFFFC0, v3  }
0x5d: {  	v2 =	vor.u32 v2, v3  }
0x5e: {  	v2 =	vperm.xlane v2, v0;
	_ =	sdelay $0x1  }
0x5f: {  	v2 =	vadd.s32 v1, v2;
	_ =	sdelay $0x4  }
0x60: {  	[tilespmem:s30], [sflag:$0x2] =	stream.indirect_vreg.gather [hbm4b:s1+s3], $0x80, v2, vm0, $0xb8;
	[tilespmem:$0x1E200] =	vst v63  }
0x61: {  	s25 =	simm.s32 $0xA00  }
0x62: {  	[tilespmem:s25], [sflag:$0x2] =	stream.indirect_vreg.gather [hbm4b:s24+s3], $0x80, v2, vm0, $0xb8;
	[tilespmem:$0x1E200] =	vst v63  }
0x63: {  	s30 =	simm.s32 $0x1200  }
0x64: {  	[tilespmem:s30], [sflag:$0x2] =	stream.indirect_vreg.gather [hbm4b:s26+s3], $0x80, v2, vm0, $0xb8;
	[tilespmem:$0x1E200] =	vst v63  }
0x65: {  	s13 =	simm.s32 $0x1A00  }
0x66: {  	[tilespmem:s13], [sflag:$0x2] =	stream.indirect_vreg.gather [hbm4b:s28+s3], $0x80, v2, vm0, $0xb8;
	[tilespmem:$0x1E200] =	vst v63  }
0x67: {  	v2 =	vld.msk [tilespmem:$0x80], $0xff;
	_ =	sdelay $0x4  }
0x68: {  	v3 =	vshll.u32 v2, $0x3  }
0x69: {  	v2 =	vand.u32 $0x7, v2;
	v3 =	vand.u32 $0xFFFFFFC0, v3  }
0x6a: {  	v2 =	vor.u32 v2, v3  }
0x6b: {  	v2 =	vperm.xlane v2, v0;
	_ =	sdelay $0x1  }
0x6c: {  	v2 =	vadd.s32 v1, v2;
	_ =	sdelay $0x3  }
0x6d: {  	s17 =	simm.s32 $0x2200  }
0x6e: {  	[tilespmem:s17], [sflag:$0x3] =	stream.indirect_vreg.gather [hbm4b:s1+s3], $0x80, v2, vm0, $0xb8;
	[tilespmem:$0x1E200] =	vst v63  }
0x6f: {  	s18 =	simm.s32 $0x2A00  }
0x70: {  	[tilespmem:s18], [sflag:$0x3] =	stream.indirect_vreg.gather [hbm4b:s24+s3], $0x80, v2, vm0, $0xb8;
	[tilespmem:$0x1E200] =	vst v63  }
0x71: {  	s21 =	simm.s32 $0x3200  }
0x72: {  	[tilespmem:s21], [sflag:$0x3] =	stream.indirect_vreg.gather [hbm4b:s26+s3], $0x80, v2, vm0, $0xb8;
	[tilespmem:$0x1E200] =	vst v63  }
0x73: {  	s25 =	simm.s32 $0x3A00  }
0x74: {  	[tilespmem:s25], [sflag:$0x3] =	stream.indirect_vreg.gather [hbm4b:s28+s3], $0x80, v2, vm0, $0xb8;
	[tilespmem:$0x1E200] =	vst v63  }
0x75: {  	v2 =	vld.msk [tilespmem:$0x100], $0xff;
	_ =	sdelay $0x4  }
0x76: {  	v3 =	vshll.u32 v2, $0x3  }
0x77: {  	v2 =	vand.u32 $0x7, v2;
	v3 =	vand.u32 $0xFFFFFFC0, v3  }
0x78: {  	v2 =	vor.u32 v2, v3  }
0x79: {  	v2 =	vperm.xlane v2, v0;
	_ =	sdelay $0x1  }
0x7a: {  	v2 =	vadd.s32 v1, v2;
	_ =	sdelay $0x3  }
0x7b: {  	s15 =	simm.s32 $0x4200  }
0x7c: {  	[tilespmem:s15], [sflag:$0x4] =	stream.indirect_vreg.gather [hbm4b:s1+s3], $0x80, v2, vm0, $0xb8;
	[tilespmem:$0x1E200] =	vst v63  }
0x7d: {  	s30 =	simm.s32 $0x4A00  }
0x7e: {  	[tilespmem:s30], [sflag:$0x4] =	stream.indirect_vreg.gather [hbm4b:s24+s3], $0x80, v2, vm0, $0xb8;
	[tilespmem:$0x1E200] =	vst v63  }
0x7f: {  	s15 =	simm.s32 $0x5200  }
0x80: {  	[tilespmem:s15], [sflag:$0x4] =	stream.indirect_vreg.gather [hbm4b:s26+s3], $0x80, v2, vm0, $0xb8;
	[tilespmem:$0x1E200] =	vst v63  }
0x81: {  	s18 =	simm.s32 $0x5A00  }
0x82: {  	[tilespmem:s18], [sflag:$0x4] =	stream.indirect_vreg.gather [hbm4b:s28+s3], $0x80, v2, vm0, $0xb8;
	[tilespmem:$0x1E200] =	vst v63  }
0x83: {  	v2 =	vld.msk [tilespmem:$0x180], $0xff;
	_ =	sdelay $0x4  }
0x84: {  	v3 =	vshll.u32 v2, $0x3  }
0x85: {  	v2 =	vand.u32 $0x7, v2;
	v3 =	vand.u32 $0xFFFFFFC0, v3  }
0x86: {  	v2 =	vor.u32 v2, v3  }
0x87: {  	v2 =	vperm.xlane v2, v0;
	_ =	sdelay $0x1  }
0x88: {  	v2 =	vadd.s32 v1, v2;
	_ =	sdelay $0x3  }
0x89: {  	s17 =	simm.s32 $0x6200  }
0x8a: {  	[tilespmem:s17], [sflag:$0x5] =	stream.indirect_vreg.gather [hbm4b:s1+s3], $0x80, v2, vm0, $0xb8;
	[tilespmem:$0x1E200] =	vst v63  }
0x8b: {  	s21 =	simm.s32 $0x6A00  }
0x8c: {  	[tilespmem:s21], [sflag:$0x5] =	stream.indirect_vreg.gather [hbm4b:s24+s3], $0x80, v2, vm0, $0xb8;
	[tilespmem:$0x1E200] =	vst v63  }
0x8d: {  	s25 =	simm.s32 $0x7200  }
0x8e: {  	[tilespmem:s25], [sflag:$0x5] =	stream.indirect_vreg.gather [hbm4b:s26+s3], $0x80, v2, vm0, $0xb8;
	[tilespmem:$0x1E200] =	vst v63  }
0x8f: {  	s30 =	simm.s32 $0x7A00  }
0x90: {  	[tilespmem:s30], [sflag:$0x5] =	stream.indirect_vreg.gather [hbm4b:s28+s3], $0x80, v2, vm0, $0xb8;
	[tilespmem:$0x1E200] =	vst v63  }
0x91: {  	v2 =	vld.msk [tilespmem:$0x8], $0xff;
	_ =	sdelay $0x4  }
0x92: {  	v3 =	vshll.u32 v2, $0x3  }
0x93: {  	v2 =	vand.u32 $0x7, v2;
	v3 =	vand.u32 $0xFFFFFFC0, v3  }
0x94: {  	v2 =	vor.u32 v2, v3  }
0x95: {  	v2 =	vperm.xlane v2, v0;
	_ =	sdelay $0x1  }
0x96: {  	v2 =	vadd.s32 v1, v2;
	_ =	sdelay $0x3  }
0x97: {  	s15 =	simm.s32 $0x8200  }
0x98: {  	[tilespmem:s15], [sflag:$0x6] =	stream.indirect_vreg.gather [hbm4b:s1+s3], $0x80, v2, vm0, $0xb8;
	[tilespmem:$0x1E200] =	vst v63  }
0x99: {  	s17 =	simm.s32 $0x8A00  }
0x9a: {  	[tilespmem:s17], [sflag:$0x6] =	stream.indirect_vreg.gather [hbm4b:s24+s3], $0x80, v2, vm0, $0xb8;
	[tilespmem:$0x1E200] =	vst v63  }
0x9b: {  	s18 =	simm.s32 $0x9200  }
0x9c: {  	[tilespmem:s18], [sflag:$0x6] =	stream.indirect_vreg.gather [hbm4b:s26+s3], $0x80, v2, vm0, $0xb8;
	[tilespmem:$0x1E200] =	vst v63  }
0x9d: {  	s21 =	simm.s32 $0x9A00  }
0x9e: {  	[tilespmem:s21], [sflag:$0x6] =	stream.indirect_vreg.gather [hbm4b:s28+s3], $0x80, v2, vm0, $0xb8;
	[tilespmem:$0x1E200] =	vst v63  }
0x9f: {  	_ =	swait.ge [sflag:s22], $0x2000  }
0xa0: {  	[sflag:s22] =	ssyncset.done $0x0  }
0xa1: {  	[sflag:s22] =	ssyncadd.s32 $0xFFFFE000  }
0xa2: {  	s25 =	sand.u32 $0x1C00, s3;
	_ =	swait.ge [sflag:s23], $0x2000  }
0xa3: {  	s30 =	sor.u32 s25, s3;
	[sflag:s23] =	ssyncset.done $0x0  }
0xa4: {  	s17 =	sor.u32 $0x70, s30;
	s18 =	sand.u32 $0x380, s3;
	[sflag:s23] =	ssyncadd.s32 $0xFFFFE000  }
0xa5: {  	s15 =	sor.u32 s18, s25;
	v2 =	vld [tilespmem:s17+$0xE200]  }
0xa6: {  	v5 =	vld [tilespmem:s15+$0xE200]  }
0xa7: {  	v6 =	vld [tilespmem:s15+$0xE210]  }
0xa8: {  	v7 =	vld [tilespmem:s15+$0xE220]  }
0xa9: {  	v8 =	vld [tilespmem:s15+$0xE230]  }
0xaa: {  	v4 =	vld [tilespmem:s15+$0xE240]  }
0xab: {  	v3 =	vld [tilespmem:s15+$0xE250]  }
0xac: {  	[tilespmem:s17+$0x200] =	vst.add.f32.msk $0xffff, v2  }
0xad: {  	v2 =	vld [tilespmem:s15+$0xE260]  }
0xae: {  	[tilespmem:s15+$0x200] =	vst.add.f32.msk $0xffff, v5  }
0xaf: {  	[tilespmem:s15+$0x210] =	vst.add.f32.msk $0xffff, v6  }
0xb0: {  	s9 =	simm.s32 $0x200;
	s13 =	simm.s32 $0x4200;
	[tilespmem:s15+$0x220] =	vst.add.f32.msk $0xffff, v7  }
0xb1: {  	s18 =	simm.s32 $0x400;
	s25 =	simm.s32 $0x0;
	s17 =	simm.s32 $0x0;
	[tilespmem:s15+$0x230] =	vst.add.f32.msk $0xffff, v8  }
.LBB2_2:
0xb2: {  	s21 =	sand.u32 $0x1C00, s18;
	s17 =	sadd.s32 $0x8, s17;
	[tilespmem:s15+$0x240] =	vst.add.f32.msk $0xffff, v4;
	s25 =	sadd.s32 $0x10, s25  }
0xb3: {  	s30 =	sand.u32 $0x380, s25;
	s5 =	sor.u32 s21, s25;
	p0 =	slt.u32 s17, $0x1F8;
	[tilespmem:s15+$0x250] =	vst.add.f32.msk $0xffff, v3  }
0xb4: {  	s5 =	sor.u32 $0x70, s5;
	[tilespmem:s15+$0x260] =	vst.add.f32.msk $0xffff, v2;
	s15 =	sor.u32 s30, s21  }
0xb5: {  	v2 =	vld [tilespmem:s5+$0xE200]  }
0xb6: {  	v5 =	vld [tilespmem:s15+$0xE200]  }
0xb7: {  	v6 =	vld [tilespmem:s15+$0xE210]  }
0xb8: {  	v7 =	vld [tilespmem:s15+$0xE220]  }
0xb9: {  	v8 =	vld [tilespmem:s15+$0xE230]  }
0xba: {  	[tilespmem:s5+$0x200] =	vst.add.f32.msk $0xffff, v2  }
0xbb: {  	v4 =	vld [tilespmem:s15+$0xE240]  }
0xbc: {  	v3 =	vld [tilespmem:s15+$0xE250]  }
.Ltmp0:
0xbd: {  	v2 =	vld [tilespmem:s15+$0xE260];
	(pc) =	sbr.rel @p0 .LBB2_2-.Ltmp0, $4  }
0xbe: {  	[tilespmem:s15+$0x200] =	vst.add.f32.msk $0xffff, v5  }
0xbf: {  	[tilespmem:s15+$0x210] =	vst.add.f32.msk $0xffff, v6  }
0xc0: {  	[tilespmem:s15+$0x220] =	vst.add.f32.msk $0xffff, v7  }
0xc1: {  	s18 =	sadd.s32 $0x400, s18;
	[tilespmem:s15+$0x230] =	vst.add.f32.msk $0xffff, v8  }
0xc2: {  	[tilespmem:s15+$0x240] =	vst.add.f32.msk $0xffff, v4  }
0xc3: {  	[tilespmem:s15+$0x250] =	vst.add.f32.msk $0xffff, v3  }
0xc4: {  	[tilespmem:s15+$0x260] =	vst.add.f32.msk $0xffff, v2  }
0xc5: {  	v2 =	vld.msk [tilespmem:$0x88], $0xff;
	_ =	sdelay $0x4  }
0xc6: {  	v3 =	vshll.u32 v2, $0x3  }
0xc7: {  	v2 =	vand.u32 $0x7, v2;
	v3 =	vand.u32 $0xFFFFFFC0, v3  }
0xc8: {  	v2 =	vor.u32 v2, v3  }
0xc9: {  	v2 =	vperm.xlane v2, v0;
	_ =	sdelay $0x1  }
0xca: {  	v2 =	vadd.s32 v1, v2;
	_ =	sdelay $0x3  }
0xcb: {  	s15 =	simm.s32 $0x0;
	s5 =	simm.s32 $0xA200  }
0xcc: {  	[tilespmem:s5], [sflag:$0x7] =	stream.indirect_vreg.gather [hbm4b:s1+s15], $0x80, v2, vm0, $0xb8;
	[tilespmem:$0x1E200] =	vst v63  }
0xcd: {  	s18 =	simm.s32 $0xAA00  }
0xce: {  	[tilespmem:s18], [sflag:$0x7] =	stream.indirect_vreg.gather [hbm4b:s24+s15], $0x80, v2, vm0, $0xb8;
	[tilespmem:$0x1E200] =	vst v63  }
0xcf: {  	s21 =	simm.s32 $0xB200  }
0xd0: {  	[tilespmem:s21], [sflag:$0x7] =	stream.indirect_vreg.gather [hbm4b:s26+s15], $0x80, v2, vm0, $0xb8;
	[tilespmem:$0x1E200] =	vst v63  }
0xd1: {  	s25 =	simm.s32 $0xBA00  }
0xd2: {  	[tilespmem:s25], [sflag:$0x7] =	stream.indirect_vreg.gather [hbm4b:s28+s15], $0x80, v2, vm0, $0xb8;
	[tilespmem:$0x1E200] =	vst v63  }
0xd3: {  	s30 =	sand.u32 $0x1C00, s15;
	_ =	swait.ge [sflag:s20], $0x2000  }
0xd4: {  	s17 =	sor.u32 s30, s15;
	[sflag:s20] =	ssyncset.done $0x0  }
0xd5: {  	s18 =	sand.u32 $0x380, s15;
	s21 =	sor.u32 $0x70, s17;
	[sflag:s20] =	ssyncadd.s32 $0xFFFFE000  }
0xd6: {  	s17 =	sor.u32 s18, s30;
	v2 =	vld [tilespmem:s21+$0xE200]  }
0xd7: {  	v5 =	vld [tilespmem:s17+$0xE200]  }
0xd8: {  	v6 =	vld [tilespmem:s17+$0xE210]  }
0xd9: {  	v7 =	vld [tilespmem:s17+$0xE220]  }
0xda: {  	v8 =	vld [tilespmem:s17+$0xE230]  }
0xdb: {  	v4 =	vld [tilespmem:s17+$0xE240]  }
0xdc: {  	v3 =	vld [tilespmem:s17+$0xE250]  }
0xdd: {  	[tilespmem:s21+$0x2200] =	vst.add.f32.msk $0xffff, v2  }
0xde: {  	v2 =	vld [tilespmem:s17+$0xE260]  }
0xdf: {  	[tilespmem:s17+$0x2200] =	vst.add.f32.msk $0xffff, v5  }
0xe0: {  	[tilespmem:s17+$0x2210] =	vst.add.f32.msk $0xffff, v6  }
0xe1: {  	[tilespmem:s17+$0x2220] =	vst.add.f32.msk $0xffff, v7  }
0xe2: {  	s18 =	simm.s32 $0x0;
	s25 =	simm.s32 $0x400;
	[tilespmem:s17+$0x2230] =	vst.add.f32.msk $0xffff, v8  }
.LBB2_4:
0xe3: {  	s5 =	sand.u32 $0x1C00, s25;
	s18 =	sadd.s32 $0x8, s18;
	[tilespmem:s17+$0x2240] =	vst.add.f32.msk $0xffff, v4;
	s15 =	sadd.s32 $0x10, s15  }
0xe4: {  	s21 =	sand.u32 $0x380, s15;
	s30 =	sor.u32 s5, s15;
	p0 =	slt.u32 s18, $0x1F8;
	[tilespmem:s17+$0x2250] =	vst.add.f32.msk $0xffff, v3  }
0xe5: {  	s30 =	sor.u32 $0x70, s30;
	[tilespmem:s17+$0x2260] =	vst.add.f32.msk $0xffff, v2;
	s17 =	sor.u32 s21, s5  }
0xe6: {  	v2 =	vld [tilespmem:s30+$0xE200]  }
0xe7: {  	v5 =	vld [tilespmem:s17+$0xE200]  }
0xe8: {  	v6 =	vld [tilespmem:s17+$0xE210]  }
0xe9: {  	v7 =	vld [tilespmem:s17+$0xE220]  }
0xea: {  	v8 =	vld [tilespmem:s17+$0xE230]  }
0xeb: {  	[tilespmem:s30+$0x2200] =	vst.add.f32.msk $0xffff, v2  }
0xec: {  	v4 =	vld [tilespmem:s17+$0xE240]  }
0xed: {  	v3 =	vld [tilespmem:s17+$0xE250]  }
.Ltmp1:
0xee: {  	v2 =	vld [tilespmem:s17+$0xE260];
	(pc) =	sbr.rel @p0 .LBB2_4-.Ltmp1, $4  }
0xef: {  	[tilespmem:s17+$0x2200] =	vst.add.f32.msk $0xffff, v5  }
0xf0: {  	[tilespmem:s17+$0x2210] =	vst.add.f32.msk $0xffff, v6  }
0xf1: {  	[tilespmem:s17+$0x2220] =	vst.add.f32.msk $0xffff, v7  }
0xf2: {  	s25 =	sadd.s32 $0x400, s25;
	[tilespmem:s17+$0x2230] =	vst.add.f32.msk $0xffff, v8  }
0xf3: {  	[tilespmem:s17+$0x2240] =	vst.add.f32.msk $0xffff, v4  }
0xf4: {  	[tilespmem:s17+$0x2250] =	vst.add.f32.msk $0xffff, v3  }
0xf5: {  	[tilespmem:s17+$0x2260] =	vst.add.f32.msk $0xffff, v2  }
0xf6: {  	s15 =	simm.s32 $0x0;
	s5 =	rddreg [dreg:$0x11]  }
0xf7: {  	[hbm4b:s5+s15] =	stream.linear.scatter [tilespmem:s9], [sflag:$0x9], $0x2000, $0x38;
	[tilespmem:$0x1E200] =	vst v63  }
0xf8: {  	v2 =	vld.msk [tilespmem:$0x108], $0xff;
	_ =	sdelay $0x4  }
0xf9: {  	v3 =	vshll.u32 v2, $0x3  }
0xfa: {  	v2 =	vand.u32 $0x7, v2;
	v3 =	vand.u32 $0xFFFFFFC0, v3  }
0xfb: {  	v2 =	vor.u32 v2, v3  }
0xfc: {  	v2 =	vperm.xlane v2, v0;
	_ =	sdelay $0x1  }
0xfd: {  	v2 =	vadd.s32 v1, v2;
	_ =	sdelay $0x3  }
0xfe: {  	s30 =	simm.s32 $0xC200  }
0xff: {  	[tilespmem:s30], [sflag:$0x8] =	stream.indirect_vreg.gather [hbm4b:s1+s15], $0x80, v2, vm0, $0xb8;
	[tilespmem:$0x1E200] =	vst v63  }
0x100: {  	s17 =	simm.s32 $0xCA00  }
0x101: {  	[tilespmem:s17], [sflag:$0x8] =	stream.indirect_vreg.gather [hbm4b:s24+s15], $0x80, v2, vm0, $0xb8;
	[tilespmem:$0x1E200] =	vst v63  }
0x102: {  	s18 =	simm.s32 $0xD200  }
0x103: {  	[tilespmem:s18], [sflag:$0x8] =	stream.indirect_vreg.gather [hbm4b:s26+s15], $0x80, v2, vm0, $0xb8;
	[tilespmem:$0x1E200] =	vst v63  }
0x104: {  	s21 =	simm.s32 $0xDA00  }
0x105: {  	[tilespmem:s21], [sflag:$0x8] =	stream.indirect_vreg.gather [hbm4b:s28+s15], $0x80, v2, vm0, $0xb8;
	[tilespmem:$0x1E200] =	vst v63  }
0x106: {  	s25 =	sand.u32 $0x1C00, s15;
	_ =	swait.ge [sflag:s4], $0x2000  }
0x107: {  	s30 =	sor.u32 s25, s15;
	[sflag:s4] =	ssyncset.done $0x0  }
0x108: {  	s18 =	sand.u32 $0x380, s15;
	s21 =	sor.u32 $0x70, s30;
	[sflag:s4] =	ssyncadd.s32 $0xFFFFE000  }
0x109: {  	s17 =	sor.u32 s18, s25;
	v2 =	vld [tilespmem:s21+$0xE200]  }
0x10a: {  	v5 =	vld [tilespmem:s17+$0xE200]  }
0x10b: {  	v6 =	vld [tilespmem:s17+$0xE210]  }
0x10c: {  	v7 =	vld [tilespmem:s17+$0xE220]  }
0x10d: {  	v8 =	vld [tilespmem:s17+$0xE230]  }
0x10e: {  	v4 =	vld [tilespmem:s17+$0xE240]  }
0x10f: {  	v3 =	vld [tilespmem:s17+$0xE250]  }
0x110: {  	[tilespmem:s21+$0x4200] =	vst.add.f32.msk $0xffff, v2  }
0x111: {  	v2 =	vld [tilespmem:s17+$0xE260]  }
0x112: {  	[tilespmem:s17+$0x4200] =	vst.add.f32.msk $0xffff, v5  }
0x113: {  	[tilespmem:s17+$0x4210] =	vst.add.f32.msk $0xffff, v6  }
0x114: {  	[tilespmem:s17+$0x4220] =	vst.add.f32.msk $0xffff, v7  }
0x115: {  	s18 =	simm.s32 $0x0;
	s25 =	simm.s32 $0x400;
	[tilespmem:s17+$0x4230] =	vst.add.f32.msk $0xffff, v8  }
.LBB2_6:
0x116: {  	s5 =	sand.u32 $0x1C00, s25;
	s18 =	sadd.s32 $0x8, s18;
	[tilespmem:s17+$0x4240] =	vst.add.f32.msk $0xffff, v4;
	s15 =	sadd.s32 $0x10, s15  }
0x117: {  	s21 =	sand.u32 $0x380, s15;
	s30 =	sor.u32 s5, s15;
	p0 =	slt.u32 s18, $0x1F8;
	[tilespmem:s17+$0x4250] =	vst.add.f32.msk $0xffff, v3  }
0x118: {  	s30 =	sor.u32 $0x70, s30;
	[tilespmem:s17+$0x4260] =	vst.add.f32.msk $0xffff, v2;
	s17 =	sor.u32 s21, s5  }
0x119: {  	v2 =	vld [tilespmem:s30+$0xE200]  }
0x11a: {  	v5 =	vld [tilespmem:s17+$0xE200]  }
0x11b: {  	v6 =	vld [tilespmem:s17+$0xE210]  }
0x11c: {  	v7 =	vld [tilespmem:s17+$0xE220]  }
0x11d: {  	v8 =	vld [tilespmem:s17+$0xE230]  }
0x11e: {  	[tilespmem:s30+$0x4200] =	vst.add.f32.msk $0xffff, v2  }
0x11f: {  	v4 =	vld [tilespmem:s17+$0xE240]  }
0x120: {  	v3 =	vld [tilespmem:s17+$0xE250]  }
.Ltmp2:
0x121: {  	v2 =	vld [tilespmem:s17+$0xE260];
	(pc) =	sbr.rel @p0 .LBB2_6-.Ltmp2, $4  }
0x122: {  	[tilespmem:s17+$0x4200] =	vst.add.f32.msk $0xffff, v5  }
0x123: {  	[tilespmem:s17+$0x4210] =	vst.add.f32.msk $0xffff, v6  }
0x124: {  	[tilespmem:s17+$0x4220] =	vst.add.f32.msk $0xffff, v7  }
0x125: {  	s25 =	sadd.s32 $0x400, s25;
	[tilespmem:s17+$0x4230] =	vst.add.f32.msk $0xffff, v8  }
0x126: {  	[tilespmem:s17+$0x4240] =	vst.add.f32.msk $0xffff, v4  }
0x127: {  	[tilespmem:s17+$0x4250] =	vst.add.f32.msk $0xffff, v3  }
0x128: {  	[tilespmem:s17+$0x4260] =	vst.add.f32.msk $0xffff, v2  }
0x129: {  	s15 =	simm.s32 $0x0;
	s30 =	simm.s32 $0x2200;
	s5 =	rddreg [dreg:$0x1a]  }
0x12a: {  	[hbm4b:s5+s15] =	stream.linear.scatter [tilespmem:s30], [sflag:$0xA], $0x2000, $0x38;
	[tilespmem:$0x1E200] =	vst v63  }
0x12b: {  	_ =	swait.ge [sflag:s16], $0x2000  }
0x12c: {  	[sflag:s16] =	ssyncset.done $0x0  }
0x12d: {  	[sflag:s16] =	ssyncadd.s32 $0xFFFFE000  }
0x12e: {  	v2 =	vld.msk [tilespmem:$0x188], $0xff;
	_ =	sdelay $0x4  }
0x12f: {  	v3 =	vshll.u32 v2, $0x3  }
0x130: {  	v2 =	vand.u32 $0x7, v2;
	v3 =	vand.u32 $0xFFFFFFC0, v3  }
0x131: {  	v2 =	vor.u32 v2, v3  }
0x132: {  	v2 =	vperm.xlane v2, v0;
	_ =	sdelay $0x1  }
0x133: {  	v2 =	vadd.s32 v1, v2;
	_ =	sdelay $0x4  }
0x134: {  	[tilespmem:s9], [sflag:$0x2] =	stream.indirect_vreg.gather [hbm4b:s1+s15], $0x80, v2, vm0, $0xb8;
	[tilespmem:$0x1E200] =	vst v63  }
0x135: {  	s9 =	simm.s32 $0xA00  }
0x136: {  	[tilespmem:s9], [sflag:$0x2] =	stream.indirect_vreg.gather [hbm4b:s24+s15], $0x80, v2, vm0, $0xb8;
	[tilespmem:$0x1E200] =	vst v63  }
0x137: {  	s18 =	simm.s32 $0x1200  }
0x138: {  	[tilespmem:s18], [sflag:$0x2] =	stream.indirect_vreg.gather [hbm4b:s26+s15], $0x80, v2, vm0, $0xb8;
	[tilespmem:$0x1E200] =	vst v63  }
0x139: {  	s21 =	simm.s32 $0x1A00  }
0x13a: {  	[tilespmem:s21], [sflag:$0x2] =	stream.indirect_vreg.gather [hbm4b:s28+s15], $0x80, v2, vm0, $0xb8;
	[tilespmem:$0x1E200] =	vst v63  }
0x13b: {  	s25 =	sand.u32 $0x1C00, s15;
	_ =	swait.ge [sflag:s19], $0x2000  }
0x13c: {  	s30 =	sor.u32 s25, s15;
	[sflag:s19] =	ssyncset.done $0x0  }
0x13d: {  	s18 =	sand.u32 $0x380, s15;
	s21 =	sor.u32 $0x70, s30;
	[sflag:s19] =	ssyncadd.s32 $0xFFFFE000  }
0x13e: {  	s17 =	sor.u32 s18, s25;
	v2 =	vld [tilespmem:s21+$0xE200]  }
0x13f: {  	v5 =	vld [tilespmem:s17+$0xE200]  }
0x140: {  	v6 =	vld [tilespmem:s17+$0xE210]  }
0x141: {  	v7 =	vld [tilespmem:s17+$0xE220]  }
0x142: {  	v8 =	vld [tilespmem:s17+$0xE230]  }
0x143: {  	v4 =	vld [tilespmem:s17+$0xE240]  }
0x144: {  	v3 =	vld [tilespmem:s17+$0xE250]  }
0x145: {  	[tilespmem:s21+$0x6200] =	vst.add.f32.msk $0xffff, v2  }
0x146: {  	v2 =	vld [tilespmem:s17+$0xE260]  }
0x147: {  	[tilespmem:s17+$0x6200] =	vst.add.f32.msk $0xffff, v5  }
0x148: {  	[tilespmem:s17+$0x6210] =	vst.add.f32.msk $0xffff, v6  }
0x149: {  	[tilespmem:s17+$0x6220] =	vst.add.f32.msk $0xffff, v7  }
0x14a: {  	s18 =	simm.s32 $0x0;
	s25 =	simm.s32 $0x400;
	[tilespmem:s17+$0x6230] =	vst.add.f32.msk $0xffff, v8  }
.LBB2_8:
0x14b: {  	s5 =	sand.u32 $0x1C00, s25;
	s18 =	sadd.s32 $0x8, s18;
	[tilespmem:s17+$0x6240] =	vst.add.f32.msk $0xffff, v4;
	s15 =	sadd.s32 $0x10, s15  }
0x14c: {  	s21 =	sand.u32 $0x380, s15;
	s30 =	sor.u32 s5, s15;
	p0 =	slt.u32 s18, $0x1F8;
	[tilespmem:s17+$0x6250] =	vst.add.f32.msk $0xffff, v3  }
0x14d: {  	s30 =	sor.u32 $0x70, s30;
	[tilespmem:s17+$0x6260] =	vst.add.f32.msk $0xffff, v2;
	s17 =	sor.u32 s21, s5  }
0x14e: {  	v2 =	vld [tilespmem:s30+$0xE200]  }
0x14f: {  	v5 =	vld [tilespmem:s17+$0xE200]  }
0x150: {  	v6 =	vld [tilespmem:s17+$0xE210]  }
0x151: {  	v7 =	vld [tilespmem:s17+$0xE220]  }
0x152: {  	v8 =	vld [tilespmem:s17+$0xE230]  }
0x153: {  	[tilespmem:s30+$0x6200] =	vst.add.f32.msk $0xffff, v2  }
0x154: {  	v4 =	vld [tilespmem:s17+$0xE240]  }
0x155: {  	v3 =	vld [tilespmem:s17+$0xE250]  }
.Ltmp3:
0x156: {  	v2 =	vld [tilespmem:s17+$0xE260];
	(pc) =	sbr.rel @p0 .LBB2_8-.Ltmp3, $4  }
0x157: {  	[tilespmem:s17+$0x6200] =	vst.add.f32.msk $0xffff, v5  }
0x158: {  	[tilespmem:s17+$0x6210] =	vst.add.f32.msk $0xffff, v6  }
0x159: {  	[tilespmem:s17+$0x6220] =	vst.add.f32.msk $0xffff, v7  }
0x15a: {  	s25 =	sadd.s32 $0x400, s25;
	[tilespmem:s17+$0x6230] =	vst.add.f32.msk $0xffff, v8  }
0x15b: {  	[tilespmem:s17+$0x6240] =	vst.add.f32.msk $0xffff, v4  }
0x15c: {  	[tilespmem:s17+$0x6250] =	vst.add.f32.msk $0xffff, v3  }
0x15d: {  	[tilespmem:s17+$0x6260] =	vst.add.f32.msk $0xffff, v2  }
0x15e: {  	s15 =	simm.s32 $0x0;
	s5 =	rddreg [dreg:$0x1b]  }
0x15f: {  	[hbm4b:s5+s15] =	stream.linear.scatter [tilespmem:s13], [sflag:$0xB], $0x2000, $0x38;
	[tilespmem:$0x1E200] =	vst v63  }
0x160: {  	_ =	swait.ge [sflag:s31], $0x2000  }
0x161: {  	[sflag:s31] =	ssyncset.done $0x0  }
0x162: {  	[sflag:s31] =	ssyncadd.s32 $0xFFFFE000  }
0x163: {  	v2 =	vld.msk [tilespmem:$0x10], $0xff;
	_ =	sdelay $0x4  }
0x164: {  	v3 =	vshll.u32 v2, $0x3  }
0x165: {  	v2 =	vand.u32 $0x7, v2;
	v3 =	vand.u32 $0xFFFFFFC0, v3  }
0x166: {  	v2 =	vor.u32 v2, v3  }
0x167: {  	v2 =	vperm.xlane v2, v0;
	_ =	sdelay $0x1  }
0x168: {  	v2 =	vadd.s32 v1, v2;
	_ =	sdelay $0x3  }
0x169: {  	s30 =	simm.s32 $0x2200  }
0x16a: {  	[tilespmem:s30], [sflag:$0x3] =	stream.indirect_vreg.gather [hbm4b:s1+s15], $0x80, v2, vm0, $0xb8;
	[tilespmem:$0x1E200] =	vst v63  }
0x16b: {  	s17 =	simm.s32 $0x2A00  }
0x16c: {  	[tilespmem:s17], [sflag:$0x3] =	stream.indirect_vreg.gather [hbm4b:s24+s15], $0x80, v2, vm0, $0xb8;
	[tilespmem:$0x1E200] =	vst v63  }
0x16d: {  	s18 =	simm.s32 $0x3200  }
0x16e: {  	[tilespmem:s18], [sflag:$0x3] =	stream.indirect_vreg.gather [hbm4b:s26+s15], $0x80, v2, vm0, $0xb8;
	[tilespmem:$0x1E200] =	vst v63  }
0x16f: {  	s21 =	simm.s32 $0x3A00  }
0x170: {  	[tilespmem:s21], [sflag:$0x3] =	stream.indirect_vreg.gather [hbm4b:s28+s15], $0x80, v2, vm0, $0xb8;
	[tilespmem:$0x1E200] =	vst v63  }
0x171: {  	_ =	swait.ge [sflag:s2], $0x2000  }
0x172: {  	[sflag:s2] =	ssyncset.done $0x0  }
0x173: {  	[sflag:s2] =	ssyncadd.s32 $0xFFFFE000  }
0x174: {  	s25 =	simm.s32 $0x0;
	_ =	swait.ge [sflag:s23], $0x2000  }
0x175: {  	s5 =	sand.u32 $0x380, s25;
	s30 =	sand.u32 $0x1C00, s15;
	[sflag:s23] =	ssyncset.done $0x0  }
0x176: {  	s17 =	sor.u32 s30, s5;
	[sflag:s23] =	ssyncadd.s32 $0xFFFFE000  }
0x177: {  	s5 =	sadd.s32 $0xE200, s17;
	v2 =	vld [tilespmem:s17+$0x10200]  }
0x178: {  	v3 =	vld [tilespmem:s5+$0x2070]  }
0x179: {  	v5 =	vld [tilespmem:s5+$0x2010]  }
0x17a: {  	v6 =	vld [tilespmem:s5+$0x2020]  }
0x17b: {  	v7 =	vld [tilespmem:s5+$0x2030]  }
0x17c: {  	v8 =	vld [tilespmem:s5+$0x2040]  }
0x17d: {  	v4 =	vld [tilespmem:s5+$0x2050]  }
0x17e: {  	[tilespmem:s17+$0x8270] =	vst.add.f32.msk $0xffff, v3  }
0x17f: {  	v3 =	vld [tilespmem:s5+$0x2060]  }
0x180: {  	[tilespmem:s17+$0x8210] =	vst.add.f32.msk $0xffff, v5  }
0x181: {  	[tilespmem:s17+$0x8220] =	vst.add.f32.msk $0xffff, v6  }
0x182: {  	[tilespmem:s17+$0x8230] =	vst.add.f32.msk $0xffff, v7  }
0x183: {  	s25 =	simm.s32 $0x40;
	s18 =	simm.s32 $0x0;
	[tilespmem:s17+$0x8240] =	vst.add.f32.msk $0xffff, v8  }
.LBB2_10:
0x184: {  	s5 =	sshrl.u32 s25, $0x2;
	s18 =	sadd.s32 $0x8, s18;
	[tilespmem:s17+$0x8250] =	vst.add.f32.msk $0xffff, v4;
	s15 =	sadd.s32 $0x400, s15  }
0x185: {  	s21 =	sand.u32 $0x1C00, s15;
	s5 =	sand.u32 $0x380, s5;
	p0 =	slt.u32 s18, $0x1F8;
	[tilespmem:s17+$0x8260] =	vst.add.f32.msk $0xffff, v3  }
0x186: {  	[tilespmem:s17+$0x8200] =	vst.add.f32.msk $0xffff, v2;
	s17 =	sor.u32 s21, s5  }
0x187: {  	v2 =	vld [tilespmem:s17+$0x10200];
	s5 =	sadd.s32 $0xE200, s17  }
0x188: {  	v3 =	vld [tilespmem:s5+$0x2070]  }
0x189: {  	v5 =	vld [tilespmem:s5+$0x2010]  }
0x18a: {  	v6 =	vld [tilespmem:s5+$0x2020]  }
0x18b: {  	v7 =	vld [tilespmem:s5+$0x2030]  }
0x18c: {  	v8 =	vld [tilespmem:s5+$0x2040]  }
0x18d: {  	[tilespmem:s17+$0x8270] =	vst.add.f32.msk $0xffff, v3  }
0x18e: {  	v4 =	vld [tilespmem:s5+$0x2050]  }
.Ltmp4:
0x18f: {  	v3 =	vld [tilespmem:s5+$0x2060];
	(pc) =	sbr.rel @p0 .LBB2_10-.Ltmp4, $4  }
0x190: {  	[tilespmem:s17+$0x8210] =	vst.add.f32.msk $0xffff, v5  }
0x191: {  	[tilespmem:s17+$0x8220] =	vst.add.f32.msk $0xffff, v6  }
0x192: {  	[tilespmem:s17+$0x8230] =	vst.add.f32.msk $0xffff, v7  }
0x193: {  	s25 =	sadd.s32 $0x40, s25;
	[tilespmem:s17+$0x8240] =	vst.add.f32.msk $0xffff, v8  }
0x194: {  	[tilespmem:s17+$0x8250] =	vst.add.f32.msk $0xffff, v4  }
0x195: {  	[tilespmem:s17+$0x8260] =	vst.add.f32.msk $0xffff, v3  }
0x196: {  	[tilespmem:s17+$0x8200] =	vst.add.f32.msk $0xffff, v2  }
0x197: {  	s15 =	simm.s32 $0x0;
	s30 =	simm.s32 $0x6200;
	s5 =	rddreg [dreg:$0x1c]  }
0x198: {  	[hbm4b:s5+s15] =	stream.linear.scatter [tilespmem:s30], [sflag:$0xC], $0x2000, $0x38;
	[tilespmem:$0x1E200] =	vst v63  }
0x199: {  	_ =	swait.ge [sflag:s0], $0x2000  }
0x19a: {  	[sflag:s0] =	ssyncset.done $0x0  }
0x19b: {  	[sflag:s0] =	ssyncadd.s32 $0xFFFFE000  }
0x19c: {  	v2 =	vld.msk [tilespmem:$0x90], $0xff;
	_ =	sdelay $0x4  }
0x19d: {  	v3 =	vshll.u32 v2, $0x3  }
0x19e: {  	v2 =	vand.u32 $0x7, v2;
	v3 =	vand.u32 $0xFFFFFFC0, v3  }
0x19f: {  	v2 =	vor.u32 v2, v3  }
0x1a0: {  	v2 =	vperm.xlane v2, v0;
	_ =	sdelay $0x1  }
0x1a1: {  	v2 =	vadd.s32 v1, v2;
	_ =	sdelay $0x4  }
0x1a2: {  	[tilespmem:s13], [sflag:$0x4] =	stream.indirect_vreg.gather [hbm4b:s1+s15], $0x80, v2, vm0, $0xb8;
	[tilespmem:$0x1E200] =	vst v63  }
0x1a3: {  	s17 =	simm.s32 $0x4A00  }
0x1a4: {  	[tilespmem:s17], [sflag:$0x4] =	stream.indirect_vreg.gather [hbm4b:s24+s15], $0x80, v2, vm0, $0xb8;
	[tilespmem:$0x1E200] =	vst v63  }
0x1a5: {  	s18 =	simm.s32 $0x5200  }
0x1a6: {  	[tilespmem:s18], [sflag:$0x4] =	stream.indirect_vreg.gather [hbm4b:s26+s15], $0x80, v2, vm0, $0xb8;
	[tilespmem:$0x1E200] =	vst v63  }
0x1a7: {  	s21 =	simm.s32 $0x5A00  }
0x1a8: {  	[tilespmem:s21], [sflag:$0x4] =	stream.indirect_vreg.gather [hbm4b:s28+s15], $0x80, v2, vm0, $0xb8;
	[tilespmem:$0x1E200] =	vst v63  }
0x1a9: {  	s25 =	simm.s32 $0x0;
	_ =	swait.ge [sflag:s6], $0x2000  }
0x1aa: {  	s30 =	sand.u32 $0x1C00, s15;
	s5 =	sand.u32 $0x380, s25;
	[sflag:s6] =	ssyncset.done $0x0  }
0x1ab: {  	s17 =	sor.u32 s30, s5;
	[sflag:s6] =	ssyncadd.s32 $0xFFFFE000  }
0x1ac: {  	s5 =	sadd.s32 $0xE200, s17;
	v2 =	vld [tilespmem:s17+$0x10200]  }
0x1ad: {  	v3 =	vld [tilespmem:s5+$0x2070]  }
0x1ae: {  	v5 =	vld [tilespmem:s5+$0x2010]  }
0x1af: {  	v6 =	vld [tilespmem:s5+$0x2020]  }
0x1b0: {  	v7 =	vld [tilespmem:s5+$0x2030]  }
0x1b1: {  	v8 =	vld [tilespmem:s5+$0x2040]  }
0x1b2: {  	v4 =	vld [tilespmem:s5+$0x2050]  }
0x1b3: {  	[tilespmem:s17+$0xA270] =	vst.add.f32.msk $0xffff, v3  }
0x1b4: {  	v3 =	vld [tilespmem:s5+$0x2060]  }
0x1b5: {  	[tilespmem:s17+$0xA210] =	vst.add.f32.msk $0xffff, v5  }
0x1b6: {  	[tilespmem:s17+$0xA220] =	vst.add.f32.msk $0xffff, v6  }
0x1b7: {  	[tilespmem:s17+$0xA230] =	vst.add.f32.msk $0xffff, v7  }
0x1b8: {  	s25 =	simm.s32 $0x40;
	s18 =	simm.s32 $0x0;
	[tilespmem:s17+$0xA240] =	vst.add.f32.msk $0xffff, v8  }
.LBB2_12:
0x1b9: {  	s5 =	sshrl.u32 s25, $0x2;
	s18 =	sadd.s32 $0x8, s18;
	[tilespmem:s17+$0xA250] =	vst.add.f32.msk $0xffff, v4;
	s15 =	sadd.s32 $0x400, s15  }
0x1ba: {  	s21 =	sand.u32 $0x1C00, s15;
	s5 =	sand.u32 $0x380, s5;
	p0 =	slt.u32 s18, $0x1F8;
	[tilespmem:s17+$0xA260] =	vst.add.f32.msk $0xffff, v3  }
0x1bb: {  	[tilespmem:s17+$0xA200] =	vst.add.f32.msk $0xffff, v2;
	s17 =	sor.u32 s21, s5  }
0x1bc: {  	v2 =	vld [tilespmem:s17+$0x10200];
	s5 =	sadd.s32 $0xE200, s17  }
0x1bd: {  	v3 =	vld [tilespmem:s5+$0x2070]  }
0x1be: {  	v5 =	vld [tilespmem:s5+$0x2010]  }
0x1bf: {  	v6 =	vld [tilespmem:s5+$0x2020]  }
0x1c0: {  	v7 =	vld [tilespmem:s5+$0x2030]  }
0x1c1: {  	v8 =	vld [tilespmem:s5+$0x2040]  }
0x1c2: {  	[tilespmem:s17+$0xA270] =	vst.add.f32.msk $0xffff, v3  }
0x1c3: {  	v4 =	vld [tilespmem:s5+$0x2050]  }
.Ltmp5:
0x1c4: {  	v3 =	vld [tilespmem:s5+$0x2060];
	(pc) =	sbr.rel @p0 .LBB2_12-.Ltmp5, $4  }
0x1c5: {  	[tilespmem:s17+$0xA210] =	vst.add.f32.msk $0xffff, v5  }
0x1c6: {  	[tilespmem:s17+$0xA220] =	vst.add.f32.msk $0xffff, v6  }
0x1c7: {  	[tilespmem:s17+$0xA230] =	vst.add.f32.msk $0xffff, v7  }
0x1c8: {  	s25 =	sadd.s32 $0x40, s25;
	[tilespmem:s17+$0xA240] =	vst.add.f32.msk $0xffff, v8  }
0x1c9: {  	[tilespmem:s17+$0xA250] =	vst.add.f32.msk $0xffff, v4  }
0x1ca: {  	[tilespmem:s17+$0xA260] =	vst.add.f32.msk $0xffff, v3  }
0x1cb: {  	[tilespmem:s17+$0xA200] =	vst.add.f32.msk $0xffff, v2  }
0x1cc: {  	s15 =	simm.s32 $0x0;
	s25 =	simm.s32 $0x8200;
	s5 =	rddreg [dreg:$0x12]  }
0x1cd: {  	[hbm4b:s5+s15] =	stream.linear.scatter [tilespmem:s25], [sflag:$0xD], $0x2000, $0x38;
	[tilespmem:$0x1E200] =	vst v63  }
0x1ce: {  	_ =	swait.ge [sflag:s7], $0x2000  }
0x1cf: {  	[sflag:s7] =	ssyncset.done $0x0  }
0x1d0: {  	[sflag:s7] =	ssyncadd.s32 $0xFFFFE000  }
0x1d1: {  	v2 =	vld.msk [tilespmem:$0x110], $0xff;
	_ =	sdelay $0x4  }
0x1d2: {  	v3 =	vshll.u32 v2, $0x3  }
0x1d3: {  	v2 =	vand.u32 $0x7, v2;
	v3 =	vand.u32 $0xFFFFFFC0, v3  }
0x1d4: {  	v2 =	vor.u32 v2, v3  }
0x1d5: {  	v2 =	vperm.xlane v2, v0;
	_ =	sdelay $0x1  }
0x1d6: {  	v2 =	vadd.s32 v1, v2;
	_ =	sdelay $0x3  }
0x1d7: {  	s30 =	simm.s32 $0x6200  }
0x1d8: {  	[tilespmem:s30], [sflag:$0x5] =	stream.indirect_vreg.gather [hbm4b:s1+s15], $0x80, v2, vm0, $0xb8;
	[tilespmem:$0x1E200] =	vst v63  }
0x1d9: {  	s17 =	simm.s32 $0x6A00  }
0x1da: {  	[tilespmem:s17], [sflag:$0x5] =	stream.indirect_vreg.gather [hbm4b:s24+s15], $0x80, v2, vm0, $0xb8;
	[tilespmem:$0x1E200] =	vst v63  }
0x1db: {  	s18 =	simm.s32 $0x7200  }
0x1dc: {  	[tilespmem:s18], [sflag:$0x5] =	stream.indirect_vreg.gather [hbm4b:s26+s15], $0x80, v2, vm0, $0xb8;
	[tilespmem:$0x1E200] =	vst v63  }
0x1dd: {  	s21 =	simm.s32 $0x7A00  }
0x1de: {  	[tilespmem:s21], [sflag:$0x5] =	stream.indirect_vreg.gather [hbm4b:s28+s15], $0x80, v2, vm0, $0xb8;
	[tilespmem:$0x1E200] =	vst v63  }
0x1df: {  	s25 =	simm.s32 $0x0;
	_ =	swait.ge [sflag:s8], $0x2000  }
0x1e0: {  	s5 =	sand.u32 $0x380, s25;
	s30 =	sand.u32 $0x1C00, s15;
	[sflag:s8] =	ssyncset.done $0x0  }
0x1e1: {  	s17 =	sor.u32 s30, s5;
	[sflag:s8] =	ssyncadd.s32 $0xFFFFE000  }
0x1e2: {  	s5 =	sadd.s32 $0xE200, s17;
	v2 =	vld [tilespmem:s17+$0x10200]  }
0x1e3: {  	v3 =	vld [tilespmem:s5+$0x2070]  }
0x1e4: {  	v5 =	vld [tilespmem:s5+$0x2010]  }
0x1e5: {  	v6 =	vld [tilespmem:s5+$0x2020]  }
0x1e6: {  	v7 =	vld [tilespmem:s5+$0x2030]  }
0x1e7: {  	v8 =	vld [tilespmem:s5+$0x2040]  }
0x1e8: {  	v4 =	vld [tilespmem:s5+$0x2050]  }
0x1e9: {  	[tilespmem:s17+$0xC270] =	vst.add.f32.msk $0xffff, v3  }
0x1ea: {  	v3 =	vld [tilespmem:s5+$0x2060]  }
0x1eb: {  	[tilespmem:s17+$0xC210] =	vst.add.f32.msk $0xffff, v5  }
0x1ec: {  	[tilespmem:s17+$0xC220] =	vst.add.f32.msk $0xffff, v6  }
0x1ed: {  	[tilespmem:s17+$0xC230] =	vst.add.f32.msk $0xffff, v7  }
0x1ee: {  	s25 =	simm.s32 $0x40;
	s18 =	simm.s32 $0x0;
	[tilespmem:s17+$0xC240] =	vst.add.f32.msk $0xffff, v8  }
.LBB2_14:
0x1ef: {  	s5 =	sshrl.u32 s25, $0x2;
	s18 =	sadd.s32 $0x8, s18;
	[tilespmem:s17+$0xC250] =	vst.add.f32.msk $0xffff, v4;
	s15 =	sadd.s32 $0x400, s15  }
0x1f0: {  	s21 =	sand.u32 $0x1C00, s15;
	s5 =	sand.u32 $0x380, s5;
	p0 =	slt.u32 s18, $0x1F8;
	[tilespmem:s17+$0xC260] =	vst.add.f32.msk $0xffff, v3  }
0x1f1: {  	[tilespmem:s17+$0xC200] =	vst.add.f32.msk $0xffff, v2;
	s17 =	sor.u32 s21, s5  }
0x1f2: {  	v2 =	vld [tilespmem:s17+$0x10200];
	s5 =	sadd.s32 $0xE200, s17  }
0x1f3: {  	v3 =	vld [tilespmem:s5+$0x2070]  }
0x1f4: {  	v5 =	vld [tilespmem:s5+$0x2010]  }
0x1f5: {  	v6 =	vld [tilespmem:s5+$0x2020]  }
0x1f6: {  	v7 =	vld [tilespmem:s5+$0x2030]  }
0x1f7: {  	v8 =	vld [tilespmem:s5+$0x2040]  }
0x1f8: {  	[tilespmem:s17+$0xC270] =	vst.add.f32.msk $0xffff, v3  }
0x1f9: {  	v4 =	vld [tilespmem:s5+$0x2050]  }
.Ltmp6:
0x1fa: {  	v3 =	vld [tilespmem:s5+$0x2060];
	(pc) =	sbr.rel @p0 .LBB2_14-.Ltmp6, $4  }
0x1fb: {  	[tilespmem:s17+$0xC210] =	vst.add.f32.msk $0xffff, v5  }
0x1fc: {  	[tilespmem:s17+$0xC220] =	vst.add.f32.msk $0xffff, v6  }
0x1fd: {  	[tilespmem:s17+$0xC230] =	vst.add.f32.msk $0xffff, v7  }
0x1fe: {  	s25 =	sadd.s32 $0x40, s25;
	[tilespmem:s17+$0xC240] =	vst.add.f32.msk $0xffff, v8  }
0x1ff: {  	[tilespmem:s17+$0xC250] =	vst.add.f32.msk $0xffff, v4  }
0x200: {  	[tilespmem:s17+$0xC260] =	vst.add.f32.msk $0xffff, v3  }
0x201: {  	[tilespmem:s17+$0xC200] =	vst.add.f32.msk $0xffff, v2  }
0x202: {  	s15 =	simm.s32 $0x0;
	s18 =	simm.s32 $0xA200;
	s5 =	rddreg [dreg:$0x1d]  }
0x203: {  	[hbm4b:s5+s15] =	stream.linear.scatter [tilespmem:s18], [sflag:$0xE], $0x2000, $0x38;
	[tilespmem:$0x1E200] =	vst v63  }
0x204: {  	_ =	swait.ge [sflag:s10], $0x2000  }
0x205: {  	[sflag:s10] =	ssyncset.done $0x0  }
0x206: {  	[sflag:s10] =	ssyncadd.s32 $0xFFFFE000  }
0x207: {  	v2 =	vld.msk [tilespmem:$0x190], $0xff;
	_ =	sdelay $0x4  }
0x208: {  	v3 =	vshll.u32 v2, $0x3  }
0x209: {  	v2 =	vand.u32 $0x7, v2;
	v3 =	vand.u32 $0xFFFFFFC0, v3  }
0x20a: {  	v2 =	vor.u32 v2, v3  }
0x20b: {  	v2 =	vperm.xlane v2, v0;
	_ =	sdelay $0x1  }
0x20c: {  	v2 =	vadd.s32 v1, v2;
	_ =	sdelay $0x3  }
0x20d: {  	s21 =	simm.s32 $0x8200  }
0x20e: {  	[tilespmem:s21], [sflag:$0x6] =	stream.indirect_vreg.gather [hbm4b:s1+s15], $0x80, v2, vm0, $0xb8;
	[tilespmem:$0x1E200] =	vst v63  }
0x20f: {  	s25 =	simm.s32 $0x8A00  }
0x210: {  	[tilespmem:s25], [sflag:$0x6] =	stream.indirect_vreg.gather [hbm4b:s24+s15], $0x80, v2, vm0, $0xb8;
	[tilespmem:$0x1E200] =	vst v63  }
0x211: {  	s17 =	simm.s32 $0x9200  }
0x212: {  	[tilespmem:s17], [sflag:$0x6] =	stream.indirect_vreg.gather [hbm4b:s26+s15], $0x80, v2, vm0, $0xb8;
	[tilespmem:$0x1E200] =	vst v63  }
0x213: {  	s18 =	simm.s32 $0x9A00  }
0x214: {  	[tilespmem:s18], [sflag:$0x6] =	stream.indirect_vreg.gather [hbm4b:s28+s15], $0x80, v2, vm0, $0xb8;
	[tilespmem:$0x1E200] =	vst v63  }
0x215: {  	s21 =	simm.s32 $0x0;
	_ =	swait.ge [sflag:s22], $0x2000  }
0x216: {  	s5 =	sand.u32 $0x380, s21;
	s25 =	sand.u32 $0x1C00, s15;
	[sflag:s22] =	ssyncset.done $0x0  }
0x217: {  	s17 =	sor.u32 s25, s5;
	[sflag:s22] =	ssyncadd.s32 $0xFFFFE000  }
0x218: {  	s5 =	sadd.s32 $0xE200, s17;
	v2 =	vld [tilespmem:s17+$0x10200]  }
0x219: {  	v3 =	vld [tilespmem:s5+$0x2070]  }
0x21a: {  	v5 =	vld [tilespmem:s5+$0x2010]  }
0x21b: {  	v6 =	vld [tilespmem:s5+$0x2020]  }
0x21c: {  	v7 =	vld [tilespmem:s5+$0x2030]  }
0x21d: {  	v8 =	vld [tilespmem:s5+$0x2040]  }
0x21e: {  	v4 =	vld [tilespmem:s5+$0x2050]  }
0x21f: {  	[tilespmem:s17+$0x270] =	vst.add.f32.msk $0xffff, v3  }
0x220: {  	v3 =	vld [tilespmem:s5+$0x2060]  }
0x221: {  	[tilespmem:s17+$0x210] =	vst.add.f32.msk $0xffff, v5  }
0x222: {  	[tilespmem:s17+$0x220] =	vst.add.f32.msk $0xffff, v6  }
0x223: {  	[tilespmem:s17+$0x230] =	vst.add.f32.msk $0xffff, v7  }
0x224: {  	s30 =	simm.s32 $0x200;
	s25 =	simm.s32 $0x40;
	s18 =	simm.s32 $0x0;
	[tilespmem:s17+$0x240] =	vst.add.f32.msk $0xffff, v8  }
.LBB2_16:
0x225: {  	s5 =	sshrl.u32 s25, $0x2;
	s18 =	sadd.s32 $0x8, s18;
	[tilespmem:s17+$0x250] =	vst.add.f32.msk $0xffff, v4;
	s15 =	sadd.s32 $0x400, s15  }
0x226: {  	s21 =	sand.u32 $0x1C00, s15;
	s5 =	sand.u32 $0x380, s5;
	p0 =	slt.u32 s18, $0x1F8;
	[tilespmem:s17+$0x260] =	vst.add.f32.msk $0xffff, v3  }
0x227: {  	[tilespmem:s17+$0x200] =	vst.add.f32.msk $0xffff, v2;
	s17 =	sor.u32 s21, s5  }
0x228: {  	v2 =	vld [tilespmem:s17+$0x10200];
	s5 =	sadd.s32 $0xE200, s17  }
0x229: {  	v3 =	vld [tilespmem:s5+$0x2070]  }
0x22a: {  	v5 =	vld [tilespmem:s5+$0x2010]  }
0x22b: {  	v6 =	vld [tilespmem:s5+$0x2020]  }
0x22c: {  	v7 =	vld [tilespmem:s5+$0x2030]  }
0x22d: {  	v8 =	vld [tilespmem:s5+$0x2040]  }
0x22e: {  	[tilespmem:s17+$0x270] =	vst.add.f32.msk $0xffff, v3  }
0x22f: {  	v4 =	vld [tilespmem:s5+$0x2050]  }
.Ltmp7:
0x230: {  	v3 =	vld [tilespmem:s5+$0x2060];
	(pc) =	sbr.rel @p0 .LBB2_16-.Ltmp7, $4  }
0x231: {  	[tilespmem:s17+$0x210] =	vst.add.f32.msk $0xffff, v5  }
0x232: {  	[tilespmem:s17+$0x220] =	vst.add.f32.msk $0xffff, v6  }
0x233: {  	[tilespmem:s17+$0x230] =	vst.add.f32.msk $0xffff, v7  }
0x234: {  	s25 =	sadd.s32 $0x40, s25;
	[tilespmem:s17+$0x240] =	vst.add.f32.msk $0xffff, v8  }
0x235: {  	[tilespmem:s17+$0x250] =	vst.add.f32.msk $0xffff, v4  }
0x236: {  	[tilespmem:s17+$0x260] =	vst.add.f32.msk $0xffff, v3  }
0x237: {  	[tilespmem:s17+$0x200] =	vst.add.f32.msk $0xffff, v2  }
0x238: {  	s15 =	simm.s32 $0x0;
	s18 =	simm.s32 $0xC200;
	s5 =	rddreg [dreg:$0x1e]  }
0x239: {  	[hbm4b:s5+s15] =	stream.linear.scatter [tilespmem:s18], [sflag:$0xF], $0x2000, $0x38;
	[tilespmem:$0x1E200] =	vst v63  }
0x23a: {  	_ =	swait.ge [sflag:s11], $0x2000  }
0x23b: {  	[sflag:s11] =	ssyncset.done $0x0  }
0x23c: {  	[sflag:s11] =	ssyncadd.s32 $0xFFFFE000  }
0x23d: {  	v2 =	vld.msk [tilespmem:$0x18], $0xff;
	_ =	sdelay $0x4  }
0x23e: {  	v3 =	vshll.u32 v2, $0x3  }
0x23f: {  	v2 =	vand.u32 $0x7, v2;
	v3 =	vand.u32 $0xFFFFFFC0, v3  }
0x240: {  	v2 =	vor.u32 v2, v3  }
0x241: {  	v2 =	vperm.xlane v2, v0;
	_ =	sdelay $0x1  }
0x242: {  	v2 =	vadd.s32 v1, v2;
	_ =	sdelay $0x3  }
0x243: {  	s21 =	simm.s32 $0xA200  }
0x244: {  	[tilespmem:s21], [sflag:$0x7] =	stream.indirect_vreg.gather [hbm4b:s1+s15], $0x80, v2, vm0, $0xb8;
	[tilespmem:$0x1E200] =	vst v63  }
0x245: {  	s25 =	simm.s32 $0xAA00  }
0x246: {  	[tilespmem:s25], [sflag:$0x7] =	stream.indirect_vreg.gather [hbm4b:s24+s15], $0x80, v2, vm0, $0xb8;
	[tilespmem:$0x1E200] =	vst v63  }
0x247: {  	s17 =	simm.s32 $0xB200  }
0x248: {  	[tilespmem:s17], [sflag:$0x7] =	stream.indirect_vreg.gather [hbm4b:s26+s15], $0x80, v2, vm0, $0xb8;
	[tilespmem:$0x1E200] =	vst v63  }
0x249: {  	s18 =	simm.s32 $0xBA00  }
0x24a: {  	[tilespmem:s18], [sflag:$0x7] =	stream.indirect_vreg.gather [hbm4b:s28+s15], $0x80, v2, vm0, $0xb8;
	[tilespmem:$0x1E200] =	vst v63  }
0x24b: {  	_ =	swait.ge [sflag:s20], $0x2000  }
0x24c: {  	[sflag:s20] =	ssyncset.done $0x0  }
0x24d: {  	[sflag:s20] =	ssyncadd.s32 $0xFFFFE000  }
0x24e: {  	s21 =	simm.s32 $0x0;
	_ =	swait.ge [sflag:s23], $0x2000  }
0x24f: {  	s5 =	sand.u32 $0x380, s21;
	s25 =	sand.u32 $0x1C00, s15;
	[sflag:s23] =	ssyncset.done $0x0  }
0x250: {  	s17 =	sor.u32 s25, s5;
	[sflag:s23] =	ssyncadd.s32 $0xFFFFE000  }
0x251: {  	s5 =	sadd.s32 $0xE200, s17;
	v2 =	vld [tilespmem:s17+$0x12200]  }
0x252: {  	v3 =	vld [tilespmem:s5+$0x4070]  }
0x253: {  	v5 =	vld [tilespmem:s5+$0x4010]  }
0x254: {  	v6 =	vld [tilespmem:s5+$0x4020]  }
0x255: {  	v7 =	vld [tilespmem:s5+$0x4030]  }
0x256: {  	v8 =	vld [tilespmem:s5+$0x4040]  }
0x257: {  	v4 =	vld [tilespmem:s5+$0x4050]  }
0x258: {  	[tilespmem:s17+$0x2270] =	vst.add.f32.msk $0xffff, v3  }
0x259: {  	v3 =	vld [tilespmem:s5+$0x4060]  }
0x25a: {  	[tilespmem:s17+$0x2210] =	vst.add.f32.msk $0xffff, v5  }
0x25b: {  	[tilespmem:s17+$0x2220] =	vst.add.f32.msk $0xffff, v6  }
0x25c: {  	[tilespmem:s17+$0x2230] =	vst.add.f32.msk $0xffff, v7  }
0x25d: {  	s25 =	simm.s32 $0x40;
	s18 =	simm.s32 $0x0;
	[tilespmem:s17+$0x2240] =	vst.add.f32.msk $0xffff, v8  }
.LBB2_18:
0x25e: {  	s5 =	sshrl.u32 s25, $0x2;
	s18 =	sadd.s32 $0x8, s18;
	[tilespmem:s17+$0x2250] =	vst.add.f32.msk $0xffff, v4;
	s15 =	sadd.s32 $0x400, s15  }
0x25f: {  	s21 =	sand.u32 $0x1C00, s15;
	s5 =	sand.u32 $0x380, s5;
	p0 =	slt.u32 s18, $0x1F8;
	[tilespmem:s17+$0x2260] =	vst.add.f32.msk $0xffff, v3  }
0x260: {  	[tilespmem:s17+$0x2200] =	vst.add.f32.msk $0xffff, v2;
	s17 =	sor.u32 s21, s5  }
0x261: {  	v2 =	vld [tilespmem:s17+$0x12200];
	s5 =	sadd.s32 $0xE200, s17  }
0x262: {  	v3 =	vld [tilespmem:s5+$0x4070]  }
0x263: {  	v5 =	vld [tilespmem:s5+$0x4010]  }
0x264: {  	v6 =	vld [tilespmem:s5+$0x4020]  }
0x265: {  	v7 =	vld [tilespmem:s5+$0x4030]  }
0x266: {  	v8 =	vld [tilespmem:s5+$0x4040]  }
0x267: {  	[tilespmem:s17+$0x2270] =	vst.add.f32.msk $0xffff, v3  }
0x268: {  	v4 =	vld [tilespmem:s5+$0x4050]  }
.Ltmp8:
0x269: {  	v3 =	vld [tilespmem:s5+$0x4060];
	(pc) =	sbr.rel @p0 .LBB2_18-.Ltmp8, $4  }
0x26a: {  	[tilespmem:s17+$0x2210] =	vst.add.f32.msk $0xffff, v5  }
0x26b: {  	[tilespmem:s17+$0x2220] =	vst.add.f32.msk $0xffff, v6  }
0x26c: {  	[tilespmem:s17+$0x2230] =	vst.add.f32.msk $0xffff, v7  }
0x26d: {  	s25 =	sadd.s32 $0x40, s25;
	[tilespmem:s17+$0x2240] =	vst.add.f32.msk $0xffff, v8  }
0x26e: {  	[tilespmem:s17+$0x2250] =	vst.add.f32.msk $0xffff, v4  }
0x26f: {  	[tilespmem:s17+$0x2260] =	vst.add.f32.msk $0xffff, v3  }
0x270: {  	[tilespmem:s17+$0x2200] =	vst.add.f32.msk $0xffff, v2  }
0x271: {  	s15 =	simm.s32 $0x0;
	s5 =	rddreg [dreg:$0x1f]  }
0x272: {  	[hbm4b:s5+s15] =	stream.linear.scatter [tilespmem:s30], [sflag:$0x9], $0x2000, $0x38;
	[tilespmem:$0x1E200] =	vst v63  }
0x273: {  	_ =	swait.ge [sflag:s12], $0x2000  }
0x274: {  	[sflag:s12] =	ssyncset.done $0x0  }
0x275: {  	[sflag:s12] =	ssyncadd.s32 $0xFFFFE000  }
0x276: {  	v2 =	vld.msk [tilespmem:$0x98], $0xff;
	_ =	sdelay $0x4  }
0x277: {  	v3 =	vshll.u32 v2, $0x3  }
0x278: {  	v2 =	vand.u32 $0x7, v2;
	v3 =	vand.u32 $0xFFFFFFC0, v3  }
0x279: {  	v2 =	vor.u32 v2, v3  }
0x27a: {  	v2 =	vperm.xlane v2, v0;
	_ =	sdelay $0x1  }
0x27b: {  	v2 =	vadd.s32 v1, v2;
	_ =	sdelay $0x3  }
0x27c: {  	s21 =	simm.s32 $0xC200  }
0x27d: {  	[tilespmem:s21], [sflag:$0x8] =	stream.indirect_vreg.gather [hbm4b:s1+s15], $0x80, v2, vm0, $0xb8;
	[tilespmem:$0x1E200] =	vst v63  }
0x27e: {  	s25 =	simm.s32 $0xCA00  }
0x27f: {  	[tilespmem:s25], [sflag:$0x8] =	stream.indirect_vreg.gather [hbm4b:s24+s15], $0x80, v2, vm0, $0xb8;
	[tilespmem:$0x1E200] =	vst v63  }
0x280: {  	s17 =	simm.s32 $0xD200  }
0x281: {  	[tilespmem:s17], [sflag:$0x8] =	stream.indirect_vreg.gather [hbm4b:s26+s15], $0x80, v2, vm0, $0xb8;
	[tilespmem:$0x1E200] =	vst v63  }
0x282: {  	s18 =	simm.s32 $0xDA00  }
0x283: {  	[tilespmem:s18], [sflag:$0x8] =	stream.indirect_vreg.gather [hbm4b:s28+s15], $0x80, v2, vm0, $0xb8;
	[tilespmem:$0x1E200] =	vst v63  }
0x284: {  	s21 =	simm.s32 $0x0;
	_ =	swait.ge [sflag:s4], $0x2000  }
0x285: {  	s5 =	sand.u32 $0x380, s21;
	s25 =	sand.u32 $0x1C00, s15;
	[sflag:s4] =	ssyncset.done $0x0  }
0x286: {  	s17 =	sor.u32 s25, s5;
	[sflag:s4] =	ssyncadd.s32 $0xFFFFE000  }
0x287: {  	s5 =	sadd.s32 $0xE200, s17;
	v2 =	vld [tilespmem:s17+$0x12200]  }
0x288: {  	v3 =	vld [tilespmem:s5+$0x4070]  }
0x289: {  	v5 =	vld [tilespmem:s5+$0x4010]  }
0x28a: {  	v6 =	vld [tilespmem:s5+$0x4020]  }
0x28b: {  	v7 =	vld [tilespmem:s5+$0x4030]  }
0x28c: {  	v8 =	vld [tilespmem:s5+$0x4040]  }
0x28d: {  	v4 =	vld [tilespmem:s5+$0x4050]  }
0x28e: {  	[tilespmem:s17+$0x4270] =	vst.add.f32.msk $0xffff, v3  }
0x28f: {  	v3 =	vld [tilespmem:s5+$0x4060]  }
0x290: {  	[tilespmem:s17+$0x4210] =	vst.add.f32.msk $0xffff, v5  }
0x291: {  	[tilespmem:s17+$0x4220] =	vst.add.f32.msk $0xffff, v6  }
0x292: {  	[tilespmem:s17+$0x4230] =	vst.add.f32.msk $0xffff, v7  }
0x293: {  	s25 =	simm.s32 $0x40;
	s18 =	simm.s32 $0x0;
	[tilespmem:s17+$0x4240] =	vst.add.f32.msk $0xffff, v8  }
.LBB2_20:
0x294: {  	s5 =	sshrl.u32 s25, $0x2;
	s18 =	sadd.s32 $0x8, s18;
	[tilespmem:s17+$0x4250] =	vst.add.f32.msk $0xffff, v4;
	s15 =	sadd.s32 $0x400, s15  }
0x295: {  	s21 =	sand.u32 $0x1C00, s15;
	s5 =	sand.u32 $0x380, s5;
	p0 =	slt.u32 s18, $0x1F8;
	[tilespmem:s17+$0x4260] =	vst.add.f32.msk $0xffff, v3  }
0x296: {  	[tilespmem:s17+$0x4200] =	vst.add.f32.msk $0xffff, v2;
	s17 =	sor.u32 s21, s5  }
0x297: {  	v2 =	vld [tilespmem:s17+$0x12200];
	s5 =	sadd.s32 $0xE200, s17  }
0x298: {  	v3 =	vld [tilespmem:s5+$0x4070]  }
0x299: {  	v5 =	vld [tilespmem:s5+$0x4010]  }
0x29a: {  	v6 =	vld [tilespmem:s5+$0x4020]  }
0x29b: {  	v7 =	vld [tilespmem:s5+$0x4030]  }
0x29c: {  	v8 =	vld [tilespmem:s5+$0x4040]  }
0x29d: {  	[tilespmem:s17+$0x4270] =	vst.add.f32.msk $0xffff, v3  }
0x29e: {  	v4 =	vld [tilespmem:s5+$0x4050]  }
.Ltmp9:
0x29f: {  	v3 =	vld [tilespmem:s5+$0x4060];
	(pc) =	sbr.rel @p0 .LBB2_20-.Ltmp9, $4  }
0x2a0: {  	[tilespmem:s17+$0x4210] =	vst.add.f32.msk $0xffff, v5  }
0x2a1: {  	[tilespmem:s17+$0x4220] =	vst.add.f32.msk $0xffff, v6  }
0x2a2: {  	[tilespmem:s17+$0x4230] =	vst.add.f32.msk $0xffff, v7  }
0x2a3: {  	s25 =	sadd.s32 $0x40, s25;
	[tilespmem:s17+$0x4240] =	vst.add.f32.msk $0xffff, v8  }
0x2a4: {  	[tilespmem:s17+$0x4250] =	vst.add.f32.msk $0xffff, v4  }
0x2a5: {  	[tilespmem:s17+$0x4260] =	vst.add.f32.msk $0xffff, v3  }
0x2a6: {  	[tilespmem:s17+$0x4200] =	vst.add.f32.msk $0xffff, v2  }
0x2a7: {  	s15 =	simm.s32 $0x0;
	s25 =	simm.s32 $0x2200;
	s5 =	rddreg [dreg:$0x13]  }
0x2a8: {  	[hbm4b:s5+s15] =	stream.linear.scatter [tilespmem:s25], [sflag:$0xA], $0x2000, $0x38;
	[tilespmem:$0x1E200] =	vst v63  }
0x2a9: {  	_ =	swait.ge [sflag:s16], $0x2000  }
0x2aa: {  	[sflag:s16] =	ssyncset.done $0x0  }
0x2ab: {  	[sflag:s16] =	ssyncadd.s32 $0xFFFFE000  }
0x2ac: {  	v2 =	vld.msk [tilespmem:$0x118], $0xff;
	_ =	sdelay $0x4  }
0x2ad: {  	v3 =	vshll.u32 v2, $0x3  }
0x2ae: {  	v2 =	vand.u32 $0x7, v2;
	v3 =	vand.u32 $0xFFFFFFC0, v3  }
0x2af: {  	v2 =	vor.u32 v2, v3  }
0x2b0: {  	v2 =	vperm.xlane v2, v0;
	_ =	sdelay $0x1  }
0x2b1: {  	v2 =	vadd.s32 v1, v2;
	_ =	sdelay $0x4  }
0x2b2: {  	[tilespmem:s30], [sflag:$0x2] =	stream.indirect_vreg.gather [hbm4b:s1+s15], $0x80, v2, vm0, $0xb8;
	[tilespmem:$0x1E200] =	vst v63  }
0x2b3: {  	_ = 	snop  }
0x2b4: {  	[tilespmem:s9], [sflag:$0x2] =	stream.indirect_vreg.gather [hbm4b:s24+s15], $0x80, v2, vm0, $0xb8;
	[tilespmem:$0x1E200] =	vst v63  }
0x2b5: {  	s17 =	simm.s32 $0x1200  }
0x2b6: {  	[tilespmem:s17], [sflag:$0x2] =	stream.indirect_vreg.gather [hbm4b:s26+s15], $0x80, v2, vm0, $0xb8;
	[tilespmem:$0x1E200] =	vst v63  }
0x2b7: {  	s18 =	simm.s32 $0x1A00  }
0x2b8: {  	[tilespmem:s18], [sflag:$0x2] =	stream.indirect_vreg.gather [hbm4b:s28+s15], $0x80, v2, vm0, $0xb8;
	[tilespmem:$0x1E200] =	vst v63  }
0x2b9: {  	s21 =	simm.s32 $0x0;
	_ =	swait.ge [sflag:s19], $0x2000  }
0x2ba: {  	s25 =	sand.u32 $0x1C00, s15;
	s5 =	sand.u32 $0x380, s21;
	[sflag:s19] =	ssyncset.done $0x0  }
0x2bb: {  	s17 =	sor.u32 s25, s5;
	[sflag:s19] =	ssyncadd.s32 $0xFFFFE000  }
0x2bc: {  	s5 =	sadd.s32 $0xE200, s17;
	v2 =	vld [tilespmem:s17+$0x12200]  }
0x2bd: {  	v3 =	vld [tilespmem:s5+$0x4070]  }
0x2be: {  	v5 =	vld [tilespmem:s5+$0x4010]  }
0x2bf: {  	v6 =	vld [tilespmem:s5+$0x4020]  }
0x2c0: {  	v7 =	vld [tilespmem:s5+$0x4030]  }
0x2c1: {  	v8 =	vld [tilespmem:s5+$0x4040]  }
0x2c2: {  	v4 =	vld [tilespmem:s5+$0x4050]  }
0x2c3: {  	[tilespmem:s17+$0x6270] =	vst.add.f32.msk $0xffff, v3  }
0x2c4: {  	v3 =	vld [tilespmem:s5+$0x4060]  }
0x2c5: {  	[tilespmem:s17+$0x6210] =	vst.add.f32.msk $0xffff, v5  }
0x2c6: {  	[tilespmem:s17+$0x6220] =	vst.add.f32.msk $0xffff, v6  }
0x2c7: {  	[tilespmem:s17+$0x6230] =	vst.add.f32.msk $0xffff, v7  }
0x2c8: {  	s25 =	simm.s32 $0x40;
	s18 =	simm.s32 $0x0;
	[tilespmem:s17+$0x6240] =	vst.add.f32.msk $0xffff, v8  }
.LBB2_22:
0x2c9: {  	s5 =	sshrl.u32 s25, $0x2;
	s18 =	sadd.s32 $0x8, s18;
	[tilespmem:s17+$0x6250] =	vst.add.f32.msk $0xffff, v4;
	s15 =	sadd.s32 $0x400, s15  }
0x2ca: {  	s21 =	sand.u32 $0x1C00, s15;
	s5 =	sand.u32 $0x380, s5;
	p0 =	slt.u32 s18, $0x1F8;
	[tilespmem:s17+$0x6260] =	vst.add.f32.msk $0xffff, v3  }
0x2cb: {  	[tilespmem:s17+$0x6200] =	vst.add.f32.msk $0xffff, v2;
	s17 =	sor.u32 s21, s5  }
0x2cc: {  	v2 =	vld [tilespmem:s17+$0x12200];
	s5 =	sadd.s32 $0xE200, s17  }
0x2cd: {  	v3 =	vld [tilespmem:s5+$0x4070]  }
0x2ce: {  	v5 =	vld [tilespmem:s5+$0x4010]  }
0x2cf: {  	v6 =	vld [tilespmem:s5+$0x4020]  }
0x2d0: {  	v7 =	vld [tilespmem:s5+$0x4030]  }
0x2d1: {  	v8 =	vld [tilespmem:s5+$0x4040]  }
0x2d2: {  	[tilespmem:s17+$0x6270] =	vst.add.f32.msk $0xffff, v3  }
0x2d3: {  	v4 =	vld [tilespmem:s5+$0x4050]  }
.Ltmp10:
0x2d4: {  	v3 =	vld [tilespmem:s5+$0x4060];
	(pc) =	sbr.rel @p0 .LBB2_22-.Ltmp10, $4  }
0x2d5: {  	[tilespmem:s17+$0x6210] =	vst.add.f32.msk $0xffff, v5  }
0x2d6: {  	[tilespmem:s17+$0x6220] =	vst.add.f32.msk $0xffff, v6  }
0x2d7: {  	[tilespmem:s17+$0x6230] =	vst.add.f32.msk $0xffff, v7  }
0x2d8: {  	s25 =	sadd.s32 $0x40, s25;
	[tilespmem:s17+$0x6240] =	vst.add.f32.msk $0xffff, v8  }
0x2d9: {  	[tilespmem:s17+$0x6250] =	vst.add.f32.msk $0xffff, v4  }
0x2da: {  	[tilespmem:s17+$0x6260] =	vst.add.f32.msk $0xffff, v3  }
0x2db: {  	[tilespmem:s17+$0x6200] =	vst.add.f32.msk $0xffff, v2  }
0x2dc: {  	s5 =	sld [smem:$0x7EC];
	_ =	sdelay $0x1  }
0x2dd: {  	s15 =	simm.s32 $0x0  }
0x2de: {  	[hbm4b:s5+s15] =	stream.linear.scatter [tilespmem:s13], [sflag:$0xB], $0x2000, $0x38;
	[tilespmem:$0x1E200] =	vst v63  }
0x2df: {  	_ =	swait.ge [sflag:s31], $0x2000  }
0x2e0: {  	[sflag:s31] =	ssyncset.done $0x0  }
0x2e1: {  	[sflag:s31] =	ssyncadd.s32 $0xFFFFE000  }
0x2e2: {  	v2 =	vld.msk [tilespmem:$0x198], $0xff;
	_ =	sdelay $0x4  }
0x2e3: {  	v3 =	vshll.u32 v2, $0x3  }
0x2e4: {  	v2 =	vand.u32 $0x7, v2;
	v3 =	vand.u32 $0xFFFFFFC0, v3  }
0x2e5: {  	v2 =	vor.u32 v2, v3  }
0x2e6: {  	v2 =	vperm.xlane v2, v0;
	_ =	sdelay $0x1  }
0x2e7: {  	v2 =	vadd.s32 v1, v2;
	_ =	sdelay $0x3  }
0x2e8: {  	s21 =	simm.s32 $0x2200  }
0x2e9: {  	[tilespmem:s21], [sflag:$0x3] =	stream.indirect_vreg.gather [hbm4b:s1+s15], $0x80, v2, vm0, $0xb8;
	[tilespmem:$0x1E200] =	vst v63  }
0x2ea: {  	s25 =	simm.s32 $0x2A00  }
0x2eb: {  	[tilespmem:s25], [sflag:$0x3] =	stream.indirect_vreg.gather [hbm4b:s24+s15], $0x80, v2, vm0, $0xb8;
	[tilespmem:$0x1E200] =	vst v63  }
0x2ec: {  	s17 =	simm.s32 $0x3200  }
0x2ed: {  	[tilespmem:s17], [sflag:$0x3] =	stream.indirect_vreg.gather [hbm4b:s26+s15], $0x80, v2, vm0, $0xb8;
	[tilespmem:$0x1E200] =	vst v63  }
0x2ee: {  	s18 =	simm.s32 $0x3A00  }
0x2ef: {  	[tilespmem:s18], [sflag:$0x3] =	stream.indirect_vreg.gather [hbm4b:s28+s15], $0x80, v2, vm0, $0xb8;
	[tilespmem:$0x1E200] =	vst v63  }
0x2f0: {  	s21 =	simm.s32 $0x0;
	_ =	swait.ge [sflag:s2], $0x2000  }
0x2f1: {  	s5 =	sand.u32 $0x380, s21;
	s25 =	sand.u32 $0x1C00, s15;
	[sflag:s2] =	ssyncset.done $0x0  }
0x2f2: {  	s17 =	sor.u32 s25, s5;
	[sflag:s2] =	ssyncadd.s32 $0xFFFFE000  }
0x2f3: {  	s5 =	sadd.s32 $0xE200, s17;
	v2 =	vld [tilespmem:s17+$0x12200]  }
0x2f4: {  	v3 =	vld [tilespmem:s5+$0x4070]  }
0x2f5: {  	v5 =	vld [tilespmem:s5+$0x4010]  }
0x2f6: {  	v6 =	vld [tilespmem:s5+$0x4020]  }
0x2f7: {  	v7 =	vld [tilespmem:s5+$0x4030]  }
0x2f8: {  	v8 =	vld [tilespmem:s5+$0x4040]  }
0x2f9: {  	v4 =	vld [tilespmem:s5+$0x4050]  }
0x2fa: {  	[tilespmem:s17+$0x8270] =	vst.add.f32.msk $0xffff, v3  }
0x2fb: {  	v3 =	vld [tilespmem:s5+$0x4060]  }
0x2fc: {  	[tilespmem:s17+$0x8210] =	vst.add.f32.msk $0xffff, v5  }
0x2fd: {  	[tilespmem:s17+$0x8220] =	vst.add.f32.msk $0xffff, v6  }
0x2fe: {  	[tilespmem:s17+$0x8230] =	vst.add.f32.msk $0xffff, v7  }
0x2ff: {  	s25 =	simm.s32 $0x40;
	s18 =	simm.s32 $0x0;
	[tilespmem:s17+$0x8240] =	vst.add.f32.msk $0xffff, v8  }
.LBB2_24:
0x300: {  	s5 =	sshrl.u32 s25, $0x2;
	s18 =	sadd.s32 $0x8, s18;
	[tilespmem:s17+$0x8250] =	vst.add.f32.msk $0xffff, v4;
	s15 =	sadd.s32 $0x400, s15  }
0x301: {  	s21 =	sand.u32 $0x1C00, s15;
	s5 =	sand.u32 $0x380, s5;
	p0 =	slt.u32 s18, $0x1F8;
	[tilespmem:s17+$0x8260] =	vst.add.f32.msk $0xffff, v3  }
0x302: {  	[tilespmem:s17+$0x8200] =	vst.add.f32.msk $0xffff, v2;
	s17 =	sor.u32 s21, s5  }
0x303: {  	v2 =	vld [tilespmem:s17+$0x12200];
	s5 =	sadd.s32 $0xE200, s17  }
0x304: {  	v3 =	vld [tilespmem:s5+$0x4070]  }
0x305: {  	v5 =	vld [tilespmem:s5+$0x4010]  }
0x306: {  	v6 =	vld [tilespmem:s5+$0x4020]  }
0x307: {  	v7 =	vld [tilespmem:s5+$0x4030]  }
0x308: {  	v8 =	vld [tilespmem:s5+$0x4040]  }
0x309: {  	[tilespmem:s17+$0x8270] =	vst.add.f32.msk $0xffff, v3  }
0x30a: {  	v4 =	vld [tilespmem:s5+$0x4050]  }
.Ltmp11:
0x30b: {  	v3 =	vld [tilespmem:s5+$0x4060];
	(pc) =	sbr.rel @p0 .LBB2_24-.Ltmp11, $4  }
0x30c: {  	[tilespmem:s17+$0x8210] =	vst.add.f32.msk $0xffff, v5  }
0x30d: {  	[tilespmem:s17+$0x8220] =	vst.add.f32.msk $0xffff, v6  }
0x30e: {  	[tilespmem:s17+$0x8230] =	vst.add.f32.msk $0xffff, v7  }
0x30f: {  	s25 =	sadd.s32 $0x40, s25;
	[tilespmem:s17+$0x8240] =	vst.add.f32.msk $0xffff, v8  }
0x310: {  	[tilespmem:s17+$0x8250] =	vst.add.f32.msk $0xffff, v4  }
0x311: {  	[tilespmem:s17+$0x8260] =	vst.add.f32.msk $0xffff, v3  }
0x312: {  	[tilespmem:s17+$0x8200] =	vst.add.f32.msk $0xffff, v2  }
0x313: {  	s5 =	sld [smem:$0x7ED];
	_ =	sdelay $0x1  }
0x314: {  	s15 =	simm.s32 $0x0;
	s21 =	simm.s32 $0x6200  }
0x315: {  	[hbm4b:s5+s15] =	stream.linear.scatter [tilespmem:s21], [sflag:$0xC], $0x2000, $0x38;
	[tilespmem:$0x1E200] =	vst v63  }
0x316: {  	_ =	swait.ge [sflag:s0], $0x2000  }
0x317: {  	[sflag:s0] =	ssyncset.done $0x0  }
0x318: {  	[sflag:s0] =	ssyncadd.s32 $0xFFFFE000  }
0x319: {  	v2 =	vld.msk [tilespmem:$0x20], $0xff;
	_ =	sdelay $0x4  }
0x31a: {  	v3 =	vshll.u32 v2, $0x3  }
0x31b: {  	v2 =	vand.u32 $0x7, v2;
	v3 =	vand.u32 $0xFFFFFFC0, v3  }
0x31c: {  	v2 =	vor.u32 v2, v3  }
0x31d: {  	v2 =	vperm.xlane v2, v0;
	_ =	sdelay $0x1  }
0x31e: {  	v2 =	vadd.s32 v1, v2;
	_ =	sdelay $0x4  }
0x31f: {  	[tilespmem:s13], [sflag:$0x4] =	stream.indirect_vreg.gather [hbm4b:s1+s15], $0x80, v2, vm0, $0xb8;
	[tilespmem:$0x1E200] =	vst v63  }
0x320: {  	s25 =	simm.s32 $0x4A00  }
0x321: {  	[tilespmem:s25], [sflag:$0x4] =	stream.indirect_vreg.gather [hbm4b:s24+s15], $0x80, v2, vm0, $0xb8;
	[tilespmem:$0x1E200] =	vst v63  }
0x322: {  	s17 =	simm.s32 $0x5200  }
0x323: {  	[tilespmem:s17], [sflag:$0x4] =	stream.indirect_vreg.gather [hbm4b:s26+s15], $0x80, v2, vm0, $0xb8;
	[tilespmem:$0x1E200] =	vst v63  }
0x324: {  	s18 =	simm.s32 $0x5A00  }
0x325: {  	[tilespmem:s18], [sflag:$0x4] =	stream.indirect_vreg.gather [hbm4b:s28+s15], $0x80, v2, vm0, $0xb8;
	[tilespmem:$0x1E200] =	vst v63  }
0x326: {  	_ =	swait.ge [sflag:s6], $0x2000  }
0x327: {  	[sflag:s6] =	ssyncset.done $0x0  }
0x328: {  	[sflag:s6] =	ssyncadd.s32 $0xFFFFE000  }
0x329: {  	s21 =	simm.s32 $0x0;
	_ =	swait.ge [sflag:s23], $0x2000  }
0x32a: {  	s5 =	sand.u32 $0x380, s21;
	s25 =	sand.u32 $0x1C00, s15;
	[sflag:s23] =	ssyncset.done $0x0  }
0x32b: {  	s17 =	sor.u32 s25, s5;
	[sflag:s23] =	ssyncadd.s32 $0xFFFFE000  }
0x32c: {  	s5 =	sadd.s32 $0xE200, s17;
	v2 =	vld [tilespmem:s17+$0x14200]  }
0x32d: {  	v3 =	vld [tilespmem:s5+$0x6070]  }
0x32e: {  	v5 =	vld [tilespmem:s5+$0x6010]  }
0x32f: {  	v6 =	vld [tilespmem:s5+$0x6020]  }
0x330: {  	v7 =	vld [tilespmem:s5+$0x6030]  }
0x331: {  	v8 =	vld [tilespmem:s5+$0x6040]  }
0x332: {  	v4 =	vld [tilespmem:s5+$0x6050]  }
0x333: {  	[tilespmem:s17+$0xA270] =	vst.add.f32.msk $0xffff, v3  }
0x334: {  	v3 =	vld [tilespmem:s5+$0x6060]  }
0x335: {  	[tilespmem:s17+$0xA210] =	vst.add.f32.msk $0xffff, v5  }
0x336: {  	[tilespmem:s17+$0xA220] =	vst.add.f32.msk $0xffff, v6  }
0x337: {  	[tilespmem:s17+$0xA230] =	vst.add.f32.msk $0xffff, v7  }
0x338: {  	s25 =	simm.s32 $0x40;
	s18 =	simm.s32 $0x0;
	[tilespmem:s17+$0xA240] =	vst.add.f32.msk $0xffff, v8  }
.LBB2_26:
0x339: {  	s5 =	sshrl.u32 s25, $0x2;
	s18 =	sadd.s32 $0x8, s18;
	[tilespmem:s17+$0xA250] =	vst.add.f32.msk $0xffff, v4;
	s15 =	sadd.s32 $0x400, s15  }
0x33a: {  	s21 =	sand.u32 $0x1C00, s15;
	s5 =	sand.u32 $0x380, s5;
	p0 =	slt.u32 s18, $0x1F8;
	[tilespmem:s17+$0xA260] =	vst.add.f32.msk $0xffff, v3  }
0x33b: {  	[tilespmem:s17+$0xA200] =	vst.add.f32.msk $0xffff, v2;
	s17 =	sor.u32 s21, s5  }
0x33c: {  	v2 =	vld [tilespmem:s17+$0x14200];
	s5 =	sadd.s32 $0xE200, s17  }
0x33d: {  	v3 =	vld [tilespmem:s5+$0x6070]  }
0x33e: {  	v5 =	vld [tilespmem:s5+$0x6010]  }
0x33f: {  	v6 =	vld [tilespmem:s5+$0x6020]  }
0x340: {  	v7 =	vld [tilespmem:s5+$0x6030]  }
0x341: {  	v8 =	vld [tilespmem:s5+$0x6040]  }
0x342: {  	[tilespmem:s17+$0xA270] =	vst.add.f32.msk $0xffff, v3  }
0x343: {  	v4 =	vld [tilespmem:s5+$0x6050]  }
.Ltmp12:
0x344: {  	v3 =	vld [tilespmem:s5+$0x6060];
	(pc) =	sbr.rel @p0 .LBB2_26-.Ltmp12, $4  }
0x345: {  	[tilespmem:s17+$0xA210] =	vst.add.f32.msk $0xffff, v5  }
0x346: {  	[tilespmem:s17+$0xA220] =	vst.add.f32.msk $0xffff, v6  }
0x347: {  	[tilespmem:s17+$0xA230] =	vst.add.f32.msk $0xffff, v7  }
0x348: {  	s25 =	sadd.s32 $0x40, s25;
	[tilespmem:s17+$0xA240] =	vst.add.f32.msk $0xffff, v8  }
0x349: {  	[tilespmem:s17+$0xA250] =	vst.add.f32.msk $0xffff, v4  }
0x34a: {  	[tilespmem:s17+$0xA260] =	vst.add.f32.msk $0xffff, v3  }
0x34b: {  	[tilespmem:s17+$0xA200] =	vst.add.f32.msk $0xffff, v2  }
0x34c: {  	s5 =	sld [smem:$0x7EE];
	_ =	sdelay $0x1  }
0x34d: {  	s15 =	simm.s32 $0x0;
	s18 =	simm.s32 $0x8200  }
0x34e: {  	[hbm4b:s5+s15] =	stream.linear.scatter [tilespmem:s18], [sflag:$0xD], $0x2000, $0x38;
	[tilespmem:$0x1E200] =	vst v63  }
0x34f: {  	_ =	swait.ge [sflag:s7], $0x2000  }
0x350: {  	[sflag:s7] =	ssyncset.done $0x0  }
0x351: {  	[sflag:s7] =	ssyncadd.s32 $0xFFFFE000  }
0x352: {  	v2 =	vld.msk [tilespmem:$0xA0], $0xff;
	_ =	sdelay $0x4  }
0x353: {  	v3 =	vshll.u32 v2, $0x3  }
0x354: {  	v2 =	vand.u32 $0x7, v2;
	v3 =	vand.u32 $0xFFFFFFC0, v3  }
0x355: {  	v2 =	vor.u32 v2, v3  }
0x356: {  	v2 =	vperm.xlane v2, v0;
	_ =	sdelay $0x1  }
0x357: {  	v2 =	vadd.s32 v1, v2;
	_ =	sdelay $0x3  }
0x358: {  	s21 =	simm.s32 $0x6200  }
0x359: {  	[tilespmem:s21], [sflag:$0x5] =	stream.indirect_vreg.gather [hbm4b:s1+s15], $0x80, v2, vm0, $0xb8;
	[tilespmem:$0x1E200] =	vst v63  }
0x35a: {  	s25 =	simm.s32 $0x6A00  }
0x35b: {  	[tilespmem:s25], [sflag:$0x5] =	stream.indirect_vreg.gather [hbm4b:s24+s15], $0x80, v2, vm0, $0xb8;
	[tilespmem:$0x1E200] =	vst v63  }
0x35c: {  	s17 =	simm.s32 $0x7200  }
0x35d: {  	[tilespmem:s17], [sflag:$0x5] =	stream.indirect_vreg.gather [hbm4b:s26+s15], $0x80, v2, vm0, $0xb8;
	[tilespmem:$0x1E200] =	vst v63  }
0x35e: {  	s18 =	simm.s32 $0x7A00  }
0x35f: {  	[tilespmem:s18], [sflag:$0x5] =	stream.indirect_vreg.gather [hbm4b:s28+s15], $0x80, v2, vm0, $0xb8;
	[tilespmem:$0x1E200] =	vst v63  }
0x360: {  	s21 =	simm.s32 $0x0;
	_ =	swait.ge [sflag:s8], $0x2000  }
0x361: {  	s5 =	sand.u32 $0x380, s21;
	s25 =	sand.u32 $0x1C00, s15;
	[sflag:s8] =	ssyncset.done $0x0  }
0x362: {  	s17 =	sor.u32 s25, s5;
	[sflag:s8] =	ssyncadd.s32 $0xFFFFE000  }
0x363: {  	s5 =	sadd.s32 $0xE200, s17;
	v2 =	vld [tilespmem:s17+$0x14200]  }
0x364: {  	v3 =	vld [tilespmem:s5+$0x6070]  }
0x365: {  	v5 =	vld [tilespmem:s5+$0x6010]  }
0x366: {  	v6 =	vld [tilespmem:s5+$0x6020]  }
0x367: {  	v7 =	vld [tilespmem:s5+$0x6030]  }
0x368: {  	v8 =	vld [tilespmem:s5+$0x6040]  }
0x369: {  	v4 =	vld [tilespmem:s5+$0x6050]  }
0x36a: {  	[tilespmem:s17+$0xC270] =	vst.add.f32.msk $0xffff, v3  }
0x36b: {  	v3 =	vld [tilespmem:s5+$0x6060]  }
0x36c: {  	[tilespmem:s17+$0xC210] =	vst.add.f32.msk $0xffff, v5  }
0x36d: {  	[tilespmem:s17+$0xC220] =	vst.add.f32.msk $0xffff, v6  }
0x36e: {  	[tilespmem:s17+$0xC230] =	vst.add.f32.msk $0xffff, v7  }
0x36f: {  	s25 =	simm.s32 $0x40;
	s18 =	simm.s32 $0x0;
	[tilespmem:s17+$0xC240] =	vst.add.f32.msk $0xffff, v8  }
.LBB2_28:
0x370: {  	s5 =	sshrl.u32 s25, $0x2;
	s18 =	sadd.s32 $0x8, s18;
	[tilespmem:s17+$0xC250] =	vst.add.f32.msk $0xffff, v4;
	s15 =	sadd.s32 $0x400, s15  }
0x371: {  	s21 =	sand.u32 $0x1C00, s15;
	s5 =	sand.u32 $0x380, s5;
	p0 =	slt.u32 s18, $0x1F8;
	[tilespmem:s17+$0xC260] =	vst.add.f32.msk $0xffff, v3  }
0x372: {  	[tilespmem:s17+$0xC200] =	vst.add.f32.msk $0xffff, v2;
	s17 =	sor.u32 s21, s5  }
0x373: {  	v2 =	vld [tilespmem:s17+$0x14200];
	s5 =	sadd.s32 $0xE200, s17  }
0x374: {  	v3 =	vld [tilespmem:s5+$0x6070]  }
0x375: {  	v5 =	vld [tilespmem:s5+$0x6010]  }
0x376: {  	v6 =	vld [tilespmem:s5+$0x6020]  }
0x377: {  	v7 =	vld [tilespmem:s5+$0x6030]  }
0x378: {  	v8 =	vld [tilespmem:s5+$0x6040]  }
0x379: {  	[tilespmem:s17+$0xC270] =	vst.add.f32.msk $0xffff, v3  }
0x37a: {  	v4 =	vld [tilespmem:s5+$0x6050]  }
.Ltmp13:
0x37b: {  	v3 =	vld [tilespmem:s5+$0x6060];
	(pc) =	sbr.rel @p0 .LBB2_28-.Ltmp13, $4  }
0x37c: {  	[tilespmem:s17+$0xC210] =	vst.add.f32.msk $0xffff, v5  }
0x37d: {  	[tilespmem:s17+$0xC220] =	vst.add.f32.msk $0xffff, v6  }
0x37e: {  	[tilespmem:s17+$0xC230] =	vst.add.f32.msk $0xffff, v7  }
0x37f: {  	s25 =	sadd.s32 $0x40, s25;
	[tilespmem:s17+$0xC240] =	vst.add.f32.msk $0xffff, v8  }
0x380: {  	[tilespmem:s17+$0xC250] =	vst.add.f32.msk $0xffff, v4  }
0x381: {  	[tilespmem:s17+$0xC260] =	vst.add.f32.msk $0xffff, v3  }
0x382: {  	[tilespmem:s17+$0xC200] =	vst.add.f32.msk $0xffff, v2  }
0x383: {  	s15 =	simm.s32 $0x0;
	s18 =	simm.s32 $0xA200;
	s5 =	rddreg [dreg:$0x14]  }
0x384: {  	[hbm4b:s5+s15] =	stream.linear.scatter [tilespmem:s18], [sflag:$0xE], $0x2000, $0x38;
	[tilespmem:$0x1E200] =	vst v63  }
0x385: {  	_ =	swait.ge [sflag:s10], $0x2000  }
0x386: {  	[sflag:s10] =	ssyncset.done $0x0  }
0x387: {  	[sflag:s10] =	ssyncadd.s32 $0xFFFFE000  }
0x388: {  	v2 =	vld.msk [tilespmem:$0x120], $0xff;
	_ =	sdelay $0x4  }
0x389: {  	v3 =	vshll.u32 v2, $0x3  }
0x38a: {  	v2 =	vand.u32 $0x7, v2;
	v3 =	vand.u32 $0xFFFFFFC0, v3  }
0x38b: {  	v2 =	vor.u32 v2, v3  }
0x38c: {  	v2 =	vperm.xlane v2, v0;
	_ =	sdelay $0x1  }
0x38d: {  	v2 =	vadd.s32 v1, v2;
	_ =	sdelay $0x3  }
0x38e: {  	s21 =	simm.s32 $0x8200  }
0x38f: {  	[tilespmem:s21], [sflag:$0x6] =	stream.indirect_vreg.gather [hbm4b:s1+s15], $0x80, v2, vm0, $0xb8;
	[tilespmem:$0x1E200] =	vst v63  }
0x390: {  	s25 =	simm.s32 $0x8A00  }
0x391: {  	[tilespmem:s25], [sflag:$0x6] =	stream.indirect_vreg.gather [hbm4b:s24+s15], $0x80, v2, vm0, $0xb8;
	[tilespmem:$0x1E200] =	vst v63  }
0x392: {  	s17 =	simm.s32 $0x9200  }
0x393: {  	[tilespmem:s17], [sflag:$0x6] =	stream.indirect_vreg.gather [hbm4b:s26+s15], $0x80, v2, vm0, $0xb8;
	[tilespmem:$0x1E200] =	vst v63  }
0x394: {  	s18 =	simm.s32 $0x9A00  }
0x395: {  	[tilespmem:s18], [sflag:$0x6] =	stream.indirect_vreg.gather [hbm4b:s28+s15], $0x80, v2, vm0, $0xb8;
	[tilespmem:$0x1E200] =	vst v63  }
0x396: {  	s21 =	simm.s32 $0x0;
	_ =	swait.ge [sflag:s22], $0x2000  }
0x397: {  	s5 =	sand.u32 $0x380, s21;
	s25 =	sand.u32 $0x1C00, s15;
	[sflag:s22] =	ssyncset.done $0x0  }
0x398: {  	s17 =	sor.u32 s25, s5;
	[sflag:s22] =	ssyncadd.s32 $0xFFFFE000  }
0x399: {  	s5 =	sadd.s32 $0xE200, s17;
	v2 =	vld [tilespmem:s17+$0x14200]  }
0x39a: {  	v3 =	vld [tilespmem:s5+$0x6070]  }
0x39b: {  	v5 =	vld [tilespmem:s5+$0x6010]  }
0x39c: {  	v6 =	vld [tilespmem:s5+$0x6020]  }
0x39d: {  	v7 =	vld [tilespmem:s5+$0x6030]  }
0x39e: {  	v8 =	vld [tilespmem:s5+$0x6040]  }
0x39f: {  	v4 =	vld [tilespmem:s5+$0x6050]  }
0x3a0: {  	[tilespmem:s17+$0x270] =	vst.add.f32.msk $0xffff, v3  }
0x3a1: {  	v3 =	vld [tilespmem:s5+$0x6060]  }
0x3a2: {  	[tilespmem:s17+$0x210] =	vst.add.f32.msk $0xffff, v5  }
0x3a3: {  	[tilespmem:s17+$0x220] =	vst.add.f32.msk $0xffff, v6  }
0x3a4: {  	[tilespmem:s17+$0x230] =	vst.add.f32.msk $0xffff, v7  }
0x3a5: {  	s25 =	simm.s32 $0x40;
	s18 =	simm.s32 $0x0;
	[tilespmem:s17+$0x240] =	vst.add.f32.msk $0xffff, v8  }
.LBB2_30:
0x3a6: {  	s5 =	sshrl.u32 s25, $0x2;
	s18 =	sadd.s32 $0x8, s18;
	[tilespmem:s17+$0x250] =	vst.add.f32.msk $0xffff, v4;
	s15 =	sadd.s32 $0x400, s15  }
0x3a7: {  	s21 =	sand.u32 $0x1C00, s15;
	s5 =	sand.u32 $0x380, s5;
	p0 =	slt.u32 s18, $0x1F8;
	[tilespmem:s17+$0x260] =	vst.add.f32.msk $0xffff, v3  }
0x3a8: {  	[tilespmem:s17+$0x200] =	vst.add.f32.msk $0xffff, v2;
	s17 =	sor.u32 s21, s5  }
0x3a9: {  	v2 =	vld [tilespmem:s17+$0x14200];
	s5 =	sadd.s32 $0xE200, s17  }
0x3aa: {  	v3 =	vld [tilespmem:s5+$0x6070]  }
0x3ab: {  	v5 =	vld [tilespmem:s5+$0x6010]  }
0x3ac: {  	v6 =	vld [tilespmem:s5+$0x6020]  }
0x3ad: {  	v7 =	vld [tilespmem:s5+$0x6030]  }
0x3ae: {  	v8 =	vld [tilespmem:s5+$0x6040]  }
0x3af: {  	[tilespmem:s17+$0x270] =	vst.add.f32.msk $0xffff, v3  }
0x3b0: {  	v4 =	vld [tilespmem:s5+$0x6050]  }
.Ltmp14:
0x3b1: {  	v3 =	vld [tilespmem:s5+$0x6060];
	(pc) =	sbr.rel @p0 .LBB2_30-.Ltmp14, $4  }
0x3b2: {  	[tilespmem:s17+$0x210] =	vst.add.f32.msk $0xffff, v5  }
0x3b3: {  	[tilespmem:s17+$0x220] =	vst.add.f32.msk $0xffff, v6  }
0x3b4: {  	[tilespmem:s17+$0x230] =	vst.add.f32.msk $0xffff, v7  }
0x3b5: {  	s25 =	sadd.s32 $0x40, s25;
	[tilespmem:s17+$0x240] =	vst.add.f32.msk $0xffff, v8  }
0x3b6: {  	[tilespmem:s17+$0x250] =	vst.add.f32.msk $0xffff, v4  }
0x3b7: {  	[tilespmem:s17+$0x260] =	vst.add.f32.msk $0xffff, v3  }
0x3b8: {  	[tilespmem:s17+$0x200] =	vst.add.f32.msk $0xffff, v2  }
0x3b9: {  	s5 =	sld [smem:$0x7EF];
	_ =	sdelay $0x1  }
0x3ba: {  	s15 =	simm.s32 $0x0;
	s18 =	simm.s32 $0xC200  }
0x3bb: {  	[hbm4b:s5+s15] =	stream.linear.scatter [tilespmem:s18], [sflag:$0xF], $0x2000, $0x38;
	[tilespmem:$0x1E200] =	vst v63  }
0x3bc: {  	_ =	swait.ge [sflag:s11], $0x2000  }
0x3bd: {  	[sflag:s11] =	ssyncset.done $0x0  }
0x3be: {  	[sflag:s11] =	ssyncadd.s32 $0xFFFFE000  }
0x3bf: {  	v2 =	vld.msk [tilespmem:$0x1A0], $0xff;
	_ =	sdelay $0x4  }
0x3c0: {  	v3 =	vshll.u32 v2, $0x3  }
0x3c1: {  	v2 =	vand.u32 $0x7, v2;
	v3 =	vand.u32 $0xFFFFFFC0, v3  }
0x3c2: {  	v2 =	vor.u32 v2, v3  }
0x3c3: {  	v2 =	vperm.xlane v2, v0;
	_ =	sdelay $0x1  }
0x3c4: {  	v2 =	vadd.s32 v1, v2;
	_ =	sdelay $0x3  }
0x3c5: {  	s21 =	simm.s32 $0xA200  }
0x3c6: {  	[tilespmem:s21], [sflag:$0x7] =	stream.indirect_vreg.gather [hbm4b:s1+s15], $0x80, v2, vm0, $0xb8;
	[tilespmem:$0x1E200] =	vst v63  }
0x3c7: {  	s25 =	simm.s32 $0xAA00  }
0x3c8: {  	[tilespmem:s25], [sflag:$0x7] =	stream.indirect_vreg.gather [hbm4b:s24+s15], $0x80, v2, vm0, $0xb8;
	[tilespmem:$0x1E200] =	vst v63  }
0x3c9: {  	s17 =	simm.s32 $0xB200  }
0x3ca: {  	[tilespmem:s17], [sflag:$0x7] =	stream.indirect_vreg.gather [hbm4b:s26+s15], $0x80, v2, vm0, $0xb8;
	[tilespmem:$0x1E200] =	vst v63  }
0x3cb: {  	s18 =	simm.s32 $0xBA00  }
0x3cc: {  	[tilespmem:s18], [sflag:$0x7] =	stream.indirect_vreg.gather [hbm4b:s28+s15], $0x80, v2, vm0, $0xb8;
	[tilespmem:$0x1E200] =	vst v63  }
0x3cd: {  	s21 =	simm.s32 $0x0;
	_ =	swait.ge [sflag:s20], $0x2000  }
0x3ce: {  	s5 =	sand.u32 $0x380, s21;
	s25 =	sand.u32 $0x1C00, s15;
	[sflag:s20] =	ssyncset.done $0x0  }
0x3cf: {  	s17 =	sor.u32 s25, s5;
	[sflag:s20] =	ssyncadd.s32 $0xFFFFE000  }
0x3d0: {  	s5 =	sadd.s32 $0xE200, s17;
	v2 =	vld [tilespmem:s17+$0x14200]  }
0x3d1: {  	v3 =	vld [tilespmem:s5+$0x6070]  }
0x3d2: {  	v5 =	vld [tilespmem:s5+$0x6010]  }
0x3d3: {  	v6 =	vld [tilespmem:s5+$0x6020]  }
0x3d4: {  	v7 =	vld [tilespmem:s5+$0x6030]  }
0x3d5: {  	v8 =	vld [tilespmem:s5+$0x6040]  }
0x3d6: {  	v4 =	vld [tilespmem:s5+$0x6050]  }
0x3d7: {  	[tilespmem:s17+$0x2270] =	vst.add.f32.msk $0xffff, v3  }
0x3d8: {  	v3 =	vld [tilespmem:s5+$0x6060]  }
0x3d9: {  	[tilespmem:s17+$0x2210] =	vst.add.f32.msk $0xffff, v5  }
0x3da: {  	[tilespmem:s17+$0x2220] =	vst.add.f32.msk $0xffff, v6  }
0x3db: {  	[tilespmem:s17+$0x2230] =	vst.add.f32.msk $0xffff, v7  }
0x3dc: {  	s25 =	simm.s32 $0x40;
	s18 =	simm.s32 $0x0;
	[tilespmem:s17+$0x2240] =	vst.add.f32.msk $0xffff, v8  }
.LBB2_32:
0x3dd: {  	s5 =	sshrl.u32 s25, $0x2;
	s18 =	sadd.s32 $0x8, s18;
	[tilespmem:s17+$0x2250] =	vst.add.f32.msk $0xffff, v4;
	s15 =	sadd.s32 $0x400, s15  }
0x3de: {  	s21 =	sand.u32 $0x1C00, s15;
	s5 =	sand.u32 $0x380, s5;
	p0 =	slt.u32 s18, $0x1F8;
	[tilespmem:s17+$0x2260] =	vst.add.f32.msk $0xffff, v3  }
0x3df: {  	[tilespmem:s17+$0x2200] =	vst.add.f32.msk $0xffff, v2;
	s17 =	sor.u32 s21, s5  }
0x3e0: {  	v2 =	vld [tilespmem:s17+$0x14200];
	s5 =	sadd.s32 $0xE200, s17  }
0x3e1: {  	v3 =	vld [tilespmem:s5+$0x6070]  }
0x3e2: {  	v5 =	vld [tilespmem:s5+$0x6010]  }
0x3e3: {  	v6 =	vld [tilespmem:s5+$0x6020]  }
0x3e4: {  	v7 =	vld [tilespmem:s5+$0x6030]  }
0x3e5: {  	v8 =	vld [tilespmem:s5+$0x6040]  }
0x3e6: {  	[tilespmem:s17+$0x2270] =	vst.add.f32.msk $0xffff, v3  }
0x3e7: {  	v4 =	vld [tilespmem:s5+$0x6050]  }
.Ltmp15:
0x3e8: {  	v3 =	vld [tilespmem:s5+$0x6060];
	(pc) =	sbr.rel @p0 .LBB2_32-.Ltmp15, $4  }
0x3e9: {  	[tilespmem:s17+$0x2210] =	vst.add.f32.msk $0xffff, v5  }
0x3ea: {  	[tilespmem:s17+$0x2220] =	vst.add.f32.msk $0xffff, v6  }
0x3eb: {  	[tilespmem:s17+$0x2230] =	vst.add.f32.msk $0xffff, v7  }
0x3ec: {  	s25 =	sadd.s32 $0x40, s25;
	[tilespmem:s17+$0x2240] =	vst.add.f32.msk $0xffff, v8  }
0x3ed: {  	[tilespmem:s17+$0x2250] =	vst.add.f32.msk $0xffff, v4  }
0x3ee: {  	[tilespmem:s17+$0x2260] =	vst.add.f32.msk $0xffff, v3  }
0x3ef: {  	[tilespmem:s17+$0x2200] =	vst.add.f32.msk $0xffff, v2  }
0x3f0: {  	s5 =	sld [smem:$0x7F0];
	_ =	sdelay $0x1  }
0x3f1: {  	s15 =	simm.s32 $0x0  }
0x3f2: {  	[hbm4b:s5+s15] =	stream.linear.scatter [tilespmem:s30], [sflag:$0x9], $0x2000, $0x38;
	[tilespmem:$0x1E200] =	vst v63  }
0x3f3: {  	_ =	swait.ge [sflag:s12], $0x2000  }
0x3f4: {  	[sflag:s12] =	ssyncset.done $0x0  }
0x3f5: {  	[sflag:s12] =	ssyncadd.s32 $0xFFFFE000  }
0x3f6: {  	v2 =	vld.msk [tilespmem:$0x28], $0xff;
	_ =	sdelay $0x4  }
0x3f7: {  	v3 =	vshll.u32 v2, $0x3  }
0x3f8: {  	v2 =	vand.u32 $0x7, v2;
	v3 =	vand.u32 $0xFFFFFFC0, v3  }
0x3f9: {  	v2 =	vor.u32 v2, v3  }
0x3fa: {  	v2 =	vperm.xlane v2, v0;
	_ =	sdelay $0x1  }
0x3fb: {  	v2 =	vadd.s32 v1, v2;
	_ =	sdelay $0x3  }
0x3fc: {  	s21 =	simm.s32 $0xC200  }
0x3fd: {  	[tilespmem:s21], [sflag:$0x8] =	stream.indirect_vreg.gather [hbm4b:s1+s15], $0x80, v2, vm0, $0xb8;
	[tilespmem:$0x1E200] =	vst v63  }
0x3fe: {  	s25 =	simm.s32 $0xCA00  }
0x3ff: {  	[tilespmem:s25], [sflag:$0x8] =	stream.indirect_vreg.gather [hbm4b:s24+s15], $0x80, v2, vm0, $0xb8;
	[tilespmem:$0x1E200] =	vst v63  }
0x400: {  	s17 =	simm.s32 $0xD200  }
0x401: {  	[tilespmem:s17], [sflag:$0x8] =	stream.indirect_vreg.gather [hbm4b:s26+s15], $0x80, v2, vm0, $0xb8;
	[tilespmem:$0x1E200] =	vst v63  }
0x402: {  	s18 =	simm.s32 $0xDA00  }
0x403: {  	[tilespmem:s18], [sflag:$0x8] =	stream.indirect_vreg.gather [hbm4b:s28+s15], $0x80, v2, vm0, $0xb8;
	[tilespmem:$0x1E200] =	vst v63  }
0x404: {  	_ =	swait.ge [sflag:s4], $0x2000  }
0x405: {  	[sflag:s4] =	ssyncset.done $0x0  }
0x406: {  	[sflag:s4] =	ssyncadd.s32 $0xFFFFE000  }
0x407: {  	s21 =	simm.s32 $0x0;
	_ =	swait.ge [sflag:s23], $0x2000  }
0x408: {  	s5 =	sand.u32 $0x380, s21;
	s25 =	sand.u32 $0x1C00, s15;
	[sflag:s23] =	ssyncset.done $0x0  }
0x409: {  	s17 =	sor.u32 s25, s5;
	[sflag:s23] =	ssyncadd.s32 $0xFFFFE000  }
0x40a: {  	s5 =	sadd.s32 $0xE200, s17;
	v2 =	vld [tilespmem:s17+$0x16200]  }
0x40b: {  	v3 =	vld [tilespmem:s5+$0x8070]  }
0x40c: {  	v5 =	vld [tilespmem:s5+$0x8010]  }
0x40d: {  	v6 =	vld [tilespmem:s5+$0x8020]  }
0x40e: {  	v7 =	vld [tilespmem:s5+$0x8030]  }
0x40f: {  	v8 =	vld [tilespmem:s5+$0x8040]  }
0x410: {  	v4 =	vld [tilespmem:s5+$0x8050]  }
0x411: {  	[tilespmem:s17+$0x4270] =	vst.add.f32.msk $0xffff, v3  }
0x412: {  	v3 =	vld [tilespmem:s5+$0x8060]  }
0x413: {  	[tilespmem:s17+$0x4210] =	vst.add.f32.msk $0xffff, v5  }
0x414: {  	[tilespmem:s17+$0x4220] =	vst.add.f32.msk $0xffff, v6  }
0x415: {  	[tilespmem:s17+$0x4230] =	vst.add.f32.msk $0xffff, v7  }
0x416: {  	s25 =	simm.s32 $0x40;
	s18 =	simm.s32 $0x0;
	[tilespmem:s17+$0x4240] =	vst.add.f32.msk $0xffff, v8  }
.LBB2_34:
0x417: {  	s5 =	sshrl.u32 s25, $0x2;
	s18 =	sadd.s32 $0x8, s18;
	[tilespmem:s17+$0x4250] =	vst.add.f32.msk $0xffff, v4;
	s15 =	sadd.s32 $0x400, s15  }
0x418: {  	s21 =	sand.u32 $0x1C00, s15;
	s5 =	sand.u32 $0x380, s5;
	p0 =	slt.u32 s18, $0x1F8;
	[tilespmem:s17+$0x4260] =	vst.add.f32.msk $0xffff, v3  }
0x419: {  	[tilespmem:s17+$0x4200] =	vst.add.f32.msk $0xffff, v2;
	s17 =	sor.u32 s21, s5  }
0x41a: {  	v2 =	vld [tilespmem:s17+$0x16200];
	s5 =	sadd.s32 $0xE200, s17  }
0x41b: {  	v3 =	vld [tilespmem:s5+$0x8070]  }
0x41c: {  	v5 =	vld [tilespmem:s5+$0x8010]  }
0x41d: {  	v6 =	vld [tilespmem:s5+$0x8020]  }
0x41e: {  	v7 =	vld [tilespmem:s5+$0x8030]  }
0x41f: {  	v8 =	vld [tilespmem:s5+$0x8040]  }
0x420: {  	[tilespmem:s17+$0x4270] =	vst.add.f32.msk $0xffff, v3  }
0x421: {  	v4 =	vld [tilespmem:s5+$0x8050]  }
.Ltmp16:
0x422: {  	v3 =	vld [tilespmem:s5+$0x8060];
	(pc) =	sbr.rel @p0 .LBB2_34-.Ltmp16, $4  }
0x423: {  	[tilespmem:s17+$0x4210] =	vst.add.f32.msk $0xffff, v5  }
0x424: {  	[tilespmem:s17+$0x4220] =	vst.add.f32.msk $0xffff, v6  }
0x425: {  	[tilespmem:s17+$0x4230] =	vst.add.f32.msk $0xffff, v7  }
0x426: {  	s25 =	sadd.s32 $0x40, s25;
	[tilespmem:s17+$0x4240] =	vst.add.f32.msk $0xffff, v8  }
0x427: {  	[tilespmem:s17+$0x4250] =	vst.add.f32.msk $0xffff, v4  }
0x428: {  	[tilespmem:s17+$0x4260] =	vst.add.f32.msk $0xffff, v3  }
0x429: {  	[tilespmem:s17+$0x4200] =	vst.add.f32.msk $0xffff, v2  }
0x42a: {  	s5 =	sld [smem:$0x7F1];
	_ =	sdelay $0x1  }
0x42b: {  	s15 =	simm.s32 $0x0;
	s25 =	simm.s32 $0x2200  }
0x42c: {  	[hbm4b:s5+s15] =	stream.linear.scatter [tilespmem:s25], [sflag:$0xA], $0x2000, $0x38;
	[tilespmem:$0x1E200] =	vst v63  }
0x42d: {  	_ =	swait.ge [sflag:s16], $0x2000  }
0x42e: {  	[sflag:s16] =	ssyncset.done $0x0  }
0x42f: {  	[sflag:s16] =	ssyncadd.s32 $0xFFFFE000  }
0x430: {  	v2 =	vld.msk [tilespmem:$0xA8], $0xff;
	_ =	sdelay $0x4  }
0x431: {  	v3 =	vshll.u32 v2, $0x3  }
0x432: {  	v2 =	vand.u32 $0x7, v2;
	v3 =	vand.u32 $0xFFFFFFC0, v3  }
0x433: {  	v2 =	vor.u32 v2, v3  }
0x434: {  	v2 =	vperm.xlane v2, v0;
	_ =	sdelay $0x1  }
0x435: {  	v2 =	vadd.s32 v1, v2;
	_ =	sdelay $0x4  }
0x436: {  	[tilespmem:s30], [sflag:$0x2] =	stream.indirect_vreg.gather [hbm4b:s1+s15], $0x80, v2, vm0, $0xb8;
	[tilespmem:$0x1E200] =	vst v63  }
0x437: {  	_ = 	snop  }
0x438: {  	[tilespmem:s9], [sflag:$0x2] =	stream.indirect_vreg.gather [hbm4b:s24+s15], $0x80, v2, vm0, $0xb8;
	[tilespmem:$0x1E200] =	vst v63  }
0x439: {  	s17 =	simm.s32 $0x1200  }
0x43a: {  	[tilespmem:s17], [sflag:$0x2] =	stream.indirect_vreg.gather [hbm4b:s26+s15], $0x80, v2, vm0, $0xb8;
	[tilespmem:$0x1E200] =	vst v63  }
0x43b: {  	s18 =	simm.s32 $0x1A00  }
0x43c: {  	[tilespmem:s18], [sflag:$0x2] =	stream.indirect_vreg.gather [hbm4b:s28+s15], $0x80, v2, vm0, $0xb8;
	[tilespmem:$0x1E200] =	vst v63  }
0x43d: {  	s21 =	simm.s32 $0x0;
	_ =	swait.ge [sflag:s19], $0x2000  }
0x43e: {  	s25 =	sand.u32 $0x1C00, s15;
	s5 =	sand.u32 $0x380, s21;
	[sflag:s19] =	ssyncset.done $0x0  }
0x43f: {  	s17 =	sor.u32 s25, s5;
	[sflag:s19] =	ssyncadd.s32 $0xFFFFE000  }
0x440: {  	s5 =	sadd.s32 $0xE200, s17;
	v2 =	vld [tilespmem:s17+$0x16200]  }
0x441: {  	v3 =	vld [tilespmem:s5+$0x8070]  }
0x442: {  	v5 =	vld [tilespmem:s5+$0x8010]  }
0x443: {  	v6 =	vld [tilespmem:s5+$0x8020]  }
0x444: {  	v7 =	vld [tilespmem:s5+$0x8030]  }
0x445: {  	v8 =	vld [tilespmem:s5+$0x8040]  }
0x446: {  	v4 =	vld [tilespmem:s5+$0x8050]  }
0x447: {  	[tilespmem:s17+$0x6270] =	vst.add.f32.msk $0xffff, v3  }
0x448: {  	v3 =	vld [tilespmem:s5+$0x8060]  }
0x449: {  	[tilespmem:s17+$0x6210] =	vst.add.f32.msk $0xffff, v5  }
0x44a: {  	[tilespmem:s17+$0x6220] =	vst.add.f32.msk $0xffff, v6  }
0x44b: {  	[tilespmem:s17+$0x6230] =	vst.add.f32.msk $0xffff, v7  }
0x44c: {  	s25 =	simm.s32 $0x40;
	s18 =	simm.s32 $0x0;
	[tilespmem:s17+$0x6240] =	vst.add.f32.msk $0xffff, v8  }
.LBB2_36:
0x44d: {  	s5 =	sshrl.u32 s25, $0x2;
	s18 =	sadd.s32 $0x8, s18;
	[tilespmem:s17+$0x6250] =	vst.add.f32.msk $0xffff, v4;
	s15 =	sadd.s32 $0x400, s15  }
0x44e: {  	s21 =	sand.u32 $0x1C00, s15;
	s5 =	sand.u32 $0x380, s5;
	p0 =	slt.u32 s18, $0x1F8;
	[tilespmem:s17+$0x6260] =	vst.add.f32.msk $0xffff, v3  }
0x44f: {  	[tilespmem:s17+$0x6200] =	vst.add.f32.msk $0xffff, v2;
	s17 =	sor.u32 s21, s5  }
0x450: {  	v2 =	vld [tilespmem:s17+$0x16200];
	s5 =	sadd.s32 $0xE200, s17  }
0x451: {  	v3 =	vld [tilespmem:s5+$0x8070]  }
0x452: {  	v5 =	vld [tilespmem:s5+$0x8010]  }
0x453: {  	v6 =	vld [tilespmem:s5+$0x8020]  }
0x454: {  	v7 =	vld [tilespmem:s5+$0x8030]  }
0x455: {  	v8 =	vld [tilespmem:s5+$0x8040]  }
0x456: {  	[tilespmem:s17+$0x6270] =	vst.add.f32.msk $0xffff, v3  }
0x457: {  	v4 =	vld [tilespmem:s5+$0x8050]  }
.Ltmp17:
0x458: {  	v3 =	vld [tilespmem:s5+$0x8060];
	(pc) =	sbr.rel @p0 .LBB2_36-.Ltmp17, $4  }
0x459: {  	[tilespmem:s17+$0x6210] =	vst.add.f32.msk $0xffff, v5  }
0x45a: {  	[tilespmem:s17+$0x6220] =	vst.add.f32.msk $0xffff, v6  }
0x45b: {  	[tilespmem:s17+$0x6230] =	vst.add.f32.msk $0xffff, v7  }
0x45c: {  	s25 =	sadd.s32 $0x40, s25;
	[tilespmem:s17+$0x6240] =	vst.add.f32.msk $0xffff, v8  }
0x45d: {  	[tilespmem:s17+$0x6250] =	vst.add.f32.msk $0xffff, v4  }
0x45e: {  	[tilespmem:s17+$0x6260] =	vst.add.f32.msk $0xffff, v3  }
0x45f: {  	[tilespmem:s17+$0x6200] =	vst.add.f32.msk $0xffff, v2  }
0x460: {  	s15 =	simm.s32 $0x0;
	s5 =	rddreg [dreg:$0x15]  }
0x461: {  	[hbm4b:s5+s15] =	stream.linear.scatter [tilespmem:s13], [sflag:$0xB], $0x2000, $0x38;
	[tilespmem:$0x1E200] =	vst v63  }
0x462: {  	_ =	swait.ge [sflag:s31], $0x2000  }
0x463: {  	[sflag:s31] =	ssyncset.done $0x0  }
0x464: {  	[sflag:s31] =	ssyncadd.s32 $0xFFFFE000  }
0x465: {  	v2 =	vld.msk [tilespmem:$0x128], $0xff;
	_ =	sdelay $0x4  }
0x466: {  	v3 =	vshll.u32 v2, $0x3  }
0x467: {  	v2 =	vand.u32 $0x7, v2;
	v3 =	vand.u32 $0xFFFFFFC0, v3  }
0x468: {  	v2 =	vor.u32 v2, v3  }
0x469: {  	v2 =	vperm.xlane v2, v0;
	_ =	sdelay $0x1  }
0x46a: {  	v2 =	vadd.s32 v1, v2;
	_ =	sdelay $0x3  }
0x46b: {  	s21 =	simm.s32 $0x2200  }
0x46c: {  	[tilespmem:s21], [sflag:$0x3] =	stream.indirect_vreg.gather [hbm4b:s1+s15], $0x80, v2, vm0, $0xb8;
	[tilespmem:$0x1E200] =	vst v63  }
0x46d: {  	s25 =	simm.s32 $0x2A00  }
0x46e: {  	[tilespmem:s25], [sflag:$0x3] =	stream.indirect_vreg.gather [hbm4b:s24+s15], $0x80, v2, vm0, $0xb8;
	[tilespmem:$0x1E200] =	vst v63  }
0x46f: {  	s17 =	simm.s32 $0x3200  }
0x470: {  	[tilespmem:s17], [sflag:$0x3] =	stream.indirect_vreg.gather [hbm4b:s26+s15], $0x80, v2, vm0, $0xb8;
	[tilespmem:$0x1E200] =	vst v63  }
0x471: {  	s18 =	simm.s32 $0x3A00  }
0x472: {  	[tilespmem:s18], [sflag:$0x3] =	stream.indirect_vreg.gather [hbm4b:s28+s15], $0x80, v2, vm0, $0xb8;
	[tilespmem:$0x1E200] =	vst v63  }
0x473: {  	s21 =	simm.s32 $0x0;
	_ =	swait.ge [sflag:s2], $0x2000  }
0x474: {  	s5 =	sand.u32 $0x380, s21;
	s25 =	sand.u32 $0x1C00, s15;
	[sflag:s2] =	ssyncset.done $0x0  }
0x475: {  	s17 =	sor.u32 s25, s5;
	[sflag:s2] =	ssyncadd.s32 $0xFFFFE000  }
0x476: {  	s5 =	sadd.s32 $0xE200, s17;
	v2 =	vld [tilespmem:s17+$0x16200]  }
0x477: {  	v3 =	vld [tilespmem:s5+$0x8070]  }
0x478: {  	v5 =	vld [tilespmem:s5+$0x8010]  }
0x479: {  	v6 =	vld [tilespmem:s5+$0x8020]  }
0x47a: {  	v7 =	vld [tilespmem:s5+$0x8030]  }
0x47b: {  	v8 =	vld [tilespmem:s5+$0x8040]  }
0x47c: {  	v4 =	vld [tilespmem:s5+$0x8050]  }
0x47d: {  	[tilespmem:s17+$0x8270] =	vst.add.f32.msk $0xffff, v3  }
0x47e: {  	v3 =	vld [tilespmem:s5+$0x8060]  }
0x47f: {  	[tilespmem:s17+$0x8210] =	vst.add.f32.msk $0xffff, v5  }
0x480: {  	[tilespmem:s17+$0x8220] =	vst.add.f32.msk $0xffff, v6  }
0x481: {  	[tilespmem:s17+$0x8230] =	vst.add.f32.msk $0xffff, v7  }
0x482: {  	s25 =	simm.s32 $0x40;
	s18 =	simm.s32 $0x0;
	[tilespmem:s17+$0x8240] =	vst.add.f32.msk $0xffff, v8  }
.LBB2_38:
0x483: {  	s5 =	sshrl.u32 s25, $0x2;
	s18 =	sadd.s32 $0x8, s18;
	[tilespmem:s17+$0x8250] =	vst.add.f32.msk $0xffff, v4;
	s15 =	sadd.s32 $0x400, s15  }
0x484: {  	s21 =	sand.u32 $0x1C00, s15;
	s5 =	sand.u32 $0x380, s5;
	p0 =	slt.u32 s18, $0x1F8;
	[tilespmem:s17+$0x8260] =	vst.add.f32.msk $0xffff, v3  }
0x485: {  	[tilespmem:s17+$0x8200] =	vst.add.f32.msk $0xffff, v2;
	s17 =	sor.u32 s21, s5  }
0x486: {  	v2 =	vld [tilespmem:s17+$0x16200];
	s5 =	sadd.s32 $0xE200, s17  }
0x487: {  	v3 =	vld [tilespmem:s5+$0x8070]  }
0x488: {  	v5 =	vld [tilespmem:s5+$0x8010]  }
0x489: {  	v6 =	vld [tilespmem:s5+$0x8020]  }
0x48a: {  	v7 =	vld [tilespmem:s5+$0x8030]  }
0x48b: {  	v8 =	vld [tilespmem:s5+$0x8040]  }
0x48c: {  	[tilespmem:s17+$0x8270] =	vst.add.f32.msk $0xffff, v3  }
0x48d: {  	v4 =	vld [tilespmem:s5+$0x8050]  }
.Ltmp18:
0x48e: {  	v3 =	vld [tilespmem:s5+$0x8060];
	(pc) =	sbr.rel @p0 .LBB2_38-.Ltmp18, $4  }
0x48f: {  	[tilespmem:s17+$0x8210] =	vst.add.f32.msk $0xffff, v5  }
0x490: {  	[tilespmem:s17+$0x8220] =	vst.add.f32.msk $0xffff, v6  }
0x491: {  	[tilespmem:s17+$0x8230] =	vst.add.f32.msk $0xffff, v7  }
0x492: {  	s25 =	sadd.s32 $0x40, s25;
	[tilespmem:s17+$0x8240] =	vst.add.f32.msk $0xffff, v8  }
0x493: {  	[tilespmem:s17+$0x8250] =	vst.add.f32.msk $0xffff, v4  }
0x494: {  	[tilespmem:s17+$0x8260] =	vst.add.f32.msk $0xffff, v3  }
0x495: {  	[tilespmem:s17+$0x8200] =	vst.add.f32.msk $0xffff, v2  }
0x496: {  	s5 =	sld [smem:$0x7F2];
	_ =	sdelay $0x1  }
0x497: {  	s15 =	simm.s32 $0x0;
	s25 =	simm.s32 $0x6200  }
0x498: {  	[hbm4b:s5+s15] =	stream.linear.scatter [tilespmem:s25], [sflag:$0xC], $0x2000, $0x38;
	[tilespmem:$0x1E200] =	vst v63  }
0x499: {  	_ =	swait.ge [sflag:s0], $0x2000  }
0x49a: {  	[sflag:s0] =	ssyncset.done $0x0  }
0x49b: {  	[sflag:s0] =	ssyncadd.s32 $0xFFFFE000  }
0x49c: {  	v2 =	vld.msk [tilespmem:$0x1A8], $0xff;
	_ =	sdelay $0x4  }
0x49d: {  	v3 =	vshll.u32 v2, $0x3  }
0x49e: {  	v2 =	vand.u32 $0x7, v2;
	v3 =	vand.u32 $0xFFFFFFC0, v3  }
0x49f: {  	v2 =	vor.u32 v2, v3  }
0x4a0: {  	v2 =	vperm.xlane v2, v0;
	_ =	sdelay $0x1  }
0x4a1: {  	v2 =	vadd.s32 v1, v2;
	_ =	sdelay $0x4  }
0x4a2: {  	[tilespmem:s13], [sflag:$0x4] =	stream.indirect_vreg.gather [hbm4b:s1+s15], $0x80, v2, vm0, $0xb8;
	[tilespmem:$0x1E200] =	vst v63  }
0x4a3: {  	s13 =	simm.s32 $0x4A00  }
0x4a4: {  	[tilespmem:s13], [sflag:$0x4] =	stream.indirect_vreg.gather [hbm4b:s24+s15], $0x80, v2, vm0, $0xb8;
	[tilespmem:$0x1E200] =	vst v63  }
0x4a5: {  	s17 =	simm.s32 $0x5200  }
0x4a6: {  	[tilespmem:s17], [sflag:$0x4] =	stream.indirect_vreg.gather [hbm4b:s26+s15], $0x80, v2, vm0, $0xb8;
	[tilespmem:$0x1E200] =	vst v63  }
0x4a7: {  	s18 =	simm.s32 $0x5A00  }
0x4a8: {  	[tilespmem:s18], [sflag:$0x4] =	stream.indirect_vreg.gather [hbm4b:s28+s15], $0x80, v2, vm0, $0xb8;
	[tilespmem:$0x1E200] =	vst v63  }
0x4a9: {  	s21 =	simm.s32 $0x0;
	_ =	swait.ge [sflag:s6], $0x2000  }
0x4aa: {  	s25 =	sand.u32 $0x1C00, s15;
	s5 =	sand.u32 $0x380, s21;
	[sflag:s6] =	ssyncset.done $0x0  }
0x4ab: {  	s17 =	sor.u32 s25, s5;
	[sflag:s6] =	ssyncadd.s32 $0xFFFFE000  }
0x4ac: {  	s5 =	sadd.s32 $0xE200, s17;
	v2 =	vld [tilespmem:s17+$0x16200]  }
0x4ad: {  	v3 =	vld [tilespmem:s5+$0x8070]  }
0x4ae: {  	v5 =	vld [tilespmem:s5+$0x8010]  }
0x4af: {  	v6 =	vld [tilespmem:s5+$0x8020]  }
0x4b0: {  	v7 =	vld [tilespmem:s5+$0x8030]  }
0x4b1: {  	v8 =	vld [tilespmem:s5+$0x8040]  }
0x4b2: {  	v4 =	vld [tilespmem:s5+$0x8050]  }
0x4b3: {  	[tilespmem:s17+$0xA270] =	vst.add.f32.msk $0xffff, v3  }
0x4b4: {  	v3 =	vld [tilespmem:s5+$0x8060]  }
0x4b5: {  	[tilespmem:s17+$0xA210] =	vst.add.f32.msk $0xffff, v5  }
0x4b6: {  	[tilespmem:s17+$0xA220] =	vst.add.f32.msk $0xffff, v6  }
0x4b7: {  	[tilespmem:s17+$0xA230] =	vst.add.f32.msk $0xffff, v7  }
0x4b8: {  	s25 =	simm.s32 $0x40;
	s18 =	simm.s32 $0x0;
	[tilespmem:s17+$0xA240] =	vst.add.f32.msk $0xffff, v8  }
.LBB2_40:
0x4b9: {  	s5 =	sshrl.u32 s25, $0x2;
	s18 =	sadd.s32 $0x8, s18;
	[tilespmem:s17+$0xA250] =	vst.add.f32.msk $0xffff, v4;
	s15 =	sadd.s32 $0x400, s15  }
0x4ba: {  	s21 =	sand.u32 $0x1C00, s15;
	s5 =	sand.u32 $0x380, s5;
	p0 =	slt.u32 s18, $0x1F8;
	[tilespmem:s17+$0xA260] =	vst.add.f32.msk $0xffff, v3  }
0x4bb: {  	[tilespmem:s17+$0xA200] =	vst.add.f32.msk $0xffff, v2;
	s17 =	sor.u32 s21, s5  }
0x4bc: {  	v2 =	vld [tilespmem:s17+$0x16200];
	s5 =	sadd.s32 $0xE200, s17  }
0x4bd: {  	v3 =	vld [tilespmem:s5+$0x8070]  }
0x4be: {  	v5 =	vld [tilespmem:s5+$0x8010]  }
0x4bf: {  	v6 =	vld [tilespmem:s5+$0x8020]  }
0x4c0: {  	v7 =	vld [tilespmem:s5+$0x8030]  }
0x4c1: {  	v8 =	vld [tilespmem:s5+$0x8040]  }
0x4c2: {  	[tilespmem:s17+$0xA270] =	vst.add.f32.msk $0xffff, v3  }
0x4c3: {  	v4 =	vld [tilespmem:s5+$0x8050]  }
.Ltmp19:
0x4c4: {  	v3 =	vld [tilespmem:s5+$0x8060];
	(pc) =	sbr.rel @p0 .LBB2_40-.Ltmp19, $4  }
0x4c5: {  	[tilespmem:s17+$0xA210] =	vst.add.f32.msk $0xffff, v5  }
0x4c6: {  	[tilespmem:s17+$0xA220] =	vst.add.f32.msk $0xffff, v6  }
0x4c7: {  	[tilespmem:s17+$0xA230] =	vst.add.f32.msk $0xffff, v7  }
0x4c8: {  	s25 =	sadd.s32 $0x40, s25;
	[tilespmem:s17+$0xA240] =	vst.add.f32.msk $0xffff, v8  }
0x4c9: {  	[tilespmem:s17+$0xA250] =	vst.add.f32.msk $0xffff, v4  }
0x4ca: {  	[tilespmem:s17+$0xA260] =	vst.add.f32.msk $0xffff, v3  }
0x4cb: {  	[tilespmem:s17+$0xA200] =	vst.add.f32.msk $0xffff, v2  }
0x4cc: {  	s5 =	sld [smem:$0x7F3];
	_ =	sdelay $0x1  }
0x4cd: {  	s15 =	simm.s32 $0x0;
	s13 =	simm.s32 $0x8200  }
0x4ce: {  	[hbm4b:s5+s15] =	stream.linear.scatter [tilespmem:s13], [sflag:$0xD], $0x2000, $0x38;
	[tilespmem:$0x1E200] =	vst v63  }
0x4cf: {  	_ =	swait.ge [sflag:s7], $0x2000  }
0x4d0: {  	[sflag:s7] =	ssyncset.done $0x0  }
0x4d1: {  	[sflag:s7] =	ssyncadd.s32 $0xFFFFE000  }
0x4d2: {  	v2 =	vld.msk [tilespmem:$0x30], $0xff;
	_ =	sdelay $0x4  }
0x4d3: {  	v3 =	vshll.u32 v2, $0x3  }
0x4d4: {  	v2 =	vand.u32 $0x7, v2;
	v3 =	vand.u32 $0xFFFFFFC0, v3  }
0x4d5: {  	v2 =	vor.u32 v2, v3  }
0x4d6: {  	v2 =	vperm.xlane v2, v0;
	_ =	sdelay $0x1  }
0x4d7: {  	v2 =	vadd.s32 v1, v2;
	_ =	sdelay $0x3  }
0x4d8: {  	s13 =	simm.s32 $0x6200  }
0x4d9: {  	[tilespmem:s13], [sflag:$0x5] =	stream.indirect_vreg.gather [hbm4b:s1+s15], $0x80, v2, vm0, $0xb8;
	[tilespmem:$0x1E200] =	vst v63  }
0x4da: {  	s25 =	simm.s32 $0x6A00  }
0x4db: {  	[tilespmem:s25], [sflag:$0x5] =	stream.indirect_vreg.gather [hbm4b:s24+s15], $0x80, v2, vm0, $0xb8;
	[tilespmem:$0x1E200] =	vst v63  }
0x4dc: {  	s17 =	simm.s32 $0x7200  }
0x4dd: {  	[tilespmem:s17], [sflag:$0x5] =	stream.indirect_vreg.gather [hbm4b:s26+s15], $0x80, v2, vm0, $0xb8;
	[tilespmem:$0x1E200] =	vst v63  }
0x4de: {  	s18 =	simm.s32 $0x7A00  }
0x4df: {  	[tilespmem:s18], [sflag:$0x5] =	stream.indirect_vreg.gather [hbm4b:s28+s15], $0x80, v2, vm0, $0xb8;
	[tilespmem:$0x1E200] =	vst v63  }
0x4e0: {  	_ =	swait.ge [sflag:s8], $0x2000  }
0x4e1: {  	[sflag:s8] =	ssyncset.done $0x0  }
0x4e2: {  	[sflag:s8] =	ssyncadd.s32 $0xFFFFE000  }
0x4e3: {  	s21 =	simm.s32 $0x0;
	_ =	swait.ge [sflag:s23], $0x2000  }
0x4e4: {  	s5 =	sand.u32 $0x380, s21;
	s25 =	sand.u32 $0x1C00, s15;
	[sflag:s23] =	ssyncset.done $0x0  }
0x4e5: {  	s17 =	sor.u32 s25, s5;
	[sflag:s23] =	ssyncadd.s32 $0xFFFFE000  }
0x4e6: {  	s5 =	sadd.s32 $0xE200, s17;
	v2 =	vld [tilespmem:s17+$0x18200]  }
0x4e7: {  	v3 =	vld [tilespmem:s5+$0xA070]  }
0x4e8: {  	v5 =	vld [tilespmem:s5+$0xA010]  }
0x4e9: {  	v6 =	vld [tilespmem:s5+$0xA020]  }
0x4ea: {  	v7 =	vld [tilespmem:s5+$0xA030]  }
0x4eb: {  	v8 =	vld [tilespmem:s5+$0xA040]  }
0x4ec: {  	v4 =	vld [tilespmem:s5+$0xA050]  }
0x4ed: {  	[tilespmem:s17+$0xC270] =	vst.add.f32.msk $0xffff, v3  }
0x4ee: {  	v3 =	vld [tilespmem:s5+$0xA060]  }
0x4ef: {  	[tilespmem:s17+$0xC210] =	vst.add.f32.msk $0xffff, v5  }
0x4f0: {  	[tilespmem:s17+$0xC220] =	vst.add.f32.msk $0xffff, v6  }
0x4f1: {  	[tilespmem:s17+$0xC230] =	vst.add.f32.msk $0xffff, v7  }
0x4f2: {  	s25 =	simm.s32 $0x40;
	s18 =	simm.s32 $0x0;
	[tilespmem:s17+$0xC240] =	vst.add.f32.msk $0xffff, v8  }
.LBB2_42:
0x4f3: {  	s5 =	sshrl.u32 s25, $0x2;
	s18 =	sadd.s32 $0x8, s18;
	[tilespmem:s17+$0xC250] =	vst.add.f32.msk $0xffff, v4;
	s15 =	sadd.s32 $0x400, s15  }
0x4f4: {  	s21 =	sand.u32 $0x1C00, s15;
	s5 =	sand.u32 $0x380, s5;
	p0 =	slt.u32 s18, $0x1F8;
	[tilespmem:s17+$0xC260] =	vst.add.f32.msk $0xffff, v3  }
0x4f5: {  	[tilespmem:s17+$0xC200] =	vst.add.f32.msk $0xffff, v2;
	s17 =	sor.u32 s21, s5  }
0x4f6: {  	v2 =	vld [tilespmem:s17+$0x18200];
	s5 =	sadd.s32 $0xE200, s17  }
0x4f7: {  	v3 =	vld [tilespmem:s5+$0xA070]  }
0x4f8: {  	v5 =	vld [tilespmem:s5+$0xA010]  }
0x4f9: {  	v6 =	vld [tilespmem:s5+$0xA020]  }
0x4fa: {  	v7 =	vld [tilespmem:s5+$0xA030]  }
0x4fb: {  	v8 =	vld [tilespmem:s5+$0xA040]  }
0x4fc: {  	[tilespmem:s17+$0xC270] =	vst.add.f32.msk $0xffff, v3  }
0x4fd: {  	v4 =	vld [tilespmem:s5+$0xA050]  }
.Ltmp20:
0x4fe: {  	v3 =	vld [tilespmem:s5+$0xA060];
	(pc) =	sbr.rel @p0 .LBB2_42-.Ltmp20, $4  }
0x4ff: {  	[tilespmem:s17+$0xC210] =	vst.add.f32.msk $0xffff, v5  }
0x500: {  	[tilespmem:s17+$0xC220] =	vst.add.f32.msk $0xffff, v6  }
0x501: {  	[tilespmem:s17+$0xC230] =	vst.add.f32.msk $0xffff, v7  }
0x502: {  	s25 =	sadd.s32 $0x40, s25;
	[tilespmem:s17+$0xC240] =	vst.add.f32.msk $0xffff, v8  }
0x503: {  	[tilespmem:s17+$0xC250] =	vst.add.f32.msk $0xffff, v4  }
0x504: {  	[tilespmem:s17+$0xC260] =	vst.add.f32.msk $0xffff, v3  }
0x505: {  	[tilespmem:s17+$0xC200] =	vst.add.f32.msk $0xffff, v2  }
0x506: {  	s5 =	sld [smem:$0x7F4];
	_ =	sdelay $0x1  }
0x507: {  	s15 =	simm.s32 $0x0;
	s18 =	simm.s32 $0xA200  }
0x508: {  	[hbm4b:s5+s15] =	stream.linear.scatter [tilespmem:s18], [sflag:$0xE], $0x2000, $0x38;
	[tilespmem:$0x1E200] =	vst v63  }
0x509: {  	_ =	swait.ge [sflag:s10], $0x2000  }
0x50a: {  	[sflag:s10] =	ssyncset.done $0x0  }
0x50b: {  	[sflag:s10] =	ssyncadd.s32 $0xFFFFE000  }
0x50c: {  	v2 =	vld.msk [tilespmem:$0xB0], $0xff;
	_ =	sdelay $0x4  }
0x50d: {  	v3 =	vshll.u32 v2, $0x3  }
0x50e: {  	v2 =	vand.u32 $0x7, v2;
	v3 =	vand.u32 $0xFFFFFFC0, v3  }
0x50f: {  	v2 =	vor.u32 v2, v3  }
0x510: {  	v2 =	vperm.xlane v2, v0;
	_ =	sdelay $0x1  }
0x511: {  	v2 =	vadd.s32 v1, v2;
	_ =	sdelay $0x3  }
0x512: {  	s21 =	simm.s32 $0x8200  }
0x513: {  	[tilespmem:s21], [sflag:$0x6] =	stream.indirect_vreg.gather [hbm4b:s1+s15], $0x80, v2, vm0, $0xb8;
	[tilespmem:$0x1E200] =	vst v63  }
0x514: {  	s25 =	simm.s32 $0x8A00  }
0x515: {  	[tilespmem:s25], [sflag:$0x6] =	stream.indirect_vreg.gather [hbm4b:s24+s15], $0x80, v2, vm0, $0xb8;
	[tilespmem:$0x1E200] =	vst v63  }
0x516: {  	s17 =	simm.s32 $0x9200  }
0x517: {  	[tilespmem:s17], [sflag:$0x6] =	stream.indirect_vreg.gather [hbm4b:s26+s15], $0x80, v2, vm0, $0xb8;
	[tilespmem:$0x1E200] =	vst v63  }
0x518: {  	s18 =	simm.s32 $0x9A00  }
0x519: {  	[tilespmem:s18], [sflag:$0x6] =	stream.indirect_vreg.gather [hbm4b:s28+s15], $0x80, v2, vm0, $0xb8;
	[tilespmem:$0x1E200] =	vst v63  }
0x51a: {  	s21 =	simm.s32 $0x0;
	_ =	swait.ge [sflag:s22], $0x2000  }
0x51b: {  	s5 =	sand.u32 $0x380, s21;
	s25 =	sand.u32 $0x1C00, s15;
	[sflag:s22] =	ssyncset.done $0x0  }
0x51c: {  	s17 =	sor.u32 s25, s5;
	[sflag:s22] =	ssyncadd.s32 $0xFFFFE000  }
0x51d: {  	s5 =	sadd.s32 $0xE200, s17;
	v2 =	vld [tilespmem:s17+$0x18200]  }
0x51e: {  	v3 =	vld [tilespmem:s5+$0xA070]  }
0x51f: {  	v5 =	vld [tilespmem:s5+$0xA010]  }
0x520: {  	v6 =	vld [tilespmem:s5+$0xA020]  }
0x521: {  	v7 =	vld [tilespmem:s5+$0xA030]  }
0x522: {  	v8 =	vld [tilespmem:s5+$0xA040]  }
0x523: {  	v4 =	vld [tilespmem:s5+$0xA050]  }
0x524: {  	[tilespmem:s17+$0x270] =	vst.add.f32.msk $0xffff, v3  }
0x525: {  	v3 =	vld [tilespmem:s5+$0xA060]  }
0x526: {  	[tilespmem:s17+$0x210] =	vst.add.f32.msk $0xffff, v5  }
0x527: {  	[tilespmem:s17+$0x220] =	vst.add.f32.msk $0xffff, v6  }
0x528: {  	[tilespmem:s17+$0x230] =	vst.add.f32.msk $0xffff, v7  }
0x529: {  	s25 =	simm.s32 $0x40;
	s18 =	simm.s32 $0x0;
	[tilespmem:s17+$0x240] =	vst.add.f32.msk $0xffff, v8  }
.LBB2_44:
0x52a: {  	s5 =	sshrl.u32 s25, $0x2;
	s18 =	sadd.s32 $0x8, s18;
	[tilespmem:s17+$0x250] =	vst.add.f32.msk $0xffff, v4;
	s15 =	sadd.s32 $0x400, s15  }
0x52b: {  	s21 =	sand.u32 $0x1C00, s15;
	s5 =	sand.u32 $0x380, s5;
	p0 =	slt.u32 s18, $0x1F8;
	[tilespmem:s17+$0x260] =	vst.add.f32.msk $0xffff, v3  }
0x52c: {  	[tilespmem:s17+$0x200] =	vst.add.f32.msk $0xffff, v2;
	s17 =	sor.u32 s21, s5  }
0x52d: {  	v2 =	vld [tilespmem:s17+$0x18200];
	s5 =	sadd.s32 $0xE200, s17  }
0x52e: {  	v3 =	vld [tilespmem:s5+$0xA070]  }
0x52f: {  	v5 =	vld [tilespmem:s5+$0xA010]  }
0x530: {  	v6 =	vld [tilespmem:s5+$0xA020]  }
0x531: {  	v7 =	vld [tilespmem:s5+$0xA030]  }
0x532: {  	v8 =	vld [tilespmem:s5+$0xA040]  }
0x533: {  	[tilespmem:s17+$0x270] =	vst.add.f32.msk $0xffff, v3  }
0x534: {  	v4 =	vld [tilespmem:s5+$0xA050]  }
.Ltmp21:
0x535: {  	v3 =	vld [tilespmem:s5+$0xA060];
	(pc) =	sbr.rel @p0 .LBB2_44-.Ltmp21, $4  }
0x536: {  	[tilespmem:s17+$0x210] =	vst.add.f32.msk $0xffff, v5  }
0x537: {  	[tilespmem:s17+$0x220] =	vst.add.f32.msk $0xffff, v6  }
0x538: {  	[tilespmem:s17+$0x230] =	vst.add.f32.msk $0xffff, v7  }
0x539: {  	s25 =	sadd.s32 $0x40, s25;
	[tilespmem:s17+$0x240] =	vst.add.f32.msk $0xffff, v8  }
0x53a: {  	[tilespmem:s17+$0x250] =	vst.add.f32.msk $0xffff, v4  }
0x53b: {  	[tilespmem:s17+$0x260] =	vst.add.f32.msk $0xffff, v3  }
0x53c: {  	[tilespmem:s17+$0x200] =	vst.add.f32.msk $0xffff, v2  }
0x53d: {  	s15 =	simm.s32 $0x0;
	s18 =	simm.s32 $0xC200;
	s5 =	rddreg [dreg:$0x16]  }
0x53e: {  	[hbm4b:s5+s15] =	stream.linear.scatter [tilespmem:s18], [sflag:$0xF], $0x2000, $0x38;
	[tilespmem:$0x1E200] =	vst v63  }
0x53f: {  	_ =	swait.ge [sflag:s11], $0x2000  }
0x540: {  	[sflag:s11] =	ssyncset.done $0x0  }
0x541: {  	[sflag:s11] =	ssyncadd.s32 $0xFFFFE000  }
0x542: {  	v2 =	vld.msk [tilespmem:$0x130], $0xff;
	_ =	sdelay $0x4  }
0x543: {  	v3 =	vshll.u32 v2, $0x3  }
0x544: {  	v2 =	vand.u32 $0x7, v2;
	v3 =	vand.u32 $0xFFFFFFC0, v3  }
0x545: {  	v2 =	vor.u32 v2, v3  }
0x546: {  	v2 =	vperm.xlane v2, v0;
	_ =	sdelay $0x1  }
0x547: {  	v2 =	vadd.s32 v1, v2;
	_ =	sdelay $0x3  }
0x548: {  	s21 =	simm.s32 $0xA200  }
0x549: {  	[tilespmem:s21], [sflag:$0x7] =	stream.indirect_vreg.gather [hbm4b:s1+s15], $0x80, v2, vm0, $0xb8;
	[tilespmem:$0x1E200] =	vst v63  }
0x54a: {  	s25 =	simm.s32 $0xAA00  }
0x54b: {  	[tilespmem:s25], [sflag:$0x7] =	stream.indirect_vreg.gather [hbm4b:s24+s15], $0x80, v2, vm0, $0xb8;
	[tilespmem:$0x1E200] =	vst v63  }
0x54c: {  	s17 =	simm.s32 $0xB200  }
0x54d: {  	[tilespmem:s17], [sflag:$0x7] =	stream.indirect_vreg.gather [hbm4b:s26+s15], $0x80, v2, vm0, $0xb8;
	[tilespmem:$0x1E200] =	vst v63  }
0x54e: {  	s18 =	simm.s32 $0xBA00  }
0x54f: {  	[tilespmem:s18], [sflag:$0x7] =	stream.indirect_vreg.gather [hbm4b:s28+s15], $0x80, v2, vm0, $0xb8;
	[tilespmem:$0x1E200] =	vst v63  }
0x550: {  	s21 =	simm.s32 $0x0;
	_ =	swait.ge [sflag:s20], $0x2000  }
0x551: {  	s5 =	sand.u32 $0x380, s21;
	s25 =	sand.u32 $0x1C00, s15;
	[sflag:s20] =	ssyncset.done $0x0  }
0x552: {  	s17 =	sor.u32 s25, s5;
	[sflag:s20] =	ssyncadd.s32 $0xFFFFE000  }
0x553: {  	s5 =	sadd.s32 $0xE200, s17;
	v2 =	vld [tilespmem:s17+$0x18200]  }
0x554: {  	v3 =	vld [tilespmem:s5+$0xA070]  }
0x555: {  	v5 =	vld [tilespmem:s5+$0xA010]  }
0x556: {  	v6 =	vld [tilespmem:s5+$0xA020]  }
0x557: {  	v7 =	vld [tilespmem:s5+$0xA030]  }
0x558: {  	v8 =	vld [tilespmem:s5+$0xA040]  }
0x559: {  	v4 =	vld [tilespmem:s5+$0xA050]  }
0x55a: {  	[tilespmem:s17+$0x2270] =	vst.add.f32.msk $0xffff, v3  }
0x55b: {  	v3 =	vld [tilespmem:s5+$0xA060]  }
0x55c: {  	[tilespmem:s17+$0x2210] =	vst.add.f32.msk $0xffff, v5  }
0x55d: {  	[tilespmem:s17+$0x2220] =	vst.add.f32.msk $0xffff, v6  }
0x55e: {  	[tilespmem:s17+$0x2230] =	vst.add.f32.msk $0xffff, v7  }
0x55f: {  	s25 =	simm.s32 $0x40;
	s18 =	simm.s32 $0x0;
	[tilespmem:s17+$0x2240] =	vst.add.f32.msk $0xffff, v8  }
.LBB2_46:
0x560: {  	s5 =	sshrl.u32 s25, $0x2;
	s18 =	sadd.s32 $0x8, s18;
	[tilespmem:s17+$0x2250] =	vst.add.f32.msk $0xffff, v4;
	s15 =	sadd.s32 $0x400, s15  }
0x561: {  	s21 =	sand.u32 $0x1C00, s15;
	s5 =	sand.u32 $0x380, s5;
	p0 =	slt.u32 s18, $0x1F8;
	[tilespmem:s17+$0x2260] =	vst.add.f32.msk $0xffff, v3  }
0x562: {  	[tilespmem:s17+$0x2200] =	vst.add.f32.msk $0xffff, v2;
	s17 =	sor.u32 s21, s5  }
0x563: {  	v2 =	vld [tilespmem:s17+$0x18200];
	s5 =	sadd.s32 $0xE200, s17  }
0x564: {  	v3 =	vld [tilespmem:s5+$0xA070]  }
0x565: {  	v5 =	vld [tilespmem:s5+$0xA010]  }
0x566: {  	v6 =	vld [tilespmem:s5+$0xA020]  }
0x567: {  	v7 =	vld [tilespmem:s5+$0xA030]  }
0x568: {  	v8 =	vld [tilespmem:s5+$0xA040]  }
0x569: {  	[tilespmem:s17+$0x2270] =	vst.add.f32.msk $0xffff, v3  }
0x56a: {  	v4 =	vld [tilespmem:s5+$0xA050]  }
.Ltmp22:
0x56b: {  	v3 =	vld [tilespmem:s5+$0xA060];
	(pc) =	sbr.rel @p0 .LBB2_46-.Ltmp22, $4  }
0x56c: {  	[tilespmem:s17+$0x2210] =	vst.add.f32.msk $0xffff, v5  }
0x56d: {  	[tilespmem:s17+$0x2220] =	vst.add.f32.msk $0xffff, v6  }
0x56e: {  	[tilespmem:s17+$0x2230] =	vst.add.f32.msk $0xffff, v7  }
0x56f: {  	s25 =	sadd.s32 $0x40, s25;
	[tilespmem:s17+$0x2240] =	vst.add.f32.msk $0xffff, v8  }
0x570: {  	[tilespmem:s17+$0x2250] =	vst.add.f32.msk $0xffff, v4  }
0x571: {  	[tilespmem:s17+$0x2260] =	vst.add.f32.msk $0xffff, v3  }
0x572: {  	[tilespmem:s17+$0x2200] =	vst.add.f32.msk $0xffff, v2  }
0x573: {  	s5 =	sld [smem:$0x7F5];
	_ =	sdelay $0x1  }
0x574: {  	s15 =	simm.s32 $0x0  }
0x575: {  	[hbm4b:s5+s15] =	stream.linear.scatter [tilespmem:s30], [sflag:$0x9], $0x2000, $0x38;
	[tilespmem:$0x1E200] =	vst v63  }
0x576: {  	_ =	swait.ge [sflag:s12], $0x2000  }
0x577: {  	[sflag:s12] =	ssyncset.done $0x0  }
0x578: {  	[sflag:s12] =	ssyncadd.s32 $0xFFFFE000  }
0x579: {  	v2 =	vld.msk [tilespmem:$0x1B0], $0xff;
	_ =	sdelay $0x4  }
0x57a: {  	v3 =	vshll.u32 v2, $0x3  }
0x57b: {  	v2 =	vand.u32 $0x7, v2;
	v3 =	vand.u32 $0xFFFFFFC0, v3  }
0x57c: {  	v2 =	vor.u32 v2, v3  }
0x57d: {  	v2 =	vperm.xlane v2, v0;
	_ =	sdelay $0x1  }
0x57e: {  	v2 =	vadd.s32 v1, v2;
	_ =	sdelay $0x3  }
0x57f: {  	s21 =	simm.s32 $0xC200  }
0x580: {  	[tilespmem:s21], [sflag:$0x8] =	stream.indirect_vreg.gather [hbm4b:s1+s15], $0x80, v2, vm0, $0xb8;
	[tilespmem:$0x1E200] =	vst v63  }
0x581: {  	s25 =	simm.s32 $0xCA00  }
0x582: {  	[tilespmem:s25], [sflag:$0x8] =	stream.indirect_vreg.gather [hbm4b:s24+s15], $0x80, v2, vm0, $0xb8;
	[tilespmem:$0x1E200] =	vst v63  }
0x583: {  	s17 =	simm.s32 $0xD200  }
0x584: {  	[tilespmem:s17], [sflag:$0x8] =	stream.indirect_vreg.gather [hbm4b:s26+s15], $0x80, v2, vm0, $0xb8;
	[tilespmem:$0x1E200] =	vst v63  }
0x585: {  	s18 =	simm.s32 $0xDA00  }
0x586: {  	[tilespmem:s18], [sflag:$0x8] =	stream.indirect_vreg.gather [hbm4b:s28+s15], $0x80, v2, vm0, $0xb8;
	[tilespmem:$0x1E200] =	vst v63  }
0x587: {  	s21 =	simm.s32 $0x0;
	_ =	swait.ge [sflag:s4], $0x2000  }
0x588: {  	s5 =	sand.u32 $0x380, s21;
	s25 =	sand.u32 $0x1C00, s15;
	[sflag:s4] =	ssyncset.done $0x0  }
0x589: {  	s17 =	sor.u32 s25, s5;
	[sflag:s4] =	ssyncadd.s32 $0xFFFFE000  }
0x58a: {  	s5 =	sadd.s32 $0xE200, s17;
	v2 =	vld [tilespmem:s17+$0x18200]  }
0x58b: {  	v3 =	vld [tilespmem:s5+$0xA070]  }
0x58c: {  	v5 =	vld [tilespmem:s5+$0xA010]  }
0x58d: {  	v6 =	vld [tilespmem:s5+$0xA020]  }
0x58e: {  	v7 =	vld [tilespmem:s5+$0xA030]  }
0x58f: {  	v8 =	vld [tilespmem:s5+$0xA040]  }
0x590: {  	v4 =	vld [tilespmem:s5+$0xA050]  }
0x591: {  	[tilespmem:s17+$0x4270] =	vst.add.f32.msk $0xffff, v3  }
0x592: {  	v3 =	vld [tilespmem:s5+$0xA060]  }
0x593: {  	[tilespmem:s17+$0x4210] =	vst.add.f32.msk $0xffff, v5  }
0x594: {  	[tilespmem:s17+$0x4220] =	vst.add.f32.msk $0xffff, v6  }
0x595: {  	[tilespmem:s17+$0x4230] =	vst.add.f32.msk $0xffff, v7  }
0x596: {  	s25 =	simm.s32 $0x40;
	s18 =	simm.s32 $0x0;
	[tilespmem:s17+$0x4240] =	vst.add.f32.msk $0xffff, v8  }
.LBB2_48:
0x597: {  	s5 =	sshrl.u32 s25, $0x2;
	s18 =	sadd.s32 $0x8, s18;
	[tilespmem:s17+$0x4250] =	vst.add.f32.msk $0xffff, v4;
	s15 =	sadd.s32 $0x400, s15  }
0x598: {  	s21 =	sand.u32 $0x1C00, s15;
	s5 =	sand.u32 $0x380, s5;
	p0 =	slt.u32 s18, $0x1F8;
	[tilespmem:s17+$0x4260] =	vst.add.f32.msk $0xffff, v3  }
0x599: {  	[tilespmem:s17+$0x4200] =	vst.add.f32.msk $0xffff, v2;
	s17 =	sor.u32 s21, s5  }
0x59a: {  	v2 =	vld [tilespmem:s17+$0x18200];
	s5 =	sadd.s32 $0xE200, s17  }
0x59b: {  	v3 =	vld [tilespmem:s5+$0xA070]  }
0x59c: {  	v5 =	vld [tilespmem:s5+$0xA010]  }
0x59d: {  	v6 =	vld [tilespmem:s5+$0xA020]  }
0x59e: {  	v7 =	vld [tilespmem:s5+$0xA030]  }
0x59f: {  	v8 =	vld [tilespmem:s5+$0xA040]  }
0x5a0: {  	[tilespmem:s17+$0x4270] =	vst.add.f32.msk $0xffff, v3  }
0x5a1: {  	v4 =	vld [tilespmem:s5+$0xA050]  }
.Ltmp23:
0x5a2: {  	v3 =	vld [tilespmem:s5+$0xA060];
	(pc) =	sbr.rel @p0 .LBB2_48-.Ltmp23, $4  }
0x5a3: {  	[tilespmem:s17+$0x4210] =	vst.add.f32.msk $0xffff, v5  }
0x5a4: {  	[tilespmem:s17+$0x4220] =	vst.add.f32.msk $0xffff, v6  }
0x5a5: {  	[tilespmem:s17+$0x4230] =	vst.add.f32.msk $0xffff, v7  }
0x5a6: {  	s25 =	sadd.s32 $0x40, s25;
	[tilespmem:s17+$0x4240] =	vst.add.f32.msk $0xffff, v8  }
0x5a7: {  	[tilespmem:s17+$0x4250] =	vst.add.f32.msk $0xffff, v4  }
0x5a8: {  	[tilespmem:s17+$0x4260] =	vst.add.f32.msk $0xffff, v3  }
0x5a9: {  	[tilespmem:s17+$0x4200] =	vst.add.f32.msk $0xffff, v2  }
0x5aa: {  	s5 =	sld [smem:$0x7F6];
	_ =	sdelay $0x1  }
0x5ab: {  	s15 =	simm.s32 $0x0;
	s25 =	simm.s32 $0x2200  }
0x5ac: {  	[hbm4b:s5+s15] =	stream.linear.scatter [tilespmem:s25], [sflag:$0xA], $0x2000, $0x38;
	[tilespmem:$0x1E200] =	vst v63  }
0x5ad: {  	_ =	swait.ge [sflag:s16], $0x2000  }
0x5ae: {  	[sflag:s16] =	ssyncset.done $0x0  }
0x5af: {  	[sflag:s16] =	ssyncadd.s32 $0xFFFFE000  }
0x5b0: {  	v2 =	vld.msk [tilespmem:$0x38], $0xff;
	_ =	sdelay $0x4  }
0x5b1: {  	v3 =	vshll.u32 v2, $0x3  }
0x5b2: {  	v2 =	vand.u32 $0x7, v2;
	v3 =	vand.u32 $0xFFFFFFC0, v3  }
0x5b3: {  	v2 =	vor.u32 v2, v3  }
0x5b4: {  	v2 =	vperm.xlane v2, v0;
	_ =	sdelay $0x1  }
0x5b5: {  	v2 =	vadd.s32 v1, v2;
	_ =	sdelay $0x4  }
0x5b6: {  	[tilespmem:s30], [sflag:$0x2] =	stream.indirect_vreg.gather [hbm4b:s1+s15], $0x80, v2, vm0, $0xb8;
	[tilespmem:$0x1E200] =	vst v63  }
0x5b7: {  	_ = 	snop  }
0x5b8: {  	[tilespmem:s9], [sflag:$0x2] =	stream.indirect_vreg.gather [hbm4b:s24+s15], $0x80, v2, vm0, $0xb8;
	[tilespmem:$0x1E200] =	vst v63  }
0x5b9: {  	s17 =	simm.s32 $0x1200  }
0x5ba: {  	[tilespmem:s17], [sflag:$0x2] =	stream.indirect_vreg.gather [hbm4b:s26+s15], $0x80, v2, vm0, $0xb8;
	[tilespmem:$0x1E200] =	vst v63  }
0x5bb: {  	s18 =	simm.s32 $0x1A00  }
0x5bc: {  	[tilespmem:s18], [sflag:$0x2] =	stream.indirect_vreg.gather [hbm4b:s28+s15], $0x80, v2, vm0, $0xb8;
	[tilespmem:$0x1E200] =	vst v63  }
0x5bd: {  	_ =	swait.ge [sflag:s19], $0x2000  }
0x5be: {  	[sflag:s19] =	ssyncset.done $0x0  }
0x5bf: {  	[sflag:s19] =	ssyncadd.s32 $0xFFFFE000  }
0x5c0: {  	s21 =	simm.s32 $0x0;
	_ =	swait.ge [sflag:s23], $0x2000  }
0x5c1: {  	s25 =	sand.u32 $0x1C00, s15;
	s5 =	sand.u32 $0x380, s21;
	[sflag:s23] =	ssyncset.done $0x0  }
0x5c2: {  	s17 =	sor.u32 s25, s5;
	[sflag:s23] =	ssyncadd.s32 $0xFFFFE000  }
0x5c3: {  	s5 =	sadd.s32 $0xE200, s17;
	v2 =	vld [tilespmem:s17+$0x1A200]  }
0x5c4: {  	v3 =	vld [tilespmem:s5+$0xC070]  }
0x5c5: {  	v5 =	vld [tilespmem:s5+$0xC010]  }
0x5c6: {  	v6 =	vld [tilespmem:s5+$0xC020]  }
0x5c7: {  	v7 =	vld [tilespmem:s5+$0xC030]  }
0x5c8: {  	v8 =	vld [tilespmem:s5+$0xC040]  }
0x5c9: {  	v4 =	vld [tilespmem:s5+$0xC050]  }
0x5ca: {  	[tilespmem:s17+$0x6270] =	vst.add.f32.msk $0xffff, v3  }
0x5cb: {  	v3 =	vld [tilespmem:s5+$0xC060]  }
0x5cc: {  	[tilespmem:s17+$0x6210] =	vst.add.f32.msk $0xffff, v5  }
0x5cd: {  	[tilespmem:s17+$0x6220] =	vst.add.f32.msk $0xffff, v6  }
0x5ce: {  	[tilespmem:s17+$0x6230] =	vst.add.f32.msk $0xffff, v7  }
0x5cf: {  	s25 =	simm.s32 $0x40;
	s18 =	simm.s32 $0x0;
	[tilespmem:s17+$0x6240] =	vst.add.f32.msk $0xffff, v8  }
.LBB2_50:
0x5d0: {  	s5 =	sshrl.u32 s25, $0x2;
	s18 =	sadd.s32 $0x8, s18;
	[tilespmem:s17+$0x6250] =	vst.add.f32.msk $0xffff, v4;
	s15 =	sadd.s32 $0x400, s15  }
0x5d1: {  	s21 =	sand.u32 $0x1C00, s15;
	s5 =	sand.u32 $0x380, s5;
	p0 =	slt.u32 s18, $0x1F8;
	[tilespmem:s17+$0x6260] =	vst.add.f32.msk $0xffff, v3  }
0x5d2: {  	[tilespmem:s17+$0x6200] =	vst.add.f32.msk $0xffff, v2;
	s17 =	sor.u32 s21, s5  }
0x5d3: {  	v2 =	vld [tilespmem:s17+$0x1A200];
	s5 =	sadd.s32 $0xE200, s17  }
0x5d4: {  	v3 =	vld [tilespmem:s5+$0xC070]  }
0x5d5: {  	v5 =	vld [tilespmem:s5+$0xC010]  }
0x5d6: {  	v6 =	vld [tilespmem:s5+$0xC020]  }
0x5d7: {  	v7 =	vld [tilespmem:s5+$0xC030]  }
0x5d8: {  	v8 =	vld [tilespmem:s5+$0xC040]  }
0x5d9: {  	[tilespmem:s17+$0x6270] =	vst.add.f32.msk $0xffff, v3  }
0x5da: {  	v4 =	vld [tilespmem:s5+$0xC050]  }
.Ltmp24:
0x5db: {  	v3 =	vld [tilespmem:s5+$0xC060];
	(pc) =	sbr.rel @p0 .LBB2_50-.Ltmp24, $4  }
0x5dc: {  	[tilespmem:s17+$0x6210] =	vst.add.f32.msk $0xffff, v5  }
0x5dd: {  	[tilespmem:s17+$0x6220] =	vst.add.f32.msk $0xffff, v6  }
0x5de: {  	[tilespmem:s17+$0x6230] =	vst.add.f32.msk $0xffff, v7  }
0x5df: {  	s25 =	sadd.s32 $0x40, s25;
	[tilespmem:s17+$0x6240] =	vst.add.f32.msk $0xffff, v8  }
0x5e0: {  	[tilespmem:s17+$0x6250] =	vst.add.f32.msk $0xffff, v4  }
0x5e1: {  	[tilespmem:s17+$0x6260] =	vst.add.f32.msk $0xffff, v3  }
0x5e2: {  	[tilespmem:s17+$0x6200] =	vst.add.f32.msk $0xffff, v2  }
0x5e3: {  	s5 =	sld [smem:$0x7F7];
	_ =	sdelay $0x1  }
0x5e4: {  	s15 =	simm.s32 $0x0;
	s9 =	simm.s32 $0x4200  }
0x5e5: {  	[hbm4b:s5+s15] =	stream.linear.scatter [tilespmem:s9], [sflag:$0xB], $0x2000, $0x38;
	[tilespmem:$0x1E200] =	vst v63  }
0x5e6: {  	_ =	swait.ge [sflag:s31], $0x2000  }
0x5e7: {  	[sflag:s31] =	ssyncset.done $0x0  }
0x5e8: {  	[sflag:s31] =	ssyncadd.s32 $0xFFFFE000  }
0x5e9: {  	v2 =	vld.msk [tilespmem:$0xB8], $0xff;
	_ =	sdelay $0x4  }
0x5ea: {  	v3 =	vshll.u32 v2, $0x3  }
0x5eb: {  	v2 =	vand.u32 $0x7, v2;
	v3 =	vand.u32 $0xFFFFFFC0, v3  }
0x5ec: {  	v2 =	vor.u32 v2, v3  }
0x5ed: {  	v2 =	vperm.xlane v2, v0;
	_ =	sdelay $0x1  }
0x5ee: {  	v2 =	vadd.s32 v1, v2;
	_ =	sdelay $0x3  }
0x5ef: {  	s21 =	simm.s32 $0x2200  }
0x5f0: {  	[tilespmem:s21], [sflag:$0x3] =	stream.indirect_vreg.gather [hbm4b:s1+s15], $0x80, v2, vm0, $0xb8;
	[tilespmem:$0x1E200] =	vst v63  }
0x5f1: {  	s25 =	simm.s32 $0x2A00  }
0x5f2: {  	[tilespmem:s25], [sflag:$0x3] =	stream.indirect_vreg.gather [hbm4b:s24+s15], $0x80, v2, vm0, $0xb8;
	[tilespmem:$0x1E200] =	vst v63  }
0x5f3: {  	s17 =	simm.s32 $0x3200  }
0x5f4: {  	[tilespmem:s17], [sflag:$0x3] =	stream.indirect_vreg.gather [hbm4b:s26+s15], $0x80, v2, vm0, $0xb8;
	[tilespmem:$0x1E200] =	vst v63  }
0x5f5: {  	s18 =	simm.s32 $0x3A00  }
0x5f6: {  	[tilespmem:s18], [sflag:$0x3] =	stream.indirect_vreg.gather [hbm4b:s28+s15], $0x80, v2, vm0, $0xb8;
	[tilespmem:$0x1E200] =	vst v63  }
0x5f7: {  	s21 =	simm.s32 $0x0;
	_ =	swait.ge [sflag:s2], $0x2000  }
0x5f8: {  	s5 =	sand.u32 $0x380, s21;
	s25 =	sand.u32 $0x1C00, s15;
	[sflag:s2] =	ssyncset.done $0x0  }
0x5f9: {  	s17 =	sor.u32 s25, s5;
	[sflag:s2] =	ssyncadd.s32 $0xFFFFE000  }
0x5fa: {  	s5 =	sadd.s32 $0xE200, s17;
	v2 =	vld [tilespmem:s17+$0x1A200]  }
0x5fb: {  	v3 =	vld [tilespmem:s5+$0xC070]  }
0x5fc: {  	v5 =	vld [tilespmem:s5+$0xC010]  }
0x5fd: {  	v6 =	vld [tilespmem:s5+$0xC020]  }
0x5fe: {  	v7 =	vld [tilespmem:s5+$0xC030]  }
0x5ff: {  	v8 =	vld [tilespmem:s5+$0xC040]  }
0x600: {  	v4 =	vld [tilespmem:s5+$0xC050]  }
0x601: {  	[tilespmem:s17+$0x8270] =	vst.add.f32.msk $0xffff, v3  }
0x602: {  	v3 =	vld [tilespmem:s5+$0xC060]  }
0x603: {  	[tilespmem:s17+$0x8210] =	vst.add.f32.msk $0xffff, v5  }
0x604: {  	[tilespmem:s17+$0x8220] =	vst.add.f32.msk $0xffff, v6  }
0x605: {  	[tilespmem:s17+$0x8230] =	vst.add.f32.msk $0xffff, v7  }
0x606: {  	s25 =	simm.s32 $0x40;
	s18 =	simm.s32 $0x0;
	[tilespmem:s17+$0x8240] =	vst.add.f32.msk $0xffff, v8  }
.LBB2_52:
0x607: {  	s5 =	sshrl.u32 s25, $0x2;
	s18 =	sadd.s32 $0x8, s18;
	[tilespmem:s17+$0x8250] =	vst.add.f32.msk $0xffff, v4;
	s15 =	sadd.s32 $0x400, s15  }
0x608: {  	s21 =	sand.u32 $0x1C00, s15;
	s5 =	sand.u32 $0x380, s5;
	p0 =	slt.u32 s18, $0x1F8;
	[tilespmem:s17+$0x8260] =	vst.add.f32.msk $0xffff, v3  }
0x609: {  	[tilespmem:s17+$0x8200] =	vst.add.f32.msk $0xffff, v2;
	s17 =	sor.u32 s21, s5  }
0x60a: {  	v2 =	vld [tilespmem:s17+$0x1A200];
	s5 =	sadd.s32 $0xE200, s17  }
0x60b: {  	v3 =	vld [tilespmem:s5+$0xC070]  }
0x60c: {  	v5 =	vld [tilespmem:s5+$0xC010]  }
0x60d: {  	v6 =	vld [tilespmem:s5+$0xC020]  }
0x60e: {  	v7 =	vld [tilespmem:s5+$0xC030]  }
0x60f: {  	v8 =	vld [tilespmem:s5+$0xC040]  }
0x610: {  	[tilespmem:s17+$0x8270] =	vst.add.f32.msk $0xffff, v3  }
0x611: {  	v4 =	vld [tilespmem:s5+$0xC050]  }
.Ltmp25:
0x612: {  	v3 =	vld [tilespmem:s5+$0xC060];
	(pc) =	sbr.rel @p0 .LBB2_52-.Ltmp25, $4  }
0x613: {  	[tilespmem:s17+$0x8210] =	vst.add.f32.msk $0xffff, v5  }
0x614: {  	[tilespmem:s17+$0x8220] =	vst.add.f32.msk $0xffff, v6  }
0x615: {  	[tilespmem:s17+$0x8230] =	vst.add.f32.msk $0xffff, v7  }
0x616: {  	s25 =	sadd.s32 $0x40, s25;
	[tilespmem:s17+$0x8240] =	vst.add.f32.msk $0xffff, v8  }
0x617: {  	[tilespmem:s17+$0x8250] =	vst.add.f32.msk $0xffff, v4  }
0x618: {  	[tilespmem:s17+$0x8260] =	vst.add.f32.msk $0xffff, v3  }
0x619: {  	[tilespmem:s17+$0x8200] =	vst.add.f32.msk $0xffff, v2  }
0x61a: {  	s15 =	simm.s32 $0x0;
	s5 =	rddreg [dreg:$0x17]  }
0x61b: {  	[hbm4b:s5+s15] =	stream.linear.scatter [tilespmem:s13], [sflag:$0xC], $0x2000, $0x38;
	[tilespmem:$0x1E200] =	vst v63  }
0x61c: {  	_ =	swait.ge [sflag:s0], $0x2000  }
0x61d: {  	[sflag:s0] =	ssyncset.done $0x0  }
0x61e: {  	[sflag:s0] =	ssyncadd.s32 $0xFFFFE000  }
0x61f: {  	v2 =	vld.msk [tilespmem:$0x138], $0xff;
	_ =	sdelay $0x4  }
0x620: {  	v3 =	vshll.u32 v2, $0x3  }
0x621: {  	v2 =	vand.u32 $0x7, v2;
	v3 =	vand.u32 $0xFFFFFFC0, v3  }
0x622: {  	v2 =	vor.u32 v2, v3  }
0x623: {  	v2 =	vperm.xlane v2, v0;
	_ =	sdelay $0x1  }
0x624: {  	v2 =	vadd.s32 v1, v2;
	_ =	sdelay $0x4  }
0x625: {  	[tilespmem:s9], [sflag:$0x4] =	stream.indirect_vreg.gather [hbm4b:s1+s15], $0x80, v2, vm0, $0xb8;
	[tilespmem:$0x1E200] =	vst v63  }
0x626: {  	s9 =	simm.s32 $0x4A00  }
0x627: {  	[tilespmem:s9], [sflag:$0x4] =	stream.indirect_vreg.gather [hbm4b:s24+s15], $0x80, v2, vm0, $0xb8;
	[tilespmem:$0x1E200] =	vst v63  }
0x628: {  	s17 =	simm.s32 $0x5200  }
0x629: {  	[tilespmem:s17], [sflag:$0x4] =	stream.indirect_vreg.gather [hbm4b:s26+s15], $0x80, v2, vm0, $0xb8;
	[tilespmem:$0x1E200] =	vst v63  }
0x62a: {  	s18 =	simm.s32 $0x5A00  }
0x62b: {  	[tilespmem:s18], [sflag:$0x4] =	stream.indirect_vreg.gather [hbm4b:s28+s15], $0x80, v2, vm0, $0xb8;
	[tilespmem:$0x1E200] =	vst v63  }
0x62c: {  	s21 =	simm.s32 $0x0;
	_ =	swait.ge [sflag:s6], $0x2000  }
0x62d: {  	s25 =	sand.u32 $0x1C00, s15;
	s5 =	sand.u32 $0x380, s21;
	[sflag:s6] =	ssyncset.done $0x0  }
0x62e: {  	s17 =	sor.u32 s25, s5;
	[sflag:s6] =	ssyncadd.s32 $0xFFFFE000  }
0x62f: {  	s5 =	sadd.s32 $0xE200, s17;
	v2 =	vld [tilespmem:s17+$0x1A200]  }
0x630: {  	v3 =	vld [tilespmem:s5+$0xC070]  }
0x631: {  	v5 =	vld [tilespmem:s5+$0xC010]  }
0x632: {  	v6 =	vld [tilespmem:s5+$0xC020]  }
0x633: {  	v7 =	vld [tilespmem:s5+$0xC030]  }
0x634: {  	v8 =	vld [tilespmem:s5+$0xC040]  }
0x635: {  	v4 =	vld [tilespmem:s5+$0xC050]  }
0x636: {  	[tilespmem:s17+$0xA270] =	vst.add.f32.msk $0xffff, v3  }
0x637: {  	v3 =	vld [tilespmem:s5+$0xC060]  }
0x638: {  	[tilespmem:s17+$0xA210] =	vst.add.f32.msk $0xffff, v5  }
0x639: {  	[tilespmem:s17+$0xA220] =	vst.add.f32.msk $0xffff, v6  }
0x63a: {  	[tilespmem:s17+$0xA230] =	vst.add.f32.msk $0xffff, v7  }
0x63b: {  	s25 =	simm.s32 $0x40;
	s18 =	simm.s32 $0x0;
	[tilespmem:s17+$0xA240] =	vst.add.f32.msk $0xffff, v8  }
.LBB2_54:
0x63c: {  	s5 =	sshrl.u32 s25, $0x2;
	s18 =	sadd.s32 $0x8, s18;
	[tilespmem:s17+$0xA250] =	vst.add.f32.msk $0xffff, v4;
	s15 =	sadd.s32 $0x400, s15  }
0x63d: {  	s21 =	sand.u32 $0x1C00, s15;
	s5 =	sand.u32 $0x380, s5;
	p0 =	slt.u32 s18, $0x1F8;
	[tilespmem:s17+$0xA260] =	vst.add.f32.msk $0xffff, v3  }
0x63e: {  	[tilespmem:s17+$0xA200] =	vst.add.f32.msk $0xffff, v2;
	s17 =	sor.u32 s21, s5  }
0x63f: {  	v2 =	vld [tilespmem:s17+$0x1A200];
	s5 =	sadd.s32 $0xE200, s17  }
0x640: {  	v3 =	vld [tilespmem:s5+$0xC070]  }
0x641: {  	v5 =	vld [tilespmem:s5+$0xC010]  }
0x642: {  	v6 =	vld [tilespmem:s5+$0xC020]  }
0x643: {  	v7 =	vld [tilespmem:s5+$0xC030]  }
0x644: {  	v8 =	vld [tilespmem:s5+$0xC040]  }
0x645: {  	[tilespmem:s17+$0xA270] =	vst.add.f32.msk $0xffff, v3  }
0x646: {  	v4 =	vld [tilespmem:s5+$0xC050]  }
.Ltmp26:
0x647: {  	v3 =	vld [tilespmem:s5+$0xC060];
	(pc) =	sbr.rel @p0 .LBB2_54-.Ltmp26, $4  }
0x648: {  	[tilespmem:s17+$0xA210] =	vst.add.f32.msk $0xffff, v5  }
0x649: {  	[tilespmem:s17+$0xA220] =	vst.add.f32.msk $0xffff, v6  }
0x64a: {  	[tilespmem:s17+$0xA230] =	vst.add.f32.msk $0xffff, v7  }
0x64b: {  	s25 =	sadd.s32 $0x40, s25;
	[tilespmem:s17+$0xA240] =	vst.add.f32.msk $0xffff, v8  }
0x64c: {  	[tilespmem:s17+$0xA250] =	vst.add.f32.msk $0xffff, v4  }
0x64d: {  	[tilespmem:s17+$0xA260] =	vst.add.f32.msk $0xffff, v3  }
0x64e: {  	[tilespmem:s17+$0xA200] =	vst.add.f32.msk $0xffff, v2  }
0x64f: {  	s5 =	sld [smem:$0x7F8];
	_ =	sdelay $0x1  }
0x650: {  	s15 =	simm.s32 $0x0;
	s9 =	simm.s32 $0x8200  }
0x651: {  	[hbm4b:s5+s15] =	stream.linear.scatter [tilespmem:s9], [sflag:$0xD], $0x2000, $0x38;
	[tilespmem:$0x1E200] =	vst v63  }
0x652: {  	_ =	swait.ge [sflag:s7], $0x2000  }
0x653: {  	[sflag:s7] =	ssyncset.done $0x0  }
0x654: {  	[sflag:s7] =	ssyncadd.s32 $0xFFFFE000  }
0x655: {  	v2 =	vld.msk [tilespmem:$0x1B8], $0xff;
	_ =	sdelay $0x4  }
0x656: {  	v3 =	vshll.u32 v2, $0x3  }
0x657: {  	v2 =	vand.u32 $0x7, v2;
	v3 =	vand.u32 $0xFFFFFFC0, v3  }
0x658: {  	v2 =	vor.u32 v2, v3  }
0x659: {  	v2 =	vperm.xlane v2, v0;
	_ =	sdelay $0x1  }
0x65a: {  	v2 =	vadd.s32 v1, v2;
	_ =	sdelay $0x4  }
0x65b: {  	[tilespmem:s13], [sflag:$0x5] =	stream.indirect_vreg.gather [hbm4b:s1+s15], $0x80, v2, vm0, $0xb8;
	[tilespmem:$0x1E200] =	vst v63  }
0x65c: {  	s9 =	simm.s32 $0x6A00  }
0x65d: {  	[tilespmem:s9], [sflag:$0x5] =	stream.indirect_vreg.gather [hbm4b:s24+s15], $0x80, v2, vm0, $0xb8;
	[tilespmem:$0x1E200] =	vst v63  }
0x65e: {  	s17 =	simm.s32 $0x7200  }
0x65f: {  	[tilespmem:s17], [sflag:$0x5] =	stream.indirect_vreg.gather [hbm4b:s26+s15], $0x80, v2, vm0, $0xb8;
	[tilespmem:$0x1E200] =	vst v63  }
0x660: {  	s18 =	simm.s32 $0x7A00  }
0x661: {  	[tilespmem:s18], [sflag:$0x5] =	stream.indirect_vreg.gather [hbm4b:s28+s15], $0x80, v2, vm0, $0xb8;
	[tilespmem:$0x1E200] =	vst v63  }
0x662: {  	s21 =	simm.s32 $0x0;
	_ =	swait.ge [sflag:s8], $0x2000  }
0x663: {  	s25 =	sand.u32 $0x1C00, s15;
	s5 =	sand.u32 $0x380, s21;
	[sflag:s8] =	ssyncset.done $0x0  }
0x664: {  	s17 =	sor.u32 s25, s5;
	[sflag:s8] =	ssyncadd.s32 $0xFFFFE000  }
0x665: {  	s5 =	sadd.s32 $0xE200, s17;
	v2 =	vld [tilespmem:s17+$0x1A200]  }
0x666: {  	v3 =	vld [tilespmem:s5+$0xC070]  }
0x667: {  	v5 =	vld [tilespmem:s5+$0xC010]  }
0x668: {  	v6 =	vld [tilespmem:s5+$0xC020]  }
0x669: {  	v7 =	vld [tilespmem:s5+$0xC030]  }
0x66a: {  	v8 =	vld [tilespmem:s5+$0xC040]  }
0x66b: {  	v4 =	vld [tilespmem:s5+$0xC050]  }
0x66c: {  	[tilespmem:s17+$0xC270] =	vst.add.f32.msk $0xffff, v3  }
0x66d: {  	v3 =	vld [tilespmem:s5+$0xC060]  }
0x66e: {  	[tilespmem:s17+$0xC210] =	vst.add.f32.msk $0xffff, v5  }
0x66f: {  	[tilespmem:s17+$0xC220] =	vst.add.f32.msk $0xffff, v6  }
0x670: {  	[tilespmem:s17+$0xC230] =	vst.add.f32.msk $0xffff, v7  }
0x671: {  	s25 =	simm.s32 $0x40;
	s18 =	simm.s32 $0x0;
	[tilespmem:s17+$0xC240] =	vst.add.f32.msk $0xffff, v8  }
.LBB2_56:
0x672: {  	s5 =	sshrl.u32 s25, $0x2;
	s18 =	sadd.s32 $0x8, s18;
	[tilespmem:s17+$0xC250] =	vst.add.f32.msk $0xffff, v4;
	s15 =	sadd.s32 $0x400, s15  }
0x673: {  	s21 =	sand.u32 $0x1C00, s15;
	s5 =	sand.u32 $0x380, s5;
	p0 =	slt.u32 s18, $0x1F8;
	[tilespmem:s17+$0xC260] =	vst.add.f32.msk $0xffff, v3  }
0x674: {  	[tilespmem:s17+$0xC200] =	vst.add.f32.msk $0xffff, v2;
	s17 =	sor.u32 s21, s5  }
0x675: {  	v2 =	vld [tilespmem:s17+$0x1A200];
	s5 =	sadd.s32 $0xE200, s17  }
0x676: {  	v3 =	vld [tilespmem:s5+$0xC070]  }
0x677: {  	v5 =	vld [tilespmem:s5+$0xC010]  }
0x678: {  	v6 =	vld [tilespmem:s5+$0xC020]  }
0x679: {  	v7 =	vld [tilespmem:s5+$0xC030]  }
0x67a: {  	v8 =	vld [tilespmem:s5+$0xC040]  }
0x67b: {  	[tilespmem:s17+$0xC270] =	vst.add.f32.msk $0xffff, v3  }
0x67c: {  	v4 =	vld [tilespmem:s5+$0xC050]  }
.Ltmp27:
0x67d: {  	v3 =	vld [tilespmem:s5+$0xC060];
	(pc) =	sbr.rel @p0 .LBB2_56-.Ltmp27, $4  }
0x67e: {  	[tilespmem:s17+$0xC210] =	vst.add.f32.msk $0xffff, v5  }
0x67f: {  	[tilespmem:s17+$0xC220] =	vst.add.f32.msk $0xffff, v6  }
0x680: {  	[tilespmem:s17+$0xC230] =	vst.add.f32.msk $0xffff, v7  }
0x681: {  	s25 =	sadd.s32 $0x40, s25;
	[tilespmem:s17+$0xC240] =	vst.add.f32.msk $0xffff, v8  }
0x682: {  	[tilespmem:s17+$0xC250] =	vst.add.f32.msk $0xffff, v4  }
0x683: {  	[tilespmem:s17+$0xC260] =	vst.add.f32.msk $0xffff, v3  }
0x684: {  	[tilespmem:s17+$0xC200] =	vst.add.f32.msk $0xffff, v2  }
0x685: {  	s5 =	sld [smem:$0x7F9];
	_ =	sdelay $0x1  }
0x686: {  	s15 =	simm.s32 $0x0;
	s9 =	simm.s32 $0xA200  }
0x687: {  	[hbm4b:s5+s15] =	stream.linear.scatter [tilespmem:s9], [sflag:$0xE], $0x2000, $0x38;
	[tilespmem:$0x1E200] =	vst v63  }
0x688: {  	_ =	swait.ge [sflag:s22], $0x2000  }
0x689: {  	[sflag:s22] =	ssyncset.done $0x0  }
0x68a: {  	[sflag:s22] =	ssyncadd.s32 $0xFFFFE000  }
0x68b: {  	s21 =	simm.s32 $0x0;
	_ =	swait.ge [sflag:s23], $0x2000  }
0x68c: {  	s25 =	sand.u32 $0x1C00, s15;
	s5 =	sand.u32 $0x380, s21;
	[sflag:s23] =	ssyncset.done $0x0  }
0x68d: {  	s17 =	sor.u32 s25, s5;
	[sflag:s23] =	ssyncadd.s32 $0xFFFFE000  }
0x68e: {  	s5 =	sadd.s32 $0xE200, s17;
	v2 =	vld [tilespmem:s17+$0x1C200]  }
0x68f: {  	v3 =	vld [tilespmem:s5+$0xE070]  }
0x690: {  	v5 =	vld [tilespmem:s5+$0xE010]  }
0x691: {  	v6 =	vld [tilespmem:s5+$0xE020]  }
0x692: {  	v7 =	vld [tilespmem:s5+$0xE030]  }
0x693: {  	v8 =	vld [tilespmem:s5+$0xE040]  }
0x694: {  	v4 =	vld [tilespmem:s5+$0xE050]  }
0x695: {  	[tilespmem:s17+$0x270] =	vst.add.f32.msk $0xffff, v3  }
0x696: {  	v3 =	vld [tilespmem:s5+$0xE060]  }
0x697: {  	[tilespmem:s17+$0x210] =	vst.add.f32.msk $0xffff, v5  }
0x698: {  	[tilespmem:s17+$0x220] =	vst.add.f32.msk $0xffff, v6  }
0x699: {  	[tilespmem:s17+$0x230] =	vst.add.f32.msk $0xffff, v7  }
0x69a: {  	s18 =	simm.s32 $0x0;
	s25 =	simm.s32 $0x40;
	[tilespmem:s17+$0x240] =	vst.add.f32.msk $0xffff, v8  }
.LBB2_58:
0x69b: {  	s5 =	sshrl.u32 s25, $0x2;
	s18 =	sadd.s32 $0x8, s18;
	[tilespmem:s17+$0x250] =	vst.add.f32.msk $0xffff, v4;
	s15 =	sadd.s32 $0x400, s15  }
0x69c: {  	s21 =	sand.u32 $0x1C00, s15;
	s5 =	sand.u32 $0x380, s5;
	p0 =	slt.u32 s18, $0x1F8;
	[tilespmem:s17+$0x260] =	vst.add.f32.msk $0xffff, v3  }
0x69d: {  	[tilespmem:s17+$0x200] =	vst.add.f32.msk $0xffff, v2;
	s17 =	sor.u32 s21, s5  }
0x69e: {  	v2 =	vld [tilespmem:s17+$0x1C200];
	s5 =	sadd.s32 $0xE200, s17  }
0x69f: {  	v3 =	vld [tilespmem:s5+$0xE070]  }
0x6a0: {  	v5 =	vld [tilespmem:s5+$0xE010]  }
0x6a1: {  	v6 =	vld [tilespmem:s5+$0xE020]  }
0x6a2: {  	v7 =	vld [tilespmem:s5+$0xE030]  }
0x6a3: {  	v8 =	vld [tilespmem:s5+$0xE040]  }
0x6a4: {  	[tilespmem:s17+$0x270] =	vst.add.f32.msk $0xffff, v3  }
0x6a5: {  	v4 =	vld [tilespmem:s5+$0xE050]  }
.Ltmp28:
0x6a6: {  	v3 =	vld [tilespmem:s5+$0xE060];
	(pc) =	sbr.rel @p0 .LBB2_58-.Ltmp28, $4  }
0x6a7: {  	[tilespmem:s17+$0x210] =	vst.add.f32.msk $0xffff, v5  }
0x6a8: {  	[tilespmem:s17+$0x220] =	vst.add.f32.msk $0xffff, v6  }
0x6a9: {  	[tilespmem:s17+$0x230] =	vst.add.f32.msk $0xffff, v7  }
0x6aa: {  	s25 =	sadd.s32 $0x40, s25;
	[tilespmem:s17+$0x240] =	vst.add.f32.msk $0xffff, v8  }
0x6ab: {  	[tilespmem:s17+$0x250] =	vst.add.f32.msk $0xffff, v4  }
0x6ac: {  	[tilespmem:s17+$0x260] =	vst.add.f32.msk $0xffff, v3  }
0x6ad: {  	[tilespmem:s17+$0x200] =	vst.add.f32.msk $0xffff, v2  }
0x6ae: {  	s5 =	sld [smem:$0x7FA];
	_ =	sdelay $0x1  }
0x6af: {  	s15 =	simm.s32 $0x0;
	s9 =	simm.s32 $0xC200  }
0x6b0: {  	[hbm4b:s5+s15] =	stream.linear.scatter [tilespmem:s9], [sflag:$0xF], $0x2000, $0x38;
	[tilespmem:$0x1E200] =	vst v63  }
0x6b1: {  	s21 =	simm.s32 $0x0;
	_ =	swait.ge [sflag:s20], $0x2000  }
0x6b2: {  	s25 =	sand.u32 $0x1C00, s15;
	s5 =	sand.u32 $0x380, s21;
	[sflag:s20] =	ssyncset.done $0x0  }
0x6b3: {  	s17 =	sor.u32 s25, s5;
	[sflag:s20] =	ssyncadd.s32 $0xFFFFE000  }
0x6b4: {  	s5 =	sadd.s32 $0xE200, s17;
	v2 =	vld [tilespmem:s17+$0x1C200]  }
0x6b5: {  	v3 =	vld [tilespmem:s5+$0xE070]  }
0x6b6: {  	v5 =	vld [tilespmem:s5+$0xE010]  }
0x6b7: {  	v6 =	vld [tilespmem:s5+$0xE020]  }
0x6b8: {  	v7 =	vld [tilespmem:s5+$0xE030]  }
0x6b9: {  	v8 =	vld [tilespmem:s5+$0xE040]  }
0x6ba: {  	v4 =	vld [tilespmem:s5+$0xE050]  }
0x6bb: {  	[tilespmem:s17+$0x2270] =	vst.add.f32.msk $0xffff, v3  }
0x6bc: {  	v3 =	vld [tilespmem:s5+$0xE060]  }
0x6bd: {  	[tilespmem:s17+$0x2210] =	vst.add.f32.msk $0xffff, v5  }
0x6be: {  	[tilespmem:s17+$0x2220] =	vst.add.f32.msk $0xffff, v6  }
0x6bf: {  	[tilespmem:s17+$0x2230] =	vst.add.f32.msk $0xffff, v7  }
0x6c0: {  	s18 =	simm.s32 $0x0;
	s25 =	simm.s32 $0x40;
	[tilespmem:s17+$0x2240] =	vst.add.f32.msk $0xffff, v8  }
.LBB2_60:
0x6c1: {  	s5 =	sshrl.u32 s25, $0x2;
	s18 =	sadd.s32 $0x8, s18;
	[tilespmem:s17+$0x2250] =	vst.add.f32.msk $0xffff, v4;
	s15 =	sadd.s32 $0x400, s15  }
0x6c2: {  	s21 =	sand.u32 $0x1C00, s15;
	s5 =	sand.u32 $0x380, s5;
	p0 =	slt.u32 s18, $0x1F8;
	[tilespmem:s17+$0x2260] =	vst.add.f32.msk $0xffff, v3  }
0x6c3: {  	[tilespmem:s17+$0x2200] =	vst.add.f32.msk $0xffff, v2;
	s17 =	sor.u32 s21, s5  }
0x6c4: {  	v2 =	vld [tilespmem:s17+$0x1C200];
	s5 =	sadd.s32 $0xE200, s17  }
0x6c5: {  	v3 =	vld [tilespmem:s5+$0xE070]  }
0x6c6: {  	v5 =	vld [tilespmem:s5+$0xE010]  }
0x6c7: {  	v6 =	vld [tilespmem:s5+$0xE020]  }
0x6c8: {  	v7 =	vld [tilespmem:s5+$0xE030]  }
0x6c9: {  	v8 =	vld [tilespmem:s5+$0xE040]  }
0x6ca: {  	[tilespmem:s17+$0x2270] =	vst.add.f32.msk $0xffff, v3  }
0x6cb: {  	v4 =	vld [tilespmem:s5+$0xE050]  }
.Ltmp29:
0x6cc: {  	v3 =	vld [tilespmem:s5+$0xE060];
	(pc) =	sbr.rel @p0 .LBB2_60-.Ltmp29, $4  }
0x6cd: {  	[tilespmem:s17+$0x2210] =	vst.add.f32.msk $0xffff, v5  }
0x6ce: {  	[tilespmem:s17+$0x2220] =	vst.add.f32.msk $0xffff, v6  }
0x6cf: {  	[tilespmem:s17+$0x2230] =	vst.add.f32.msk $0xffff, v7  }
0x6d0: {  	s25 =	sadd.s32 $0x40, s25;
	[tilespmem:s17+$0x2240] =	vst.add.f32.msk $0xffff, v8  }
0x6d1: {  	[tilespmem:s17+$0x2250] =	vst.add.f32.msk $0xffff, v4  }
0x6d2: {  	[tilespmem:s17+$0x2260] =	vst.add.f32.msk $0xffff, v3  }
0x6d3: {  	[tilespmem:s17+$0x2200] =	vst.add.f32.msk $0xffff, v2  }
0x6d4: {  	s15 =	simm.s32 $0x0;
	s5 =	rddreg [dreg:$0x18]  }
0x6d5: {  	[hbm4b:s5+s15] =	stream.linear.scatter [tilespmem:s30], [sflag:$0x9], $0x2000, $0x38;
	[tilespmem:$0x1E200] =	vst v63  }
0x6d6: {  	s21 =	simm.s32 $0x0;
	_ =	swait.ge [sflag:s4], $0x2000  }
0x6d7: {  	s25 =	sand.u32 $0x1C00, s15;
	s5 =	sand.u32 $0x380, s21;
	[sflag:s4] =	ssyncset.done $0x0  }
0x6d8: {  	s17 =	sor.u32 s25, s5;
	[sflag:s4] =	ssyncadd.s32 $0xFFFFE000  }
0x6d9: {  	s5 =	sadd.s32 $0xE200, s17;
	v2 =	vld [tilespmem:s17+$0x1C200]  }
0x6da: {  	v3 =	vld [tilespmem:s5+$0xE070]  }
0x6db: {  	v5 =	vld [tilespmem:s5+$0xE010]  }
0x6dc: {  	v6 =	vld [tilespmem:s5+$0xE020]  }
0x6dd: {  	v7 =	vld [tilespmem:s5+$0xE030]  }
0x6de: {  	v8 =	vld [tilespmem:s5+$0xE040]  }
0x6df: {  	v4 =	vld [tilespmem:s5+$0xE050]  }
0x6e0: {  	[tilespmem:s17+$0x4270] =	vst.add.f32.msk $0xffff, v3  }
0x6e1: {  	v3 =	vld [tilespmem:s5+$0xE060]  }
0x6e2: {  	[tilespmem:s17+$0x4210] =	vst.add.f32.msk $0xffff, v5  }
0x6e3: {  	[tilespmem:s17+$0x4220] =	vst.add.f32.msk $0xffff, v6  }
0x6e4: {  	[tilespmem:s17+$0x4230] =	vst.add.f32.msk $0xffff, v7  }
0x6e5: {  	s18 =	simm.s32 $0x0;
	s25 =	simm.s32 $0x40;
	[tilespmem:s17+$0x4240] =	vst.add.f32.msk $0xffff, v8  }
.LBB2_62:
0x6e6: {  	s5 =	sshrl.u32 s25, $0x2;
	s18 =	sadd.s32 $0x8, s18;
	[tilespmem:s17+$0x4250] =	vst.add.f32.msk $0xffff, v4;
	s15 =	sadd.s32 $0x400, s15  }
0x6e7: {  	s21 =	sand.u32 $0x1C00, s15;
	s5 =	sand.u32 $0x380, s5;
	p0 =	slt.u32 s18, $0x1F8;
	[tilespmem:s17+$0x4260] =	vst.add.f32.msk $0xffff, v3  }
0x6e8: {  	[tilespmem:s17+$0x4200] =	vst.add.f32.msk $0xffff, v2;
	s17 =	sor.u32 s21, s5  }
0x6e9: {  	v2 =	vld [tilespmem:s17+$0x1C200];
	s5 =	sadd.s32 $0xE200, s17  }
0x6ea: {  	v3 =	vld [tilespmem:s5+$0xE070]  }
0x6eb: {  	v5 =	vld [tilespmem:s5+$0xE010]  }
0x6ec: {  	v6 =	vld [tilespmem:s5+$0xE020]  }
0x6ed: {  	v7 =	vld [tilespmem:s5+$0xE030]  }
0x6ee: {  	v8 =	vld [tilespmem:s5+$0xE040]  }
0x6ef: {  	[tilespmem:s17+$0x4270] =	vst.add.f32.msk $0xffff, v3  }
0x6f0: {  	v4 =	vld [tilespmem:s5+$0xE050]  }
.Ltmp30:
0x6f1: {  	v3 =	vld [tilespmem:s5+$0xE060];
	(pc) =	sbr.rel @p0 .LBB2_62-.Ltmp30, $4  }
0x6f2: {  	[tilespmem:s17+$0x4210] =	vst.add.f32.msk $0xffff, v5  }
0x6f3: {  	[tilespmem:s17+$0x4220] =	vst.add.f32.msk $0xffff, v6  }
0x6f4: {  	[tilespmem:s17+$0x4230] =	vst.add.f32.msk $0xffff, v7  }
0x6f5: {  	s25 =	sadd.s32 $0x40, s25;
	[tilespmem:s17+$0x4240] =	vst.add.f32.msk $0xffff, v8  }
0x6f6: {  	[tilespmem:s17+$0x4250] =	vst.add.f32.msk $0xffff, v4  }
0x6f7: {  	[tilespmem:s17+$0x4260] =	vst.add.f32.msk $0xffff, v3  }
0x6f8: {  	[tilespmem:s17+$0x4200] =	vst.add.f32.msk $0xffff, v2  }
0x6f9: {  	s5 =	sld [smem:$0x7FB];
	_ =	sdelay $0x1  }
0x6fa: {  	s15 =	simm.s32 $0x0;
	s9 =	simm.s32 $0x2200  }
0x6fb: {  	[hbm4b:s5+s15] =	stream.linear.scatter [tilespmem:s9], [sflag:$0xA], $0x2000, $0x38;
	[tilespmem:$0x1E200] =	vst v63  }
0x6fc: {  	s21 =	simm.s32 $0x0;
	_ =	swait.ge [sflag:s19], $0x2000  }
0x6fd: {  	s25 =	sand.u32 $0x1C00, s15;
	s5 =	sand.u32 $0x380, s21;
	[sflag:s19] =	ssyncset.done $0x0  }
0x6fe: {  	s17 =	sor.u32 s25, s5;
	[sflag:s19] =	ssyncadd.s32 $0xFFFFE000  }
0x6ff: {  	s5 =	sadd.s32 $0xE200, s17;
	v2 =	vld [tilespmem:s17+$0x1C200]  }
0x700: {  	v3 =	vld [tilespmem:s5+$0xE070]  }
0x701: {  	v5 =	vld [tilespmem:s5+$0xE010]  }
0x702: {  	v6 =	vld [tilespmem:s5+$0xE020]  }
0x703: {  	v7 =	vld [tilespmem:s5+$0xE030]  }
0x704: {  	v8 =	vld [tilespmem:s5+$0xE040]  }
0x705: {  	v4 =	vld [tilespmem:s5+$0xE050]  }
0x706: {  	[tilespmem:s17+$0x6270] =	vst.add.f32.msk $0xffff, v3  }
0x707: {  	v3 =	vld [tilespmem:s5+$0xE060]  }
0x708: {  	[tilespmem:s17+$0x6210] =	vst.add.f32.msk $0xffff, v5  }
0x709: {  	[tilespmem:s17+$0x6220] =	vst.add.f32.msk $0xffff, v6  }
0x70a: {  	[tilespmem:s17+$0x6230] =	vst.add.f32.msk $0xffff, v7  }
0x70b: {  	s18 =	simm.s32 $0x0;
	s25 =	simm.s32 $0x40;
	[tilespmem:s17+$0x6240] =	vst.add.f32.msk $0xffff, v8  }
.LBB2_64:
0x70c: {  	s5 =	sshrl.u32 s25, $0x2;
	s18 =	sadd.s32 $0x8, s18;
	[tilespmem:s17+$0x6250] =	vst.add.f32.msk $0xffff, v4;
	s15 =	sadd.s32 $0x400, s15  }
0x70d: {  	s21 =	sand.u32 $0x1C00, s15;
	s5 =	sand.u32 $0x380, s5;
	p0 =	slt.u32 s18, $0x1F8;
	[tilespmem:s17+$0x6260] =	vst.add.f32.msk $0xffff, v3  }
0x70e: {  	[tilespmem:s17+$0x6200] =	vst.add.f32.msk $0xffff, v2;
	s17 =	sor.u32 s21, s5  }
0x70f: {  	v2 =	vld [tilespmem:s17+$0x1C200];
	s5 =	sadd.s32 $0xE200, s17  }
0x710: {  	v3 =	vld [tilespmem:s5+$0xE070]  }
0x711: {  	v5 =	vld [tilespmem:s5+$0xE010]  }
0x712: {  	v6 =	vld [tilespmem:s5+$0xE020]  }
0x713: {  	v7 =	vld [tilespmem:s5+$0xE030]  }
0x714: {  	v8 =	vld [tilespmem:s5+$0xE040]  }
0x715: {  	[tilespmem:s17+$0x6270] =	vst.add.f32.msk $0xffff, v3  }
0x716: {  	v4 =	vld [tilespmem:s5+$0xE050]  }
.Ltmp31:
0x717: {  	v3 =	vld [tilespmem:s5+$0xE060];
	(pc) =	sbr.rel @p0 .LBB2_64-.Ltmp31, $4  }
0x718: {  	[tilespmem:s17+$0x6210] =	vst.add.f32.msk $0xffff, v5  }
0x719: {  	[tilespmem:s17+$0x6220] =	vst.add.f32.msk $0xffff, v6  }
0x71a: {  	[tilespmem:s17+$0x6230] =	vst.add.f32.msk $0xffff, v7  }
0x71b: {  	s25 =	sadd.s32 $0x40, s25;
	[tilespmem:s17+$0x6240] =	vst.add.f32.msk $0xffff, v8  }
0x71c: {  	[tilespmem:s17+$0x6250] =	vst.add.f32.msk $0xffff, v4  }
0x71d: {  	[tilespmem:s17+$0x6260] =	vst.add.f32.msk $0xffff, v3  }
0x71e: {  	[tilespmem:s17+$0x6200] =	vst.add.f32.msk $0xffff, v2  }
0x71f: {  	s5 =	sld [smem:$0x7FC];
	_ =	sdelay $0x1  }
0x720: {  	s9 =	simm.s32 $0x4200;
	s21 =	sld [smem:$0x7FD]  }
0x721: {  	[hbm4b:s5+s3] =	stream.linear.scatter [tilespmem:s9], [sflag:$0xB], $0x2000, $0x38;
	[tilespmem:$0x1E200] =	vst v63  }
0x722: {  	_ = 	snop  }
0x723: {  	[hbm4b:s21+s3] =	stream.linear.scatter [tilespmem:s13], [sflag:$0xC], $0x2000, $0x38;
	[tilespmem:$0x1E200] =	vst v63  }
0x724: {  	_ =	swait.ge [sflag:s10], $0x2000  }
0x725: {  	[sflag:s10] =	ssyncset.done $0x0  }
0x726: {  	[sflag:s10] =	ssyncadd.s32 $0xFFFFE000  }
0x727: {  	_ =	swait.ge [sflag:s11], $0x2000  }
0x728: {  	[sflag:s11] =	ssyncset.done $0x0  }
0x729: {  	[sflag:s11] =	ssyncadd.s32 $0xFFFFE000  }
0x72a: {  	_ =	swait.ge [sflag:s12], $0x2000  }
0x72b: {  	[sflag:s12] =	ssyncset.done $0x0  }
0x72c: {  	[sflag:s12] =	ssyncadd.s32 $0xFFFFE000  }
0x72d: {  	_ =	swait.ge [sflag:s16], $0x2000  }
0x72e: {  	[sflag:s16] =	ssyncset.done $0x0  }
0x72f: {  	[sflag:s16] =	ssyncadd.s32 $0xFFFFE000  }
0x730: {  	_ =	swait.ge [sflag:s31], $0x2000  }
0x731: {  	[sflag:s31] =	ssyncset.done $0x0  }
0x732: {  	[sflag:s31] =	ssyncadd.s32 $0xFFFFE000  }
0x733: {  	_ =	swait.ge [sflag:s0], $0x2000  }
0x734: {  	[sflag:s0] =	ssyncset.done $0x0  }
0x735: {  	[sflag:s0] =	ssyncadd.s32 $0xFFFFE000  }
0x736: {  	_ =	swait.ge [sflag:s7], $0x2000  }
0x737: {  	s14 =	sadd.s32 $0x1, s14;
	s25 =	rddreg [dreg:$0x19]  }
0x738: {  	p0 =	sne.s32 s14, s25  }
.Ltmp32:
0x739: {  	_ = 	snop;
	(pc) =	sbr.rel @p0 .LBB2_1-.Ltmp32, $3  }
0x73a: {  	_ =	sdelay $0x1  }
0x73b: {  	[sflag:s7] =	ssyncset.done $0x0  }
0x73c: {  	[sflag:s7] =	ssyncadd.s32 $0xFFFFE000  }
0x73d: {  	_ =	sfence.sel $0x180000  }
0x73e: {  	[bflag:$0x0] =	sbarrier.arrive $0xFFFF  }
0x73f: {  	_ =	strace $0x90000047  }
0x740: {  	s0 =	stileid.u32;
	[bflag:$0x2] =	sbarrier.arrive $0xFFFF  }
0x741: {  	p0 =	sne.s32 s0, $0x0;
	s0 =	rddreg [dreg:$0x4]  }
0x742: {  	s0 =	sadd.s32 @!p0 $0x100000, s0  }
0x743: {  	[sflag:s0] =	ssyncadd.tile.s32 @!p0 $0x1;
	_ =	shalt  }
.Lfunc_end2:
_tile_overlayer_lowered:
.L_overlay_start_2:
0x744: {  	(tag) =	ssettag $0x2  }
0x745: {  	s0 =	rddreg [dreg:$0x0];
	s2 =	stileid.u32  }
0x746: {  	s1 =	rddreg [dreg:$0x1];
	p0 =	sne.s32 s2, $0x0  }
0x747: {  	s3 =	rddreg [dreg:$0x2];
	[bflag:$0x3] =	sbarrier.arrive $0xFFFF;
	s2 =	simm.s32 @!p0 $0x1C11  }
0x748: {  	[timem:s3], [sflag:s2] =	dma.local @!p0 [hbm:s0], s1  }
0x749: {  	s0 =	simm.s32 @!p0 $0x11  }
0x74a: {  	_ =	swait.ge @!p0 [sflag:s0], s1  }
0x74b: {  	s1 =	ssub.s32 @!p0 $0x0, s1;
	[sflag:s0] =	ssyncset.done @!p0 $0x0  }
0x74c: {  	[sflag:s0] =	ssyncadd.s32 @!p0 s1  }
0x74d: {  	[bflag:$0x3] =	sbarrier.arrive $0xFFFF  }
0x74e: {  	_ =	shalt  }

</sc_bundles>
